<compile_context>
chip_gen: v7x
topology: tpu7x:2x2x1
jax: 0.10.2.dev20260603
libtpu: 0.0.44.dev20260713+nightly
codegen_flags: <defaults>
</compile_context>

<pallas_src>
import dataclasses
import functools

import jax
import jax.numpy as jnp
from jax import lax
from jax.experimental import pallas as pl
from jax.experimental.pallas import tpu as pltpu
from jax.experimental.pallas import tpu_sc as plsc

E = 320000
M = 112000
M5 = 40000
D = 128
HID = 256
CD = 512

M_PAD = 112128
G_PER = 3504
G_BATCH = 584
G_NB = 6

S_SLICE = 7008
S_NVEC = S_SLICE // 16
E_PAD = E + 512
S_TRANGE = E // 32
S_CAP = 128
S_THRESH = S_CAP - 16
S_TRASH = E
S_NBATCH = 16
S_OCAP = 32768
S_SENT = 16383


def _sc_params():
    cp = pltpu.CompilerParams()
    if "needs_layout_passes" in pltpu.CompilerParams.__dataclass_fields__:
        cp = dataclasses.replace(cp, needs_layout_passes=False)
    return cp


def _sc_gather(table, idx_pad):
    mesh = plsc.VectorSubcoreMesh(core_axis_name="c", subcore_axis_name="s")

    @functools.partial(
        pl.kernel,
        out_type=jax.ShapeDtypeStruct((M_PAD, D), jnp.float32),
        mesh=mesh,
        scratch_types=[
            pltpu.VMEM((G_BATCH,), jnp.int32),
            pltpu.VMEM((G_BATCH, D), jnp.float32),
            pltpu.SemaphoreType.DMA,
        ],
        compiler_params=_sc_params(),
    )
    def k(table_hbm, idx_hbm, out_hbm, idx_v, rows_v, sem):
        wid = lax.axis_index("s") * 2 + lax.axis_index("c")
        base = wid * G_PER

        @pl.loop(0, G_NB)
        def _(j):
            off = base + j * G_BATCH
            pltpu.sync_copy(idx_hbm.at[pl.ds(off, G_BATCH)], idx_v)
            pltpu.async_copy(table_hbm.at[idx_v], rows_v, sem).wait()
            pltpu.sync_copy(rows_v, out_hbm.at[pl.ds(off, G_BATCH)])

    return k(table, idx_pad)


def _sc_scatter(t, idx_pad):
    mesh = plsc.VectorSubcoreMesh(core_axis_name="c", subcore_axis_name="s")
    i32 = jnp.int32
    f32 = jnp.float32

    @functools.partial(
        pl.kernel,
        out_type=jax.ShapeDtypeStruct((E_PAD, HID), f32),
        mesh=mesh,
        scratch_types=[
            pltpu.VMEM((S_SLICE,), i32),
            pltpu.VMEM((S_TRANGE,), i32),
            pltpu.VMEM((S_TRANGE,), i32),
            pltpu.VMEM((S_OCAP + 16,), i32),
            pltpu.VMEM((S_CAP,), i32),
            pltpu.VMEM((S_CAP,), i32),
            pltpu.VMEM((S_CAP, HID), f32),
            pltpu.VMEM((8, HID), f32),
            pltpu.SemaphoreType.DMA,
        ],
        compiler_params=_sc_params(),
    )
    def k(t_hbm, idx_hbm, out_hbm, idx_v, cnts, offs, slots, m_list,
          loc_list, rows_v, carry_v, sem):
        c = lax.axis_index("c")
        s = lax.axis_index("s")
        w = s * 2 + c
        lo = w * S_TRANGE
        lane = jnp.arange(16, dtype=i32)

        def splat(v, j):
            return v.at[jnp.full((16,), j, i32)].get(mode="promise_in_bounds")

        def shift_prev(v):
            return v.at[jnp.maximum(lane - 1, 0)].get(
                mode="promise_in_bounds")

        def shift_next(v):
            return v.at[jnp.minimum(lane + 1, 15)].get(
                mode="promise_in_bounds")

        @pl.loop(0, S_CAP)
        def _(r):
            rv = jnp.full((16,), r, i32)

            @pl.loop(0, HID, step=16)
            def _(k2):
                plsc.store_scatter(rows_v, [rv, k2 + lane],
                                   jnp.zeros((16,), f32))

        descs = [
            pltpu.async_copy(rows_v, out_hbm.at[pl.ds(lo + r * S_CAP, S_CAP)],
                             sem)
            for r in range(S_TRANGE // S_CAP)
        ]
        descs.append(pltpu.async_copy(
            rows_v.at[pl.ds(0, S_TRANGE % S_CAP)],
            out_hbm.at[pl.ds(lo + S_TRANGE - S_TRANGE % S_CAP,
                             S_TRANGE % S_CAP)], sem))
        for d in descs:
            d.wait()

        @pl.loop(0, S_TRANGE, step=16)
        def _(r):
            cnts[pl.ds(r, 16)] = jnp.zeros((16,), i32)

        def count_batch(b, _):
            pltpu.sync_copy(idx_hbm.at[pl.ds(b * S_SLICE, S_SLICE)], idx_v)

            def count_step(pend):
                enc = plsc.load_gather(cnts, [locl_r[0]], mask=pend)
                code = ((enc >> 4) + 1) * 16 + lane
                plsc.store_scatter(cnts, [locl_r[0]], code, mask=pend)
                e2 = plsc.load_gather(cnts, [locl_r[0]], mask=pend)
                return pend & (e2 != code)

            locl_r = [None]

            def vec(v, _):
                iv = idx_v[pl.ds(v * 16, 16)]
                matched = (iv >= lo) & (iv < lo + S_TRANGE)
                locl_r[0] = jnp.clip(iv - lo, 0, S_TRANGE - 1)

                @pl.when(jnp.sum(matched.astype(i32)) > 0)
                def _():
                    left = count_step(matched)

                    @pl.when(jnp.sum(left.astype(i32)) > 0)
                    def _():
                        lax.while_loop(
                            lambda p: jnp.sum(p) > 0,
                            lambda p: count_step(p > 0).astype(i32),
                            left.astype(i32))

                return 0

            return lax.fori_loop(0, S_NVEC, vec, 0)

        lax.fori_loop(0, S_NBATCH, count_batch, 0)

        def prefix(r, tot):
            cv = cnts[pl.ds(r * 16, 16)] >> 4
            mult = jnp.where(cv >= 2, cv, 0)
            excl = plsc.cumsum(mult) - mult
            offs[pl.ds(r * 16, 16)] = (tot + excl) * 16
            return tot + jnp.sum(mult)

        ocnt = lax.fori_loop(0, S_TRANGE // 16, prefix, 0)
        ocnt = jnp.minimum(ocnt, S_OCAP)

        def reset_lists():
            @pl.loop(0, S_CAP, step=16)
            def _(k2):
                m_list[pl.ds(k2, 16)] = jnp.zeros((16,), i32)
                loc_list[pl.ds(k2, 16)] = jnp.full((16,), S_TRASH, i32)

        def flush():
            pltpu.async_copy(t_hbm.at[m_list], rows_v, sem).wait()
            pltpu.sync_copy(rows_v, out_hbm.at[loc_list])
            reset_lists()

        reset_lists()

        def main_batch(b, cnt0):
            pltpu.sync_copy(idx_hbm.at[pl.ds(b * S_SLICE, S_SLICE)], idx_v)

            def vec(v, cnt):
                iv = idx_v[pl.ds(v * 16, 16)]
                matched = (iv >= lo) & (iv < lo + S_TRANGE)
                locl = jnp.clip(iv - lo, 0, S_TRANGE - 1)
                mv = jnp.minimum(b * S_SLICE + v * 16 + lane, M - 1)
                return lax.cond(jnp.sum(matched.astype(i32)) > 0,
                                lambda cnt: vec_go(matched, locl, iv, mv,
                                                   cnt),
                                lambda cnt: cnt, cnt)

            def vec_go(matched, locl, iv, mv, cnt):
                cv = plsc.load_gather(cnts, [locl], mask=matched) >> 4
                single = matched & (cv == 1)
                multi = matched & (cv >= 2)
                pos = cnt - 1 + plsc.cumsum(single.astype(i32))
                plsc.store_scatter(loc_list, [pos], iv, mask=single)
                plsc.store_scatter(m_list, [pos], mv, mask=single)
                cnt = cnt + jnp.sum(single.astype(i32))
                full = cnt > S_THRESH

                @pl.when(full)
                def _():
                    flush()

                cnt = lax.select(full, 0, cnt)

                def mstep(pend):
                    enc = plsc.load_gather(offs, [locl], mask=pend)
                    slot = enc >> 4
                    code = (slot + 1) * 16 + lane
                    plsc.store_scatter(offs, [locl], code, mask=pend)
                    e2 = plsc.load_gather(offs, [locl], mask=pend)
                    win = pend & (e2 == code)
                    sl = jnp.minimum(slot, S_OCAP - 1)
                    plsc.store_scatter(slots, [sl], locl | (mv << 14),
                                       mask=win)
                    return pend & ~win

                left = mstep(multi)

                @pl.when(jnp.sum(left.astype(i32)) > 0)
                def _():
                    lax.while_loop(
                        lambda p: jnp.sum(p) > 0,
                        lambda p: mstep(p > 0).astype(i32),
                        left.astype(i32))

                return cnt

            return lax.fori_loop(0, S_NVEC, vec, cnt0)

        cnt_end = lax.fori_loop(0, S_NBATCH, main_batch, 0)

        @pl.when(cnt_end > 0)
        def _():
            flush()

        @pl.loop(0, (S_OCAP + 16) // 16)
        def _(g):
            @pl.when(g * 16 + 16 > ocnt)
            def _():
                ev = slots[pl.ds(g * 16, 16)]
                keep = (g * 16 + lane) < ocnt
                slots[pl.ds(g * 16, 16)] = jnp.where(keep, ev, S_SENT)

        nbatches = (ocnt + S_CAP - 1) // S_CAP

        def cbatch(kb, carry_loc):
            base = kb * S_CAP

            @pl.loop(0, S_CAP // 16)
            def _(g):
                ev = slots[pl.ds(base + g * 16, 16)]
                m_list[pl.ds(g * 16, 16)] = jnp.where(ev == S_SENT, 0,
                                                      ev >> 14)

            pltpu.async_copy(t_hbm.at[m_list], rows_v, sem).wait()

            def cgroup(g, prev_loc):
                ev = slots[pl.ds(base + g * 16, 16)]
                locv = jnp.where(ev == S_SENT, S_SENT, ev & 16383)
                nxt = slots[pl.ds(base + g * 16 + 16, 16)]
                nxt0 = splat(nxt, 0)
                nloc0 = jnp.where(nxt0 == S_SENT, S_SENT, nxt0 & 16383)
                pv = shift_prev(locv)
                pv = jnp.where(lane == 0, prev_loc, pv)
                cont = (locv == pv) & (locv != S_SENT)

                @pl.when(g == 0)
                def _():
                    @pl.when(jnp.sum(((lane == 0)
                                      & (locv == carry_loc)).astype(i32))
                             > 0)
                    def _():
                        zv = jnp.zeros((16,), i32)

                        @pl.loop(0, HID, step=16)
                        def _(k2):
                            a = plsc.load_gather(rows_v, [zv, k2 + lane])
                            b2 = plsc.load_gather(carry_v, [zv, k2 + lane])
                            plsc.store_scatter(rows_v, [zv, k2 + lane],
                                               a + b2)

                cont = jnp.where((g == 0) & (lane == 0), False, cont)

                def acond(p):
                    return jnp.sum(p) > 0

                def abody(p):
                    j = plsc.all_reduce_ffs(p > 0)
                    rv = g * 16 + j

                    @pl.loop(0, HID, step=16)
                    def _(k2):
                        a = plsc.load_gather(rows_v, [rv, k2 + lane])
                        b2 = plsc.load_gather(rows_v, [rv - 1, k2 + lane])
                        plsc.store_scatter(rows_v, [rv, k2 + lane], a + b2)

                    return jnp.where(lane == j, 0, p)

                lax.cond(jnp.sum(cont.astype(i32)) > 0,
                         lambda p: lax.while_loop(acond, abody, p),
                         lambda p: p, cont.astype(i32))

                csl = shift_next(cont.astype(i32))
                loc15 = splat(locv, 15)
                cnext0 = ((nloc0 == loc15) & (loc15 != S_SENT)).astype(i32)
                csl = jnp.where(lane == 15, cnext0, csl)
                endv = (csl == 0) & (locv != S_SENT)
                loc_list[pl.ds(g * 16, 16)] = jnp.where(endv, lo + locv,
                                                        S_TRASH)
                return loc15

            prev_end = lax.fori_loop(0, S_CAP // 16, cgroup,
                                     jnp.full((16,), S_SENT, i32))

            lv = jnp.full((16,), S_CAP - 1, i32)
            zv = jnp.zeros((16,), i32)

            @pl.loop(0, HID, step=16)
            def _(k2):
                a = plsc.load_gather(rows_v, [lv, k2 + lane])
                plsc.store_scatter(carry_v, [zv, k2 + lane], a)

            pltpu.sync_copy(rows_v, out_hbm.at[loc_list])
            return prev_end

        lax.fori_loop(0, nbatches, cbatch, jnp.full((16,), S_SENT, i32))

    return k(t, idx_pad)


def _relu(x):
    return jnp.maximum(x, 0.0)


def _cycle_region(e2c_b, crep_b, g, Wloc, Wsum, ba, W1r, W1a, W1e, W1s, b1,
                  W2, b2, W3, b3, U1, U2):
    rows = e2c_b.shape[0]
    R = 160 * g
    N = rows // R
    bf = jnp.bfloat16
    f32 = jnp.float32
    cyc = jnp.arange(160, dtype=jnp.int32)
    row = jnp.arange(R, dtype=jnp.int32) // g
    P = (cyc[:, None] == row[None, :]).astype(bf)
    PT = (row[:, None] == cyc[None, :]).astype(bf)

    def body(e_ref, cr_ref, P_ref, PT_ref, Wloc_ref, Wsum_ref, ba_ref,
             W1r_ref, W1a_ref, W1e_ref, W1s_ref, b1_ref, W2_ref, b2_ref,
             W3_ref, b3_ref, U1_ref, U2_ref, co_ref, t_ref):
        eb = e_ref[...]
        dot = lambda a, b: jnp.dot(a, b, preferred_element_type=f32)
        csum_c = dot(P_ref[...], eb)
        csum = dot(PT_ref[...], csum_c.astype(bf))
        csb = csum.astype(bf)
        aut = _relu(dot(eb, Wloc_ref[...]) + dot(csb, Wsum_ref[...])
                    + ba_ref[...])
        h = _relu(dot(cr_ref[...], W1r_ref[...])
                  + dot(aut.astype(bf), W1a_ref[...])
                  + dot(eb, W1e_ref[...])
                  + dot(csb, W1s_ref[...]) + b1_ref[...])
        h2 = _relu(dot(h.astype(bf), W2_ref[...]) + b2_ref[...])
        co = dot(h2.astype(bf), W3_ref[...]) + b3_ref[...]
        co_ref[...] = co
        cob = co.astype(bf)
        cos_c = dot(P_ref[...], cob)
        cos = dot(PT_ref[...], cos_c.astype(bf))
        t_ref[...] = dot(cob, U1_ref[...]) + dot(cos.astype(bf), U2_ref[...])

    full = lambda a: pl.BlockSpec(a.shape, lambda i: (0,) * a.ndim)
    blk = lambda w: pl.BlockSpec((R, w), lambda i: (i, 0))
    co, t = pl.pallas_call(
        body,
        grid=(N,),
        in_specs=[blk(D), blk(D), full(P), full(PT), full(Wloc), full(Wsum),
                  full(ba), full(W1r), full(W1a), full(W1e), full(W1s),
                  full(b1), full(W2), full(b2), full(W3), full(b3), full(U1),
                  full(U2)],
        out_specs=[blk(D), blk(HID)],
        out_shape=[
            jax.ShapeDtypeStruct((rows, D), f32),
            jax.ShapeDtypeStruct((rows, HID), f32),
        ],
    )(e2c_b, crep_b, P, PT, Wloc, Wsum, ba, W1r, W1a, W1e, W1s, b1, W2, b2,
      W3, b3, U1, U2)
    return co, t


def _edge_mlp(edge_b, scat, W1a, b1, W2, b2):
    BR = 2000
    N = E // BR
    f32 = jnp.float32
    bf = jnp.bfloat16

    def body(e_ref, s_ref, W1_ref, b1_ref, W2_ref, b2_ref, o_ref):
        dot = lambda a, b: jnp.dot(a, b, preferred_element_type=f32)
        g = _relu(dot(e_ref[...], W1_ref[...]) + s_ref[...] + b1_ref[...])
        o_ref[...] = dot(g.astype(bf), W2_ref[...]) + b2_ref[...]

    full = lambda a: pl.BlockSpec(a.shape, lambda i: (0,) * a.ndim)
    return pl.pallas_call(
        body,
        grid=(N,),
        in_specs=[
            pl.BlockSpec((BR, D), lambda i: (i, 0)),
            pl.BlockSpec((BR, HID), lambda i: (i, 0)),
            full(W1a), full(b1), full(W2), full(b2),
        ],
        out_specs=pl.BlockSpec((BR, D), lambda i: (i, 0)),
        out_shape=jax.ShapeDtypeStruct((E, D), f32),
    )(edge_b, scat, W1a, b1, W2, b2)


def kernel(edge_rep, cycle_rep, edge2cycle_idx, cycle_ids, W_a5_loc, W_a5_sum,
           b_a5, W_a6_loc, W_a6_sum, b_a6, W_c1, b_c1, W_c2, b_c2, W_c3, b_c3,
           W_e1, b_e1, W_e2, b_e2):
    del cycle_ids
    bf = jnp.bfloat16
    f32 = jnp.float32

    idx_g = jnp.concatenate(
        [edge2cycle_idx, jnp.zeros((M_PAD - M,), jnp.int32)])
    e2c_pad = _sc_gather(edge_rep, idx_g)

    e2cb = e2c_pad.astype(bf)
    crepb = cycle_rep.astype(bf)

    W1r = W_c1[0:D].astype(bf)
    W1a = W_c1[D:D + CD].astype(bf)
    W1e = W_c1[D + CD:2 * D + CD].astype(bf)
    W1s = W_c1[2 * D + CD:3 * D + CD].astype(bf)
    U1 = W_e1[D:2 * D].astype(bf)
    U2 = W_e1[2 * D:3 * D].astype(bf)
    b1r = b_c1.reshape(1, -1)
    b2r = b_c2.reshape(1, -1)
    b3r = b_c3.reshape(1, -1)
    W2b = W_c2.astype(bf)
    W3b = W_c3.astype(bf)

    co5, t5 = _cycle_region(
        e2cb[:M5], crepb[:M5], 5, W_a5_loc.astype(bf), W_a5_sum.astype(bf),
        b_a5.reshape(1, -1), W1r, W1a, W1e, W1s, b1r, W2b, b2r, W3b, b3r,
        U1, U2)
    co6, t6 = _cycle_region(
        e2cb[M5:M], crepb[M5:], 6, W_a6_loc.astype(bf), W_a6_sum.astype(bf),
        b_a6.reshape(1, -1), W1r, W1a, W1e, W1s, b1r, W2b, b2r, W3b, b3r,
        U1, U2)
    cycle_out = jnp.concatenate([co5, co6], axis=0)
    t = jnp.concatenate([t5, t6], axis=0)

    idx_s = jnp.concatenate(
        [edge2cycle_idx, jnp.full((M_PAD - M,), E, jnp.int32)])
    scat = _sc_scatter(t, idx_s)

    edge_out = _edge_mlp(edge_rep.astype(bf), scat, W_e1[:D].astype(bf),
                         b_e1.reshape(1, -1), W_e2.astype(bf),
                         b_e2.reshape(1, -1))
    return (edge_out, cycle_out)

# --- scband reference (transcript-rebuilt; emitter-appended) ---
"""Pipeline reference for scband-edge-cycle-50869592655516 (READ-ONLY COPY).

The authoritative reference and input builder live on the scoring server;
editing this copy changes nothing except your own understanding.
"""

import jax, jax.numpy as jnp
import numpy as np

E = 320000
M = 112000
M5 = 40000
NUM_CYC = 20000
D = 128
C = 4
HID = D * 2

def _lin(k, fi, fo):
    return jax.random.normal(k, (fi, fo), jnp.float32) / np.sqrt(fi)

def setup_inputs(seed: int = 0):
    key = jax.random.key(seed)
    ks = jax.random.split(key, 16)
    inp = {}
    inp["edge_rep"] = jax.random.normal(ks[0], (E, D), jnp.float32)
    inp["cycle_rep"] = jax.random.normal(ks[1], (M, D), jnp.float32)
    inp["edge2cycle_idx"] = jax.random.randint(ks[2], (M,), 0, E, jnp.int32)
    ids5 = jnp.repeat(jnp.arange(8000, dtype=jnp.int32), 5)
    ids6 = 8000 + jnp.repeat(jnp.arange(12000, dtype=jnp.int32), 6)
    inp["cycle_ids"] = jnp.concatenate([ids5, ids6])
    inp["W_a5_loc"] = _lin(ks[3], D, C * D)
    inp["W_a5_sum"] = _lin(ks[4], D, C * D)
    inp["b_a5"] = jnp.zeros((C * D,), jnp.float32)
    inp["W_a6_loc"] = _lin(ks[5], D, C * D)
    inp["W_a6_sum"] = _lin(ks[6], D, C * D)
    inp["b_a6"] = jnp.zeros((C * D,), jnp.float32)
    inp["W_c1"] = _lin(ks[7], (1 + C + 2) * D, HID)
    inp["b_c1"] = jnp.zeros((HID,), jnp.float32)
    inp["W_c2"] = _lin(ks[8], HID, HID)
    inp["b_c2"] = jnp.zeros((HID,), jnp.float32)
    inp["W_c3"] = _lin(ks[9], HID, D)
    inp["b_c3"] = jnp.zeros((D,), jnp.float32)
    inp["W_e1"] = _lin(ks[10], 3 * D, HID)
    inp["b_e1"] = jnp.zeros((HID,), jnp.float32)
    inp["W_e2"] = _lin(ks[11], HID, D)
    inp["b_e2"] = jnp.zeros((D,), jnp.float32)
    return inp

def reference(edge_rep, cycle_rep, edge2cycle_idx, cycle_ids, W_a5_loc, W_a5_sum, b_a5, W_a6_loc, W_a6_sum, b_a6, W_c1, b_c1, W_c2, b_c2, W_c3, b_c3, W_e1, b_e1, W_e2, b_e2):
    # gather edge reps onto cycle-atom rows (edge2cycle gather_from_ptensors)
    e2c = jnp.take(edge_rep, edge2cycle_idx, axis=0)
    # broadcast per-cycle sum (1st-order ptensor linmap component)
    csum = jax.ops.segment_sum(e2c, cycle_ids, num_segments=NUM_CYC)[cycle_ids]
    # Autobahn per cycle size: local + cycle-aggregate channel mixing to C*D channels
    a5 = jax.nn.relu(e2c[:M5] @ W_a5_loc + csum[:M5] @ W_a5_sum + b_a5)
    a6 = jax.nn.relu(e2c[M5:] @ W_a6_loc + csum[M5:] @ W_a6_sum + b_a6)
    aut = jnp.concatenate([a5, a6], axis=0)
    # 1st-order linmap within each cycle: identity + broadcast sum
    linmap = jnp.concatenate([e2c, csum], axis=-1)
    cyc_in = jnp.concatenate([cycle_rep, aut, linmap], axis=-1)  # (1+C+2)*D
    h = jax.nn.relu(cyc_in @ W_c1 + b_c1)
    h = jax.nn.relu(h @ W_c2 + b_c2)
    cycle_out = h @ W_c3 + b_c3
    # linmap of cycle_out then 0th-order gather back to edges (scatter-add)
    co_sum = jax.ops.segment_sum(cycle_out, cycle_ids, num_segments=NUM_CYC)[cycle_ids]
    co_linmap = jnp.concatenate([cycle_out, co_sum], axis=-1)
    c2e = jnp.zeros((edge_rep.shape[0], 2 * cycle_out.shape[1]), edge_rep.dtype).at[edge2cycle_idx].add(co_linmap)
    e_in = jnp.concatenate([edge_rep, c2e], axis=-1)  # 3*D
    g = jax.nn.relu(e_in @ W_e1 + b_e1)
    edge_out = g @ W_e2 + b_e2
    return (edge_out, cycle_out)

if __name__ == "__main__":
    import jax
    _d = setup_inputs()
    print(jax.jit(kernel)(*tuple(_d.values())))

</pallas_src>

<mosaic_0001>
#map = affine_map<(d0, d1) -> (0, 0)>
#map1 = affine_map<(d0, d1) -> (0)>
module attributes {stable_mosaic.version = 14 : i64} {
  func.func @k(%arg0: i32, %arg1: i32, %arg2: memref<320000x128xf32, #tpu.memory_space<hbm>>, %arg3: memref<112128xi32, #tpu.memory_space<hbm>>, %arg4: memref<112128x128xf32, #tpu.memory_space<hbm>>, %arg5: memref<584xi32, #tpu.memory_space<vmem>>, %arg6: memref<584x128xf32, #tpu.memory_space<vmem>>, %arg7: memref<!tpu.dma_semaphore, #tpu.memory_space<semaphore_mem>>) attributes {dimension_semantics = [#tpu.dimension_semantics<core_parallel>, #tpu.dimension_semantics<subcore_parallel>], iteration_bounds = array<i64: 2, 16>, scalar_prefetch = 0 : i64, scratch_operands = 3 : i64, tpu.core_type = #tpu.core_type<sc_vector_subcore>, window_params = [{transform_indices = #map}, {transform_indices = #map1}, {transform_indices = #map}]} {
    %mul3A = arith.constant 2 : i32
    %mul3A_0 = arith.muli %arg1, %mul3A : i32
    %add3A = arith.addi %mul3A_0, %arg0 : i32
    %mul3A_1 = arith.constant 3504 : i32
    %mul3A_2 = arith.muli %add3A, %mul3A_1 : i32
    %scan3A = arith.constant 0 : i32
    %scan3A_3 = arith.constant 6 : i32
    %scan3A_4 = arith.addi %scan3A, %scan3A_3 : i32
    %scan3A_5 = arith.constant 1 : i32
    scf.for %scan3A_7 = %scan3A to %scan3A_4 step %scan3A_5  : i32 {
      %mul3A_8 = arith.constant 1 : i32
      %mul3A_9 = arith.muli %scan3A_7, %mul3A_8 : i32
      %add3A_10 = arith.constant 0 : i32
      %add3A_11 = arith.addi %add3A_10, %mul3A_9 : i32
      %mul3A_12 = arith.constant 584 : i32
      %mul3A_13 = arith.muli %add3A_11, %mul3A_12 : i32
      %add3A_14 = arith.addi %mul3A_2, %mul3A_13 : i32
      "tpu.region"() ({
        %run_scoped3A = tpu.sem_alloc : memref<!tpu.dma_semaphore, #tpu.memory_space<semaphore_mem>>
        %dma_start3A_19 = tpu.memref_slice %arg3[%add3A_14] : memref<112128xi32, #tpu.memory_space<hbm>> -> memref<584xi32, #tpu.memory_space<hbm>>
        %dma_start3A_20 = tpu.memref_slice %arg3[%add3A_14] : memref<112128xi32, #tpu.memory_space<hbm>> -> memref<584xi32, #tpu.memory_space<hbm>>
        tpu.enqueue_dma source(%dma_start3A_20 : memref<584xi32, #tpu.memory_space<hbm>>) target(%arg5 : memref<584xi32, #tpu.memory_space<vmem>>) target_semaphore(%run_scoped3A : memref<!tpu.dma_semaphore, #tpu.memory_space<semaphore_mem>>)
        %dma_wait3A_21 = tpu.memref_slice %arg3[%add3A_14] : memref<112128xi32, #tpu.memory_space<hbm>> -> memref<584xi32, #tpu.memory_space<hbm>>
        %dma_wait3A_22 = tpu.memref_slice %arg3[%add3A_14] : memref<112128xi32, #tpu.memory_space<hbm>> -> memref<584xi32, #tpu.memory_space<hbm>>
        tpu.wait_dma2 semaphore(%run_scoped3A : memref<!tpu.dma_semaphore, #tpu.memory_space<semaphore_mem>>) src(%dma_wait3A_22 : memref<584xi32, #tpu.memory_space<hbm>>) dst(%arg5 : memref<584xi32, #tpu.memory_space<vmem>>)
        tpu.yield
      }) : () -> ()
      %dma_start3A = arith.constant 0 : i32
      %dma_start3A_15 = arith.constant 0 : i32
      %dma_start3A_16 = tpu.memref_slice %arg2[%dma_start3A, %dma_start3A_15] : memref<320000x128xf32, #tpu.memory_space<hbm>> -> memref<320000x128xf32, #tpu.memory_space<hbm>>
      tpu.enqueue_indirect_dma source(%dma_start3A_16 : memref<320000x128xf32, #tpu.memory_space<hbm>>) target(%arg6 : memref<584x128xf32, #tpu.memory_space<vmem>>) offsets(%arg5 : memref<584xi32, #tpu.memory_space<vmem>>) semaphore(%arg7 : memref<!tpu.dma_semaphore, #tpu.memory_space<semaphore_mem>>)
      %dma_wait3A = arith.constant 0 : i32
      %dma_wait3A_17 = arith.constant 0 : i32
      %dma_wait3A_18 = tpu.memref_slice %arg2[%dma_wait3A, %dma_wait3A_17] : memref<320000x128xf32, #tpu.memory_space<hbm>> -> memref<320000x128xf32, #tpu.memory_space<hbm>>
      tpu.wait_indirect_dma semaphore(%arg7 : memref<!tpu.dma_semaphore, #tpu.memory_space<semaphore_mem>>) src(%dma_wait3A_18 : memref<320000x128xf32, #tpu.memory_space<hbm>>) dst(%arg6 : memref<584x128xf32, #tpu.memory_space<vmem>>)
      "tpu.region"() ({
        %run_scoped3A = tpu.sem_alloc : memref<!tpu.dma_semaphore, #tpu.memory_space<semaphore_mem>>
        %dma_start3A_19 = arith.constant 0 : i32
        %dma_start3A_20 = tpu.memref_slice %arg4[%add3A_14, %dma_start3A_19] : memref<112128x128xf32, #tpu.memory_space<hbm>> -> memref<584x128xf32, #tpu.memory_space<hbm>>
        %dma_start3A_21 = arith.constant 0 : i32
        %dma_start3A_22 = tpu.memref_slice %arg4[%add3A_14, %dma_start3A_21] : memref<112128x128xf32, #tpu.memory_space<hbm>> -> memref<584x128xf32, #tpu.memory_space<hbm>>
        tpu.enqueue_dma source(%arg6 : memref<584x128xf32, #tpu.memory_space<vmem>>) target(%dma_start3A_22 : memref<584x128xf32, #tpu.memory_space<hbm>>) target_semaphore(%run_scoped3A : memref<!tpu.dma_semaphore, #tpu.memory_space<semaphore_mem>>)
        %dma_wait3A_23 = arith.constant 0 : i32
        %dma_wait3A_24 = tpu.memref_slice %arg4[%add3A_14, %dma_wait3A_23] : memref<112128x128xf32, #tpu.memory_space<hbm>> -> memref<584x128xf32, #tpu.memory_space<hbm>>
        %dma_wait3A_25 = arith.constant 0 : i32
        %dma_wait3A_26 = tpu.memref_slice %arg4[%add3A_14, %dma_wait3A_25] : memref<112128x128xf32, #tpu.memory_space<hbm>> -> memref<584x128xf32, #tpu.memory_space<hbm>>
        tpu.wait_dma2 semaphore(%run_scoped3A : memref<!tpu.dma_semaphore, #tpu.memory_space<semaphore_mem>>) src(%arg6 : memref<584x128xf32, #tpu.memory_space<vmem>>) dst(%dma_wait3A_26 : memref<584x128xf32, #tpu.memory_space<hbm>>)
        tpu.yield
      }) : () -> ()
    }
    %scan3A_6 = arith.constant 6 : i32
    return
  }
}

#map = affine_map<(d0, d1) -> (0, 0)>
#map1 = affine_map<(d0, d1) -> (0)>
module attributes {stable_mosaic.version = 14 : i64} {
  func.func @k(%arg0: i32, %arg1: i32, %arg2: memref<112000x256xf32, #tpu.memory_space<hbm>>, %arg3: memref<112128xi32, #tpu.memory_space<hbm>>, %arg4: memref<320512x256xf32, #tpu.memory_space<hbm>>, %arg5: memref<7008xi32, #tpu.memory_space<vmem>>, %arg6: memref<10000xi32, #tpu.memory_space<vmem>>, %arg7: memref<10000xi32, #tpu.memory_space<vmem>>, %arg8: memref<32784xi32, #tpu.memory_space<vmem>>, %arg9: memref<128xi32, #tpu.memory_space<vmem>>, %arg10: memref<128xi32, #tpu.memory_space<vmem>>, %arg11: memref<128x256xf32, #tpu.memory_space<vmem>>, %arg12: memref<8x256xf32, #tpu.memory_space<vmem>>, %arg13: memref<!tpu.dma_semaphore, #tpu.memory_space<semaphore_mem>>) attributes {dimension_semantics = [#tpu.dimension_semantics<core_parallel>, #tpu.dimension_semantics<subcore_parallel>], iteration_bounds = array<i64: 2, 16>, scalar_prefetch = 0 : i64, scratch_operands = 9 : i64, tpu.core_type = #tpu.core_type<sc_vector_subcore>, window_params = [{transform_indices = #map}, {transform_indices = #map1}, {transform_indices = #map}]} {
    %mul3A = arith.constant 2 : i32
    %mul3A_0 = arith.muli %arg1, %mul3A : i32
    %add3A = arith.addi %mul3A_0, %arg0 : i32
    %mul3A_1 = arith.constant 10000 : i32
    %mul3A_2 = arith.muli %add3A, %mul3A_1 : i32
    %iota3A = tpu.iota {dimensions = array<i32: 0>} : vector<16xi32>
    %scan3A = arith.constant 0 : i32
    %scan3A_3 = arith.constant 128 : i32
    %scan3A_4 = arith.addi %scan3A, %scan3A_3 : i32
    %scan3A_5 = arith.constant 1 : i32
    scf.for %scan3A_879 = %scan3A to %scan3A_4 step %scan3A_5  : i32 {
      %mul3A_880 = arith.constant 1 : i32
      %mul3A_881 = arith.muli %scan3A_879, %mul3A_880 : i32
      %add3A_882 = arith.constant 0 : i32
      %add3A_883 = arith.addi %add3A_882, %mul3A_881 : i32
      %broadcast_in_dim3A_884 = vector.broadcast %add3A_883 : i32 to vector<16xi32>
      %scan3A_885 = arith.constant 0 : i32
      %scan3A_886 = arith.constant 16 : i32
      %scan3A_887 = arith.addi %scan3A_885, %scan3A_886 : i32
      %scan3A_888 = arith.constant 1 : i32
      scf.for %scan3A_890 = %scan3A_885 to %scan3A_887 step %scan3A_888  : i32 {
        %mul3A_891 = arith.constant 16 : i32
        %mul3A_892 = arith.muli %scan3A_890, %mul3A_891 : i32
        %add3A_893 = arith.constant 0 : i32
        %add3A_894 = arith.addi %add3A_893, %mul3A_892 : i32
        %add3A_895 = vector.broadcast %add3A_894 : i32 to vector<16xi32>
        %add3A_896 = arith.addi %add3A_895, %iota3A : vector<16xi32>
        %broadcast_in_dim3A_897 = arith.constant 0.000000e+00 : f32
        %broadcast_in_dim3A_898 = vector.broadcast %broadcast_in_dim3A_897 : f32 to vector<16xf32>
        tpu.vector_store_idx %arg11[%broadcast_in_dim3A_884, %add3A_896], %broadcast_in_dim3A_898 : memref<128x256xf32, #tpu.memory_space<vmem>>[vector<16xi32>, vector<16xi32>], vector<16xf32>,
      }
      %scan3A_889 = arith.constant 16 : i32
    }
    %scan3A_6 = arith.constant 128 : i32
    %add3A_7 = arith.constant 0 : i32
    %add3A_8 = arith.addi %mul3A_2, %add3A_7 : i32
    %dma_start3A = arith.constant 0 : i32
    %dma_start3A_9 = tpu.memref_slice %arg4[%add3A_8, %dma_start3A] : memref<320512x256xf32, #tpu.memory_space<hbm>> -> memref<128x256xf32, #tpu.memory_space<hbm>>
    %dma_start3A_10 = arith.constant 0 : i32
    %dma_start3A_11 = tpu.memref_slice %arg4[%add3A_8, %dma_start3A_10] : memref<320512x256xf32, #tpu.memory_space<hbm>> -> memref<128x256xf32, #tpu.memory_space<hbm>>
    tpu.enqueue_dma source(%arg11 : memref<128x256xf32, #tpu.memory_space<vmem>>) target(%dma_start3A_11 : memref<128x256xf32, #tpu.memory_space<hbm>>) target_semaphore(%arg13 : memref<!tpu.dma_semaphore, #tpu.memory_space<semaphore_mem>>)
    %add3A_12 = arith.constant 128 : i32
    %add3A_13 = arith.addi %mul3A_2, %add3A_12 : i32
    %dma_start3A_14 = arith.constant 0 : i32
    %dma_start3A_15 = tpu.memref_slice %arg4[%add3A_13, %dma_start3A_14] : memref<320512x256xf32, #tpu.memory_space<hbm>> -> memref<128x256xf32, #tpu.memory_space<hbm>>
    %dma_start3A_16 = arith.constant 0 : i32
    %dma_start3A_17 = tpu.memref_slice %arg4[%add3A_13, %dma_start3A_16] : memref<320512x256xf32, #tpu.memory_space<hbm>> -> memref<128x256xf32, #tpu.memory_space<hbm>>
    tpu.enqueue_dma source(%arg11 : memref<128x256xf32, #tpu.memory_space<vmem>>) target(%dma_start3A_17 : memref<128x256xf32, #tpu.memory_space<hbm>>) target_semaphore(%arg13 : memref<!tpu.dma_semaphore, #tpu.memory_space<semaphore_mem>>)
    %add3A_18 = arith.constant 256 : i32
    %add3A_19 = arith.addi %mul3A_2, %add3A_18 : i32
    %dma_start3A_20 = arith.constant 0 : i32
    %dma_start3A_21 = tpu.memref_slice %arg4[%add3A_19, %dma_start3A_20] : memref<320512x256xf32, #tpu.memory_space<hbm>> -> memref<128x256xf32, #tpu.memory_space<hbm>>
    %dma_start3A_22 = arith.constant 0 : i32
    %dma_start3A_23 = tpu.memref_slice %arg4[%add3A_19, %dma_start3A_22] : memref<320512x256xf32, #tpu.memory_space<hbm>> -> memref<128x256xf32, #tpu.memory_space<hbm>>
    tpu.enqueue_dma source(%arg11 : memref<128x256xf32, #tpu.memory_space<vmem>>) target(%dma_start3A_23 : memref<128x256xf32, #tpu.memory_space<hbm>>) target_semaphore(%arg13 : memref<!tpu.dma_semaphore, #tpu.memory_space<semaphore_mem>>)
    %add3A_24 = arith.constant 384 : i32
    %add3A_25 = arith.addi %mul3A_2, %add3A_24 : i32
    %dma_start3A_26 = arith.constant 0 : i32
    %dma_start3A_27 = tpu.memref_slice %arg4[%add3A_25, %dma_start3A_26] : memref<320512x256xf32, #tpu.memory_space<hbm>> -> memref<128x256xf32, #tpu.memory_space<hbm>>
    %dma_start3A_28 = arith.constant 0 : i32
    %dma_start3A_29 = tpu.memref_slice %arg4[%add3A_25, %dma_start3A_28] : memref<320512x256xf32, #tpu.memory_space<hbm>> -> memref<128x256xf32, #tpu.memory_space<hbm>>
    tpu.enqueue_dma source(%arg11 : memref<128x256xf32, #tpu.memory_space<vmem>>) target(%dma_start3A_29 : memref<128x256xf32, #tpu.memory_space<hbm>>) target_semaphore(%arg13 : memref<!tpu.dma_semaphore, #tpu.memory_space<semaphore_mem>>)
    %add3A_30 = arith.constant 512 : i32
    %add3A_31 = arith.addi %mul3A_2, %add3A_30 : i32
    %dma_start3A_32 = arith.constant 0 : i32
    %dma_start3A_33 = tpu.memref_slice %arg4[%add3A_31, %dma_start3A_32] : memref<320512x256xf32, #tpu.memory_space<hbm>> -> memref<128x256xf32, #tpu.memory_space<hbm>>
    %dma_start3A_34 = arith.constant 0 : i32
    %dma_start3A_35 = tpu.memref_slice %arg4[%add3A_31, %dma_start3A_34] : memref<320512x256xf32, #tpu.memory_space<hbm>> -> memref<128x256xf32, #tpu.memory_space<hbm>>
    tpu.enqueue_dma source(%arg11 : memref<128x256xf32, #tpu.memory_space<vmem>>) target(%dma_start3A_35 : memref<128x256xf32, #tpu.memory_space<hbm>>) target_semaphore(%arg13 : memref<!tpu.dma_semaphore, #tpu.memory_space<semaphore_mem>>)
    %add3A_36 = arith.constant 640 : i32
    %add3A_37 = arith.addi %mul3A_2, %add3A_36 : i32
    %dma_start3A_38 = arith.constant 0 : i32
    %dma_start3A_39 = tpu.memref_slice %arg4[%add3A_37, %dma_start3A_38] : memref<320512x256xf32, #tpu.memory_space<hbm>> -> memref<128x256xf32, #tpu.memory_space<hbm>>
    %dma_start3A_40 = arith.constant 0 : i32
    %dma_start3A_41 = tpu.memref_slice %arg4[%add3A_37, %dma_start3A_40] : memref<320512x256xf32, #tpu.memory_space<hbm>> -> memref<128x256xf32, #tpu.memory_space<hbm>>
    tpu.enqueue_dma source(%arg11 : memref<128x256xf32, #tpu.memory_space<vmem>>) target(%dma_start3A_41 : memref<128x256xf32, #tpu.memory_space<hbm>>) target_semaphore(%arg13 : memref<!tpu.dma_semaphore, #tpu.memory_space<semaphore_mem>>)
    %add3A_42 = arith.constant 768 : i32
    %add3A_43 = arith.addi %mul3A_2, %add3A_42 : i32
    %dma_start3A_44 = arith.constant 0 : i32
    %dma_start3A_45 = tpu.memref_slice %arg4[%add3A_43, %dma_start3A_44] : memref<320512x256xf32, #tpu.memory_space<hbm>> -> memref<128x256xf32, #tpu.memory_space<hbm>>
    %dma_start3A_46 = arith.constant 0 : i32
    %dma_start3A_47 = tpu.memref_slice %arg4[%add3A_43, %dma_start3A_46] : memref<320512x256xf32, #tpu.memory_space<hbm>> -> memref<128x256xf32, #tpu.memory_space<hbm>>
    tpu.enqueue_dma source(%arg11 : memref<128x256xf32, #tpu.memory_space<vmem>>) target(%dma_start3A_47 : memref<128x256xf32, #tpu.memory_space<hbm>>) target_semaphore(%arg13 : memref<!tpu.dma_semaphore, #tpu.memory_space<semaphore_mem>>)
    %add3A_48 = arith.constant 896 : i32
    %add3A_49 = arith.addi %mul3A_2, %add3A_48 : i32
    %dma_start3A_50 = arith.constant 0 : i32
    %dma_start3A_51 = tpu.memref_slice %arg4[%add3A_49, %dma_start3A_50] : memref<320512x256xf32, #tpu.memory_space<hbm>> -> memref<128x256xf32, #tpu.memory_space<hbm>>
    %dma_start3A_52 = arith.constant 0 : i32
    %dma_start3A_53 = tpu.memref_slice %arg4[%add3A_49, %dma_start3A_52] : memref<320512x256xf32, #tpu.memory_space<hbm>> -> memref<128x256xf32, #tpu.memory_space<hbm>>
    tpu.enqueue_dma source(%arg11 : memref<128x256xf32, #tpu.memory_space<vmem>>) target(%dma_start3A_53 : memref<128x256xf32, #tpu.memory_space<hbm>>) target_semaphore(%arg13 : memref<!tpu.dma_semaphore, #tpu.memory_space<semaphore_mem>>)
    %add3A_54 = arith.constant 1024 : i32
    %add3A_55 = arith.addi %mul3A_2, %add3A_54 : i32
    %dma_start3A_56 = arith.constant 0 : i32
    %dma_start3A_57 = tpu.memref_slice %arg4[%add3A_55, %dma_start3A_56] : memref<320512x256xf32, #tpu.memory_space<hbm>> -> memref<128x256xf32, #tpu.memory_space<hbm>>
    %dma_start3A_58 = arith.constant 0 : i32
    %dma_start3A_59 = tpu.memref_slice %arg4[%add3A_55, %dma_start3A_58] : memref<320512x256xf32, #tpu.memory_space<hbm>> -> memref<128x256xf32, #tpu.memory_space<hbm>>
    tpu.enqueue_dma source(%arg11 : memref<128x256xf32, #tpu.memory_space<vmem>>) target(%dma_start3A_59 : memref<128x256xf32, #tpu.memory_space<hbm>>) target_semaphore(%arg13 : memref<!tpu.dma_semaphore, #tpu.memory_space<semaphore_mem>>)
    %add3A_60 = arith.constant 1152 : i32
    %add3A_61 = arith.addi %mul3A_2, %add3A_60 : i32
    %dma_start3A_62 = arith.constant 0 : i32
    %dma_start3A_63 = tpu.memref_slice %arg4[%add3A_61, %dma_start3A_62] : memref<320512x256xf32, #tpu.memory_space<hbm>> -> memref<128x256xf32, #tpu.memory_space<hbm>>
    %dma_start3A_64 = arith.constant 0 : i32
    %dma_start3A_65 = tpu.memref_slice %arg4[%add3A_61, %dma_start3A_64] : memref<320512x256xf32, #tpu.memory_space<hbm>> -> memref<128x256xf32, #tpu.memory_space<hbm>>
    tpu.enqueue_dma source(%arg11 : memref<128x256xf32, #tpu.memory_space<vmem>>) target(%dma_start3A_65 : memref<128x256xf32, #tpu.memory_space<hbm>>) target_semaphore(%arg13 : memref<!tpu.dma_semaphore, #tpu.memory_space<semaphore_mem>>)
    %add3A_66 = arith.constant 1280 : i32
    %add3A_67 = arith.addi %mul3A_2, %add3A_66 : i32
    %dma_start3A_68 = arith.constant 0 : i32
    %dma_start3A_69 = tpu.memref_slice %arg4[%add3A_67, %dma_start3A_68] : memref<320512x256xf32, #tpu.memory_space<hbm>> -> memref<128x256xf32, #tpu.memory_space<hbm>>
    %dma_start3A_70 = arith.constant 0 : i32
    %dma_start3A_71 = tpu.memref_slice %arg4[%add3A_67, %dma_start3A_70] : memref<320512x256xf32, #tpu.memory_space<hbm>> -> memref<128x256xf32, #tpu.memory_space<hbm>>
    tpu.enqueue_dma source(%arg11 : memref<128x256xf32, #tpu.memory_space<vmem>>) target(%dma_start3A_71 : memref<128x256xf32, #tpu.memory_space<hbm>>) target_semaphore(%arg13 : memref<!tpu.dma_semaphore, #tpu.memory_space<semaphore_mem>>)
    %add3A_72 = arith.constant 1408 : i32
    %add3A_73 = arith.addi %mul3A_2, %add3A_72 : i32
    %dma_start3A_74 = arith.constant 0 : i32
    %dma_start3A_75 = tpu.memref_slice %arg4[%add3A_73, %dma_start3A_74] : memref<320512x256xf32, #tpu.memory_space<hbm>> -> memref<128x256xf32, #tpu.memory_space<hbm>>
    %dma_start3A_76 = arith.constant 0 : i32
    %dma_start3A_77 = tpu.memref_slice %arg4[%add3A_73, %dma_start3A_76] : memref<320512x256xf32, #tpu.memory_space<hbm>> -> memref<128x256xf32, #tpu.memory_space<hbm>>
    tpu.enqueue_dma source(%arg11 : memref<128x256xf32, #tpu.memory_space<vmem>>) target(%dma_start3A_77 : memref<128x256xf32, #tpu.memory_space<hbm>>) target_semaphore(%arg13 : memref<!tpu.dma_semaphore, #tpu.memory_space<semaphore_mem>>)
    %add3A_78 = arith.constant 1536 : i32
    %add3A_79 = arith.addi %mul3A_2, %add3A_78 : i32
    %dma_start3A_80 = arith.constant 0 : i32
    %dma_start3A_81 = tpu.memref_slice %arg4[%add3A_79, %dma_start3A_80] : memref<320512x256xf32, #tpu.memory_space<hbm>> -> memref<128x256xf32, #tpu.memory_space<hbm>>
    %dma_start3A_82 = arith.constant 0 : i32
    %dma_start3A_83 = tpu.memref_slice %arg4[%add3A_79, %dma_start3A_82] : memref<320512x256xf32, #tpu.memory_space<hbm>> -> memref<128x256xf32, #tpu.memory_space<hbm>>
    tpu.enqueue_dma source(%arg11 : memref<128x256xf32, #tpu.memory_space<vmem>>) target(%dma_start3A_83 : memref<128x256xf32, #tpu.memory_space<hbm>>) target_semaphore(%arg13 : memref<!tpu.dma_semaphore, #tpu.memory_space<semaphore_mem>>)
    %add3A_84 = arith.constant 1664 : i32
    %add3A_85 = arith.addi %mul3A_2, %add3A_84 : i32
    %dma_start3A_86 = arith.constant 0 : i32
    %dma_start3A_87 = tpu.memref_slice %arg4[%add3A_85, %dma_start3A_86] : memref<320512x256xf32, #tpu.memory_space<hbm>> -> memref<128x256xf32, #tpu.memory_space<hbm>>
    %dma_start3A_88 = arith.constant 0 : i32
    %dma_start3A_89 = tpu.memref_slice %arg4[%add3A_85, %dma_start3A_88] : memref<320512x256xf32, #tpu.memory_space<hbm>> -> memref<128x256xf32, #tpu.memory_space<hbm>>
    tpu.enqueue_dma source(%arg11 : memref<128x256xf32, #tpu.memory_space<vmem>>) target(%dma_start3A_89 : memref<128x256xf32, #tpu.memory_space<hbm>>) target_semaphore(%arg13 : memref<!tpu.dma_semaphore, #tpu.memory_space<semaphore_mem>>)
    %add3A_90 = arith.constant 1792 : i32
    %add3A_91 = arith.addi %mul3A_2, %add3A_90 : i32
    %dma_start3A_92 = arith.constant 0 : i32
    %dma_start3A_93 = tpu.memref_slice %arg4[%add3A_91, %dma_start3A_92] : memref<320512x256xf32, #tpu.memory_space<hbm>> -> memref<128x256xf32, #tpu.memory_space<hbm>>
    %dma_start3A_94 = arith.constant 0 : i32
    %dma_start3A_95 = tpu.memref_slice %arg4[%add3A_91, %dma_start3A_94] : memref<320512x256xf32, #tpu.memory_space<hbm>> -> memref<128x256xf32, #tpu.memory_space<hbm>>
    tpu.enqueue_dma source(%arg11 : memref<128x256xf32, #tpu.memory_space<vmem>>) target(%dma_start3A_95 : memref<128x256xf32, #tpu.memory_space<hbm>>) target_semaphore(%arg13 : memref<!tpu.dma_semaphore, #tpu.memory_space<semaphore_mem>>)
    %add3A_96 = arith.constant 1920 : i32
    %add3A_97 = arith.addi %mul3A_2, %add3A_96 : i32
    %dma_start3A_98 = arith.constant 0 : i32
    %dma_start3A_99 = tpu.memref_slice %arg4[%add3A_97, %dma_start3A_98] : memref<320512x256xf32, #tpu.memory_space<hbm>> -> memref<128x256xf32, #tpu.memory_space<hbm>>
    %dma_start3A_100 = arith.constant 0 : i32
    %dma_start3A_101 = tpu.memref_slice %arg4[%add3A_97, %dma_start3A_100] : memref<320512x256xf32, #tpu.memory_space<hbm>> -> memref<128x256xf32, #tpu.memory_space<hbm>>
    tpu.enqueue_dma source(%arg11 : memref<128x256xf32, #tpu.memory_space<vmem>>) target(%dma_start3A_101 : memref<128x256xf32, #tpu.memory_space<hbm>>) target_semaphore(%arg13 : memref<!tpu.dma_semaphore, #tpu.memory_space<semaphore_mem>>)
    %add3A_102 = arith.constant 2048 : i32
    %add3A_103 = arith.addi %mul3A_2, %add3A_102 : i32
    %dma_start3A_104 = arith.constant 0 : i32
    %dma_start3A_105 = tpu.memref_slice %arg4[%add3A_103, %dma_start3A_104] : memref<320512x256xf32, #tpu.memory_space<hbm>> -> memref<128x256xf32, #tpu.memory_space<hbm>>
    %dma_start3A_106 = arith.constant 0 : i32
    %dma_start3A_107 = tpu.memref_slice %arg4[%add3A_103, %dma_start3A_106] : memref<320512x256xf32, #tpu.memory_space<hbm>> -> memref<128x256xf32, #tpu.memory_space<hbm>>
    tpu.enqueue_dma source(%arg11 : memref<128x256xf32, #tpu.memory_space<vmem>>) target(%dma_start3A_107 : memref<128x256xf32, #tpu.memory_space<hbm>>) target_semaphore(%arg13 : memref<!tpu.dma_semaphore, #tpu.memory_space<semaphore_mem>>)
    %add3A_108 = arith.constant 2176 : i32
    %add3A_109 = arith.addi %mul3A_2, %add3A_108 : i32
    %dma_start3A_110 = arith.constant 0 : i32
    %dma_start3A_111 = tpu.memref_slice %arg4[%add3A_109, %dma_start3A_110] : memref<320512x256xf32, #tpu.memory_space<hbm>> -> memref<128x256xf32, #tpu.memory_space<hbm>>
    %dma_start3A_112 = arith.constant 0 : i32
    %dma_start3A_113 = tpu.memref_slice %arg4[%add3A_109, %dma_start3A_112] : memref<320512x256xf32, #tpu.memory_space<hbm>> -> memref<128x256xf32, #tpu.memory_space<hbm>>
    tpu.enqueue_dma source(%arg11 : memref<128x256xf32, #tpu.memory_space<vmem>>) target(%dma_start3A_113 : memref<128x256xf32, #tpu.memory_space<hbm>>) target_semaphore(%arg13 : memref<!tpu.dma_semaphore, #tpu.memory_space<semaphore_mem>>)
    %add3A_114 = arith.constant 2304 : i32
    %add3A_115 = arith.addi %mul3A_2, %add3A_114 : i32
    %dma_start3A_116 = arith.constant 0 : i32
    %dma_start3A_117 = tpu.memref_slice %arg4[%add3A_115, %dma_start3A_116] : memref<320512x256xf32, #tpu.memory_space<hbm>> -> memref<128x256xf32, #tpu.memory_space<hbm>>
    %dma_start3A_118 = arith.constant 0 : i32
    %dma_start3A_119 = tpu.memref_slice %arg4[%add3A_115, %dma_start3A_118] : memref<320512x256xf32, #tpu.memory_space<hbm>> -> memref<128x256xf32, #tpu.memory_space<hbm>>
    tpu.enqueue_dma source(%arg11 : memref<128x256xf32, #tpu.memory_space<vmem>>) target(%dma_start3A_119 : memref<128x256xf32, #tpu.memory_space<hbm>>) target_semaphore(%arg13 : memref<!tpu.dma_semaphore, #tpu.memory_space<semaphore_mem>>)
    %add3A_120 = arith.constant 2432 : i32
    %add3A_121 = arith.addi %mul3A_2, %add3A_120 : i32
    %dma_start3A_122 = arith.constant 0 : i32
    %dma_start3A_123 = tpu.memref_slice %arg4[%add3A_121, %dma_start3A_122] : memref<320512x256xf32, #tpu.memory_space<hbm>> -> memref<128x256xf32, #tpu.memory_space<hbm>>
    %dma_start3A_124 = arith.constant 0 : i32
    %dma_start3A_125 = tpu.memref_slice %arg4[%add3A_121, %dma_start3A_124] : memref<320512x256xf32, #tpu.memory_space<hbm>> -> memref<128x256xf32, #tpu.memory_space<hbm>>
    tpu.enqueue_dma source(%arg11 : memref<128x256xf32, #tpu.memory_space<vmem>>) target(%dma_start3A_125 : memref<128x256xf32, #tpu.memory_space<hbm>>) target_semaphore(%arg13 : memref<!tpu.dma_semaphore, #tpu.memory_space<semaphore_mem>>)
    %add3A_126 = arith.constant 2560 : i32
    %add3A_127 = arith.addi %mul3A_2, %add3A_126 : i32
    %dma_start3A_128 = arith.constant 0 : i32
    %dma_start3A_129 = tpu.memref_slice %arg4[%add3A_127, %dma_start3A_128] : memref<320512x256xf32, #tpu.memory_space<hbm>> -> memref<128x256xf32, #tpu.memory_space<hbm>>
    %dma_start3A_130 = arith.constant 0 : i32
    %dma_start3A_131 = tpu.memref_slice %arg4[%add3A_127, %dma_start3A_130] : memref<320512x256xf32, #tpu.memory_space<hbm>> -> memref<128x256xf32, #tpu.memory_space<hbm>>
    tpu.enqueue_dma source(%arg11 : memref<128x256xf32, #tpu.memory_space<vmem>>) target(%dma_start3A_131 : memref<128x256xf32, #tpu.memory_space<hbm>>) target_semaphore(%arg13 : memref<!tpu.dma_semaphore, #tpu.memory_space<semaphore_mem>>)
    %add3A_132 = arith.constant 2688 : i32
    %add3A_133 = arith.addi %mul3A_2, %add3A_132 : i32
    %dma_start3A_134 = arith.constant 0 : i32
    %dma_start3A_135 = tpu.memref_slice %arg4[%add3A_133, %dma_start3A_134] : memref<320512x256xf32, #tpu.memory_space<hbm>> -> memref<128x256xf32, #tpu.memory_space<hbm>>
    %dma_start3A_136 = arith.constant 0 : i32
    %dma_start3A_137 = tpu.memref_slice %arg4[%add3A_133, %dma_start3A_136] : memref<320512x256xf32, #tpu.memory_space<hbm>> -> memref<128x256xf32, #tpu.memory_space<hbm>>
    tpu.enqueue_dma source(%arg11 : memref<128x256xf32, #tpu.memory_space<vmem>>) target(%dma_start3A_137 : memref<128x256xf32, #tpu.memory_space<hbm>>) target_semaphore(%arg13 : memref<!tpu.dma_semaphore, #tpu.memory_space<semaphore_mem>>)
    %add3A_138 = arith.constant 2816 : i32
    %add3A_139 = arith.addi %mul3A_2, %add3A_138 : i32
    %dma_start3A_140 = arith.constant 0 : i32
    %dma_start3A_141 = tpu.memref_slice %arg4[%add3A_139, %dma_start3A_140] : memref<320512x256xf32, #tpu.memory_space<hbm>> -> memref<128x256xf32, #tpu.memory_space<hbm>>
    %dma_start3A_142 = arith.constant 0 : i32
    %dma_start3A_143 = tpu.memref_slice %arg4[%add3A_139, %dma_start3A_142] : memref<320512x256xf32, #tpu.memory_space<hbm>> -> memref<128x256xf32, #tpu.memory_space<hbm>>
    tpu.enqueue_dma source(%arg11 : memref<128x256xf32, #tpu.memory_space<vmem>>) target(%dma_start3A_143 : memref<128x256xf32, #tpu.memory_space<hbm>>) target_semaphore(%arg13 : memref<!tpu.dma_semaphore, #tpu.memory_space<semaphore_mem>>)
    %add3A_144 = arith.constant 2944 : i32
    %add3A_145 = arith.addi %mul3A_2, %add3A_144 : i32
    %dma_start3A_146 = arith.constant 0 : i32
    %dma_start3A_147 = tpu.memref_slice %arg4[%add3A_145, %dma_start3A_146] : memref<320512x256xf32, #tpu.memory_space<hbm>> -> memref<128x256xf32, #tpu.memory_space<hbm>>
    %dma_start3A_148 = arith.constant 0 : i32
    %dma_start3A_149 = tpu.memref_slice %arg4[%add3A_145, %dma_start3A_148] : memref<320512x256xf32, #tpu.memory_space<hbm>> -> memref<128x256xf32, #tpu.memory_space<hbm>>
    tpu.enqueue_dma source(%arg11 : memref<128x256xf32, #tpu.memory_space<vmem>>) target(%dma_start3A_149 : memref<128x256xf32, #tpu.memory_space<hbm>>) target_semaphore(%arg13 : memref<!tpu.dma_semaphore, #tpu.memory_space<semaphore_mem>>)
    %add3A_150 = arith.constant 3072 : i32
    %add3A_151 = arith.addi %mul3A_2, %add3A_150 : i32
    %dma_start3A_152 = arith.constant 0 : i32
    %dma_start3A_153 = tpu.memref_slice %arg4[%add3A_151, %dma_start3A_152] : memref<320512x256xf32, #tpu.memory_space<hbm>> -> memref<128x256xf32, #tpu.memory_space<hbm>>
    %dma_start3A_154 = arith.constant 0 : i32
    %dma_start3A_155 = tpu.memref_slice %arg4[%add3A_151, %dma_start3A_154] : memref<320512x256xf32, #tpu.memory_space<hbm>> -> memref<128x256xf32, #tpu.memory_space<hbm>>
    tpu.enqueue_dma source(%arg11 : memref<128x256xf32, #tpu.memory_space<vmem>>) target(%dma_start3A_155 : memref<128x256xf32, #tpu.memory_space<hbm>>) target_semaphore(%arg13 : memref<!tpu.dma_semaphore, #tpu.memory_space<semaphore_mem>>)
    %add3A_156 = arith.constant 3200 : i32
    %add3A_157 = arith.addi %mul3A_2, %add3A_156 : i32
    %dma_start3A_158 = arith.constant 0 : i32
    %dma_start3A_159 = tpu.memref_slice %arg4[%add3A_157, %dma_start3A_158] : memref<320512x256xf32, #tpu.memory_space<hbm>> -> memref<128x256xf32, #tpu.memory_space<hbm>>
    %dma_start3A_160 = arith.constant 0 : i32
    %dma_start3A_161 = tpu.memref_slice %arg4[%add3A_157, %dma_start3A_160] : memref<320512x256xf32, #tpu.memory_space<hbm>> -> memref<128x256xf32, #tpu.memory_space<hbm>>
    tpu.enqueue_dma source(%arg11 : memref<128x256xf32, #tpu.memory_space<vmem>>) target(%dma_start3A_161 : memref<128x256xf32, #tpu.memory_space<hbm>>) target_semaphore(%arg13 : memref<!tpu.dma_semaphore, #tpu.memory_space<semaphore_mem>>)
    %add3A_162 = arith.constant 3328 : i32
    %add3A_163 = arith.addi %mul3A_2, %add3A_162 : i32
    %dma_start3A_164 = arith.constant 0 : i32
    %dma_start3A_165 = tpu.memref_slice %arg4[%add3A_163, %dma_start3A_164] : memref<320512x256xf32, #tpu.memory_space<hbm>> -> memref<128x256xf32, #tpu.memory_space<hbm>>
    %dma_start3A_166 = arith.constant 0 : i32
    %dma_start3A_167 = tpu.memref_slice %arg4[%add3A_163, %dma_start3A_166] : memref<320512x256xf32, #tpu.memory_space<hbm>> -> memref<128x256xf32, #tpu.memory_space<hbm>>
    tpu.enqueue_dma source(%arg11 : memref<128x256xf32, #tpu.memory_space<vmem>>) target(%dma_start3A_167 : memref<128x256xf32, #tpu.memory_space<hbm>>) target_semaphore(%arg13 : memref<!tpu.dma_semaphore, #tpu.memory_space<semaphore_mem>>)
    %add3A_168 = arith.constant 3456 : i32
    %add3A_169 = arith.addi %mul3A_2, %add3A_168 : i32
    %dma_start3A_170 = arith.constant 0 : i32
    %dma_start3A_171 = tpu.memref_slice %arg4[%add3A_169, %dma_start3A_170] : memref<320512x256xf32, #tpu.memory_space<hbm>> -> memref<128x256xf32, #tpu.memory_space<hbm>>
    %dma_start3A_172 = arith.constant 0 : i32
    %dma_start3A_173 = tpu.memref_slice %arg4[%add3A_169, %dma_start3A_172] : memref<320512x256xf32, #tpu.memory_space<hbm>> -> memref<128x256xf32, #tpu.memory_space<hbm>>
    tpu.enqueue_dma source(%arg11 : memref<128x256xf32, #tpu.memory_space<vmem>>) target(%dma_start3A_173 : memref<128x256xf32, #tpu.memory_space<hbm>>) target_semaphore(%arg13 : memref<!tpu.dma_semaphore, #tpu.memory_space<semaphore_mem>>)
    %add3A_174 = arith.constant 3584 : i32
    %add3A_175 = arith.addi %mul3A_2, %add3A_174 : i32
    %dma_start3A_176 = arith.constant 0 : i32
    %dma_start3A_177 = tpu.memref_slice %arg4[%add3A_175, %dma_start3A_176] : memref<320512x256xf32, #tpu.memory_space<hbm>> -> memref<128x256xf32, #tpu.memory_space<hbm>>
    %dma_start3A_178 = arith.constant 0 : i32
    %dma_start3A_179 = tpu.memref_slice %arg4[%add3A_175, %dma_start3A_178] : memref<320512x256xf32, #tpu.memory_space<hbm>> -> memref<128x256xf32, #tpu.memory_space<hbm>>
    tpu.enqueue_dma source(%arg11 : memref<128x256xf32, #tpu.memory_space<vmem>>) target(%dma_start3A_179 : memref<128x256xf32, #tpu.memory_space<hbm>>) target_semaphore(%arg13 : memref<!tpu.dma_semaphore, #tpu.memory_space<semaphore_mem>>)
    %add3A_180 = arith.constant 3712 : i32
    %add3A_181 = arith.addi %mul3A_2, %add3A_180 : i32
    %dma_start3A_182 = arith.constant 0 : i32
    %dma_start3A_183 = tpu.memref_slice %arg4[%add3A_181, %dma_start3A_182] : memref<320512x256xf32, #tpu.memory_space<hbm>> -> memref<128x256xf32, #tpu.memory_space<hbm>>
    %dma_start3A_184 = arith.constant 0 : i32
    %dma_start3A_185 = tpu.memref_slice %arg4[%add3A_181, %dma_start3A_184] : memref<320512x256xf32, #tpu.memory_space<hbm>> -> memref<128x256xf32, #tpu.memory_space<hbm>>
    tpu.enqueue_dma source(%arg11 : memref<128x256xf32, #tpu.memory_space<vmem>>) target(%dma_start3A_185 : memref<128x256xf32, #tpu.memory_space<hbm>>) target_semaphore(%arg13 : memref<!tpu.dma_semaphore, #tpu.memory_space<semaphore_mem>>)
    %add3A_186 = arith.constant 3840 : i32
    %add3A_187 = arith.addi %mul3A_2, %add3A_186 : i32
    %dma_start3A_188 = arith.constant 0 : i32
    %dma_start3A_189 = tpu.memref_slice %arg4[%add3A_187, %dma_start3A_188] : memref<320512x256xf32, #tpu.memory_space<hbm>> -> memref<128x256xf32, #tpu.memory_space<hbm>>
    %dma_start3A_190 = arith.constant 0 : i32
    %dma_start3A_191 = tpu.memref_slice %arg4[%add3A_187, %dma_start3A_190] : memref<320512x256xf32, #tpu.memory_space<hbm>> -> memref<128x256xf32, #tpu.memory_space<hbm>>
    tpu.enqueue_dma source(%arg11 : memref<128x256xf32, #tpu.memory_space<vmem>>) target(%dma_start3A_191 : memref<128x256xf32, #tpu.memory_space<hbm>>) target_semaphore(%arg13 : memref<!tpu.dma_semaphore, #tpu.memory_space<semaphore_mem>>)
    %add3A_192 = arith.constant 3968 : i32
    %add3A_193 = arith.addi %mul3A_2, %add3A_192 : i32
    %dma_start3A_194 = arith.constant 0 : i32
    %dma_start3A_195 = tpu.memref_slice %arg4[%add3A_193, %dma_start3A_194] : memref<320512x256xf32, #tpu.memory_space<hbm>> -> memref<128x256xf32, #tpu.memory_space<hbm>>
    %dma_start3A_196 = arith.constant 0 : i32
    %dma_start3A_197 = tpu.memref_slice %arg4[%add3A_193, %dma_start3A_196] : memref<320512x256xf32, #tpu.memory_space<hbm>> -> memref<128x256xf32, #tpu.memory_space<hbm>>
    tpu.enqueue_dma source(%arg11 : memref<128x256xf32, #tpu.memory_space<vmem>>) target(%dma_start3A_197 : memref<128x256xf32, #tpu.memory_space<hbm>>) target_semaphore(%arg13 : memref<!tpu.dma_semaphore, #tpu.memory_space<semaphore_mem>>)
    %add3A_198 = arith.constant 4096 : i32
    %add3A_199 = arith.addi %mul3A_2, %add3A_198 : i32
    %dma_start3A_200 = arith.constant 0 : i32
    %dma_start3A_201 = tpu.memref_slice %arg4[%add3A_199, %dma_start3A_200] : memref<320512x256xf32, #tpu.memory_space<hbm>> -> memref<128x256xf32, #tpu.memory_space<hbm>>
    %dma_start3A_202 = arith.constant 0 : i32
    %dma_start3A_203 = tpu.memref_slice %arg4[%add3A_199, %dma_start3A_202] : memref<320512x256xf32, #tpu.memory_space<hbm>> -> memref<128x256xf32, #tpu.memory_space<hbm>>
    tpu.enqueue_dma source(%arg11 : memref<128x256xf32, #tpu.memory_space<vmem>>) target(%dma_start3A_203 : memref<128x256xf32, #tpu.memory_space<hbm>>) target_semaphore(%arg13 : memref<!tpu.dma_semaphore, #tpu.memory_space<semaphore_mem>>)
    %add3A_204 = arith.constant 4224 : i32
    %add3A_205 = arith.addi %mul3A_2, %add3A_204 : i32
    %dma_start3A_206 = arith.constant 0 : i32
    %dma_start3A_207 = tpu.memref_slice %arg4[%add3A_205, %dma_start3A_206] : memref<320512x256xf32, #tpu.memory_space<hbm>> -> memref<128x256xf32, #tpu.memory_space<hbm>>
    %dma_start3A_208 = arith.constant 0 : i32
    %dma_start3A_209 = tpu.memref_slice %arg4[%add3A_205, %dma_start3A_208] : memref<320512x256xf32, #tpu.memory_space<hbm>> -> memref<128x256xf32, #tpu.memory_space<hbm>>
    tpu.enqueue_dma source(%arg11 : memref<128x256xf32, #tpu.memory_space<vmem>>) target(%dma_start3A_209 : memref<128x256xf32, #tpu.memory_space<hbm>>) target_semaphore(%arg13 : memref<!tpu.dma_semaphore, #tpu.memory_space<semaphore_mem>>)
    %add3A_210 = arith.constant 4352 : i32
    %add3A_211 = arith.addi %mul3A_2, %add3A_210 : i32
    %dma_start3A_212 = arith.constant 0 : i32
    %dma_start3A_213 = tpu.memref_slice %arg4[%add3A_211, %dma_start3A_212] : memref<320512x256xf32, #tpu.memory_space<hbm>> -> memref<128x256xf32, #tpu.memory_space<hbm>>
    %dma_start3A_214 = arith.constant 0 : i32
    %dma_start3A_215 = tpu.memref_slice %arg4[%add3A_211, %dma_start3A_214] : memref<320512x256xf32, #tpu.memory_space<hbm>> -> memref<128x256xf32, #tpu.memory_space<hbm>>
    tpu.enqueue_dma source(%arg11 : memref<128x256xf32, #tpu.memory_space<vmem>>) target(%dma_start3A_215 : memref<128x256xf32, #tpu.memory_space<hbm>>) target_semaphore(%arg13 : memref<!tpu.dma_semaphore, #tpu.memory_space<semaphore_mem>>)
    %add3A_216 = arith.constant 4480 : i32
    %add3A_217 = arith.addi %mul3A_2, %add3A_216 : i32
    %dma_start3A_218 = arith.constant 0 : i32
    %dma_start3A_219 = tpu.memref_slice %arg4[%add3A_217, %dma_start3A_218] : memref<320512x256xf32, #tpu.memory_space<hbm>> -> memref<128x256xf32, #tpu.memory_space<hbm>>
    %dma_start3A_220 = arith.constant 0 : i32
    %dma_start3A_221 = tpu.memref_slice %arg4[%add3A_217, %dma_start3A_220] : memref<320512x256xf32, #tpu.memory_space<hbm>> -> memref<128x256xf32, #tpu.memory_space<hbm>>
    tpu.enqueue_dma source(%arg11 : memref<128x256xf32, #tpu.memory_space<vmem>>) target(%dma_start3A_221 : memref<128x256xf32, #tpu.memory_space<hbm>>) target_semaphore(%arg13 : memref<!tpu.dma_semaphore, #tpu.memory_space<semaphore_mem>>)
    %add3A_222 = arith.constant 4608 : i32
    %add3A_223 = arith.addi %mul3A_2, %add3A_222 : i32
    %dma_start3A_224 = arith.constant 0 : i32
    %dma_start3A_225 = tpu.memref_slice %arg4[%add3A_223, %dma_start3A_224] : memref<320512x256xf32, #tpu.memory_space<hbm>> -> memref<128x256xf32, #tpu.memory_space<hbm>>
    %dma_start3A_226 = arith.constant 0 : i32
    %dma_start3A_227 = tpu.memref_slice %arg4[%add3A_223, %dma_start3A_226] : memref<320512x256xf32, #tpu.memory_space<hbm>> -> memref<128x256xf32, #tpu.memory_space<hbm>>
    tpu.enqueue_dma source(%arg11 : memref<128x256xf32, #tpu.memory_space<vmem>>) target(%dma_start3A_227 : memref<128x256xf32, #tpu.memory_space<hbm>>) target_semaphore(%arg13 : memref<!tpu.dma_semaphore, #tpu.memory_space<semaphore_mem>>)
    %add3A_228 = arith.constant 4736 : i32
    %add3A_229 = arith.addi %mul3A_2, %add3A_228 : i32
    %dma_start3A_230 = arith.constant 0 : i32
    %dma_start3A_231 = tpu.memref_slice %arg4[%add3A_229, %dma_start3A_230] : memref<320512x256xf32, #tpu.memory_space<hbm>> -> memref<128x256xf32, #tpu.memory_space<hbm>>
    %dma_start3A_232 = arith.constant 0 : i32
    %dma_start3A_233 = tpu.memref_slice %arg4[%add3A_229, %dma_start3A_232] : memref<320512x256xf32, #tpu.memory_space<hbm>> -> memref<128x256xf32, #tpu.memory_space<hbm>>
    tpu.enqueue_dma source(%arg11 : memref<128x256xf32, #tpu.memory_space<vmem>>) target(%dma_start3A_233 : memref<128x256xf32, #tpu.memory_space<hbm>>) target_semaphore(%arg13 : memref<!tpu.dma_semaphore, #tpu.memory_space<semaphore_mem>>)
    %add3A_234 = arith.constant 4864 : i32
    %add3A_235 = arith.addi %mul3A_2, %add3A_234 : i32
    %dma_start3A_236 = arith.constant 0 : i32
    %dma_start3A_237 = tpu.memref_slice %arg4[%add3A_235, %dma_start3A_236] : memref<320512x256xf32, #tpu.memory_space<hbm>> -> memref<128x256xf32, #tpu.memory_space<hbm>>
    %dma_start3A_238 = arith.constant 0 : i32
    %dma_start3A_239 = tpu.memref_slice %arg4[%add3A_235, %dma_start3A_238] : memref<320512x256xf32, #tpu.memory_space<hbm>> -> memref<128x256xf32, #tpu.memory_space<hbm>>
    tpu.enqueue_dma source(%arg11 : memref<128x256xf32, #tpu.memory_space<vmem>>) target(%dma_start3A_239 : memref<128x256xf32, #tpu.memory_space<hbm>>) target_semaphore(%arg13 : memref<!tpu.dma_semaphore, #tpu.memory_space<semaphore_mem>>)
    %add3A_240 = arith.constant 4992 : i32
    %add3A_241 = arith.addi %mul3A_2, %add3A_240 : i32
    %dma_start3A_242 = arith.constant 0 : i32
    %dma_start3A_243 = tpu.memref_slice %arg4[%add3A_241, %dma_start3A_242] : memref<320512x256xf32, #tpu.memory_space<hbm>> -> memref<128x256xf32, #tpu.memory_space<hbm>>
    %dma_start3A_244 = arith.constant 0 : i32
    %dma_start3A_245 = tpu.memref_slice %arg4[%add3A_241, %dma_start3A_244] : memref<320512x256xf32, #tpu.memory_space<hbm>> -> memref<128x256xf32, #tpu.memory_space<hbm>>
    tpu.enqueue_dma source(%arg11 : memref<128x256xf32, #tpu.memory_space<vmem>>) target(%dma_start3A_245 : memref<128x256xf32, #tpu.memory_space<hbm>>) target_semaphore(%arg13 : memref<!tpu.dma_semaphore, #tpu.memory_space<semaphore_mem>>)
    %add3A_246 = arith.constant 5120 : i32
    %add3A_247 = arith.addi %mul3A_2, %add3A_246 : i32
    %dma_start3A_248 = arith.constant 0 : i32
    %dma_start3A_249 = tpu.memref_slice %arg4[%add3A_247, %dma_start3A_248] : memref<320512x256xf32, #tpu.memory_space<hbm>> -> memref<128x256xf32, #tpu.memory_space<hbm>>
    %dma_start3A_250 = arith.constant 0 : i32
    %dma_start3A_251 = tpu.memref_slice %arg4[%add3A_247, %dma_start3A_250] : memref<320512x256xf32, #tpu.memory_space<hbm>> -> memref<128x256xf32, #tpu.memory_space<hbm>>
    tpu.enqueue_dma source(%arg11 : memref<128x256xf32, #tpu.memory_space<vmem>>) target(%dma_start3A_251 : memref<128x256xf32, #tpu.memory_space<hbm>>) target_semaphore(%arg13 : memref<!tpu.dma_semaphore, #tpu.memory_space<semaphore_mem>>)
    %add3A_252 = arith.constant 5248 : i32
    %add3A_253 = arith.addi %mul3A_2, %add3A_252 : i32
    %dma_start3A_254 = arith.constant 0 : i32
    %dma_start3A_255 = tpu.memref_slice %arg4[%add3A_253, %dma_start3A_254] : memref<320512x256xf32, #tpu.memory_space<hbm>> -> memref<128x256xf32, #tpu.memory_space<hbm>>
    %dma_start3A_256 = arith.constant 0 : i32
    %dma_start3A_257 = tpu.memref_slice %arg4[%add3A_253, %dma_start3A_256] : memref<320512x256xf32, #tpu.memory_space<hbm>> -> memref<128x256xf32, #tpu.memory_space<hbm>>
    tpu.enqueue_dma source(%arg11 : memref<128x256xf32, #tpu.memory_space<vmem>>) target(%dma_start3A_257 : memref<128x256xf32, #tpu.memory_space<hbm>>) target_semaphore(%arg13 : memref<!tpu.dma_semaphore, #tpu.memory_space<semaphore_mem>>)
    %add3A_258 = arith.constant 5376 : i32
    %add3A_259 = arith.addi %mul3A_2, %add3A_258 : i32
    %dma_start3A_260 = arith.constant 0 : i32
    %dma_start3A_261 = tpu.memref_slice %arg4[%add3A_259, %dma_start3A_260] : memref<320512x256xf32, #tpu.memory_space<hbm>> -> memref<128x256xf32, #tpu.memory_space<hbm>>
    %dma_start3A_262 = arith.constant 0 : i32
    %dma_start3A_263 = tpu.memref_slice %arg4[%add3A_259, %dma_start3A_262] : memref<320512x256xf32, #tpu.memory_space<hbm>> -> memref<128x256xf32, #tpu.memory_space<hbm>>
    tpu.enqueue_dma source(%arg11 : memref<128x256xf32, #tpu.memory_space<vmem>>) target(%dma_start3A_263 : memref<128x256xf32, #tpu.memory_space<hbm>>) target_semaphore(%arg13 : memref<!tpu.dma_semaphore, #tpu.memory_space<semaphore_mem>>)
    %add3A_264 = arith.constant 5504 : i32
    %add3A_265 = arith.addi %mul3A_2, %add3A_264 : i32
    %dma_start3A_266 = arith.constant 0 : i32
    %dma_start3A_267 = tpu.memref_slice %arg4[%add3A_265, %dma_start3A_266] : memref<320512x256xf32, #tpu.memory_space<hbm>> -> memref<128x256xf32, #tpu.memory_space<hbm>>
    %dma_start3A_268 = arith.constant 0 : i32
    %dma_start3A_269 = tpu.memref_slice %arg4[%add3A_265, %dma_start3A_268] : memref<320512x256xf32, #tpu.memory_space<hbm>> -> memref<128x256xf32, #tpu.memory_space<hbm>>
    tpu.enqueue_dma source(%arg11 : memref<128x256xf32, #tpu.memory_space<vmem>>) target(%dma_start3A_269 : memref<128x256xf32, #tpu.memory_space<hbm>>) target_semaphore(%arg13 : memref<!tpu.dma_semaphore, #tpu.memory_space<semaphore_mem>>)
    %add3A_270 = arith.constant 5632 : i32
    %add3A_271 = arith.addi %mul3A_2, %add3A_270 : i32
    %dma_start3A_272 = arith.constant 0 : i32
    %dma_start3A_273 = tpu.memref_slice %arg4[%add3A_271, %dma_start3A_272] : memref<320512x256xf32, #tpu.memory_space<hbm>> -> memref<128x256xf32, #tpu.memory_space<hbm>>
    %dma_start3A_274 = arith.constant 0 : i32
    %dma_start3A_275 = tpu.memref_slice %arg4[%add3A_271, %dma_start3A_274] : memref<320512x256xf32, #tpu.memory_space<hbm>> -> memref<128x256xf32, #tpu.memory_space<hbm>>
    tpu.enqueue_dma source(%arg11 : memref<128x256xf32, #tpu.memory_space<vmem>>) target(%dma_start3A_275 : memref<128x256xf32, #tpu.memory_space<hbm>>) target_semaphore(%arg13 : memref<!tpu.dma_semaphore, #tpu.memory_space<semaphore_mem>>)
    %add3A_276 = arith.constant 5760 : i32
    %add3A_277 = arith.addi %mul3A_2, %add3A_276 : i32
    %dma_start3A_278 = arith.constant 0 : i32
    %dma_start3A_279 = tpu.memref_slice %arg4[%add3A_277, %dma_start3A_278] : memref<320512x256xf32, #tpu.memory_space<hbm>> -> memref<128x256xf32, #tpu.memory_space<hbm>>
    %dma_start3A_280 = arith.constant 0 : i32
    %dma_start3A_281 = tpu.memref_slice %arg4[%add3A_277, %dma_start3A_280] : memref<320512x256xf32, #tpu.memory_space<hbm>> -> memref<128x256xf32, #tpu.memory_space<hbm>>
    tpu.enqueue_dma source(%arg11 : memref<128x256xf32, #tpu.memory_space<vmem>>) target(%dma_start3A_281 : memref<128x256xf32, #tpu.memory_space<hbm>>) target_semaphore(%arg13 : memref<!tpu.dma_semaphore, #tpu.memory_space<semaphore_mem>>)
    %add3A_282 = arith.constant 5888 : i32
    %add3A_283 = arith.addi %mul3A_2, %add3A_282 : i32
    %dma_start3A_284 = arith.constant 0 : i32
    %dma_start3A_285 = tpu.memref_slice %arg4[%add3A_283, %dma_start3A_284] : memref<320512x256xf32, #tpu.memory_space<hbm>> -> memref<128x256xf32, #tpu.memory_space<hbm>>
    %dma_start3A_286 = arith.constant 0 : i32
    %dma_start3A_287 = tpu.memref_slice %arg4[%add3A_283, %dma_start3A_286] : memref<320512x256xf32, #tpu.memory_space<hbm>> -> memref<128x256xf32, #tpu.memory_space<hbm>>
    tpu.enqueue_dma source(%arg11 : memref<128x256xf32, #tpu.memory_space<vmem>>) target(%dma_start3A_287 : memref<128x256xf32, #tpu.memory_space<hbm>>) target_semaphore(%arg13 : memref<!tpu.dma_semaphore, #tpu.memory_space<semaphore_mem>>)
    %add3A_288 = arith.constant 6016 : i32
    %add3A_289 = arith.addi %mul3A_2, %add3A_288 : i32
    %dma_start3A_290 = arith.constant 0 : i32
    %dma_start3A_291 = tpu.memref_slice %arg4[%add3A_289, %dma_start3A_290] : memref<320512x256xf32, #tpu.memory_space<hbm>> -> memref<128x256xf32, #tpu.memory_space<hbm>>
    %dma_start3A_292 = arith.constant 0 : i32
    %dma_start3A_293 = tpu.memref_slice %arg4[%add3A_289, %dma_start3A_292] : memref<320512x256xf32, #tpu.memory_space<hbm>> -> memref<128x256xf32, #tpu.memory_space<hbm>>
    tpu.enqueue_dma source(%arg11 : memref<128x256xf32, #tpu.memory_space<vmem>>) target(%dma_start3A_293 : memref<128x256xf32, #tpu.memory_space<hbm>>) target_semaphore(%arg13 : memref<!tpu.dma_semaphore, #tpu.memory_space<semaphore_mem>>)
    %add3A_294 = arith.constant 6144 : i32
    %add3A_295 = arith.addi %mul3A_2, %add3A_294 : i32
    %dma_start3A_296 = arith.constant 0 : i32
    %dma_start3A_297 = tpu.memref_slice %arg4[%add3A_295, %dma_start3A_296] : memref<320512x256xf32, #tpu.memory_space<hbm>> -> memref<128x256xf32, #tpu.memory_space<hbm>>
    %dma_start3A_298 = arith.constant 0 : i32
    %dma_start3A_299 = tpu.memref_slice %arg4[%add3A_295, %dma_start3A_298] : memref<320512x256xf32, #tpu.memory_space<hbm>> -> memref<128x256xf32, #tpu.memory_space<hbm>>
    tpu.enqueue_dma source(%arg11 : memref<128x256xf32, #tpu.memory_space<vmem>>) target(%dma_start3A_299 : memref<128x256xf32, #tpu.memory_space<hbm>>) target_semaphore(%arg13 : memref<!tpu.dma_semaphore, #tpu.memory_space<semaphore_mem>>)
    %add3A_300 = arith.constant 6272 : i32
    %add3A_301 = arith.addi %mul3A_2, %add3A_300 : i32
    %dma_start3A_302 = arith.constant 0 : i32
    %dma_start3A_303 = tpu.memref_slice %arg4[%add3A_301, %dma_start3A_302] : memref<320512x256xf32, #tpu.memory_space<hbm>> -> memref<128x256xf32, #tpu.memory_space<hbm>>
    %dma_start3A_304 = arith.constant 0 : i32
    %dma_start3A_305 = tpu.memref_slice %arg4[%add3A_301, %dma_start3A_304] : memref<320512x256xf32, #tpu.memory_space<hbm>> -> memref<128x256xf32, #tpu.memory_space<hbm>>
    tpu.enqueue_dma source(%arg11 : memref<128x256xf32, #tpu.memory_space<vmem>>) target(%dma_start3A_305 : memref<128x256xf32, #tpu.memory_space<hbm>>) target_semaphore(%arg13 : memref<!tpu.dma_semaphore, #tpu.memory_space<semaphore_mem>>)
    %add3A_306 = arith.constant 6400 : i32
    %add3A_307 = arith.addi %mul3A_2, %add3A_306 : i32
    %dma_start3A_308 = arith.constant 0 : i32
    %dma_start3A_309 = tpu.memref_slice %arg4[%add3A_307, %dma_start3A_308] : memref<320512x256xf32, #tpu.memory_space<hbm>> -> memref<128x256xf32, #tpu.memory_space<hbm>>
    %dma_start3A_310 = arith.constant 0 : i32
    %dma_start3A_311 = tpu.memref_slice %arg4[%add3A_307, %dma_start3A_310] : memref<320512x256xf32, #tpu.memory_space<hbm>> -> memref<128x256xf32, #tpu.memory_space<hbm>>
    tpu.enqueue_dma source(%arg11 : memref<128x256xf32, #tpu.memory_space<vmem>>) target(%dma_start3A_311 : memref<128x256xf32, #tpu.memory_space<hbm>>) target_semaphore(%arg13 : memref<!tpu.dma_semaphore, #tpu.memory_space<semaphore_mem>>)
    %add3A_312 = arith.constant 6528 : i32
    %add3A_313 = arith.addi %mul3A_2, %add3A_312 : i32
    %dma_start3A_314 = arith.constant 0 : i32
    %dma_start3A_315 = tpu.memref_slice %arg4[%add3A_313, %dma_start3A_314] : memref<320512x256xf32, #tpu.memory_space<hbm>> -> memref<128x256xf32, #tpu.memory_space<hbm>>
    %dma_start3A_316 = arith.constant 0 : i32
    %dma_start3A_317 = tpu.memref_slice %arg4[%add3A_313, %dma_start3A_316] : memref<320512x256xf32, #tpu.memory_space<hbm>> -> memref<128x256xf32, #tpu.memory_space<hbm>>
    tpu.enqueue_dma source(%arg11 : memref<128x256xf32, #tpu.memory_space<vmem>>) target(%dma_start3A_317 : memref<128x256xf32, #tpu.memory_space<hbm>>) target_semaphore(%arg13 : memref<!tpu.dma_semaphore, #tpu.memory_space<semaphore_mem>>)
    %add3A_318 = arith.constant 6656 : i32
    %add3A_319 = arith.addi %mul3A_2, %add3A_318 : i32
    %dma_start3A_320 = arith.constant 0 : i32
    %dma_start3A_321 = tpu.memref_slice %arg4[%add3A_319, %dma_start3A_320] : memref<320512x256xf32, #tpu.memory_space<hbm>> -> memref<128x256xf32, #tpu.memory_space<hbm>>
    %dma_start3A_322 = arith.constant 0 : i32
    %dma_start3A_323 = tpu.memref_slice %arg4[%add3A_319, %dma_start3A_322] : memref<320512x256xf32, #tpu.memory_space<hbm>> -> memref<128x256xf32, #tpu.memory_space<hbm>>
    tpu.enqueue_dma source(%arg11 : memref<128x256xf32, #tpu.memory_space<vmem>>) target(%dma_start3A_323 : memref<128x256xf32, #tpu.memory_space<hbm>>) target_semaphore(%arg13 : memref<!tpu.dma_semaphore, #tpu.memory_space<semaphore_mem>>)
    %add3A_324 = arith.constant 6784 : i32
    %add3A_325 = arith.addi %mul3A_2, %add3A_324 : i32
    %dma_start3A_326 = arith.constant 0 : i32
    %dma_start3A_327 = tpu.memref_slice %arg4[%add3A_325, %dma_start3A_326] : memref<320512x256xf32, #tpu.memory_space<hbm>> -> memref<128x256xf32, #tpu.memory_space<hbm>>
    %dma_start3A_328 = arith.constant 0 : i32
    %dma_start3A_329 = tpu.memref_slice %arg4[%add3A_325, %dma_start3A_328] : memref<320512x256xf32, #tpu.memory_space<hbm>> -> memref<128x256xf32, #tpu.memory_space<hbm>>
    tpu.enqueue_dma source(%arg11 : memref<128x256xf32, #tpu.memory_space<vmem>>) target(%dma_start3A_329 : memref<128x256xf32, #tpu.memory_space<hbm>>) target_semaphore(%arg13 : memref<!tpu.dma_semaphore, #tpu.memory_space<semaphore_mem>>)
    %add3A_330 = arith.constant 6912 : i32
    %add3A_331 = arith.addi %mul3A_2, %add3A_330 : i32
    %dma_start3A_332 = arith.constant 0 : i32
    %dma_start3A_333 = tpu.memref_slice %arg4[%add3A_331, %dma_start3A_332] : memref<320512x256xf32, #tpu.memory_space<hbm>> -> memref<128x256xf32, #tpu.memory_space<hbm>>
    %dma_start3A_334 = arith.constant 0 : i32
    %dma_start3A_335 = tpu.memref_slice %arg4[%add3A_331, %dma_start3A_334] : memref<320512x256xf32, #tpu.memory_space<hbm>> -> memref<128x256xf32, #tpu.memory_space<hbm>>
    tpu.enqueue_dma source(%arg11 : memref<128x256xf32, #tpu.memory_space<vmem>>) target(%dma_start3A_335 : memref<128x256xf32, #tpu.memory_space<hbm>>) target_semaphore(%arg13 : memref<!tpu.dma_semaphore, #tpu.memory_space<semaphore_mem>>)
    %add3A_336 = arith.constant 7040 : i32
    %add3A_337 = arith.addi %mul3A_2, %add3A_336 : i32
    %dma_start3A_338 = arith.constant 0 : i32
    %dma_start3A_339 = tpu.memref_slice %arg4[%add3A_337, %dma_start3A_338] : memref<320512x256xf32, #tpu.memory_space<hbm>> -> memref<128x256xf32, #tpu.memory_space<hbm>>
    %dma_start3A_340 = arith.constant 0 : i32
    %dma_start3A_341 = tpu.memref_slice %arg4[%add3A_337, %dma_start3A_340] : memref<320512x256xf32, #tpu.memory_space<hbm>> -> memref<128x256xf32, #tpu.memory_space<hbm>>
    tpu.enqueue_dma source(%arg11 : memref<128x256xf32, #tpu.memory_space<vmem>>) target(%dma_start3A_341 : memref<128x256xf32, #tpu.memory_space<hbm>>) target_semaphore(%arg13 : memref<!tpu.dma_semaphore, #tpu.memory_space<semaphore_mem>>)
    %add3A_342 = arith.constant 7168 : i32
    %add3A_343 = arith.addi %mul3A_2, %add3A_342 : i32
    %dma_start3A_344 = arith.constant 0 : i32
    %dma_start3A_345 = tpu.memref_slice %arg4[%add3A_343, %dma_start3A_344] : memref<320512x256xf32, #tpu.memory_space<hbm>> -> memref<128x256xf32, #tpu.memory_space<hbm>>
    %dma_start3A_346 = arith.constant 0 : i32
    %dma_start3A_347 = tpu.memref_slice %arg4[%add3A_343, %dma_start3A_346] : memref<320512x256xf32, #tpu.memory_space<hbm>> -> memref<128x256xf32, #tpu.memory_space<hbm>>
    tpu.enqueue_dma source(%arg11 : memref<128x256xf32, #tpu.memory_space<vmem>>) target(%dma_start3A_347 : memref<128x256xf32, #tpu.memory_space<hbm>>) target_semaphore(%arg13 : memref<!tpu.dma_semaphore, #tpu.memory_space<semaphore_mem>>)
    %add3A_348 = arith.constant 7296 : i32
    %add3A_349 = arith.addi %mul3A_2, %add3A_348 : i32
    %dma_start3A_350 = arith.constant 0 : i32
    %dma_start3A_351 = tpu.memref_slice %arg4[%add3A_349, %dma_start3A_350] : memref<320512x256xf32, #tpu.memory_space<hbm>> -> memref<128x256xf32, #tpu.memory_space<hbm>>
    %dma_start3A_352 = arith.constant 0 : i32
    %dma_start3A_353 = tpu.memref_slice %arg4[%add3A_349, %dma_start3A_352] : memref<320512x256xf32, #tpu.memory_space<hbm>> -> memref<128x256xf32, #tpu.memory_space<hbm>>
    tpu.enqueue_dma source(%arg11 : memref<128x256xf32, #tpu.memory_space<vmem>>) target(%dma_start3A_353 : memref<128x256xf32, #tpu.memory_space<hbm>>) target_semaphore(%arg13 : memref<!tpu.dma_semaphore, #tpu.memory_space<semaphore_mem>>)
    %add3A_354 = arith.constant 7424 : i32
    %add3A_355 = arith.addi %mul3A_2, %add3A_354 : i32
    %dma_start3A_356 = arith.constant 0 : i32
    %dma_start3A_357 = tpu.memref_slice %arg4[%add3A_355, %dma_start3A_356] : memref<320512x256xf32, #tpu.memory_space<hbm>> -> memref<128x256xf32, #tpu.memory_space<hbm>>
    %dma_start3A_358 = arith.constant 0 : i32
    %dma_start3A_359 = tpu.memref_slice %arg4[%add3A_355, %dma_start3A_358] : memref<320512x256xf32, #tpu.memory_space<hbm>> -> memref<128x256xf32, #tpu.memory_space<hbm>>
    tpu.enqueue_dma source(%arg11 : memref<128x256xf32, #tpu.memory_space<vmem>>) target(%dma_start3A_359 : memref<128x256xf32, #tpu.memory_space<hbm>>) target_semaphore(%arg13 : memref<!tpu.dma_semaphore, #tpu.memory_space<semaphore_mem>>)
    %add3A_360 = arith.constant 7552 : i32
    %add3A_361 = arith.addi %mul3A_2, %add3A_360 : i32
    %dma_start3A_362 = arith.constant 0 : i32
    %dma_start3A_363 = tpu.memref_slice %arg4[%add3A_361, %dma_start3A_362] : memref<320512x256xf32, #tpu.memory_space<hbm>> -> memref<128x256xf32, #tpu.memory_space<hbm>>
    %dma_start3A_364 = arith.constant 0 : i32
    %dma_start3A_365 = tpu.memref_slice %arg4[%add3A_361, %dma_start3A_364] : memref<320512x256xf32, #tpu.memory_space<hbm>> -> memref<128x256xf32, #tpu.memory_space<hbm>>
    tpu.enqueue_dma source(%arg11 : memref<128x256xf32, #tpu.memory_space<vmem>>) target(%dma_start3A_365 : memref<128x256xf32, #tpu.memory_space<hbm>>) target_semaphore(%arg13 : memref<!tpu.dma_semaphore, #tpu.memory_space<semaphore_mem>>)
    %add3A_366 = arith.constant 7680 : i32
    %add3A_367 = arith.addi %mul3A_2, %add3A_366 : i32
    %dma_start3A_368 = arith.constant 0 : i32
    %dma_start3A_369 = tpu.memref_slice %arg4[%add3A_367, %dma_start3A_368] : memref<320512x256xf32, #tpu.memory_space<hbm>> -> memref<128x256xf32, #tpu.memory_space<hbm>>
    %dma_start3A_370 = arith.constant 0 : i32
    %dma_start3A_371 = tpu.memref_slice %arg4[%add3A_367, %dma_start3A_370] : memref<320512x256xf32, #tpu.memory_space<hbm>> -> memref<128x256xf32, #tpu.memory_space<hbm>>
    tpu.enqueue_dma source(%arg11 : memref<128x256xf32, #tpu.memory_space<vmem>>) target(%dma_start3A_371 : memref<128x256xf32, #tpu.memory_space<hbm>>) target_semaphore(%arg13 : memref<!tpu.dma_semaphore, #tpu.memory_space<semaphore_mem>>)
    %add3A_372 = arith.constant 7808 : i32
    %add3A_373 = arith.addi %mul3A_2, %add3A_372 : i32
    %dma_start3A_374 = arith.constant 0 : i32
    %dma_start3A_375 = tpu.memref_slice %arg4[%add3A_373, %dma_start3A_374] : memref<320512x256xf32, #tpu.memory_space<hbm>> -> memref<128x256xf32, #tpu.memory_space<hbm>>
    %dma_start3A_376 = arith.constant 0 : i32
    %dma_start3A_377 = tpu.memref_slice %arg4[%add3A_373, %dma_start3A_376] : memref<320512x256xf32, #tpu.memory_space<hbm>> -> memref<128x256xf32, #tpu.memory_space<hbm>>
    tpu.enqueue_dma source(%arg11 : memref<128x256xf32, #tpu.memory_space<vmem>>) target(%dma_start3A_377 : memref<128x256xf32, #tpu.memory_space<hbm>>) target_semaphore(%arg13 : memref<!tpu.dma_semaphore, #tpu.memory_space<semaphore_mem>>)
    %add3A_378 = arith.constant 7936 : i32
    %add3A_379 = arith.addi %mul3A_2, %add3A_378 : i32
    %dma_start3A_380 = arith.constant 0 : i32
    %dma_start3A_381 = tpu.memref_slice %arg4[%add3A_379, %dma_start3A_380] : memref<320512x256xf32, #tpu.memory_space<hbm>> -> memref<128x256xf32, #tpu.memory_space<hbm>>
    %dma_start3A_382 = arith.constant 0 : i32
    %dma_start3A_383 = tpu.memref_slice %arg4[%add3A_379, %dma_start3A_382] : memref<320512x256xf32, #tpu.memory_space<hbm>> -> memref<128x256xf32, #tpu.memory_space<hbm>>
    tpu.enqueue_dma source(%arg11 : memref<128x256xf32, #tpu.memory_space<vmem>>) target(%dma_start3A_383 : memref<128x256xf32, #tpu.memory_space<hbm>>) target_semaphore(%arg13 : memref<!tpu.dma_semaphore, #tpu.memory_space<semaphore_mem>>)
    %add3A_384 = arith.constant 8064 : i32
    %add3A_385 = arith.addi %mul3A_2, %add3A_384 : i32
    %dma_start3A_386 = arith.constant 0 : i32
    %dma_start3A_387 = tpu.memref_slice %arg4[%add3A_385, %dma_start3A_386] : memref<320512x256xf32, #tpu.memory_space<hbm>> -> memref<128x256xf32, #tpu.memory_space<hbm>>
    %dma_start3A_388 = arith.constant 0 : i32
    %dma_start3A_389 = tpu.memref_slice %arg4[%add3A_385, %dma_start3A_388] : memref<320512x256xf32, #tpu.memory_space<hbm>> -> memref<128x256xf32, #tpu.memory_space<hbm>>
    tpu.enqueue_dma source(%arg11 : memref<128x256xf32, #tpu.memory_space<vmem>>) target(%dma_start3A_389 : memref<128x256xf32, #tpu.memory_space<hbm>>) target_semaphore(%arg13 : memref<!tpu.dma_semaphore, #tpu.memory_space<semaphore_mem>>)
    %add3A_390 = arith.constant 8192 : i32
    %add3A_391 = arith.addi %mul3A_2, %add3A_390 : i32
    %dma_start3A_392 = arith.constant 0 : i32
    %dma_start3A_393 = tpu.memref_slice %arg4[%add3A_391, %dma_start3A_392] : memref<320512x256xf32, #tpu.memory_space<hbm>> -> memref<128x256xf32, #tpu.memory_space<hbm>>
    %dma_start3A_394 = arith.constant 0 : i32
    %dma_start3A_395 = tpu.memref_slice %arg4[%add3A_391, %dma_start3A_394] : memref<320512x256xf32, #tpu.memory_space<hbm>> -> memref<128x256xf32, #tpu.memory_space<hbm>>
    tpu.enqueue_dma source(%arg11 : memref<128x256xf32, #tpu.memory_space<vmem>>) target(%dma_start3A_395 : memref<128x256xf32, #tpu.memory_space<hbm>>) target_semaphore(%arg13 : memref<!tpu.dma_semaphore, #tpu.memory_space<semaphore_mem>>)
    %add3A_396 = arith.constant 8320 : i32
    %add3A_397 = arith.addi %mul3A_2, %add3A_396 : i32
    %dma_start3A_398 = arith.constant 0 : i32
    %dma_start3A_399 = tpu.memref_slice %arg4[%add3A_397, %dma_start3A_398] : memref<320512x256xf32, #tpu.memory_space<hbm>> -> memref<128x256xf32, #tpu.memory_space<hbm>>
    %dma_start3A_400 = arith.constant 0 : i32
    %dma_start3A_401 = tpu.memref_slice %arg4[%add3A_397, %dma_start3A_400] : memref<320512x256xf32, #tpu.memory_space<hbm>> -> memref<128x256xf32, #tpu.memory_space<hbm>>
    tpu.enqueue_dma source(%arg11 : memref<128x256xf32, #tpu.memory_space<vmem>>) target(%dma_start3A_401 : memref<128x256xf32, #tpu.memory_space<hbm>>) target_semaphore(%arg13 : memref<!tpu.dma_semaphore, #tpu.memory_space<semaphore_mem>>)
    %add3A_402 = arith.constant 8448 : i32
    %add3A_403 = arith.addi %mul3A_2, %add3A_402 : i32
    %dma_start3A_404 = arith.constant 0 : i32
    %dma_start3A_405 = tpu.memref_slice %arg4[%add3A_403, %dma_start3A_404] : memref<320512x256xf32, #tpu.memory_space<hbm>> -> memref<128x256xf32, #tpu.memory_space<hbm>>
    %dma_start3A_406 = arith.constant 0 : i32
    %dma_start3A_407 = tpu.memref_slice %arg4[%add3A_403, %dma_start3A_406] : memref<320512x256xf32, #tpu.memory_space<hbm>> -> memref<128x256xf32, #tpu.memory_space<hbm>>
    tpu.enqueue_dma source(%arg11 : memref<128x256xf32, #tpu.memory_space<vmem>>) target(%dma_start3A_407 : memref<128x256xf32, #tpu.memory_space<hbm>>) target_semaphore(%arg13 : memref<!tpu.dma_semaphore, #tpu.memory_space<semaphore_mem>>)
    %add3A_408 = arith.constant 8576 : i32
    %add3A_409 = arith.addi %mul3A_2, %add3A_408 : i32
    %dma_start3A_410 = arith.constant 0 : i32
    %dma_start3A_411 = tpu.memref_slice %arg4[%add3A_409, %dma_start3A_410] : memref<320512x256xf32, #tpu.memory_space<hbm>> -> memref<128x256xf32, #tpu.memory_space<hbm>>
    %dma_start3A_412 = arith.constant 0 : i32
    %dma_start3A_413 = tpu.memref_slice %arg4[%add3A_409, %dma_start3A_412] : memref<320512x256xf32, #tpu.memory_space<hbm>> -> memref<128x256xf32, #tpu.memory_space<hbm>>
    tpu.enqueue_dma source(%arg11 : memref<128x256xf32, #tpu.memory_space<vmem>>) target(%dma_start3A_413 : memref<128x256xf32, #tpu.memory_space<hbm>>) target_semaphore(%arg13 : memref<!tpu.dma_semaphore, #tpu.memory_space<semaphore_mem>>)
    %add3A_414 = arith.constant 8704 : i32
    %add3A_415 = arith.addi %mul3A_2, %add3A_414 : i32
    %dma_start3A_416 = arith.constant 0 : i32
    %dma_start3A_417 = tpu.memref_slice %arg4[%add3A_415, %dma_start3A_416] : memref<320512x256xf32, #tpu.memory_space<hbm>> -> memref<128x256xf32, #tpu.memory_space<hbm>>
    %dma_start3A_418 = arith.constant 0 : i32
    %dma_start3A_419 = tpu.memref_slice %arg4[%add3A_415, %dma_start3A_418] : memref<320512x256xf32, #tpu.memory_space<hbm>> -> memref<128x256xf32, #tpu.memory_space<hbm>>
    tpu.enqueue_dma source(%arg11 : memref<128x256xf32, #tpu.memory_space<vmem>>) target(%dma_start3A_419 : memref<128x256xf32, #tpu.memory_space<hbm>>) target_semaphore(%arg13 : memref<!tpu.dma_semaphore, #tpu.memory_space<semaphore_mem>>)
    %add3A_420 = arith.constant 8832 : i32
    %add3A_421 = arith.addi %mul3A_2, %add3A_420 : i32
    %dma_start3A_422 = arith.constant 0 : i32
    %dma_start3A_423 = tpu.memref_slice %arg4[%add3A_421, %dma_start3A_422] : memref<320512x256xf32, #tpu.memory_space<hbm>> -> memref<128x256xf32, #tpu.memory_space<hbm>>
    %dma_start3A_424 = arith.constant 0 : i32
    %dma_start3A_425 = tpu.memref_slice %arg4[%add3A_421, %dma_start3A_424] : memref<320512x256xf32, #tpu.memory_space<hbm>> -> memref<128x256xf32, #tpu.memory_space<hbm>>
    tpu.enqueue_dma source(%arg11 : memref<128x256xf32, #tpu.memory_space<vmem>>) target(%dma_start3A_425 : memref<128x256xf32, #tpu.memory_space<hbm>>) target_semaphore(%arg13 : memref<!tpu.dma_semaphore, #tpu.memory_space<semaphore_mem>>)
    %add3A_426 = arith.constant 8960 : i32
    %add3A_427 = arith.addi %mul3A_2, %add3A_426 : i32
    %dma_start3A_428 = arith.constant 0 : i32
    %dma_start3A_429 = tpu.memref_slice %arg4[%add3A_427, %dma_start3A_428] : memref<320512x256xf32, #tpu.memory_space<hbm>> -> memref<128x256xf32, #tpu.memory_space<hbm>>
    %dma_start3A_430 = arith.constant 0 : i32
    %dma_start3A_431 = tpu.memref_slice %arg4[%add3A_427, %dma_start3A_430] : memref<320512x256xf32, #tpu.memory_space<hbm>> -> memref<128x256xf32, #tpu.memory_space<hbm>>
    tpu.enqueue_dma source(%arg11 : memref<128x256xf32, #tpu.memory_space<vmem>>) target(%dma_start3A_431 : memref<128x256xf32, #tpu.memory_space<hbm>>) target_semaphore(%arg13 : memref<!tpu.dma_semaphore, #tpu.memory_space<semaphore_mem>>)
    %add3A_432 = arith.constant 9088 : i32
    %add3A_433 = arith.addi %mul3A_2, %add3A_432 : i32
    %dma_start3A_434 = arith.constant 0 : i32
    %dma_start3A_435 = tpu.memref_slice %arg4[%add3A_433, %dma_start3A_434] : memref<320512x256xf32, #tpu.memory_space<hbm>> -> memref<128x256xf32, #tpu.memory_space<hbm>>
    %dma_start3A_436 = arith.constant 0 : i32
    %dma_start3A_437 = tpu.memref_slice %arg4[%add3A_433, %dma_start3A_436] : memref<320512x256xf32, #tpu.memory_space<hbm>> -> memref<128x256xf32, #tpu.memory_space<hbm>>
    tpu.enqueue_dma source(%arg11 : memref<128x256xf32, #tpu.memory_space<vmem>>) target(%dma_start3A_437 : memref<128x256xf32, #tpu.memory_space<hbm>>) target_semaphore(%arg13 : memref<!tpu.dma_semaphore, #tpu.memory_space<semaphore_mem>>)
    %add3A_438 = arith.constant 9216 : i32
    %add3A_439 = arith.addi %mul3A_2, %add3A_438 : i32
    %dma_start3A_440 = arith.constant 0 : i32
    %dma_start3A_441 = tpu.memref_slice %arg4[%add3A_439, %dma_start3A_440] : memref<320512x256xf32, #tpu.memory_space<hbm>> -> memref<128x256xf32, #tpu.memory_space<hbm>>
    %dma_start3A_442 = arith.constant 0 : i32
    %dma_start3A_443 = tpu.memref_slice %arg4[%add3A_439, %dma_start3A_442] : memref<320512x256xf32, #tpu.memory_space<hbm>> -> memref<128x256xf32, #tpu.memory_space<hbm>>
    tpu.enqueue_dma source(%arg11 : memref<128x256xf32, #tpu.memory_space<vmem>>) target(%dma_start3A_443 : memref<128x256xf32, #tpu.memory_space<hbm>>) target_semaphore(%arg13 : memref<!tpu.dma_semaphore, #tpu.memory_space<semaphore_mem>>)
    %add3A_444 = arith.constant 9344 : i32
    %add3A_445 = arith.addi %mul3A_2, %add3A_444 : i32
    %dma_start3A_446 = arith.constant 0 : i32
    %dma_start3A_447 = tpu.memref_slice %arg4[%add3A_445, %dma_start3A_446] : memref<320512x256xf32, #tpu.memory_space<hbm>> -> memref<128x256xf32, #tpu.memory_space<hbm>>
    %dma_start3A_448 = arith.constant 0 : i32
    %dma_start3A_449 = tpu.memref_slice %arg4[%add3A_445, %dma_start3A_448] : memref<320512x256xf32, #tpu.memory_space<hbm>> -> memref<128x256xf32, #tpu.memory_space<hbm>>
    tpu.enqueue_dma source(%arg11 : memref<128x256xf32, #tpu.memory_space<vmem>>) target(%dma_start3A_449 : memref<128x256xf32, #tpu.memory_space<hbm>>) target_semaphore(%arg13 : memref<!tpu.dma_semaphore, #tpu.memory_space<semaphore_mem>>)
    %add3A_450 = arith.constant 9472 : i32
    %add3A_451 = arith.addi %mul3A_2, %add3A_450 : i32
    %dma_start3A_452 = arith.constant 0 : i32
    %dma_start3A_453 = tpu.memref_slice %arg4[%add3A_451, %dma_start3A_452] : memref<320512x256xf32, #tpu.memory_space<hbm>> -> memref<128x256xf32, #tpu.memory_space<hbm>>
    %dma_start3A_454 = arith.constant 0 : i32
    %dma_start3A_455 = tpu.memref_slice %arg4[%add3A_451, %dma_start3A_454] : memref<320512x256xf32, #tpu.memory_space<hbm>> -> memref<128x256xf32, #tpu.memory_space<hbm>>
    tpu.enqueue_dma source(%arg11 : memref<128x256xf32, #tpu.memory_space<vmem>>) target(%dma_start3A_455 : memref<128x256xf32, #tpu.memory_space<hbm>>) target_semaphore(%arg13 : memref<!tpu.dma_semaphore, #tpu.memory_space<semaphore_mem>>)
    %add3A_456 = arith.constant 9600 : i32
    %add3A_457 = arith.addi %mul3A_2, %add3A_456 : i32
    %dma_start3A_458 = arith.constant 0 : i32
    %dma_start3A_459 = tpu.memref_slice %arg4[%add3A_457, %dma_start3A_458] : memref<320512x256xf32, #tpu.memory_space<hbm>> -> memref<128x256xf32, #tpu.memory_space<hbm>>
    %dma_start3A_460 = arith.constant 0 : i32
    %dma_start3A_461 = tpu.memref_slice %arg4[%add3A_457, %dma_start3A_460] : memref<320512x256xf32, #tpu.memory_space<hbm>> -> memref<128x256xf32, #tpu.memory_space<hbm>>
    tpu.enqueue_dma source(%arg11 : memref<128x256xf32, #tpu.memory_space<vmem>>) target(%dma_start3A_461 : memref<128x256xf32, #tpu.memory_space<hbm>>) target_semaphore(%arg13 : memref<!tpu.dma_semaphore, #tpu.memory_space<semaphore_mem>>)
    %add3A_462 = arith.constant 9728 : i32
    %add3A_463 = arith.addi %mul3A_2, %add3A_462 : i32
    %dma_start3A_464 = arith.constant 0 : i32
    %dma_start3A_465 = tpu.memref_slice %arg4[%add3A_463, %dma_start3A_464] : memref<320512x256xf32, #tpu.memory_space<hbm>> -> memref<128x256xf32, #tpu.memory_space<hbm>>
    %dma_start3A_466 = arith.constant 0 : i32
    %dma_start3A_467 = tpu.memref_slice %arg4[%add3A_463, %dma_start3A_466] : memref<320512x256xf32, #tpu.memory_space<hbm>> -> memref<128x256xf32, #tpu.memory_space<hbm>>
    tpu.enqueue_dma source(%arg11 : memref<128x256xf32, #tpu.memory_space<vmem>>) target(%dma_start3A_467 : memref<128x256xf32, #tpu.memory_space<hbm>>) target_semaphore(%arg13 : memref<!tpu.dma_semaphore, #tpu.memory_space<semaphore_mem>>)
    %add3A_468 = arith.constant 9856 : i32
    %add3A_469 = arith.addi %mul3A_2, %add3A_468 : i32
    %dma_start3A_470 = arith.constant 0 : i32
    %dma_start3A_471 = tpu.memref_slice %arg4[%add3A_469, %dma_start3A_470] : memref<320512x256xf32, #tpu.memory_space<hbm>> -> memref<128x256xf32, #tpu.memory_space<hbm>>
    %dma_start3A_472 = arith.constant 0 : i32
    %dma_start3A_473 = tpu.memref_slice %arg4[%add3A_469, %dma_start3A_472] : memref<320512x256xf32, #tpu.memory_space<hbm>> -> memref<128x256xf32, #tpu.memory_space<hbm>>
    tpu.enqueue_dma source(%arg11 : memref<128x256xf32, #tpu.memory_space<vmem>>) target(%dma_start3A_473 : memref<128x256xf32, #tpu.memory_space<hbm>>) target_semaphore(%arg13 : memref<!tpu.dma_semaphore, #tpu.memory_space<semaphore_mem>>)
    %add3A_474 = arith.constant 10000 : i32
    %add3A_475 = arith.addi %mul3A_2, %add3A_474 : i32
    %sub3A = arith.constant 16 : i32
    %sub3A_476 = arith.subi %add3A_475, %sub3A : i32
    %dma_start3A_477 = arith.constant 0 : i32
    %dma_start3A_478 = arith.constant 0 : i32
    %dma_start3A_479 = tpu.memref_slice %arg11[%dma_start3A_477, %dma_start3A_478] : memref<128x256xf32, #tpu.memory_space<vmem>> -> memref<16x256xf32, #tpu.memory_space<vmem>>
    %dma_start3A_480 = arith.constant 0 : i32
    %dma_start3A_481 = tpu.memref_slice %arg4[%sub3A_476, %dma_start3A_480] : memref<320512x256xf32, #tpu.memory_space<hbm>> -> memref<16x256xf32, #tpu.memory_space<hbm>>
    %dma_start3A_482 = arith.constant 0 : i32
    %dma_start3A_483 = tpu.memref_slice %arg4[%sub3A_476, %dma_start3A_482] : memref<320512x256xf32, #tpu.memory_space<hbm>> -> memref<16x256xf32, #tpu.memory_space<hbm>>
    %dma_start3A_484 = arith.constant 0 : i32
    %dma_start3A_485 = arith.constant 0 : i32
    %dma_start3A_486 = tpu.memref_slice %arg11[%dma_start3A_484, %dma_start3A_485] : memref<128x256xf32, #tpu.memory_space<vmem>> -> memref<16x256xf32, #tpu.memory_space<vmem>>
    tpu.enqueue_dma source(%dma_start3A_486 : memref<16x256xf32, #tpu.memory_space<vmem>>) target(%dma_start3A_483 : memref<16x256xf32, #tpu.memory_space<hbm>>) target_semaphore(%arg13 : memref<!tpu.dma_semaphore, #tpu.memory_space<semaphore_mem>>)
    %dma_wait3A = arith.constant 0 : i32
    %dma_wait3A_487 = tpu.memref_slice %arg4[%add3A_8, %dma_wait3A] : memref<320512x256xf32, #tpu.memory_space<hbm>> -> memref<128x256xf32, #tpu.memory_space<hbm>>
    %dma_wait3A_488 = arith.constant 0 : i32
    %dma_wait3A_489 = tpu.memref_slice %arg4[%add3A_8, %dma_wait3A_488] : memref<320512x256xf32, #tpu.memory_space<hbm>> -> memref<128x256xf32, #tpu.memory_space<hbm>>
    tpu.wait_dma2 semaphore(%arg13 : memref<!tpu.dma_semaphore, #tpu.memory_space<semaphore_mem>>) src(%arg11 : memref<128x256xf32, #tpu.memory_space<vmem>>) dst(%dma_wait3A_489 : memref<128x256xf32, #tpu.memory_space<hbm>>)
    %dma_wait3A_490 = arith.constant 0 : i32
    %dma_wait3A_491 = tpu.memref_slice %arg4[%add3A_13, %dma_wait3A_490] : memref<320512x256xf32, #tpu.memory_space<hbm>> -> memref<128x256xf32, #tpu.memory_space<hbm>>
    %dma_wait3A_492 = arith.constant 0 : i32
    %dma_wait3A_493 = tpu.memref_slice %arg4[%add3A_13, %dma_wait3A_492] : memref<320512x256xf32, #tpu.memory_space<hbm>> -> memref<128x256xf32, #tpu.memory_space<hbm>>
    tpu.wait_dma2 semaphore(%arg13 : memref<!tpu.dma_semaphore, #tpu.memory_space<semaphore_mem>>) src(%arg11 : memref<128x256xf32, #tpu.memory_space<vmem>>) dst(%dma_wait3A_493 : memref<128x256xf32, #tpu.memory_space<hbm>>)
    %dma_wait3A_494 = arith.constant 0 : i32
    %dma_wait3A_495 = tpu.memref_slice %arg4[%add3A_19, %dma_wait3A_494] : memref<320512x256xf32, #tpu.memory_space<hbm>> -> memref<128x256xf32, #tpu.memory_space<hbm>>
    %dma_wait3A_496 = arith.constant 0 : i32
    %dma_wait3A_497 = tpu.memref_slice %arg4[%add3A_19, %dma_wait3A_496] : memref<320512x256xf32, #tpu.memory_space<hbm>> -> memref<128x256xf32, #tpu.memory_space<hbm>>
    tpu.wait_dma2 semaphore(%arg13 : memref<!tpu.dma_semaphore, #tpu.memory_space<semaphore_mem>>) src(%arg11 : memref<128x256xf32, #tpu.memory_space<vmem>>) dst(%dma_wait3A_497 : memref<128x256xf32, #tpu.memory_space<hbm>>)
    %dma_wait3A_498 = arith.constant 0 : i32
    %dma_wait3A_499 = tpu.memref_slice %arg4[%add3A_25, %dma_wait3A_498] : memref<320512x256xf32, #tpu.memory_space<hbm>> -> memref<128x256xf32, #tpu.memory_space<hbm>>
    %dma_wait3A_500 = arith.constant 0 : i32
    %dma_wait3A_501 = tpu.memref_slice %arg4[%add3A_25, %dma_wait3A_500] : memref<320512x256xf32, #tpu.memory_space<hbm>> -> memref<128x256xf32, #tpu.memory_space<hbm>>
    tpu.wait_dma2 semaphore(%arg13 : memref<!tpu.dma_semaphore, #tpu.memory_space<semaphore_mem>>) src(%arg11 : memref<128x256xf32, #tpu.memory_space<vmem>>) dst(%dma_wait3A_501 : memref<128x256xf32, #tpu.memory_space<hbm>>)
    %dma_wait3A_502 = arith.constant 0 : i32
    %dma_wait3A_503 = tpu.memref_slice %arg4[%add3A_31, %dma_wait3A_502] : memref<320512x256xf32, #tpu.memory_space<hbm>> -> memref<128x256xf32, #tpu.memory_space<hbm>>
    %dma_wait3A_504 = arith.constant 0 : i32
    %dma_wait3A_505 = tpu.memref_slice %arg4[%add3A_31, %dma_wait3A_504] : memref<320512x256xf32, #tpu.memory_space<hbm>> -> memref<128x256xf32, #tpu.memory_space<hbm>>
    tpu.wait_dma2 semaphore(%arg13 : memref<!tpu.dma_semaphore, #tpu.memory_space<semaphore_mem>>) src(%arg11 : memref<128x256xf32, #tpu.memory_space<vmem>>) dst(%dma_wait3A_505 : memref<128x256xf32, #tpu.memory_space<hbm>>)
    %dma_wait3A_506 = arith.constant 0 : i32
    %dma_wait3A_507 = tpu.memref_slice %arg4[%add3A_37, %dma_wait3A_506] : memref<320512x256xf32, #tpu.memory_space<hbm>> -> memref<128x256xf32, #tpu.memory_space<hbm>>
    %dma_wait3A_508 = arith.constant 0 : i32
    %dma_wait3A_509 = tpu.memref_slice %arg4[%add3A_37, %dma_wait3A_508] : memref<320512x256xf32, #tpu.memory_space<hbm>> -> memref<128x256xf32, #tpu.memory_space<hbm>>
    tpu.wait_dma2 semaphore(%arg13 : memref<!tpu.dma_semaphore, #tpu.memory_space<semaphore_mem>>) src(%arg11 : memref<128x256xf32, #tpu.memory_space<vmem>>) dst(%dma_wait3A_509 : memref<128x256xf32, #tpu.memory_space<hbm>>)
    %dma_wait3A_510 = arith.constant 0 : i32
    %dma_wait3A_511 = tpu.memref_slice %arg4[%add3A_43, %dma_wait3A_510] : memref<320512x256xf32, #tpu.memory_space<hbm>> -> memref<128x256xf32, #tpu.memory_space<hbm>>
    %dma_wait3A_512 = arith.constant 0 : i32
    %dma_wait3A_513 = tpu.memref_slice %arg4[%add3A_43, %dma_wait3A_512] : memref<320512x256xf32, #tpu.memory_space<hbm>> -> memref<128x256xf32, #tpu.memory_space<hbm>>
    tpu.wait_dma2 semaphore(%arg13 : memref<!tpu.dma_semaphore, #tpu.memory_space<semaphore_mem>>) src(%arg11 : memref<128x256xf32, #tpu.memory_space<vmem>>) dst(%dma_wait3A_513 : memref<128x256xf32, #tpu.memory_space<hbm>>)
    %dma_wait3A_514 = arith.constant 0 : i32
    %dma_wait3A_515 = tpu.memref_slice %arg4[%add3A_49, %dma_wait3A_514] : memref<320512x256xf32, #tpu.memory_space<hbm>> -> memref<128x256xf32, #tpu.memory_space<hbm>>
    %dma_wait3A_516 = arith.constant 0 : i32
    %dma_wait3A_517 = tpu.memref_slice %arg4[%add3A_49, %dma_wait3A_516] : memref<320512x256xf32, #tpu.memory_space<hbm>> -> memref<128x256xf32, #tpu.memory_space<hbm>>
    tpu.wait_dma2 semaphore(%arg13 : memref<!tpu.dma_semaphore, #tpu.memory_space<semaphore_mem>>) src(%arg11 : memref<128x256xf32, #tpu.memory_space<vmem>>) dst(%dma_wait3A_517 : memref<128x256xf32, #tpu.memory_space<hbm>>)
    %dma_wait3A_518 = arith.constant 0 : i32
    %dma_wait3A_519 = tpu.memref_slice %arg4[%add3A_55, %dma_wait3A_518] : memref<320512x256xf32, #tpu.memory_space<hbm>> -> memref<128x256xf32, #tpu.memory_space<hbm>>
    %dma_wait3A_520 = arith.constant 0 : i32
    %dma_wait3A_521 = tpu.memref_slice %arg4[%add3A_55, %dma_wait3A_520] : memref<320512x256xf32, #tpu.memory_space<hbm>> -> memref<128x256xf32, #tpu.memory_space<hbm>>
    tpu.wait_dma2 semaphore(%arg13 : memref<!tpu.dma_semaphore, #tpu.memory_space<semaphore_mem>>) src(%arg11 : memref<128x256xf32, #tpu.memory_space<vmem>>) dst(%dma_wait3A_521 : memref<128x256xf32, #tpu.memory_space<hbm>>)
    %dma_wait3A_522 = arith.constant 0 : i32
    %dma_wait3A_523 = tpu.memref_slice %arg4[%add3A_61, %dma_wait3A_522] : memref<320512x256xf32, #tpu.memory_space<hbm>> -> memref<128x256xf32, #tpu.memory_space<hbm>>
    %dma_wait3A_524 = arith.constant 0 : i32
    %dma_wait3A_525 = tpu.memref_slice %arg4[%add3A_61, %dma_wait3A_524] : memref<320512x256xf32, #tpu.memory_space<hbm>> -> memref<128x256xf32, #tpu.memory_space<hbm>>
    tpu.wait_dma2 semaphore(%arg13 : memref<!tpu.dma_semaphore, #tpu.memory_space<semaphore_mem>>) src(%arg11 : memref<128x256xf32, #tpu.memory_space<vmem>>) dst(%dma_wait3A_525 : memref<128x256xf32, #tpu.memory_space<hbm>>)
    %dma_wait3A_526 = arith.constant 0 : i32
    %dma_wait3A_527 = tpu.memref_slice %arg4[%add3A_67, %dma_wait3A_526] : memref<320512x256xf32, #tpu.memory_space<hbm>> -> memref<128x256xf32, #tpu.memory_space<hbm>>
    %dma_wait3A_528 = arith.constant 0 : i32
    %dma_wait3A_529 = tpu.memref_slice %arg4[%add3A_67, %dma_wait3A_528] : memref<320512x256xf32, #tpu.memory_space<hbm>> -> memref<128x256xf32, #tpu.memory_space<hbm>>
    tpu.wait_dma2 semaphore(%arg13 : memref<!tpu.dma_semaphore, #tpu.memory_space<semaphore_mem>>) src(%arg11 : memref<128x256xf32, #tpu.memory_space<vmem>>) dst(%dma_wait3A_529 : memref<128x256xf32, #tpu.memory_space<hbm>>)
    %dma_wait3A_530 = arith.constant 0 : i32
    %dma_wait3A_531 = tpu.memref_slice %arg4[%add3A_73, %dma_wait3A_530] : memref<320512x256xf32, #tpu.memory_space<hbm>> -> memref<128x256xf32, #tpu.memory_space<hbm>>
    %dma_wait3A_532 = arith.constant 0 : i32
    %dma_wait3A_533 = tpu.memref_slice %arg4[%add3A_73, %dma_wait3A_532] : memref<320512x256xf32, #tpu.memory_space<hbm>> -> memref<128x256xf32, #tpu.memory_space<hbm>>
    tpu.wait_dma2 semaphore(%arg13 : memref<!tpu.dma_semaphore, #tpu.memory_space<semaphore_mem>>) src(%arg11 : memref<128x256xf32, #tpu.memory_space<vmem>>) dst(%dma_wait3A_533 : memref<128x256xf32, #tpu.memory_space<hbm>>)
    %dma_wait3A_534 = arith.constant 0 : i32
    %dma_wait3A_535 = tpu.memref_slice %arg4[%add3A_79, %dma_wait3A_534] : memref<320512x256xf32, #tpu.memory_space<hbm>> -> memref<128x256xf32, #tpu.memory_space<hbm>>
    %dma_wait3A_536 = arith.constant 0 : i32
    %dma_wait3A_537 = tpu.memref_slice %arg4[%add3A_79, %dma_wait3A_536] : memref<320512x256xf32, #tpu.memory_space<hbm>> -> memref<128x256xf32, #tpu.memory_space<hbm>>
    tpu.wait_dma2 semaphore(%arg13 : memref<!tpu.dma_semaphore, #tpu.memory_space<semaphore_mem>>) src(%arg11 : memref<128x256xf32, #tpu.memory_space<vmem>>) dst(%dma_wait3A_537 : memref<128x256xf32, #tpu.memory_space<hbm>>)
    %dma_wait3A_538 = arith.constant 0 : i32
    %dma_wait3A_539 = tpu.memref_slice %arg4[%add3A_85, %dma_wait3A_538] : memref<320512x256xf32, #tpu.memory_space<hbm>> -> memref<128x256xf32, #tpu.memory_space<hbm>>
    %dma_wait3A_540 = arith.constant 0 : i32
    %dma_wait3A_541 = tpu.memref_slice %arg4[%add3A_85, %dma_wait3A_540] : memref<320512x256xf32, #tpu.memory_space<hbm>> -> memref<128x256xf32, #tpu.memory_space<hbm>>
    tpu.wait_dma2 semaphore(%arg13 : memref<!tpu.dma_semaphore, #tpu.memory_space<semaphore_mem>>) src(%arg11 : memref<128x256xf32, #tpu.memory_space<vmem>>) dst(%dma_wait3A_541 : memref<128x256xf32, #tpu.memory_space<hbm>>)
    %dma_wait3A_542 = arith.constant 0 : i32
    %dma_wait3A_543 = tpu.memref_slice %arg4[%add3A_91, %dma_wait3A_542] : memref<320512x256xf32, #tpu.memory_space<hbm>> -> memref<128x256xf32, #tpu.memory_space<hbm>>
    %dma_wait3A_544 = arith.constant 0 : i32
    %dma_wait3A_545 = tpu.memref_slice %arg4[%add3A_91, %dma_wait3A_544] : memref<320512x256xf32, #tpu.memory_space<hbm>> -> memref<128x256xf32, #tpu.memory_space<hbm>>
    tpu.wait_dma2 semaphore(%arg13 : memref<!tpu.dma_semaphore, #tpu.memory_space<semaphore_mem>>) src(%arg11 : memref<128x256xf32, #tpu.memory_space<vmem>>) dst(%dma_wait3A_545 : memref<128x256xf32, #tpu.memory_space<hbm>>)
    %dma_wait3A_546 = arith.constant 0 : i32
    %dma_wait3A_547 = tpu.memref_slice %arg4[%add3A_97, %dma_wait3A_546] : memref<320512x256xf32, #tpu.memory_space<hbm>> -> memref<128x256xf32, #tpu.memory_space<hbm>>
    %dma_wait3A_548 = arith.constant 0 : i32
    %dma_wait3A_549 = tpu.memref_slice %arg4[%add3A_97, %dma_wait3A_548] : memref<320512x256xf32, #tpu.memory_space<hbm>> -> memref<128x256xf32, #tpu.memory_space<hbm>>
    tpu.wait_dma2 semaphore(%arg13 : memref<!tpu.dma_semaphore, #tpu.memory_space<semaphore_mem>>) src(%arg11 : memref<128x256xf32, #tpu.memory_space<vmem>>) dst(%dma_wait3A_549 : memref<128x256xf32, #tpu.memory_space<hbm>>)
    %dma_wait3A_550 = arith.constant 0 : i32
    %dma_wait3A_551 = tpu.memref_slice %arg4[%add3A_103, %dma_wait3A_550] : memref<320512x256xf32, #tpu.memory_space<hbm>> -> memref<128x256xf32, #tpu.memory_space<hbm>>
    %dma_wait3A_552 = arith.constant 0 : i32
    %dma_wait3A_553 = tpu.memref_slice %arg4[%add3A_103, %dma_wait3A_552] : memref<320512x256xf32, #tpu.memory_space<hbm>> -> memref<128x256xf32, #tpu.memory_space<hbm>>
    tpu.wait_dma2 semaphore(%arg13 : memref<!tpu.dma_semaphore, #tpu.memory_space<semaphore_mem>>) src(%arg11 : memref<128x256xf32, #tpu.memory_space<vmem>>) dst(%dma_wait3A_553 : memref<128x256xf32, #tpu.memory_space<hbm>>)
    %dma_wait3A_554 = arith.constant 0 : i32
    %dma_wait3A_555 = tpu.memref_slice %arg4[%add3A_109, %dma_wait3A_554] : memref<320512x256xf32, #tpu.memory_space<hbm>> -> memref<128x256xf32, #tpu.memory_space<hbm>>
    %dma_wait3A_556 = arith.constant 0 : i32
    %dma_wait3A_557 = tpu.memref_slice %arg4[%add3A_109, %dma_wait3A_556] : memref<320512x256xf32, #tpu.memory_space<hbm>> -> memref<128x256xf32, #tpu.memory_space<hbm>>
    tpu.wait_dma2 semaphore(%arg13 : memref<!tpu.dma_semaphore, #tpu.memory_space<semaphore_mem>>) src(%arg11 : memref<128x256xf32, #tpu.memory_space<vmem>>) dst(%dma_wait3A_557 : memref<128x256xf32, #tpu.memory_space<hbm>>)
    %dma_wait3A_558 = arith.constant 0 : i32
    %dma_wait3A_559 = tpu.memref_slice %arg4[%add3A_115, %dma_wait3A_558] : memref<320512x256xf32, #tpu.memory_space<hbm>> -> memref<128x256xf32, #tpu.memory_space<hbm>>
    %dma_wait3A_560 = arith.constant 0 : i32
    %dma_wait3A_561 = tpu.memref_slice %arg4[%add3A_115, %dma_wait3A_560] : memref<320512x256xf32, #tpu.memory_space<hbm>> -> memref<128x256xf32, #tpu.memory_space<hbm>>
    tpu.wait_dma2 semaphore(%arg13 : memref<!tpu.dma_semaphore, #tpu.memory_space<semaphore_mem>>) src(%arg11 : memref<128x256xf32, #tpu.memory_space<vmem>>) dst(%dma_wait3A_561 : memref<128x256xf32, #tpu.memory_space<hbm>>)
    %dma_wait3A_562 = arith.constant 0 : i32
    %dma_wait3A_563 = tpu.memref_slice %arg4[%add3A_121, %dma_wait3A_562] : memref<320512x256xf32, #tpu.memory_space<hbm>> -> memref<128x256xf32, #tpu.memory_space<hbm>>
    %dma_wait3A_564 = arith.constant 0 : i32
    %dma_wait3A_565 = tpu.memref_slice %arg4[%add3A_121, %dma_wait3A_564] : memref<320512x256xf32, #tpu.memory_space<hbm>> -> memref<128x256xf32, #tpu.memory_space<hbm>>
    tpu.wait_dma2 semaphore(%arg13 : memref<!tpu.dma_semaphore, #tpu.memory_space<semaphore_mem>>) src(%arg11 : memref<128x256xf32, #tpu.memory_space<vmem>>) dst(%dma_wait3A_565 : memref<128x256xf32, #tpu.memory_space<hbm>>)
    %dma_wait3A_566 = arith.constant 0 : i32
    %dma_wait3A_567 = tpu.memref_slice %arg4[%add3A_127, %dma_wait3A_566] : memref<320512x256xf32, #tpu.memory_space<hbm>> -> memref<128x256xf32, #tpu.memory_space<hbm>>
    %dma_wait3A_568 = arith.constant 0 : i32
    %dma_wait3A_569 = tpu.memref_slice %arg4[%add3A_127, %dma_wait3A_568] : memref<320512x256xf32, #tpu.memory_space<hbm>> -> memref<128x256xf32, #tpu.memory_space<hbm>>
    tpu.wait_dma2 semaphore(%arg13 : memref<!tpu.dma_semaphore, #tpu.memory_space<semaphore_mem>>) src(%arg11 : memref<128x256xf32, #tpu.memory_space<vmem>>) dst(%dma_wait3A_569 : memref<128x256xf32, #tpu.memory_space<hbm>>)
    %dma_wait3A_570 = arith.constant 0 : i32
    %dma_wait3A_571 = tpu.memref_slice %arg4[%add3A_133, %dma_wait3A_570] : memref<320512x256xf32, #tpu.memory_space<hbm>> -> memref<128x256xf32, #tpu.memory_space<hbm>>
    %dma_wait3A_572 = arith.constant 0 : i32
    %dma_wait3A_573 = tpu.memref_slice %arg4[%add3A_133, %dma_wait3A_572] : memref<320512x256xf32, #tpu.memory_space<hbm>> -> memref<128x256xf32, #tpu.memory_space<hbm>>
    tpu.wait_dma2 semaphore(%arg13 : memref<!tpu.dma_semaphore, #tpu.memory_space<semaphore_mem>>) src(%arg11 : memref<128x256xf32, #tpu.memory_space<vmem>>) dst(%dma_wait3A_573 : memref<128x256xf32, #tpu.memory_space<hbm>>)
    %dma_wait3A_574 = arith.constant 0 : i32
    %dma_wait3A_575 = tpu.memref_slice %arg4[%add3A_139, %dma_wait3A_574] : memref<320512x256xf32, #tpu.memory_space<hbm>> -> memref<128x256xf32, #tpu.memory_space<hbm>>
    %dma_wait3A_576 = arith.constant 0 : i32
    %dma_wait3A_577 = tpu.memref_slice %arg4[%add3A_139, %dma_wait3A_576] : memref<320512x256xf32, #tpu.memory_space<hbm>> -> memref<128x256xf32, #tpu.memory_space<hbm>>
    tpu.wait_dma2 semaphore(%arg13 : memref<!tpu.dma_semaphore, #tpu.memory_space<semaphore_mem>>) src(%arg11 : memref<128x256xf32, #tpu.memory_space<vmem>>) dst(%dma_wait3A_577 : memref<128x256xf32, #tpu.memory_space<hbm>>)
    %dma_wait3A_578 = arith.constant 0 : i32
    %dma_wait3A_579 = tpu.memref_slice %arg4[%add3A_145, %dma_wait3A_578] : memref<320512x256xf32, #tpu.memory_space<hbm>> -> memref<128x256xf32, #tpu.memory_space<hbm>>
    %dma_wait3A_580 = arith.constant 0 : i32
    %dma_wait3A_581 = tpu.memref_slice %arg4[%add3A_145, %dma_wait3A_580] : memref<320512x256xf32, #tpu.memory_space<hbm>> -> memref<128x256xf32, #tpu.memory_space<hbm>>
    tpu.wait_dma2 semaphore(%arg13 : memref<!tpu.dma_semaphore, #tpu.memory_space<semaphore_mem>>) src(%arg11 : memref<128x256xf32, #tpu.memory_space<vmem>>) dst(%dma_wait3A_581 : memref<128x256xf32, #tpu.memory_space<hbm>>)
    %dma_wait3A_582 = arith.constant 0 : i32
    %dma_wait3A_583 = tpu.memref_slice %arg4[%add3A_151, %dma_wait3A_582] : memref<320512x256xf32, #tpu.memory_space<hbm>> -> memref<128x256xf32, #tpu.memory_space<hbm>>
    %dma_wait3A_584 = arith.constant 0 : i32
    %dma_wait3A_585 = tpu.memref_slice %arg4[%add3A_151, %dma_wait3A_584] : memref<320512x256xf32, #tpu.memory_space<hbm>> -> memref<128x256xf32, #tpu.memory_space<hbm>>
    tpu.wait_dma2 semaphore(%arg13 : memref<!tpu.dma_semaphore, #tpu.memory_space<semaphore_mem>>) src(%arg11 : memref<128x256xf32, #tpu.memory_space<vmem>>) dst(%dma_wait3A_585 : memref<128x256xf32, #tpu.memory_space<hbm>>)
    %dma_wait3A_586 = arith.constant 0 : i32
    %dma_wait3A_587 = tpu.memref_slice %arg4[%add3A_157, %dma_wait3A_586] : memref<320512x256xf32, #tpu.memory_space<hbm>> -> memref<128x256xf32, #tpu.memory_space<hbm>>
    %dma_wait3A_588 = arith.constant 0 : i32
    %dma_wait3A_589 = tpu.memref_slice %arg4[%add3A_157, %dma_wait3A_588] : memref<320512x256xf32, #tpu.memory_space<hbm>> -> memref<128x256xf32, #tpu.memory_space<hbm>>
    tpu.wait_dma2 semaphore(%arg13 : memref<!tpu.dma_semaphore, #tpu.memory_space<semaphore_mem>>) src(%arg11 : memref<128x256xf32, #tpu.memory_space<vmem>>) dst(%dma_wait3A_589 : memref<128x256xf32, #tpu.memory_space<hbm>>)
    %dma_wait3A_590 = arith.constant 0 : i32
    %dma_wait3A_591 = tpu.memref_slice %arg4[%add3A_163, %dma_wait3A_590] : memref<320512x256xf32, #tpu.memory_space<hbm>> -> memref<128x256xf32, #tpu.memory_space<hbm>>
    %dma_wait3A_592 = arith.constant 0 : i32
    %dma_wait3A_593 = tpu.memref_slice %arg4[%add3A_163, %dma_wait3A_592] : memref<320512x256xf32, #tpu.memory_space<hbm>> -> memref<128x256xf32, #tpu.memory_space<hbm>>
    tpu.wait_dma2 semaphore(%arg13 : memref<!tpu.dma_semaphore, #tpu.memory_space<semaphore_mem>>) src(%arg11 : memref<128x256xf32, #tpu.memory_space<vmem>>) dst(%dma_wait3A_593 : memref<128x256xf32, #tpu.memory_space<hbm>>)
    %dma_wait3A_594 = arith.constant 0 : i32
    %dma_wait3A_595 = tpu.memref_slice %arg4[%add3A_169, %dma_wait3A_594] : memref<320512x256xf32, #tpu.memory_space<hbm>> -> memref<128x256xf32, #tpu.memory_space<hbm>>
    %dma_wait3A_596 = arith.constant 0 : i32
    %dma_wait3A_597 = tpu.memref_slice %arg4[%add3A_169, %dma_wait3A_596] : memref<320512x256xf32, #tpu.memory_space<hbm>> -> memref<128x256xf32, #tpu.memory_space<hbm>>
    tpu.wait_dma2 semaphore(%arg13 : memref<!tpu.dma_semaphore, #tpu.memory_space<semaphore_mem>>) src(%arg11 : memref<128x256xf32, #tpu.memory_space<vmem>>) dst(%dma_wait3A_597 : memref<128x256xf32, #tpu.memory_space<hbm>>)
    %dma_wait3A_598 = arith.constant 0 : i32
    %dma_wait3A_599 = tpu.memref_slice %arg4[%add3A_175, %dma_wait3A_598] : memref<320512x256xf32, #tpu.memory_space<hbm>> -> memref<128x256xf32, #tpu.memory_space<hbm>>
    %dma_wait3A_600 = arith.constant 0 : i32
    %dma_wait3A_601 = tpu.memref_slice %arg4[%add3A_175, %dma_wait3A_600] : memref<320512x256xf32, #tpu.memory_space<hbm>> -> memref<128x256xf32, #tpu.memory_space<hbm>>
    tpu.wait_dma2 semaphore(%arg13 : memref<!tpu.dma_semaphore, #tpu.memory_space<semaphore_mem>>) src(%arg11 : memref<128x256xf32, #tpu.memory_space<vmem>>) dst(%dma_wait3A_601 : memref<128x256xf32, #tpu.memory_space<hbm>>)
    %dma_wait3A_602 = arith.constant 0 : i32
    %dma_wait3A_603 = tpu.memref_slice %arg4[%add3A_181, %dma_wait3A_602] : memref<320512x256xf32, #tpu.memory_space<hbm>> -> memref<128x256xf32, #tpu.memory_space<hbm>>
    %dma_wait3A_604 = arith.constant 0 : i32
    %dma_wait3A_605 = tpu.memref_slice %arg4[%add3A_181, %dma_wait3A_604] : memref<320512x256xf32, #tpu.memory_space<hbm>> -> memref<128x256xf32, #tpu.memory_space<hbm>>
    tpu.wait_dma2 semaphore(%arg13 : memref<!tpu.dma_semaphore, #tpu.memory_space<semaphore_mem>>) src(%arg11 : memref<128x256xf32, #tpu.memory_space<vmem>>) dst(%dma_wait3A_605 : memref<128x256xf32, #tpu.memory_space<hbm>>)
    %dma_wait3A_606 = arith.constant 0 : i32
    %dma_wait3A_607 = tpu.memref_slice %arg4[%add3A_187, %dma_wait3A_606] : memref<320512x256xf32, #tpu.memory_space<hbm>> -> memref<128x256xf32, #tpu.memory_space<hbm>>
    %dma_wait3A_608 = arith.constant 0 : i32
    %dma_wait3A_609 = tpu.memref_slice %arg4[%add3A_187, %dma_wait3A_608] : memref<320512x256xf32, #tpu.memory_space<hbm>> -> memref<128x256xf32, #tpu.memory_space<hbm>>
    tpu.wait_dma2 semaphore(%arg13 : memref<!tpu.dma_semaphore, #tpu.memory_space<semaphore_mem>>) src(%arg11 : memref<128x256xf32, #tpu.memory_space<vmem>>) dst(%dma_wait3A_609 : memref<128x256xf32, #tpu.memory_space<hbm>>)
    %dma_wait3A_610 = arith.constant 0 : i32
    %dma_wait3A_611 = tpu.memref_slice %arg4[%add3A_193, %dma_wait3A_610] : memref<320512x256xf32, #tpu.memory_space<hbm>> -> memref<128x256xf32, #tpu.memory_space<hbm>>
    %dma_wait3A_612 = arith.constant 0 : i32
    %dma_wait3A_613 = tpu.memref_slice %arg4[%add3A_193, %dma_wait3A_612] : memref<320512x256xf32, #tpu.memory_space<hbm>> -> memref<128x256xf32, #tpu.memory_space<hbm>>
    tpu.wait_dma2 semaphore(%arg13 : memref<!tpu.dma_semaphore, #tpu.memory_space<semaphore_mem>>) src(%arg11 : memref<128x256xf32, #tpu.memory_space<vmem>>) dst(%dma_wait3A_613 : memref<128x256xf32, #tpu.memory_space<hbm>>)
    %dma_wait3A_614 = arith.constant 0 : i32
    %dma_wait3A_615 = tpu.memref_slice %arg4[%add3A_199, %dma_wait3A_614] : memref<320512x256xf32, #tpu.memory_space<hbm>> -> memref<128x256xf32, #tpu.memory_space<hbm>>
    %dma_wait3A_616 = arith.constant 0 : i32
    %dma_wait3A_617 = tpu.memref_slice %arg4[%add3A_199, %dma_wait3A_616] : memref<320512x256xf32, #tpu.memory_space<hbm>> -> memref<128x256xf32, #tpu.memory_space<hbm>>
    tpu.wait_dma2 semaphore(%arg13 : memref<!tpu.dma_semaphore, #tpu.memory_space<semaphore_mem>>) src(%arg11 : memref<128x256xf32, #tpu.memory_space<vmem>>) dst(%dma_wait3A_617 : memref<128x256xf32, #tpu.memory_space<hbm>>)
    %dma_wait3A_618 = arith.constant 0 : i32
    %dma_wait3A_619 = tpu.memref_slice %arg4[%add3A_205, %dma_wait3A_618] : memref<320512x256xf32, #tpu.memory_space<hbm>> -> memref<128x256xf32, #tpu.memory_space<hbm>>
    %dma_wait3A_620 = arith.constant 0 : i32
    %dma_wait3A_621 = tpu.memref_slice %arg4[%add3A_205, %dma_wait3A_620] : memref<320512x256xf32, #tpu.memory_space<hbm>> -> memref<128x256xf32, #tpu.memory_space<hbm>>
    tpu.wait_dma2 semaphore(%arg13 : memref<!tpu.dma_semaphore, #tpu.memory_space<semaphore_mem>>) src(%arg11 : memref<128x256xf32, #tpu.memory_space<vmem>>) dst(%dma_wait3A_621 : memref<128x256xf32, #tpu.memory_space<hbm>>)
    %dma_wait3A_622 = arith.constant 0 : i32
    %dma_wait3A_623 = tpu.memref_slice %arg4[%add3A_211, %dma_wait3A_622] : memref<320512x256xf32, #tpu.memory_space<hbm>> -> memref<128x256xf32, #tpu.memory_space<hbm>>
    %dma_wait3A_624 = arith.constant 0 : i32
    %dma_wait3A_625 = tpu.memref_slice %arg4[%add3A_211, %dma_wait3A_624] : memref<320512x256xf32, #tpu.memory_space<hbm>> -> memref<128x256xf32, #tpu.memory_space<hbm>>
    tpu.wait_dma2 semaphore(%arg13 : memref<!tpu.dma_semaphore, #tpu.memory_space<semaphore_mem>>) src(%arg11 : memref<128x256xf32, #tpu.memory_space<vmem>>) dst(%dma_wait3A_625 : memref<128x256xf32, #tpu.memory_space<hbm>>)
    %dma_wait3A_626 = arith.constant 0 : i32
    %dma_wait3A_627 = tpu.memref_slice %arg4[%add3A_217, %dma_wait3A_626] : memref<320512x256xf32, #tpu.memory_space<hbm>> -> memref<128x256xf32, #tpu.memory_space<hbm>>
    %dma_wait3A_628 = arith.constant 0 : i32
    %dma_wait3A_629 = tpu.memref_slice %arg4[%add3A_217, %dma_wait3A_628] : memref<320512x256xf32, #tpu.memory_space<hbm>> -> memref<128x256xf32, #tpu.memory_space<hbm>>
    tpu.wait_dma2 semaphore(%arg13 : memref<!tpu.dma_semaphore, #tpu.memory_space<semaphore_mem>>) src(%arg11 : memref<128x256xf32, #tpu.memory_space<vmem>>) dst(%dma_wait3A_629 : memref<128x256xf32, #tpu.memory_space<hbm>>)
    %dma_wait3A_630 = arith.constant 0 : i32
    %dma_wait3A_631 = tpu.memref_slice %arg4[%add3A_223, %dma_wait3A_630] : memref<320512x256xf32, #tpu.memory_space<hbm>> -> memref<128x256xf32, #tpu.memory_space<hbm>>
    %dma_wait3A_632 = arith.constant 0 : i32
    %dma_wait3A_633 = tpu.memref_slice %arg4[%add3A_223, %dma_wait3A_632] : memref<320512x256xf32, #tpu.memory_space<hbm>> -> memref<128x256xf32, #tpu.memory_space<hbm>>
    tpu.wait_dma2 semaphore(%arg13 : memref<!tpu.dma_semaphore, #tpu.memory_space<semaphore_mem>>) src(%arg11 : memref<128x256xf32, #tpu.memory_space<vmem>>) dst(%dma_wait3A_633 : memref<128x256xf32, #tpu.memory_space<hbm>>)
    %dma_wait3A_634 = arith.constant 0 : i32
    %dma_wait3A_635 = tpu.memref_slice %arg4[%add3A_229, %dma_wait3A_634] : memref<320512x256xf32, #tpu.memory_space<hbm>> -> memref<128x256xf32, #tpu.memory_space<hbm>>
    %dma_wait3A_636 = arith.constant 0 : i32
    %dma_wait3A_637 = tpu.memref_slice %arg4[%add3A_229, %dma_wait3A_636] : memref<320512x256xf32, #tpu.memory_space<hbm>> -> memref<128x256xf32, #tpu.memory_space<hbm>>
    tpu.wait_dma2 semaphore(%arg13 : memref<!tpu.dma_semaphore, #tpu.memory_space<semaphore_mem>>) src(%arg11 : memref<128x256xf32, #tpu.memory_space<vmem>>) dst(%dma_wait3A_637 : memref<128x256xf32, #tpu.memory_space<hbm>>)
    %dma_wait3A_638 = arith.constant 0 : i32
    %dma_wait3A_639 = tpu.memref_slice %arg4[%add3A_235, %dma_wait3A_638] : memref<320512x256xf32, #tpu.memory_space<hbm>> -> memref<128x256xf32, #tpu.memory_space<hbm>>
    %dma_wait3A_640 = arith.constant 0 : i32
    %dma_wait3A_641 = tpu.memref_slice %arg4[%add3A_235, %dma_wait3A_640] : memref<320512x256xf32, #tpu.memory_space<hbm>> -> memref<128x256xf32, #tpu.memory_space<hbm>>
    tpu.wait_dma2 semaphore(%arg13 : memref<!tpu.dma_semaphore, #tpu.memory_space<semaphore_mem>>) src(%arg11 : memref<128x256xf32, #tpu.memory_space<vmem>>) dst(%dma_wait3A_641 : memref<128x256xf32, #tpu.memory_space<hbm>>)
    %dma_wait3A_642 = arith.constant 0 : i32
    %dma_wait3A_643 = tpu.memref_slice %arg4[%add3A_241, %dma_wait3A_642] : memref<320512x256xf32, #tpu.memory_space<hbm>> -> memref<128x256xf32, #tpu.memory_space<hbm>>
    %dma_wait3A_644 = arith.constant 0 : i32
    %dma_wait3A_645 = tpu.memref_slice %arg4[%add3A_241, %dma_wait3A_644] : memref<320512x256xf32, #tpu.memory_space<hbm>> -> memref<128x256xf32, #tpu.memory_space<hbm>>
    tpu.wait_dma2 semaphore(%arg13 : memref<!tpu.dma_semaphore, #tpu.memory_space<semaphore_mem>>) src(%arg11 : memref<128x256xf32, #tpu.memory_space<vmem>>) dst(%dma_wait3A_645 : memref<128x256xf32, #tpu.memory_space<hbm>>)
    %dma_wait3A_646 = arith.constant 0 : i32
    %dma_wait3A_647 = tpu.memref_slice %arg4[%add3A_247, %dma_wait3A_646] : memref<320512x256xf32, #tpu.memory_space<hbm>> -> memref<128x256xf32, #tpu.memory_space<hbm>>
    %dma_wait3A_648 = arith.constant 0 : i32
    %dma_wait3A_649 = tpu.memref_slice %arg4[%add3A_247, %dma_wait3A_648] : memref<320512x256xf32, #tpu.memory_space<hbm>> -> memref<128x256xf32, #tpu.memory_space<hbm>>
    tpu.wait_dma2 semaphore(%arg13 : memref<!tpu.dma_semaphore, #tpu.memory_space<semaphore_mem>>) src(%arg11 : memref<128x256xf32, #tpu.memory_space<vmem>>) dst(%dma_wait3A_649 : memref<128x256xf32, #tpu.memory_space<hbm>>)
    %dma_wait3A_650 = arith.constant 0 : i32
    %dma_wait3A_651 = tpu.memref_slice %arg4[%add3A_253, %dma_wait3A_650] : memref<320512x256xf32, #tpu.memory_space<hbm>> -> memref<128x256xf32, #tpu.memory_space<hbm>>
    %dma_wait3A_652 = arith.constant 0 : i32
    %dma_wait3A_653 = tpu.memref_slice %arg4[%add3A_253, %dma_wait3A_652] : memref<320512x256xf32, #tpu.memory_space<hbm>> -> memref<128x256xf32, #tpu.memory_space<hbm>>
    tpu.wait_dma2 semaphore(%arg13 : memref<!tpu.dma_semaphore, #tpu.memory_space<semaphore_mem>>) src(%arg11 : memref<128x256xf32, #tpu.memory_space<vmem>>) dst(%dma_wait3A_653 : memref<128x256xf32, #tpu.memory_space<hbm>>)
    %dma_wait3A_654 = arith.constant 0 : i32
    %dma_wait3A_655 = tpu.memref_slice %arg4[%add3A_259, %dma_wait3A_654] : memref<320512x256xf32, #tpu.memory_space<hbm>> -> memref<128x256xf32, #tpu.memory_space<hbm>>
    %dma_wait3A_656 = arith.constant 0 : i32
    %dma_wait3A_657 = tpu.memref_slice %arg4[%add3A_259, %dma_wait3A_656] : memref<320512x256xf32, #tpu.memory_space<hbm>> -> memref<128x256xf32, #tpu.memory_space<hbm>>
    tpu.wait_dma2 semaphore(%arg13 : memref<!tpu.dma_semaphore, #tpu.memory_space<semaphore_mem>>) src(%arg11 : memref<128x256xf32, #tpu.memory_space<vmem>>) dst(%dma_wait3A_657 : memref<128x256xf32, #tpu.memory_space<hbm>>)
    %dma_wait3A_658 = arith.constant 0 : i32
    %dma_wait3A_659 = tpu.memref_slice %arg4[%add3A_265, %dma_wait3A_658] : memref<320512x256xf32, #tpu.memory_space<hbm>> -> memref<128x256xf32, #tpu.memory_space<hbm>>
    %dma_wait3A_660 = arith.constant 0 : i32
    %dma_wait3A_661 = tpu.memref_slice %arg4[%add3A_265, %dma_wait3A_660] : memref<320512x256xf32, #tpu.memory_space<hbm>> -> memref<128x256xf32, #tpu.memory_space<hbm>>
    tpu.wait_dma2 semaphore(%arg13 : memref<!tpu.dma_semaphore, #tpu.memory_space<semaphore_mem>>) src(%arg11 : memref<128x256xf32, #tpu.memory_space<vmem>>) dst(%dma_wait3A_661 : memref<128x256xf32, #tpu.memory_space<hbm>>)
    %dma_wait3A_662 = arith.constant 0 : i32
    %dma_wait3A_663 = tpu.memref_slice %arg4[%add3A_271, %dma_wait3A_662] : memref<320512x256xf32, #tpu.memory_space<hbm>> -> memref<128x256xf32, #tpu.memory_space<hbm>>
    %dma_wait3A_664 = arith.constant 0 : i32
    %dma_wait3A_665 = tpu.memref_slice %arg4[%add3A_271, %dma_wait3A_664] : memref<320512x256xf32, #tpu.memory_space<hbm>> -> memref<128x256xf32, #tpu.memory_space<hbm>>
    tpu.wait_dma2 semaphore(%arg13 : memref<!tpu.dma_semaphore, #tpu.memory_space<semaphore_mem>>) src(%arg11 : memref<128x256xf32, #tpu.memory_space<vmem>>) dst(%dma_wait3A_665 : memref<128x256xf32, #tpu.memory_space<hbm>>)
    %dma_wait3A_666 = arith.constant 0 : i32
    %dma_wait3A_667 = tpu.memref_slice %arg4[%add3A_277, %dma_wait3A_666] : memref<320512x256xf32, #tpu.memory_space<hbm>> -> memref<128x256xf32, #tpu.memory_space<hbm>>
    %dma_wait3A_668 = arith.constant 0 : i32
    %dma_wait3A_669 = tpu.memref_slice %arg4[%add3A_277, %dma_wait3A_668] : memref<320512x256xf32, #tpu.memory_space<hbm>> -> memref<128x256xf32, #tpu.memory_space<hbm>>
    tpu.wait_dma2 semaphore(%arg13 : memref<!tpu.dma_semaphore, #tpu.memory_space<semaphore_mem>>) src(%arg11 : memref<128x256xf32, #tpu.memory_space<vmem>>) dst(%dma_wait3A_669 : memref<128x256xf32, #tpu.memory_space<hbm>>)
    %dma_wait3A_670 = arith.constant 0 : i32
    %dma_wait3A_671 = tpu.memref_slice %arg4[%add3A_283, %dma_wait3A_670] : memref<320512x256xf32, #tpu.memory_space<hbm>> -> memref<128x256xf32, #tpu.memory_space<hbm>>
    %dma_wait3A_672 = arith.constant 0 : i32
    %dma_wait3A_673 = tpu.memref_slice %arg4[%add3A_283, %dma_wait3A_672] : memref<320512x256xf32, #tpu.memory_space<hbm>> -> memref<128x256xf32, #tpu.memory_space<hbm>>
    tpu.wait_dma2 semaphore(%arg13 : memref<!tpu.dma_semaphore, #tpu.memory_space<semaphore_mem>>) src(%arg11 : memref<128x256xf32, #tpu.memory_space<vmem>>) dst(%dma_wait3A_673 : memref<128x256xf32, #tpu.memory_space<hbm>>)
    %dma_wait3A_674 = arith.constant 0 : i32
    %dma_wait3A_675 = tpu.memref_slice %arg4[%add3A_289, %dma_wait3A_674] : memref<320512x256xf32, #tpu.memory_space<hbm>> -> memref<128x256xf32, #tpu.memory_space<hbm>>
    %dma_wait3A_676 = arith.constant 0 : i32
    %dma_wait3A_677 = tpu.memref_slice %arg4[%add3A_289, %dma_wait3A_676] : memref<320512x256xf32, #tpu.memory_space<hbm>> -> memref<128x256xf32, #tpu.memory_space<hbm>>
    tpu.wait_dma2 semaphore(%arg13 : memref<!tpu.dma_semaphore, #tpu.memory_space<semaphore_mem>>) src(%arg11 : memref<128x256xf32, #tpu.memory_space<vmem>>) dst(%dma_wait3A_677 : memref<128x256xf32, #tpu.memory_space<hbm>>)
    %dma_wait3A_678 = arith.constant 0 : i32
    %dma_wait3A_679 = tpu.memref_slice %arg4[%add3A_295, %dma_wait3A_678] : memref<320512x256xf32, #tpu.memory_space<hbm>> -> memref<128x256xf32, #tpu.memory_space<hbm>>
    %dma_wait3A_680 = arith.constant 0 : i32
    %dma_wait3A_681 = tpu.memref_slice %arg4[%add3A_295, %dma_wait3A_680] : memref<320512x256xf32, #tpu.memory_space<hbm>> -> memref<128x256xf32, #tpu.memory_space<hbm>>
    tpu.wait_dma2 semaphore(%arg13 : memref<!tpu.dma_semaphore, #tpu.memory_space<semaphore_mem>>) src(%arg11 : memref<128x256xf32, #tpu.memory_space<vmem>>) dst(%dma_wait3A_681 : memref<128x256xf32, #tpu.memory_space<hbm>>)
    %dma_wait3A_682 = arith.constant 0 : i32
    %dma_wait3A_683 = tpu.memref_slice %arg4[%add3A_301, %dma_wait3A_682] : memref<320512x256xf32, #tpu.memory_space<hbm>> -> memref<128x256xf32, #tpu.memory_space<hbm>>
    %dma_wait3A_684 = arith.constant 0 : i32
    %dma_wait3A_685 = tpu.memref_slice %arg4[%add3A_301, %dma_wait3A_684] : memref<320512x256xf32, #tpu.memory_space<hbm>> -> memref<128x256xf32, #tpu.memory_space<hbm>>
    tpu.wait_dma2 semaphore(%arg13 : memref<!tpu.dma_semaphore, #tpu.memory_space<semaphore_mem>>) src(%arg11 : memref<128x256xf32, #tpu.memory_space<vmem>>) dst(%dma_wait3A_685 : memref<128x256xf32, #tpu.memory_space<hbm>>)
    %dma_wait3A_686 = arith.constant 0 : i32
    %dma_wait3A_687 = tpu.memref_slice %arg4[%add3A_307, %dma_wait3A_686] : memref<320512x256xf32, #tpu.memory_space<hbm>> -> memref<128x256xf32, #tpu.memory_space<hbm>>
    %dma_wait3A_688 = arith.constant 0 : i32
    %dma_wait3A_689 = tpu.memref_slice %arg4[%add3A_307, %dma_wait3A_688] : memref<320512x256xf32, #tpu.memory_space<hbm>> -> memref<128x256xf32, #tpu.memory_space<hbm>>
    tpu.wait_dma2 semaphore(%arg13 : memref<!tpu.dma_semaphore, #tpu.memory_space<semaphore_mem>>) src(%arg11 : memref<128x256xf32, #tpu.memory_space<vmem>>) dst(%dma_wait3A_689 : memref<128x256xf32, #tpu.memory_space<hbm>>)
    %dma_wait3A_690 = arith.constant 0 : i32
    %dma_wait3A_691 = tpu.memref_slice %arg4[%add3A_313, %dma_wait3A_690] : memref<320512x256xf32, #tpu.memory_space<hbm>> -> memref<128x256xf32, #tpu.memory_space<hbm>>
    %dma_wait3A_692 = arith.constant 0 : i32
    %dma_wait3A_693 = tpu.memref_slice %arg4[%add3A_313, %dma_wait3A_692] : memref<320512x256xf32, #tpu.memory_space<hbm>> -> memref<128x256xf32, #tpu.memory_space<hbm>>
    tpu.wait_dma2 semaphore(%arg13 : memref<!tpu.dma_semaphore, #tpu.memory_space<semaphore_mem>>) src(%arg11 : memref<128x256xf32, #tpu.memory_space<vmem>>) dst(%dma_wait3A_693 : memref<128x256xf32, #tpu.memory_space<hbm>>)
    %dma_wait3A_694 = arith.constant 0 : i32
    %dma_wait3A_695 = tpu.memref_slice %arg4[%add3A_319, %dma_wait3A_694] : memref<320512x256xf32, #tpu.memory_space<hbm>> -> memref<128x256xf32, #tpu.memory_space<hbm>>
    %dma_wait3A_696 = arith.constant 0 : i32
    %dma_wait3A_697 = tpu.memref_slice %arg4[%add3A_319, %dma_wait3A_696] : memref<320512x256xf32, #tpu.memory_space<hbm>> -> memref<128x256xf32, #tpu.memory_space<hbm>>
    tpu.wait_dma2 semaphore(%arg13 : memref<!tpu.dma_semaphore, #tpu.memory_space<semaphore_mem>>) src(%arg11 : memref<128x256xf32, #tpu.memory_space<vmem>>) dst(%dma_wait3A_697 : memref<128x256xf32, #tpu.memory_space<hbm>>)
    %dma_wait3A_698 = arith.constant 0 : i32
    %dma_wait3A_699 = tpu.memref_slice %arg4[%add3A_325, %dma_wait3A_698] : memref<320512x256xf32, #tpu.memory_space<hbm>> -> memref<128x256xf32, #tpu.memory_space<hbm>>
    %dma_wait3A_700 = arith.constant 0 : i32
    %dma_wait3A_701 = tpu.memref_slice %arg4[%add3A_325, %dma_wait3A_700] : memref<320512x256xf32, #tpu.memory_space<hbm>> -> memref<128x256xf32, #tpu.memory_space<hbm>>
    tpu.wait_dma2 semaphore(%arg13 : memref<!tpu.dma_semaphore, #tpu.memory_space<semaphore_mem>>) src(%arg11 : memref<128x256xf32, #tpu.memory_space<vmem>>) dst(%dma_wait3A_701 : memref<128x256xf32, #tpu.memory_space<hbm>>)
    %dma_wait3A_702 = arith.constant 0 : i32
    %dma_wait3A_703 = tpu.memref_slice %arg4[%add3A_331, %dma_wait3A_702] : memref<320512x256xf32, #tpu.memory_space<hbm>> -> memref<128x256xf32, #tpu.memory_space<hbm>>
    %dma_wait3A_704 = arith.constant 0 : i32
    %dma_wait3A_705 = tpu.memref_slice %arg4[%add3A_331, %dma_wait3A_704] : memref<320512x256xf32, #tpu.memory_space<hbm>> -> memref<128x256xf32, #tpu.memory_space<hbm>>
    tpu.wait_dma2 semaphore(%arg13 : memref<!tpu.dma_semaphore, #tpu.memory_space<semaphore_mem>>) src(%arg11 : memref<128x256xf32, #tpu.memory_space<vmem>>) dst(%dma_wait3A_705 : memref<128x256xf32, #tpu.memory_space<hbm>>)
    %dma_wait3A_706 = arith.constant 0 : i32
    %dma_wait3A_707 = tpu.memref_slice %arg4[%add3A_337, %dma_wait3A_706] : memref<320512x256xf32, #tpu.memory_space<hbm>> -> memref<128x256xf32, #tpu.memory_space<hbm>>
    %dma_wait3A_708 = arith.constant 0 : i32
    %dma_wait3A_709 = tpu.memref_slice %arg4[%add3A_337, %dma_wait3A_708] : memref<320512x256xf32, #tpu.memory_space<hbm>> -> memref<128x256xf32, #tpu.memory_space<hbm>>
    tpu.wait_dma2 semaphore(%arg13 : memref<!tpu.dma_semaphore, #tpu.memory_space<semaphore_mem>>) src(%arg11 : memref<128x256xf32, #tpu.memory_space<vmem>>) dst(%dma_wait3A_709 : memref<128x256xf32, #tpu.memory_space<hbm>>)
    %dma_wait3A_710 = arith.constant 0 : i32
    %dma_wait3A_711 = tpu.memref_slice %arg4[%add3A_343, %dma_wait3A_710] : memref<320512x256xf32, #tpu.memory_space<hbm>> -> memref<128x256xf32, #tpu.memory_space<hbm>>
    %dma_wait3A_712 = arith.constant 0 : i32
    %dma_wait3A_713 = tpu.memref_slice %arg4[%add3A_343, %dma_wait3A_712] : memref<320512x256xf32, #tpu.memory_space<hbm>> -> memref<128x256xf32, #tpu.memory_space<hbm>>
    tpu.wait_dma2 semaphore(%arg13 : memref<!tpu.dma_semaphore, #tpu.memory_space<semaphore_mem>>) src(%arg11 : memref<128x256xf32, #tpu.memory_space<vmem>>) dst(%dma_wait3A_713 : memref<128x256xf32, #tpu.memory_space<hbm>>)
    %dma_wait3A_714 = arith.constant 0 : i32
    %dma_wait3A_715 = tpu.memref_slice %arg4[%add3A_349, %dma_wait3A_714] : memref<320512x256xf32, #tpu.memory_space<hbm>> -> memref<128x256xf32, #tpu.memory_space<hbm>>
    %dma_wait3A_716 = arith.constant 0 : i32
    %dma_wait3A_717 = tpu.memref_slice %arg4[%add3A_349, %dma_wait3A_716] : memref<320512x256xf32, #tpu.memory_space<hbm>> -> memref<128x256xf32, #tpu.memory_space<hbm>>
    tpu.wait_dma2 semaphore(%arg13 : memref<!tpu.dma_semaphore, #tpu.memory_space<semaphore_mem>>) src(%arg11 : memref<128x256xf32, #tpu.memory_space<vmem>>) dst(%dma_wait3A_717 : memref<128x256xf32, #tpu.memory_space<hbm>>)
    %dma_wait3A_718 = arith.constant 0 : i32
    %dma_wait3A_719 = tpu.memref_slice %arg4[%add3A_355, %dma_wait3A_718] : memref<320512x256xf32, #tpu.memory_space<hbm>> -> memref<128x256xf32, #tpu.memory_space<hbm>>
    %dma_wait3A_720 = arith.constant 0 : i32
    %dma_wait3A_721 = tpu.memref_slice %arg4[%add3A_355, %dma_wait3A_720] : memref<320512x256xf32, #tpu.memory_space<hbm>> -> memref<128x256xf32, #tpu.memory_space<hbm>>
    tpu.wait_dma2 semaphore(%arg13 : memref<!tpu.dma_semaphore, #tpu.memory_space<semaphore_mem>>) src(%arg11 : memref<128x256xf32, #tpu.memory_space<vmem>>) dst(%dma_wait3A_721 : memref<128x256xf32, #tpu.memory_space<hbm>>)
    %dma_wait3A_722 = arith.constant 0 : i32
    %dma_wait3A_723 = tpu.memref_slice %arg4[%add3A_361, %dma_wait3A_722] : memref<320512x256xf32, #tpu.memory_space<hbm>> -> memref<128x256xf32, #tpu.memory_space<hbm>>
    %dma_wait3A_724 = arith.constant 0 : i32
    %dma_wait3A_725 = tpu.memref_slice %arg4[%add3A_361, %dma_wait3A_724] : memref<320512x256xf32, #tpu.memory_space<hbm>> -> memref<128x256xf32, #tpu.memory_space<hbm>>
    tpu.wait_dma2 semaphore(%arg13 : memref<!tpu.dma_semaphore, #tpu.memory_space<semaphore_mem>>) src(%arg11 : memref<128x256xf32, #tpu.memory_space<vmem>>) dst(%dma_wait3A_725 : memref<128x256xf32, #tpu.memory_space<hbm>>)
    %dma_wait3A_726 = arith.constant 0 : i32
    %dma_wait3A_727 = tpu.memref_slice %arg4[%add3A_367, %dma_wait3A_726] : memref<320512x256xf32, #tpu.memory_space<hbm>> -> memref<128x256xf32, #tpu.memory_space<hbm>>
    %dma_wait3A_728 = arith.constant 0 : i32
    %dma_wait3A_729 = tpu.memref_slice %arg4[%add3A_367, %dma_wait3A_728] : memref<320512x256xf32, #tpu.memory_space<hbm>> -> memref<128x256xf32, #tpu.memory_space<hbm>>
    tpu.wait_dma2 semaphore(%arg13 : memref<!tpu.dma_semaphore, #tpu.memory_space<semaphore_mem>>) src(%arg11 : memref<128x256xf32, #tpu.memory_space<vmem>>) dst(%dma_wait3A_729 : memref<128x256xf32, #tpu.memory_space<hbm>>)
    %dma_wait3A_730 = arith.constant 0 : i32
    %dma_wait3A_731 = tpu.memref_slice %arg4[%add3A_373, %dma_wait3A_730] : memref<320512x256xf32, #tpu.memory_space<hbm>> -> memref<128x256xf32, #tpu.memory_space<hbm>>
    %dma_wait3A_732 = arith.constant 0 : i32
    %dma_wait3A_733 = tpu.memref_slice %arg4[%add3A_373, %dma_wait3A_732] : memref<320512x256xf32, #tpu.memory_space<hbm>> -> memref<128x256xf32, #tpu.memory_space<hbm>>
    tpu.wait_dma2 semaphore(%arg13 : memref<!tpu.dma_semaphore, #tpu.memory_space<semaphore_mem>>) src(%arg11 : memref<128x256xf32, #tpu.memory_space<vmem>>) dst(%dma_wait3A_733 : memref<128x256xf32, #tpu.memory_space<hbm>>)
    %dma_wait3A_734 = arith.constant 0 : i32
    %dma_wait3A_735 = tpu.memref_slice %arg4[%add3A_379, %dma_wait3A_734] : memref<320512x256xf32, #tpu.memory_space<hbm>> -> memref<128x256xf32, #tpu.memory_space<hbm>>
    %dma_wait3A_736 = arith.constant 0 : i32
    %dma_wait3A_737 = tpu.memref_slice %arg4[%add3A_379, %dma_wait3A_736] : memref<320512x256xf32, #tpu.memory_space<hbm>> -> memref<128x256xf32, #tpu.memory_space<hbm>>
    tpu.wait_dma2 semaphore(%arg13 : memref<!tpu.dma_semaphore, #tpu.memory_space<semaphore_mem>>) src(%arg11 : memref<128x256xf32, #tpu.memory_space<vmem>>) dst(%dma_wait3A_737 : memref<128x256xf32, #tpu.memory_space<hbm>>)
    %dma_wait3A_738 = arith.constant 0 : i32
    %dma_wait3A_739 = tpu.memref_slice %arg4[%add3A_385, %dma_wait3A_738] : memref<320512x256xf32, #tpu.memory_space<hbm>> -> memref<128x256xf32, #tpu.memory_space<hbm>>
    %dma_wait3A_740 = arith.constant 0 : i32
    %dma_wait3A_741 = tpu.memref_slice %arg4[%add3A_385, %dma_wait3A_740] : memref<320512x256xf32, #tpu.memory_space<hbm>> -> memref<128x256xf32, #tpu.memory_space<hbm>>
    tpu.wait_dma2 semaphore(%arg13 : memref<!tpu.dma_semaphore, #tpu.memory_space<semaphore_mem>>) src(%arg11 : memref<128x256xf32, #tpu.memory_space<vmem>>) dst(%dma_wait3A_741 : memref<128x256xf32, #tpu.memory_space<hbm>>)
    %dma_wait3A_742 = arith.constant 0 : i32
    %dma_wait3A_743 = tpu.memref_slice %arg4[%add3A_391, %dma_wait3A_742] : memref<320512x256xf32, #tpu.memory_space<hbm>> -> memref<128x256xf32, #tpu.memory_space<hbm>>
    %dma_wait3A_744 = arith.constant 0 : i32
    %dma_wait3A_745 = tpu.memref_slice %arg4[%add3A_391, %dma_wait3A_744] : memref<320512x256xf32, #tpu.memory_space<hbm>> -> memref<128x256xf32, #tpu.memory_space<hbm>>
    tpu.wait_dma2 semaphore(%arg13 : memref<!tpu.dma_semaphore, #tpu.memory_space<semaphore_mem>>) src(%arg11 : memref<128x256xf32, #tpu.memory_space<vmem>>) dst(%dma_wait3A_745 : memref<128x256xf32, #tpu.memory_space<hbm>>)
    %dma_wait3A_746 = arith.constant 0 : i32
    %dma_wait3A_747 = tpu.memref_slice %arg4[%add3A_397, %dma_wait3A_746] : memref<320512x256xf32, #tpu.memory_space<hbm>> -> memref<128x256xf32, #tpu.memory_space<hbm>>
    %dma_wait3A_748 = arith.constant 0 : i32
    %dma_wait3A_749 = tpu.memref_slice %arg4[%add3A_397, %dma_wait3A_748] : memref<320512x256xf32, #tpu.memory_space<hbm>> -> memref<128x256xf32, #tpu.memory_space<hbm>>
    tpu.wait_dma2 semaphore(%arg13 : memref<!tpu.dma_semaphore, #tpu.memory_space<semaphore_mem>>) src(%arg11 : memref<128x256xf32, #tpu.memory_space<vmem>>) dst(%dma_wait3A_749 : memref<128x256xf32, #tpu.memory_space<hbm>>)
    %dma_wait3A_750 = arith.constant 0 : i32
    %dma_wait3A_751 = tpu.memref_slice %arg4[%add3A_403, %dma_wait3A_750] : memref<320512x256xf32, #tpu.memory_space<hbm>> -> memref<128x256xf32, #tpu.memory_space<hbm>>
    %dma_wait3A_752 = arith.constant 0 : i32
    %dma_wait3A_753 = tpu.memref_slice %arg4[%add3A_403, %dma_wait3A_752] : memref<320512x256xf32, #tpu.memory_space<hbm>> -> memref<128x256xf32, #tpu.memory_space<hbm>>
    tpu.wait_dma2 semaphore(%arg13 : memref<!tpu.dma_semaphore, #tpu.memory_space<semaphore_mem>>) src(%arg11 : memref<128x256xf32, #tpu.memory_space<vmem>>) dst(%dma_wait3A_753 : memref<128x256xf32, #tpu.memory_space<hbm>>)
    %dma_wait3A_754 = arith.constant 0 : i32
    %dma_wait3A_755 = tpu.memref_slice %arg4[%add3A_409, %dma_wait3A_754] : memref<320512x256xf32, #tpu.memory_space<hbm>> -> memref<128x256xf32, #tpu.memory_space<hbm>>
    %dma_wait3A_756 = arith.constant 0 : i32
    %dma_wait3A_757 = tpu.memref_slice %arg4[%add3A_409, %dma_wait3A_756] : memref<320512x256xf32, #tpu.memory_space<hbm>> -> memref<128x256xf32, #tpu.memory_space<hbm>>
    tpu.wait_dma2 semaphore(%arg13 : memref<!tpu.dma_semaphore, #tpu.memory_space<semaphore_mem>>) src(%arg11 : memref<128x256xf32, #tpu.memory_space<vmem>>) dst(%dma_wait3A_757 : memref<128x256xf32, #tpu.memory_space<hbm>>)
    %dma_wait3A_758 = arith.constant 0 : i32
    %dma_wait3A_759 = tpu.memref_slice %arg4[%add3A_415, %dma_wait3A_758] : memref<320512x256xf32, #tpu.memory_space<hbm>> -> memref<128x256xf32, #tpu.memory_space<hbm>>
    %dma_wait3A_760 = arith.constant 0 : i32
    %dma_wait3A_761 = tpu.memref_slice %arg4[%add3A_415, %dma_wait3A_760] : memref<320512x256xf32, #tpu.memory_space<hbm>> -> memref<128x256xf32, #tpu.memory_space<hbm>>
    tpu.wait_dma2 semaphore(%arg13 : memref<!tpu.dma_semaphore, #tpu.memory_space<semaphore_mem>>) src(%arg11 : memref<128x256xf32, #tpu.memory_space<vmem>>) dst(%dma_wait3A_761 : memref<128x256xf32, #tpu.memory_space<hbm>>)
    %dma_wait3A_762 = arith.constant 0 : i32
    %dma_wait3A_763 = tpu.memref_slice %arg4[%add3A_421, %dma_wait3A_762] : memref<320512x256xf32, #tpu.memory_space<hbm>> -> memref<128x256xf32, #tpu.memory_space<hbm>>
    %dma_wait3A_764 = arith.constant 0 : i32
    %dma_wait3A_765 = tpu.memref_slice %arg4[%add3A_421, %dma_wait3A_764] : memref<320512x256xf32, #tpu.memory_space<hbm>> -> memref<128x256xf32, #tpu.memory_space<hbm>>
    tpu.wait_dma2 semaphore(%arg13 : memref<!tpu.dma_semaphore, #tpu.memory_space<semaphore_mem>>) src(%arg11 : memref<128x256xf32, #tpu.memory_space<vmem>>) dst(%dma_wait3A_765 : memref<128x256xf32, #tpu.memory_space<hbm>>)
    %dma_wait3A_766 = arith.constant 0 : i32
    %dma_wait3A_767 = tpu.memref_slice %arg4[%add3A_427, %dma_wait3A_766] : memref<320512x256xf32, #tpu.memory_space<hbm>> -> memref<128x256xf32, #tpu.memory_space<hbm>>
    %dma_wait3A_768 = arith.constant 0 : i32
    %dma_wait3A_769 = tpu.memref_slice %arg4[%add3A_427, %dma_wait3A_768] : memref<320512x256xf32, #tpu.memory_space<hbm>> -> memref<128x256xf32, #tpu.memory_space<hbm>>
    tpu.wait_dma2 semaphore(%arg13 : memref<!tpu.dma_semaphore, #tpu.memory_space<semaphore_mem>>) src(%arg11 : memref<128x256xf32, #tpu.memory_space<vmem>>) dst(%dma_wait3A_769 : memref<128x256xf32, #tpu.memory_space<hbm>>)
    %dma_wait3A_770 = arith.constant 0 : i32
    %dma_wait3A_771 = tpu.memref_slice %arg4[%add3A_433, %dma_wait3A_770] : memref<320512x256xf32, #tpu.memory_space<hbm>> -> memref<128x256xf32, #tpu.memory_space<hbm>>
    %dma_wait3A_772 = arith.constant 0 : i32
    %dma_wait3A_773 = tpu.memref_slice %arg4[%add3A_433, %dma_wait3A_772] : memref<320512x256xf32, #tpu.memory_space<hbm>> -> memref<128x256xf32, #tpu.memory_space<hbm>>
    tpu.wait_dma2 semaphore(%arg13 : memref<!tpu.dma_semaphore, #tpu.memory_space<semaphore_mem>>) src(%arg11 : memref<128x256xf32, #tpu.memory_space<vmem>>) dst(%dma_wait3A_773 : memref<128x256xf32, #tpu.memory_space<hbm>>)
    %dma_wait3A_774 = arith.constant 0 : i32
    %dma_wait3A_775 = tpu.memref_slice %arg4[%add3A_439, %dma_wait3A_774] : memref<320512x256xf32, #tpu.memory_space<hbm>> -> memref<128x256xf32, #tpu.memory_space<hbm>>
    %dma_wait3A_776 = arith.constant 0 : i32
    %dma_wait3A_777 = tpu.memref_slice %arg4[%add3A_439, %dma_wait3A_776] : memref<320512x256xf32, #tpu.memory_space<hbm>> -> memref<128x256xf32, #tpu.memory_space<hbm>>
    tpu.wait_dma2 semaphore(%arg13 : memref<!tpu.dma_semaphore, #tpu.memory_space<semaphore_mem>>) src(%arg11 : memref<128x256xf32, #tpu.memory_space<vmem>>) dst(%dma_wait3A_777 : memref<128x256xf32, #tpu.memory_space<hbm>>)
    %dma_wait3A_778 = arith.constant 0 : i32
    %dma_wait3A_779 = tpu.memref_slice %arg4[%add3A_445, %dma_wait3A_778] : memref<320512x256xf32, #tpu.memory_space<hbm>> -> memref<128x256xf32, #tpu.memory_space<hbm>>
    %dma_wait3A_780 = arith.constant 0 : i32
    %dma_wait3A_781 = tpu.memref_slice %arg4[%add3A_445, %dma_wait3A_780] : memref<320512x256xf32, #tpu.memory_space<hbm>> -> memref<128x256xf32, #tpu.memory_space<hbm>>
    tpu.wait_dma2 semaphore(%arg13 : memref<!tpu.dma_semaphore, #tpu.memory_space<semaphore_mem>>) src(%arg11 : memref<128x256xf32, #tpu.memory_space<vmem>>) dst(%dma_wait3A_781 : memref<128x256xf32, #tpu.memory_space<hbm>>)
    %dma_wait3A_782 = arith.constant 0 : i32
    %dma_wait3A_783 = tpu.memref_slice %arg4[%add3A_451, %dma_wait3A_782] : memref<320512x256xf32, #tpu.memory_space<hbm>> -> memref<128x256xf32, #tpu.memory_space<hbm>>
    %dma_wait3A_784 = arith.constant 0 : i32
    %dma_wait3A_785 = tpu.memref_slice %arg4[%add3A_451, %dma_wait3A_784] : memref<320512x256xf32, #tpu.memory_space<hbm>> -> memref<128x256xf32, #tpu.memory_space<hbm>>
    tpu.wait_dma2 semaphore(%arg13 : memref<!tpu.dma_semaphore, #tpu.memory_space<semaphore_mem>>) src(%arg11 : memref<128x256xf32, #tpu.memory_space<vmem>>) dst(%dma_wait3A_785 : memref<128x256xf32, #tpu.memory_space<hbm>>)
    %dma_wait3A_786 = arith.constant 0 : i32
    %dma_wait3A_787 = tpu.memref_slice %arg4[%add3A_457, %dma_wait3A_786] : memref<320512x256xf32, #tpu.memory_space<hbm>> -> memref<128x256xf32, #tpu.memory_space<hbm>>
    %dma_wait3A_788 = arith.constant 0 : i32
    %dma_wait3A_789 = tpu.memref_slice %arg4[%add3A_457, %dma_wait3A_788] : memref<320512x256xf32, #tpu.memory_space<hbm>> -> memref<128x256xf32, #tpu.memory_space<hbm>>
    tpu.wait_dma2 semaphore(%arg13 : memref<!tpu.dma_semaphore, #tpu.memory_space<semaphore_mem>>) src(%arg11 : memref<128x256xf32, #tpu.memory_space<vmem>>) dst(%dma_wait3A_789 : memref<128x256xf32, #tpu.memory_space<hbm>>)
    %dma_wait3A_790 = arith.constant 0 : i32
    %dma_wait3A_791 = tpu.memref_slice %arg4[%add3A_463, %dma_wait3A_790] : memref<320512x256xf32, #tpu.memory_space<hbm>> -> memref<128x256xf32, #tpu.memory_space<hbm>>
    %dma_wait3A_792 = arith.constant 0 : i32
    %dma_wait3A_793 = tpu.memref_slice %arg4[%add3A_463, %dma_wait3A_792] : memref<320512x256xf32, #tpu.memory_space<hbm>> -> memref<128x256xf32, #tpu.memory_space<hbm>>
    tpu.wait_dma2 semaphore(%arg13 : memref<!tpu.dma_semaphore, #tpu.memory_space<semaphore_mem>>) src(%arg11 : memref<128x256xf32, #tpu.memory_space<vmem>>) dst(%dma_wait3A_793 : memref<128x256xf32, #tpu.memory_space<hbm>>)
    %dma_wait3A_794 = arith.constant 0 : i32
    %dma_wait3A_795 = tpu.memref_slice %arg4[%add3A_469, %dma_wait3A_794] : memref<320512x256xf32, #tpu.memory_space<hbm>> -> memref<128x256xf32, #tpu.memory_space<hbm>>
    %dma_wait3A_796 = arith.constant 0 : i32
    %dma_wait3A_797 = tpu.memref_slice %arg4[%add3A_469, %dma_wait3A_796] : memref<320512x256xf32, #tpu.memory_space<hbm>> -> memref<128x256xf32, #tpu.memory_space<hbm>>
    tpu.wait_dma2 semaphore(%arg13 : memref<!tpu.dma_semaphore, #tpu.memory_space<semaphore_mem>>) src(%arg11 : memref<128x256xf32, #tpu.memory_space<vmem>>) dst(%dma_wait3A_797 : memref<128x256xf32, #tpu.memory_space<hbm>>)
    %dma_wait3A_798 = arith.constant 0 : i32
    %dma_wait3A_799 = arith.constant 0 : i32
    %dma_wait3A_800 = tpu.memref_slice %arg11[%dma_wait3A_798, %dma_wait3A_799] : memref<128x256xf32, #tpu.memory_space<vmem>> -> memref<16x256xf32, #tpu.memory_space<vmem>>
    %dma_wait3A_801 = arith.constant 0 : i32
    %dma_wait3A_802 = tpu.memref_slice %arg4[%sub3A_476, %dma_wait3A_801] : memref<320512x256xf32, #tpu.memory_space<hbm>> -> memref<16x256xf32, #tpu.memory_space<hbm>>
    %dma_wait3A_803 = arith.constant 0 : i32
    %dma_wait3A_804 = tpu.memref_slice %arg4[%sub3A_476, %dma_wait3A_803] : memref<320512x256xf32, #tpu.memory_space<hbm>> -> memref<16x256xf32, #tpu.memory_space<hbm>>
    %dma_wait3A_805 = arith.constant 0 : i32
    %dma_wait3A_806 = arith.constant 0 : i32
    %dma_wait3A_807 = tpu.memref_slice %arg11[%dma_wait3A_805, %dma_wait3A_806] : memref<128x256xf32, #tpu.memory_space<vmem>> -> memref<16x256xf32, #tpu.memory_space<vmem>>
    tpu.wait_dma2 semaphore(%arg13 : memref<!tpu.dma_semaphore, #tpu.memory_space<semaphore_mem>>) src(%dma_wait3A_807 : memref<16x256xf32, #tpu.memory_space<vmem>>) dst(%dma_wait3A_804 : memref<16x256xf32, #tpu.memory_space<hbm>>)
    %scan3A_808 = arith.constant 0 : i32
    %scan3A_809 = arith.constant 625 : i32
    %scan3A_810 = arith.addi %scan3A_808, %scan3A_809 : i32
    %scan3A_811 = arith.constant 1 : i32
    scf.for %scan3A_879 = %scan3A_808 to %scan3A_810 step %scan3A_811  : i32 {
      %mul3A_880 = arith.constant 16 : i32
      %mul3A_881 = arith.muli %scan3A_879, %mul3A_880 : i32
      %add3A_882 = arith.constant 0 : i32
      %add3A_883 = arith.addi %add3A_882, %mul3A_881 : i32
      %broadcast_in_dim3A_884 = arith.constant 0 : i32
      %broadcast_in_dim3A_885 = vector.broadcast %broadcast_in_dim3A_884 : i32 to vector<16xi32>
      %swap3A = arith.index_cast %add3A_883 : i32 to index
      %swap3A_886 = tpu.vector_load %arg6[%swap3A] {strides = array<i32>} : memref<10000xi32, #tpu.memory_space<vmem>>, vector<16xi32>,
      tpu.vector_store %arg6[%swap3A], %broadcast_in_dim3A_885 {strides = array<i32>} : memref<10000xi32, #tpu.memory_space<vmem>>, vector<16xi32>,
    }
    %scan3A_812 = arith.constant 625 : i32
    %scan3A_813 = arith.constant 0 : i32
    %scan3A_814 = arith.constant 0 : i32
    %scan3A_815 = arith.constant 16 : i32
    %scan3A_816 = arith.addi %scan3A_814, %scan3A_815 : i32
    %scan3A_817 = arith.constant 1 : i32
    %scan3A_818 = scf.for %scan3A_879 = %scan3A_814 to %scan3A_816 step %scan3A_817 iter_args(%scan3A_880 = %scan3A_813) -> (i32)  : i32 {
      %mul3A_881 = arith.constant 7008 : i32
      %mul3A_882 = arith.muli %scan3A_879, %mul3A_881 : i32
      "tpu.region"() ({
        %run_scoped3A = tpu.sem_alloc : memref<!tpu.dma_semaphore, #tpu.memory_space<semaphore_mem>>
        %dma_start3A_890 = tpu.memref_slice %arg3[%mul3A_882] : memref<112128xi32, #tpu.memory_space<hbm>> -> memref<7008xi32, #tpu.memory_space<hbm>>
        %dma_start3A_891 = tpu.memref_slice %arg3[%mul3A_882] : memref<112128xi32, #tpu.memory_space<hbm>> -> memref<7008xi32, #tpu.memory_space<hbm>>
        tpu.enqueue_dma source(%dma_start3A_891 : memref<7008xi32, #tpu.memory_space<hbm>>) target(%arg5 : memref<7008xi32, #tpu.memory_space<vmem>>) target_semaphore(%run_scoped3A : memref<!tpu.dma_semaphore, #tpu.memory_space<semaphore_mem>>)
        %dma_wait3A_892 = tpu.memref_slice %arg3[%mul3A_882] : memref<112128xi32, #tpu.memory_space<hbm>> -> memref<7008xi32, #tpu.memory_space<hbm>>
        %dma_wait3A_893 = tpu.memref_slice %arg3[%mul3A_882] : memref<112128xi32, #tpu.memory_space<hbm>> -> memref<7008xi32, #tpu.memory_space<hbm>>
        tpu.wait_dma2 semaphore(%run_scoped3A : memref<!tpu.dma_semaphore, #tpu.memory_space<semaphore_mem>>) src(%dma_wait3A_893 : memref<7008xi32, #tpu.memory_space<hbm>>) dst(%arg5 : memref<7008xi32, #tpu.memory_space<vmem>>)
        tpu.yield
      }) : () -> ()
      %scan3A_883 = arith.constant 0 : i32
      %scan3A_884 = arith.constant 0 : i32
      %scan3A_885 = arith.constant 438 : i32
      %scan3A_886 = arith.addi %scan3A_884, %scan3A_885 : i32
      %scan3A_887 = arith.constant 1 : i32
      %scan3A_888 = scf.for %scan3A_890 = %scan3A_884 to %scan3A_886 step %scan3A_887 iter_args(%scan3A_891 = %scan3A_883) -> (i32)  : i32 {
        %mul3A_892 = arith.constant 16 : i32
        %mul3A_893 = arith.muli %scan3A_890, %mul3A_892 : i32
        %get3A = arith.index_cast %mul3A_893 : i32 to index
        %get3A_894 = tpu.vector_load %arg5[%get3A] {strides = array<i32>} : memref<7008xi32, #tpu.memory_space<vmem>>, vector<16xi32>,
        %ge3A = vector.broadcast %mul3A_2 : i32 to vector<16xi32>
        %ge3A_895 = arith.cmpi sge, %get3A_894, %ge3A : vector<16xi32>
        %add3A_896 = arith.constant 10000 : i32
        %add3A_897 = arith.addi %mul3A_2, %add3A_896 : i32
        %lt3A = vector.broadcast %add3A_897 : i32 to vector<16xi32>
        %lt3A_898 = arith.cmpi slt, %get3A_894, %lt3A : vector<16xi32>
        %and3A_899 = arith.andi %ge3A_895, %lt3A_898 : vector<16xi1>
        %sub3A_900 = vector.broadcast %mul3A_2 : i32 to vector<16xi32>
        %sub3A_901 = arith.subi %get3A_894, %sub3A_900 : vector<16xi32>
        %jit3A_902 = arith.constant 0 : i32
        %jit3A_903 = arith.constant 9999 : i32
        %max3A = vector.broadcast %jit3A_902 : i32 to vector<16xi32>
        %max3A_904 = arith.maxsi %max3A, %sub3A_901 : vector<16xi32>
        %min3A_905 = vector.broadcast %jit3A_903 : i32 to vector<16xi32>
        %min3A_906 = arith.minsi %min3A_905, %max3A_904 : vector<16xi32>
        %convert_element_type3A_907 = arith.extui %and3A_899 : vector<16xi1> to vector<16xi32>
        %reduce_sum3A = arith.constant true
        %reduce_sum3A_908 = vector.broadcast %reduce_sum3A : i1 to vector<16xi1>
        %reduce_sum3A_909 = tpu.scan <sum>, %convert_element_type3A_907 masked %reduce_sum3A_908 : vector<16xi32>, vector<16xi1> -> vector<16xi32>
        %reduce_sum3A_910 = vector.extract %reduce_sum3A_909[15] : i32 from vector<16xi32>
        %gt3A_911 = arith.constant 0 : i32
        %gt3A_912 = arith.cmpi sgt, %reduce_sum3A_910, %gt3A_911 : i32
        %convert_element_type3A_913 = arith.extui %gt3A_912 : i1 to i32
        %cond3A_914 = arith.constant 0 : i32
        %cond3A_915 = arith.cmpi ne, %convert_element_type3A_913, %cond3A_914 : i32
        scf.if %cond3A_915 {
          %gather3A = tpu.vector_load_idx %arg6[%min3A_906] masked %and3A_899 : memref<10000xi32, #tpu.memory_space<vmem>>[vector<16xi32>], vector<16xi32>, vector<16xi1>
          %shift_right_arithmetic3A = arith.constant 4 : i32
          %shift_right_arithmetic3A_917 = vector.broadcast %shift_right_arithmetic3A : i32 to vector<16xi32>
          %shift_right_arithmetic3A_918 = arith.shrsi %gather3A, %shift_right_arithmetic3A_917 : vector<16xi32>
          %add3A_919 = arith.constant 1 : i32
          %add3A_920 = vector.broadcast %add3A_919 : i32 to vector<16xi32>
          %add3A_921 = arith.addi %shift_right_arithmetic3A_918, %add3A_920 : vector<16xi32>
          %mul3A_922 = arith.constant 16 : i32
          %mul3A_923 = vector.broadcast %mul3A_922 : i32 to vector<16xi32>
          %mul3A_924 = arith.muli %add3A_921, %mul3A_923 : vector<16xi32>
          %add3A_925 = arith.addi %mul3A_924, %iota3A : vector<16xi32>
          tpu.vector_store_idx %arg6[%min3A_906], %add3A_925 masked %and3A_899 : memref<10000xi32, #tpu.memory_space<vmem>>[vector<16xi32>], vector<16xi32>, vector<16xi1>
          %gather3A_926 = tpu.vector_load_idx %arg6[%min3A_906] masked %and3A_899 : memref<10000xi32, #tpu.memory_space<vmem>>[vector<16xi32>], vector<16xi32>, vector<16xi1>
          %ne3A_927 = arith.cmpi ne, %gather3A_926, %add3A_925 : vector<16xi32>
          %and3A_928 = arith.andi %and3A_899, %ne3A_927 : vector<16xi1>
          %convert_element_type3A_929 = arith.extui %and3A_928 : vector<16xi1> to vector<16xi32>
          %reduce_sum3A_930 = arith.constant true
          %reduce_sum3A_931 = vector.broadcast %reduce_sum3A_930 : i1 to vector<16xi1>
          %reduce_sum3A_932 = tpu.scan <sum>, %convert_element_type3A_929 masked %reduce_sum3A_931 : vector<16xi32>, vector<16xi1> -> vector<16xi32>
          %reduce_sum3A_933 = vector.extract %reduce_sum3A_932[15] : i32 from vector<16xi32>
          %gt3A_934 = arith.constant 0 : i32
          %gt3A_935 = arith.cmpi sgt, %reduce_sum3A_933, %gt3A_934 : i32
          %convert_element_type3A_936 = arith.extui %gt3A_935 : i1 to i32
          %cond3A_937 = arith.constant 0 : i32
          %cond3A_938 = arith.cmpi ne, %convert_element_type3A_936, %cond3A_937 : i32
          scf.if %cond3A_938 {
            %convert_element_type3A_939 = arith.extui %and3A_928 : vector<16xi1> to vector<16xi32>
            %while3A_940 = scf.while (%while3A_941 = %convert_element_type3A_939) : (vector<16xi32>) -> vector<16xi32> {
              %reduce_sum3A_942 = arith.constant true
              %reduce_sum3A_943 = vector.broadcast %reduce_sum3A_942 : i1 to vector<16xi1>
              %reduce_sum3A_944 = tpu.scan <sum>, %while3A_941 masked %reduce_sum3A_943 : vector<16xi32>, vector<16xi1> -> vector<16xi32>
              %reduce_sum3A_945 = vector.extract %reduce_sum3A_944[15] : i32 from vector<16xi32>
              %gt3A_946 = arith.constant 0 : i32
              %gt3A_947 = arith.cmpi sgt, %reduce_sum3A_945, %gt3A_946 : i32
              scf.condition(%gt3A_947) %while3A_941 : vector<16xi32>
            } do {
            ^bb0(%while3A_941: vector<16xi32>):
              %gt3A_942 = arith.constant 0 : i32
              %gt3A_943 = vector.broadcast %gt3A_942 : i32 to vector<16xi32>
              %gt3A_944 = arith.cmpi sgt, %while3A_941, %gt3A_943 : vector<16xi32>
              %gather3A_945 = tpu.vector_load_idx %arg6[%min3A_906] masked %gt3A_944 : memref<10000xi32, #tpu.memory_space<vmem>>[vector<16xi32>], vector<16xi32>, vector<16xi1>
              %shift_right_arithmetic3A_946 = arith.constant 4 : i32
              %shift_right_arithmetic3A_947 = vector.broadcast %shift_right_arithmetic3A_946 : i32 to vector<16xi32>
              %shift_right_arithmetic3A_948 = arith.shrsi %gather3A_945, %shift_right_arithmetic3A_947 : vector<16xi32>
              %add3A_949 = arith.constant 1 : i32
              %add3A_950 = vector.broadcast %add3A_949 : i32 to vector<16xi32>
              %add3A_951 = arith.addi %shift_right_arithmetic3A_948, %add3A_950 : vector<16xi32>
              %mul3A_952 = arith.constant 16 : i32
              %mul3A_953 = vector.broadcast %mul3A_952 : i32 to vector<16xi32>
              %mul3A_954 = arith.muli %add3A_951, %mul3A_953 : vector<16xi32>
              %add3A_955 = arith.addi %mul3A_954, %iota3A : vector<16xi32>
              tpu.vector_store_idx %arg6[%min3A_906], %add3A_955 masked %gt3A_944 : memref<10000xi32, #tpu.memory_space<vmem>>[vector<16xi32>], vector<16xi32>, vector<16xi1>
              %gather3A_956 = tpu.vector_load_idx %arg6[%min3A_906] masked %gt3A_944 : memref<10000xi32, #tpu.memory_space<vmem>>[vector<16xi32>], vector<16xi32>, vector<16xi1>
              %ne3A_957 = arith.cmpi ne, %gather3A_956, %add3A_955 : vector<16xi32>
              %and3A_958 = arith.andi %gt3A_944, %ne3A_957 : vector<16xi1>
              %convert_element_type3A_959 = arith.extui %and3A_958 : vector<16xi1> to vector<16xi32>
              scf.yield %convert_element_type3A_959 : vector<16xi32>
            }
          } else {
          }
        } else {
        }
        %scan3A_916 = arith.constant 0 : i32
        scf.yield %scan3A_916 : i32
      }
      %scan3A_889 = arith.constant 438 : i32
      scf.yield %scan3A_888 : i32
    }
    %scan3A_819 = arith.constant 16 : i32
    %scan3A_820 = arith.constant 0 : i32
    %scan3A_821 = arith.constant 0 : i32
    %scan3A_822 = arith.constant 625 : i32
    %scan3A_823 = arith.addi %scan3A_821, %scan3A_822 : i32
    %scan3A_824 = arith.constant 1 : i32
    %scan3A_825 = scf.for %scan3A_879 = %scan3A_821 to %scan3A_823 step %scan3A_824 iter_args(%scan3A_880 = %scan3A_820) -> (i32)  : i32 {
      %mul3A_881 = arith.constant 16 : i32
      %mul3A_882 = arith.muli %scan3A_879, %mul3A_881 : i32
      %get3A = arith.index_cast %mul3A_882 : i32 to index
      %get3A_883 = tpu.vector_load %arg6[%get3A] {strides = array<i32>} : memref<10000xi32, #tpu.memory_space<vmem>>, vector<16xi32>,
      %shift_right_arithmetic3A = arith.constant 4 : i32
      %shift_right_arithmetic3A_884 = vector.broadcast %shift_right_arithmetic3A : i32 to vector<16xi32>
      %shift_right_arithmetic3A_885 = arith.shrsi %get3A_883, %shift_right_arithmetic3A_884 : vector<16xi32>
      %ge3A = arith.constant 2 : i32
      %ge3A_886 = vector.broadcast %ge3A : i32 to vector<16xi32>
      %ge3A_887 = arith.cmpi sge, %shift_right_arithmetic3A_885, %ge3A_886 : vector<16xi32>
      %jit3A_888 = arith.constant 0 : i32
      %broadcast_in_dim3A_889 = vector.broadcast %jit3A_888 : i32 to vector<16xi32>
      %select_n3A_890 = arith.select %ge3A_887, %shift_right_arithmetic3A_885, %broadcast_in_dim3A_889 : vector<16xi1>, vector<16xi32>
      %broadcast_in_dim3A_891 = arith.constant true
      %broadcast_in_dim3A_892 = vector.broadcast %broadcast_in_dim3A_891 : i1 to vector<16xi1>
      %masked_cumsum3A = tpu.scan <sum>, %select_n3A_890 masked %broadcast_in_dim3A_892 : vector<16xi32>, vector<16xi1> -> vector<16xi32>
      %sub3A_893 = arith.subi %masked_cumsum3A, %select_n3A_890 : vector<16xi32>
      %add3A_894 = vector.broadcast %scan3A_880 : i32 to vector<16xi32>
      %add3A_895 = arith.addi %add3A_894, %sub3A_893 : vector<16xi32>
      %mul3A_896 = arith.constant 16 : i32
      %mul3A_897 = vector.broadcast %mul3A_896 : i32 to vector<16xi32>
      %mul3A_898 = arith.muli %add3A_895, %mul3A_897 : vector<16xi32>
      %mul3A_899 = arith.constant 16 : i32
      %mul3A_900 = arith.muli %scan3A_879, %mul3A_899 : i32
      %swap3A = arith.index_cast %mul3A_900 : i32 to index
      %swap3A_901 = tpu.vector_load %arg7[%swap3A] {strides = array<i32>} : memref<10000xi32, #tpu.memory_space<vmem>>, vector<16xi32>,
      tpu.vector_store %arg7[%swap3A], %mul3A_898 {strides = array<i32>} : memref<10000xi32, #tpu.memory_space<vmem>>, vector<16xi32>,
      %reduce_sum3A = arith.constant true
      %reduce_sum3A_902 = vector.broadcast %reduce_sum3A : i1 to vector<16xi1>
      %reduce_sum3A_903 = tpu.scan <sum>, %select_n3A_890 masked %reduce_sum3A_902 : vector<16xi32>, vector<16xi1> -> vector<16xi32>
      %reduce_sum3A_904 = vector.extract %reduce_sum3A_903[15] : i32 from vector<16xi32>
      %add3A_905 = arith.addi %scan3A_880, %reduce_sum3A_904 : i32
      scf.yield %add3A_905 : i32
    }
    %scan3A_826 = arith.constant 625 : i32
    %min3A = arith.constant 32768 : i32
    %min3A_827 = arith.minsi %scan3A_825, %min3A : i32
    %scan3A_828 = arith.constant 0 : i32
    %scan3A_829 = arith.constant 8 : i32
    %scan3A_830 = arith.addi %scan3A_828, %scan3A_829 : i32
    %scan3A_831 = arith.constant 1 : i32
    scf.for %scan3A_879 = %scan3A_828 to %scan3A_830 step %scan3A_831  : i32 {
      %mul3A_880 = arith.constant 16 : i32
      %mul3A_881 = arith.muli %scan3A_879, %mul3A_880 : i32
      %add3A_882 = arith.constant 0 : i32
      %add3A_883 = arith.addi %add3A_882, %mul3A_881 : i32
      %broadcast_in_dim3A_884 = arith.constant 0 : i32
      %broadcast_in_dim3A_885 = vector.broadcast %broadcast_in_dim3A_884 : i32 to vector<16xi32>
      %swap3A = arith.index_cast %add3A_883 : i32 to index
      %swap3A_886 = tpu.vector_load %arg9[%swap3A] {strides = array<i32>} : memref<128xi32, #tpu.memory_space<vmem>>, vector<16xi32>,
      tpu.vector_store %arg9[%swap3A], %broadcast_in_dim3A_885 {strides = array<i32>} : memref<128xi32, #tpu.memory_space<vmem>>, vector<16xi32>,
      %broadcast_in_dim3A_887 = arith.constant 320000 : i32
      %broadcast_in_dim3A_888 = vector.broadcast %broadcast_in_dim3A_887 : i32 to vector<16xi32>
      %swap3A_889 = arith.index_cast %add3A_883 : i32 to index
      %swap3A_890 = tpu.vector_load %arg10[%swap3A_889] {strides = array<i32>} : memref<128xi32, #tpu.memory_space<vmem>>, vector<16xi32>,
      tpu.vector_store %arg10[%swap3A_889], %broadcast_in_dim3A_888 {strides = array<i32>} : memref<128xi32, #tpu.memory_space<vmem>>, vector<16xi32>,
    }
    %scan3A_832 = arith.constant 8 : i32
    %scan3A_833 = arith.constant 0 : i32
    %scan3A_834 = arith.constant 0 : i32
    %scan3A_835 = arith.constant 16 : i32
    %scan3A_836 = arith.addi %scan3A_834, %scan3A_835 : i32
    %scan3A_837 = arith.constant 1 : i32
    %scan3A_838 = scf.for %scan3A_879 = %scan3A_834 to %scan3A_836 step %scan3A_837 iter_args(%scan3A_880 = %scan3A_833) -> (i32)  : i32 {
      %mul3A_881 = arith.constant 7008 : i32
      %mul3A_882 = arith.muli %scan3A_879, %mul3A_881 : i32
      "tpu.region"() ({
        %run_scoped3A = tpu.sem_alloc : memref<!tpu.dma_semaphore, #tpu.memory_space<semaphore_mem>>
        %dma_start3A_889 = tpu.memref_slice %arg3[%mul3A_882] : memref<112128xi32, #tpu.memory_space<hbm>> -> memref<7008xi32, #tpu.memory_space<hbm>>
        %dma_start3A_890 = tpu.memref_slice %arg3[%mul3A_882] : memref<112128xi32, #tpu.memory_space<hbm>> -> memref<7008xi32, #tpu.memory_space<hbm>>
        tpu.enqueue_dma source(%dma_start3A_890 : memref<7008xi32, #tpu.memory_space<hbm>>) target(%arg5 : memref<7008xi32, #tpu.memory_space<vmem>>) target_semaphore(%run_scoped3A : memref<!tpu.dma_semaphore, #tpu.memory_space<semaphore_mem>>)
        %dma_wait3A_891 = tpu.memref_slice %arg3[%mul3A_882] : memref<112128xi32, #tpu.memory_space<hbm>> -> memref<7008xi32, #tpu.memory_space<hbm>>
        %dma_wait3A_892 = tpu.memref_slice %arg3[%mul3A_882] : memref<112128xi32, #tpu.memory_space<hbm>> -> memref<7008xi32, #tpu.memory_space<hbm>>
        tpu.wait_dma2 semaphore(%run_scoped3A : memref<!tpu.dma_semaphore, #tpu.memory_space<semaphore_mem>>) src(%dma_wait3A_892 : memref<7008xi32, #tpu.memory_space<hbm>>) dst(%arg5 : memref<7008xi32, #tpu.memory_space<vmem>>)
        tpu.yield
      }) : () -> ()
      %scan3A_883 = arith.constant 0 : i32
      %scan3A_884 = arith.constant 438 : i32
      %scan3A_885 = arith.addi %scan3A_883, %scan3A_884 : i32
      %scan3A_886 = arith.constant 1 : i32
      %scan3A_887 = scf.for %scan3A_889 = %scan3A_883 to %scan3A_885 step %scan3A_886 iter_args(%scan3A_890 = %scan3A_880) -> (i32)  : i32 {
        %mul3A_891 = arith.constant 16 : i32
        %mul3A_892 = arith.muli %scan3A_889, %mul3A_891 : i32
        %get3A = arith.index_cast %mul3A_892 : i32 to index
        %get3A_893 = tpu.vector_load %arg5[%get3A] {strides = array<i32>} : memref<7008xi32, #tpu.memory_space<vmem>>, vector<16xi32>,
        %ge3A = vector.broadcast %mul3A_2 : i32 to vector<16xi32>
        %ge3A_894 = arith.cmpi sge, %get3A_893, %ge3A : vector<16xi32>
        %add3A_895 = arith.constant 10000 : i32
        %add3A_896 = arith.addi %mul3A_2, %add3A_895 : i32
        %lt3A = vector.broadcast %add3A_896 : i32 to vector<16xi32>
        %lt3A_897 = arith.cmpi slt, %get3A_893, %lt3A : vector<16xi32>
        %and3A_898 = arith.andi %ge3A_894, %lt3A_897 : vector<16xi1>
        %sub3A_899 = vector.broadcast %mul3A_2 : i32 to vector<16xi32>
        %sub3A_900 = arith.subi %get3A_893, %sub3A_899 : vector<16xi32>
        %jit3A_901 = arith.constant 0 : i32
        %jit3A_902 = arith.constant 9999 : i32
        %max3A = vector.broadcast %jit3A_901 : i32 to vector<16xi32>
        %max3A_903 = arith.maxsi %max3A, %sub3A_900 : vector<16xi32>
        %min3A_904 = vector.broadcast %jit3A_902 : i32 to vector<16xi32>
        %min3A_905 = arith.minsi %min3A_904, %max3A_903 : vector<16xi32>
        %mul3A_906 = arith.constant 7008 : i32
        %mul3A_907 = arith.muli %scan3A_879, %mul3A_906 : i32
        %mul3A_908 = arith.constant 16 : i32
        %mul3A_909 = arith.muli %scan3A_889, %mul3A_908 : i32
        %add3A_910 = arith.addi %mul3A_907, %mul3A_909 : i32
        %add3A_911 = vector.broadcast %add3A_910 : i32 to vector<16xi32>
        %add3A_912 = arith.addi %add3A_911, %iota3A : vector<16xi32>
        %min3A_913 = arith.constant 111999 : i32
        %min3A_914 = vector.broadcast %min3A_913 : i32 to vector<16xi32>
        %min3A_915 = arith.minsi %add3A_912, %min3A_914 : vector<16xi32>
        %convert_element_type3A_916 = arith.extui %and3A_898 : vector<16xi1> to vector<16xi32>
        %reduce_sum3A = arith.constant true
        %reduce_sum3A_917 = vector.broadcast %reduce_sum3A : i1 to vector<16xi1>
        %reduce_sum3A_918 = tpu.scan <sum>, %convert_element_type3A_916 masked %reduce_sum3A_917 : vector<16xi32>, vector<16xi1> -> vector<16xi32>
        %reduce_sum3A_919 = vector.extract %reduce_sum3A_918[15] : i32 from vector<16xi32>
        %gt3A_920 = arith.constant 0 : i32
        %gt3A_921 = arith.cmpi sgt, %reduce_sum3A_919, %gt3A_920 : i32
        %convert_element_type3A_922 = arith.extui %gt3A_921 : i1 to i32
        %cond3A_923 = arith.constant 0 : i32
        %cond3A_924 = arith.cmpi ne, %convert_element_type3A_922, %cond3A_923 : i32
        %cond3A_925 = scf.if %cond3A_924 -> (i32) {
          %gather3A = tpu.vector_load_idx %arg6[%min3A_905] masked %and3A_898 : memref<10000xi32, #tpu.memory_space<vmem>>[vector<16xi32>], vector<16xi32>, vector<16xi1>
          %shift_right_arithmetic3A = arith.constant 4 : i32
          %shift_right_arithmetic3A_926 = vector.broadcast %shift_right_arithmetic3A : i32 to vector<16xi32>
          %shift_right_arithmetic3A_927 = arith.shrsi %gather3A, %shift_right_arithmetic3A_926 : vector<16xi32>
          %eq3A = arith.constant 1 : i32
          %eq3A_928 = vector.broadcast %eq3A : i32 to vector<16xi32>
          %eq3A_929 = arith.cmpi eq, %shift_right_arithmetic3A_927, %eq3A_928 : vector<16xi32>
          %and3A_930 = arith.andi %and3A_898, %eq3A_929 : vector<16xi1>
          %ge3A_931 = arith.constant 2 : i32
          %ge3A_932 = vector.broadcast %ge3A_931 : i32 to vector<16xi32>
          %ge3A_933 = arith.cmpi sge, %shift_right_arithmetic3A_927, %ge3A_932 : vector<16xi32>
          %and3A_934 = arith.andi %and3A_898, %ge3A_933 : vector<16xi1>
          %sub3A_935 = arith.constant 1 : i32
          %sub3A_936 = arith.subi %scan3A_890, %sub3A_935 : i32
          %convert_element_type3A_937 = arith.extui %and3A_930 : vector<16xi1> to vector<16xi32>
          %broadcast_in_dim3A_938 = arith.constant true
          %broadcast_in_dim3A_939 = vector.broadcast %broadcast_in_dim3A_938 : i1 to vector<16xi1>
          %masked_cumsum3A = tpu.scan <sum>, %convert_element_type3A_937 masked %broadcast_in_dim3A_939 : vector<16xi32>, vector<16xi1> -> vector<16xi32>
          %add3A_940 = vector.broadcast %sub3A_936 : i32 to vector<16xi32>
          %add3A_941 = arith.addi %add3A_940, %masked_cumsum3A : vector<16xi32>
          tpu.vector_store_idx %arg10[%add3A_941], %get3A_893 masked %and3A_930 : memref<128xi32, #tpu.memory_space<vmem>>[vector<16xi32>], vector<16xi32>, vector<16xi1>
          tpu.vector_store_idx %arg9[%add3A_941], %min3A_915 masked %and3A_930 : memref<128xi32, #tpu.memory_space<vmem>>[vector<16xi32>], vector<16xi32>, vector<16xi1>
          %convert_element_type3A_942 = arith.extui %and3A_930 : vector<16xi1> to vector<16xi32>
          %reduce_sum3A_943 = arith.constant true
          %reduce_sum3A_944 = vector.broadcast %reduce_sum3A_943 : i1 to vector<16xi1>
          %reduce_sum3A_945 = tpu.scan <sum>, %convert_element_type3A_942 masked %reduce_sum3A_944 : vector<16xi32>, vector<16xi1> -> vector<16xi32>
          %reduce_sum3A_946 = vector.extract %reduce_sum3A_945[15] : i32 from vector<16xi32>
          %add3A_947 = arith.addi %scan3A_890, %reduce_sum3A_946 : i32
          %gt3A_948 = arith.constant 112 : i32
          %gt3A_949 = arith.cmpi sgt, %add3A_947, %gt3A_948 : i32
          %convert_element_type3A_950 = arith.extui %gt3A_949 : i1 to i32
          %cond3A_951 = arith.constant 0 : i32
          %cond3A_952 = arith.cmpi ne, %convert_element_type3A_950, %cond3A_951 : i32
          scf.if %cond3A_952 {
            %dma_start3A_986 = arith.constant 0 : i32
            %dma_start3A_987 = arith.constant 0 : i32
            %dma_start3A_988 = tpu.memref_slice %arg2[%dma_start3A_986, %dma_start3A_987] : memref<112000x256xf32, #tpu.memory_space<hbm>> -> memref<112000x256xf32, #tpu.memory_space<hbm>>
            tpu.enqueue_indirect_dma source(%dma_start3A_988 : memref<112000x256xf32, #tpu.memory_space<hbm>>) target(%arg11 : memref<128x256xf32, #tpu.memory_space<vmem>>) offsets(%arg9 : memref<128xi32, #tpu.memory_space<vmem>>) semaphore(%arg13 : memref<!tpu.dma_semaphore, #tpu.memory_space<semaphore_mem>>)
            %dma_wait3A_989 = arith.constant 0 : i32
            %dma_wait3A_990 = arith.constant 0 : i32
            %dma_wait3A_991 = tpu.memref_slice %arg2[%dma_wait3A_989, %dma_wait3A_990] : memref<112000x256xf32, #tpu.memory_space<hbm>> -> memref<112000x256xf32, #tpu.memory_space<hbm>>
            tpu.wait_indirect_dma semaphore(%arg13 : memref<!tpu.dma_semaphore, #tpu.memory_space<semaphore_mem>>) src(%dma_wait3A_991 : memref<112000x256xf32, #tpu.memory_space<hbm>>) dst(%arg11 : memref<128x256xf32, #tpu.memory_space<vmem>>)
            "tpu.region"() ({
              %run_scoped3A = tpu.sem_alloc : memref<!tpu.dma_semaphore, #tpu.memory_space<semaphore_mem>>
              %dma_start3A_997 = arith.constant 0 : i32
              %dma_start3A_998 = arith.constant 0 : i32
              %dma_start3A_999 = tpu.memref_slice %arg4[%dma_start3A_997, %dma_start3A_998] : memref<320512x256xf32, #tpu.memory_space<hbm>> -> memref<320512x256xf32, #tpu.memory_space<hbm>>
              tpu.enqueue_indirect_dma source(%arg11 : memref<128x256xf32, #tpu.memory_space<vmem>>) target(%dma_start3A_999 : memref<320512x256xf32, #tpu.memory_space<hbm>>) offsets(%arg10 : memref<128xi32, #tpu.memory_space<vmem>>) semaphore(%run_scoped3A : memref<!tpu.dma_semaphore, #tpu.memory_space<semaphore_mem>>)
              %dma_wait3A_1000 = arith.constant 0 : i32
              %dma_wait3A_1001 = arith.constant 0 : i32
              %dma_wait3A_1002 = tpu.memref_slice %arg4[%dma_wait3A_1000, %dma_wait3A_1001] : memref<320512x256xf32, #tpu.memory_space<hbm>> -> memref<320512x256xf32, #tpu.memory_space<hbm>>
              tpu.wait_indirect_dma semaphore(%run_scoped3A : memref<!tpu.dma_semaphore, #tpu.memory_space<semaphore_mem>>) src(%arg11 : memref<128x256xf32, #tpu.memory_space<vmem>>) dst(%dma_wait3A_1002 : memref<320512x256xf32, #tpu.memory_space<hbm>>)
              tpu.yield
            }) : () -> ()
            %scan3A_992 = arith.constant 0 : i32
            %scan3A_993 = arith.constant 8 : i32
            %scan3A_994 = arith.addi %scan3A_992, %scan3A_993 : i32
            %scan3A_995 = arith.constant 1 : i32
            scf.for %scan3A_997 = %scan3A_992 to %scan3A_994 step %scan3A_995  : i32 {
              %mul3A_998 = arith.constant 16 : i32
              %mul3A_999 = arith.muli %scan3A_997, %mul3A_998 : i32
              %add3A_1000 = arith.constant 0 : i32
              %add3A_1001 = arith.addi %add3A_1000, %mul3A_999 : i32
              %broadcast_in_dim3A_1002 = arith.constant 0 : i32
              %broadcast_in_dim3A_1003 = vector.broadcast %broadcast_in_dim3A_1002 : i32 to vector<16xi32>
              %swap3A = arith.index_cast %add3A_1001 : i32 to index
              %swap3A_1004 = tpu.vector_load %arg9[%swap3A] {strides = array<i32>} : memref<128xi32, #tpu.memory_space<vmem>>, vector<16xi32>,
              tpu.vector_store %arg9[%swap3A], %broadcast_in_dim3A_1003 {strides = array<i32>} : memref<128xi32, #tpu.memory_space<vmem>>, vector<16xi32>,
              %broadcast_in_dim3A_1005 = arith.constant 320000 : i32
              %broadcast_in_dim3A_1006 = vector.broadcast %broadcast_in_dim3A_1005 : i32 to vector<16xi32>
              %swap3A_1007 = arith.index_cast %add3A_1001 : i32 to index
              %swap3A_1008 = tpu.vector_load %arg10[%swap3A_1007] {strides = array<i32>} : memref<128xi32, #tpu.memory_space<vmem>>, vector<16xi32>,
              tpu.vector_store %arg10[%swap3A_1007], %broadcast_in_dim3A_1006 {strides = array<i32>} : memref<128xi32, #tpu.memory_space<vmem>>, vector<16xi32>,
            }
            %scan3A_996 = arith.constant 8 : i32
          } else {
          }
          %select_n3A_953 = arith.constant 0 : i32
          %select_n3A_954 = arith.select %gt3A_949, %select_n3A_953, %add3A_947 : i32
          %gather3A_955 = tpu.vector_load_idx %arg7[%min3A_905] masked %and3A_934 : memref<10000xi32, #tpu.memory_space<vmem>>[vector<16xi32>], vector<16xi32>, vector<16xi1>
          %shift_right_arithmetic3A_956 = arith.constant 4 : i32
          %shift_right_arithmetic3A_957 = vector.broadcast %shift_right_arithmetic3A_956 : i32 to vector<16xi32>
          %shift_right_arithmetic3A_958 = arith.shrsi %gather3A_955, %shift_right_arithmetic3A_957 : vector<16xi32>
          %add3A_959 = arith.constant 1 : i32
          %add3A_960 = vector.broadcast %add3A_959 : i32 to vector<16xi32>
          %add3A_961 = arith.addi %shift_right_arithmetic3A_958, %add3A_960 : vector<16xi32>
          %mul3A_962 = arith.constant 16 : i32
          %mul3A_963 = vector.broadcast %mul3A_962 : i32 to vector<16xi32>
          %mul3A_964 = arith.muli %add3A_961, %mul3A_963 : vector<16xi32>
          %add3A_965 = arith.addi %mul3A_964, %iota3A : vector<16xi32>
          tpu.vector_store_idx %arg7[%min3A_905], %add3A_965 masked %and3A_934 : memref<10000xi32, #tpu.memory_space<vmem>>[vector<16xi32>], vector<16xi32>, vector<16xi1>
          %gather3A_966 = tpu.vector_load_idx %arg7[%min3A_905] masked %and3A_934 : memref<10000xi32, #tpu.memory_space<vmem>>[vector<16xi32>], vector<16xi32>, vector<16xi1>
          %eq3A_967 = arith.cmpi eq, %gather3A_966, %add3A_965 : vector<16xi32>
          %and3A_968 = arith.andi %and3A_934, %eq3A_967 : vector<16xi1>
          %min3A_969 = arith.constant 32767 : i32
          %min3A_970 = vector.broadcast %min3A_969 : i32 to vector<16xi32>
          %min3A_971 = arith.minsi %shift_right_arithmetic3A_958, %min3A_970 : vector<16xi32>
          %shift_left3A = arith.constant 14 : i32
          %shift_left3A_972 = vector.broadcast %shift_left3A : i32 to vector<16xi32>
          %shift_left3A_973 = arith.shli %min3A_915, %shift_left3A_972 : vector<16xi32>
          %or3A = arith.ori %min3A_905, %shift_left3A_973 : vector<16xi32>
          tpu.vector_store_idx %arg8[%min3A_971], %or3A masked %and3A_968 : memref<32784xi32, #tpu.memory_space<vmem>>[vector<16xi32>], vector<16xi32>, vector<16xi1>
          %not3A = arith.constant dense<true> : vector<16xi1>
          %not3A_974 = arith.xori %and3A_968, %not3A : vector<16xi1>
          %and3A_975 = arith.andi %and3A_934, %not3A_974 : vector<16xi1>
          %convert_element_type3A_976 = arith.extui %and3A_975 : vector<16xi1> to vector<16xi32>
          %reduce_sum3A_977 = arith.constant true
          %reduce_sum3A_978 = vector.broadcast %reduce_sum3A_977 : i1 to vector<16xi1>
          %reduce_sum3A_979 = tpu.scan <sum>, %convert_element_type3A_976 masked %reduce_sum3A_978 : vector<16xi32>, vector<16xi1> -> vector<16xi32>
          %reduce_sum3A_980 = vector.extract %reduce_sum3A_979[15] : i32 from vector<16xi32>
          %gt3A_981 = arith.constant 0 : i32
          %gt3A_982 = arith.cmpi sgt, %reduce_sum3A_980, %gt3A_981 : i32
          %convert_element_type3A_983 = arith.extui %gt3A_982 : i1 to i32
          %cond3A_984 = arith.constant 0 : i32
          %cond3A_985 = arith.cmpi ne, %convert_element_type3A_983, %cond3A_984 : i32
          scf.if %cond3A_985 {
            %convert_element_type3A_986 = arith.extui %and3A_975 : vector<16xi1> to vector<16xi32>
            %while3A_987 = scf.while (%while3A_988 = %convert_element_type3A_986) : (vector<16xi32>) -> vector<16xi32> {
              %reduce_sum3A_989 = arith.constant true
              %reduce_sum3A_990 = vector.broadcast %reduce_sum3A_989 : i1 to vector<16xi1>
              %reduce_sum3A_991 = tpu.scan <sum>, %while3A_988 masked %reduce_sum3A_990 : vector<16xi32>, vector<16xi1> -> vector<16xi32>
              %reduce_sum3A_992 = vector.extract %reduce_sum3A_991[15] : i32 from vector<16xi32>
              %gt3A_993 = arith.constant 0 : i32
              %gt3A_994 = arith.cmpi sgt, %reduce_sum3A_992, %gt3A_993 : i32
              scf.condition(%gt3A_994) %while3A_988 : vector<16xi32>
            } do {
            ^bb0(%while3A_988: vector<16xi32>):
              %gt3A_989 = arith.constant 0 : i32
              %gt3A_990 = vector.broadcast %gt3A_989 : i32 to vector<16xi32>
              %gt3A_991 = arith.cmpi sgt, %while3A_988, %gt3A_990 : vector<16xi32>
              %gather3A_992 = tpu.vector_load_idx %arg7[%min3A_905] masked %gt3A_991 : memref<10000xi32, #tpu.memory_space<vmem>>[vector<16xi32>], vector<16xi32>, vector<16xi1>
              %shift_right_arithmetic3A_993 = arith.constant 4 : i32
              %shift_right_arithmetic3A_994 = vector.broadcast %shift_right_arithmetic3A_993 : i32 to vector<16xi32>
              %shift_right_arithmetic3A_995 = arith.shrsi %gather3A_992, %shift_right_arithmetic3A_994 : vector<16xi32>
              %add3A_996 = arith.constant 1 : i32
              %add3A_997 = vector.broadcast %add3A_996 : i32 to vector<16xi32>
              %add3A_998 = arith.addi %shift_right_arithmetic3A_995, %add3A_997 : vector<16xi32>
              %mul3A_999 = arith.constant 16 : i32
              %mul3A_1000 = vector.broadcast %mul3A_999 : i32 to vector<16xi32>
              %mul3A_1001 = arith.muli %add3A_998, %mul3A_1000 : vector<16xi32>
              %add3A_1002 = arith.addi %mul3A_1001, %iota3A : vector<16xi32>
              tpu.vector_store_idx %arg7[%min3A_905], %add3A_1002 masked %gt3A_991 : memref<10000xi32, #tpu.memory_space<vmem>>[vector<16xi32>], vector<16xi32>, vector<16xi1>
              %gather3A_1003 = tpu.vector_load_idx %arg7[%min3A_905] masked %gt3A_991 : memref<10000xi32, #tpu.memory_space<vmem>>[vector<16xi32>], vector<16xi32>, vector<16xi1>
              %eq3A_1004 = arith.cmpi eq, %gather3A_1003, %add3A_1002 : vector<16xi32>
              %and3A_1005 = arith.andi %gt3A_991, %eq3A_1004 : vector<16xi1>
              %min3A_1006 = arith.constant 32767 : i32
              %min3A_1007 = vector.broadcast %min3A_1006 : i32 to vector<16xi32>
              %min3A_1008 = arith.minsi %shift_right_arithmetic3A_995, %min3A_1007 : vector<16xi32>
              %shift_left3A_1009 = arith.constant 14 : i32
              %shift_left3A_1010 = vector.broadcast %shift_left3A_1009 : i32 to vector<16xi32>
              %shift_left3A_1011 = arith.shli %min3A_915, %shift_left3A_1010 : vector<16xi32>
              %or3A_1012 = arith.ori %min3A_905, %shift_left3A_1011 : vector<16xi32>
              tpu.vector_store_idx %arg8[%min3A_1008], %or3A_1012 masked %and3A_1005 : memref<32784xi32, #tpu.memory_space<vmem>>[vector<16xi32>], vector<16xi32>, vector<16xi1>
              %not3A_1013 = arith.constant dense<true> : vector<16xi1>
              %not3A_1014 = arith.xori %and3A_1005, %not3A_1013 : vector<16xi1>
              %and3A_1015 = arith.andi %gt3A_991, %not3A_1014 : vector<16xi1>
              %convert_element_type3A_1016 = arith.extui %and3A_1015 : vector<16xi1> to vector<16xi32>
              scf.yield %convert_element_type3A_1016 : vector<16xi32>
            }
          } else {
          }
          scf.yield %select_n3A_954 : i32
        } else {
          scf.yield %scan3A_890 : i32
        }
        scf.yield %cond3A_925 : i32
      }
      %scan3A_888 = arith.constant 438 : i32
      scf.yield %scan3A_887 : i32
    }
    %scan3A_839 = arith.constant 16 : i32
    %gt3A = arith.constant 0 : i32
    %gt3A_840 = arith.cmpi sgt, %scan3A_838, %gt3A : i32
    %convert_element_type3A = arith.extui %gt3A_840 : i1 to i32
    %cond3A = arith.constant 0 : i32
    %cond3A_841 = arith.cmpi ne, %convert_element_type3A, %cond3A : i32
    scf.if %cond3A_841 {
      %dma_start3A_879 = arith.constant 0 : i32
      %dma_start3A_880 = arith.constant 0 : i32
      %dma_start3A_881 = tpu.memref_slice %arg2[%dma_start3A_879, %dma_start3A_880] : memref<112000x256xf32, #tpu.memory_space<hbm>> -> memref<112000x256xf32, #tpu.memory_space<hbm>>
      tpu.enqueue_indirect_dma source(%dma_start3A_881 : memref<112000x256xf32, #tpu.memory_space<hbm>>) target(%arg11 : memref<128x256xf32, #tpu.memory_space<vmem>>) offsets(%arg9 : memref<128xi32, #tpu.memory_space<vmem>>) semaphore(%arg13 : memref<!tpu.dma_semaphore, #tpu.memory_space<semaphore_mem>>)
      %dma_wait3A_882 = arith.constant 0 : i32
      %dma_wait3A_883 = arith.constant 0 : i32
      %dma_wait3A_884 = tpu.memref_slice %arg2[%dma_wait3A_882, %dma_wait3A_883] : memref<112000x256xf32, #tpu.memory_space<hbm>> -> memref<112000x256xf32, #tpu.memory_space<hbm>>
      tpu.wait_indirect_dma semaphore(%arg13 : memref<!tpu.dma_semaphore, #tpu.memory_space<semaphore_mem>>) src(%dma_wait3A_884 : memref<112000x256xf32, #tpu.memory_space<hbm>>) dst(%arg11 : memref<128x256xf32, #tpu.memory_space<vmem>>)
      "tpu.region"() ({
        %run_scoped3A = tpu.sem_alloc : memref<!tpu.dma_semaphore, #tpu.memory_space<semaphore_mem>>
        %dma_start3A_890 = arith.constant 0 : i32
        %dma_start3A_891 = arith.constant 0 : i32
        %dma_start3A_892 = tpu.memref_slice %arg4[%dma_start3A_890, %dma_start3A_891] : memref<320512x256xf32, #tpu.memory_space<hbm>> -> memref<320512x256xf32, #tpu.memory_space<hbm>>
        tpu.enqueue_indirect_dma source(%arg11 : memref<128x256xf32, #tpu.memory_space<vmem>>) target(%dma_start3A_892 : memref<320512x256xf32, #tpu.memory_space<hbm>>) offsets(%arg10 : memref<128xi32, #tpu.memory_space<vmem>>) semaphore(%run_scoped3A : memref<!tpu.dma_semaphore, #tpu.memory_space<semaphore_mem>>)
        %dma_wait3A_893 = arith.constant 0 : i32
        %dma_wait3A_894 = arith.constant 0 : i32
        %dma_wait3A_895 = tpu.memref_slice %arg4[%dma_wait3A_893, %dma_wait3A_894] : memref<320512x256xf32, #tpu.memory_space<hbm>> -> memref<320512x256xf32, #tpu.memory_space<hbm>>
        tpu.wait_indirect_dma semaphore(%run_scoped3A : memref<!tpu.dma_semaphore, #tpu.memory_space<semaphore_mem>>) src(%arg11 : memref<128x256xf32, #tpu.memory_space<vmem>>) dst(%dma_wait3A_895 : memref<320512x256xf32, #tpu.memory_space<hbm>>)
        tpu.yield
      }) : () -> ()
      %scan3A_885 = arith.constant 0 : i32
      %scan3A_886 = arith.constant 8 : i32
      %scan3A_887 = arith.addi %scan3A_885, %scan3A_886 : i32
      %scan3A_888 = arith.constant 1 : i32
      scf.for %scan3A_890 = %scan3A_885 to %scan3A_887 step %scan3A_888  : i32 {
        %mul3A_891 = arith.constant 16 : i32
        %mul3A_892 = arith.muli %scan3A_890, %mul3A_891 : i32
        %add3A_893 = arith.constant 0 : i32
        %add3A_894 = arith.addi %add3A_893, %mul3A_892 : i32
        %broadcast_in_dim3A_895 = arith.constant 0 : i32
        %broadcast_in_dim3A_896 = vector.broadcast %broadcast_in_dim3A_895 : i32 to vector<16xi32>
        %swap3A = arith.index_cast %add3A_894 : i32 to index
        %swap3A_897 = tpu.vector_load %arg9[%swap3A] {strides = array<i32>} : memref<128xi32, #tpu.memory_space<vmem>>, vector<16xi32>,
        tpu.vector_store %arg9[%swap3A], %broadcast_in_dim3A_896 {strides = array<i32>} : memref<128xi32, #tpu.memory_space<vmem>>, vector<16xi32>,
        %broadcast_in_dim3A_898 = arith.constant 320000 : i32
        %broadcast_in_dim3A_899 = vector.broadcast %broadcast_in_dim3A_898 : i32 to vector<16xi32>
        %swap3A_900 = arith.index_cast %add3A_894 : i32 to index
        %swap3A_901 = tpu.vector_load %arg10[%swap3A_900] {strides = array<i32>} : memref<128xi32, #tpu.memory_space<vmem>>, vector<16xi32>,
        tpu.vector_store %arg10[%swap3A_900], %broadcast_in_dim3A_899 {strides = array<i32>} : memref<128xi32, #tpu.memory_space<vmem>>, vector<16xi32>,
      }
      %scan3A_889 = arith.constant 8 : i32
    } else {
    }
    %scan3A_842 = arith.constant 0 : i32
    %scan3A_843 = arith.constant 2049 : i32
    %scan3A_844 = arith.addi %scan3A_842, %scan3A_843 : i32
    %scan3A_845 = arith.constant 1 : i32
    scf.for %scan3A_879 = %scan3A_842 to %scan3A_844 step %scan3A_845  : i32 {
      %mul3A_880 = arith.constant 1 : i32
      %mul3A_881 = arith.muli %scan3A_879, %mul3A_880 : i32
      %add3A_882 = arith.constant 0 : i32
      %add3A_883 = arith.addi %add3A_882, %mul3A_881 : i32
      %mul3A_884 = arith.constant 16 : i32
      %mul3A_885 = arith.muli %add3A_883, %mul3A_884 : i32
      %add3A_886 = arith.constant 16 : i32
      %add3A_887 = arith.addi %mul3A_885, %add3A_886 : i32
      %gt3A_888 = arith.cmpi sgt, %add3A_887, %min3A_827 : i32
      %convert_element_type3A_889 = arith.extui %gt3A_888 : i1 to i32
      %cond3A_890 = arith.constant 0 : i32
      %cond3A_891 = arith.cmpi ne, %convert_element_type3A_889, %cond3A_890 : i32
      scf.if %cond3A_891 {
        %mul3A_892 = arith.constant 16 : i32
        %mul3A_893 = arith.muli %add3A_883, %mul3A_892 : i32
        %get3A = arith.index_cast %mul3A_893 : i32 to index
        %get3A_894 = tpu.vector_load %arg8[%get3A] {strides = array<i32>} : memref<32784xi32, #tpu.memory_space<vmem>>, vector<16xi32>,
        %mul3A_895 = arith.constant 16 : i32
        %mul3A_896 = arith.muli %add3A_883, %mul3A_895 : i32
        %add3A_897 = vector.broadcast %mul3A_896 : i32 to vector<16xi32>
        %add3A_898 = arith.addi %add3A_897, %iota3A : vector<16xi32>
        %lt3A = vector.broadcast %min3A_827 : i32 to vector<16xi32>
        %lt3A_899 = arith.cmpi slt, %add3A_898, %lt3A : vector<16xi32>
        %jit3A_900 = arith.constant 16383 : i32
        %broadcast_in_dim3A_901 = vector.broadcast %jit3A_900 : i32 to vector<16xi32>
        %select_n3A_902 = arith.select %lt3A_899, %get3A_894, %broadcast_in_dim3A_901 : vector<16xi1>, vector<16xi32>
        %mul3A_903 = arith.constant 16 : i32
        %mul3A_904 = arith.muli %add3A_883, %mul3A_903 : i32
        %swap3A = arith.index_cast %mul3A_904 : i32 to index
        %swap3A_905 = tpu.vector_load %arg8[%swap3A] {strides = array<i32>} : memref<32784xi32, #tpu.memory_space<vmem>>, vector<16xi32>,
        tpu.vector_store %arg8[%swap3A], %select_n3A_902 {strides = array<i32>} : memref<32784xi32, #tpu.memory_space<vmem>>, vector<16xi32>,
      } else {
      }
    }
    %scan3A_846 = arith.constant 2049 : i32
    %add3A_847 = arith.constant 128 : i32
    %add3A_848 = arith.addi %min3A_827, %add3A_847 : i32
    %sub3A_849 = arith.constant 1 : i32
    %sub3A_850 = arith.subi %add3A_848, %sub3A_849 : i32
    %jit3A = arith.constant 128 : i32
    %div3A = arith.divsi %sub3A_850, %jit3A : i32
    %sign3A = arith.constant 0 : i32
    %sign3A_851 = arith.cmpi sgt, %sub3A_850, %sign3A : i32
    %sign3A_852 = arith.extui %sign3A_851 : i1 to i32
    %sign3A_853 = arith.constant 0 : i32
    %sign3A_854 = arith.cmpi slt, %sub3A_850, %sign3A_853 : i32
    %sign3A_855 = arith.extui %sign3A_854 : i1 to i32
    %sign3A_856 = arith.subi %sign3A_852, %sign3A_855 : i32
    %sign3A_857 = arith.constant 0 : i32
    %sign3A_858 = arith.cmpi sgt, %jit3A, %sign3A_857 : i32
    %sign3A_859 = arith.extui %sign3A_858 : i1 to i32
    %sign3A_860 = arith.constant 0 : i32
    %sign3A_861 = arith.cmpi slt, %jit3A, %sign3A_860 : i32
    %sign3A_862 = arith.extui %sign3A_861 : i1 to i32
    %sign3A_863 = arith.subi %sign3A_859, %sign3A_862 : i32
    %ne3A = arith.cmpi ne, %sign3A_856, %sign3A_863 : i32
    %rem3A = arith.remsi %sub3A_850, %jit3A : i32
    %ne3A_864 = arith.constant 0 : i32
    %ne3A_865 = arith.cmpi ne, %rem3A, %ne3A_864 : i32
    %and3A = arith.andi %ne3A, %ne3A_865 : i1
    %sub3A_866 = arith.constant 1 : i32
    %sub3A_867 = arith.subi %div3A, %sub3A_866 : i32
    %select_n3A = arith.select %and3A, %sub3A_867, %div3A : i32
    %broadcast_in_dim3A = arith.constant 16383 : i32
    %broadcast_in_dim3A_868 = vector.broadcast %broadcast_in_dim3A : i32 to vector<16xi32>
    %while3A = arith.constant 0 : i32
    %while3A_869 = arith.subi %select_n3A, %while3A : i32
    %while3A_870 = arith.addi %while3A, %while3A_869 : i32
    %while3A_871 = arith.constant 1 : i32
    %while3A_872 = arith.divsi %while3A_869, %while3A_871 : i32
    %while3A_873 = arith.muli %while3A_872, %while3A_871 : i32
    %while3A_874 = arith.addi %while3A, %while3A_873 : i32
    %while3A_875 = arith.constant 1 : i32
    %while3A_876 = scf.for %while3A_879 = %while3A to %while3A_874 step %while3A_875 iter_args(%while3A_880 = %broadcast_in_dim3A_868) -> (vector<16xi32>)  : i32 {
      %mul3A_881 = arith.constant 128 : i32
      %mul3A_882 = arith.muli %while3A_879, %mul3A_881 : i32
      %scan3A_883 = arith.constant 0 : i32
      %scan3A_884 = arith.constant 8 : i32
      %scan3A_885 = arith.addi %scan3A_883, %scan3A_884 : i32
      %scan3A_886 = arith.constant 1 : i32
      scf.for %scan3A_911 = %scan3A_883 to %scan3A_885 step %scan3A_886  : i32 {
        %mul3A_912 = arith.constant 1 : i32
        %mul3A_913 = arith.muli %scan3A_911, %mul3A_912 : i32
        %add3A_914 = arith.constant 0 : i32
        %add3A_915 = arith.addi %add3A_914, %mul3A_913 : i32
        %mul3A_916 = arith.constant 16 : i32
        %mul3A_917 = arith.muli %add3A_915, %mul3A_916 : i32
        %add3A_918 = arith.addi %mul3A_882, %mul3A_917 : i32
        %get3A = arith.index_cast %add3A_918 : i32 to index
        %get3A_919 = tpu.vector_load %arg8[%get3A] {strides = array<i32>} : memref<32784xi32, #tpu.memory_space<vmem>>, vector<16xi32>,
        %eq3A = arith.constant 16383 : i32
        %eq3A_920 = vector.broadcast %eq3A : i32 to vector<16xi32>
        %eq3A_921 = arith.cmpi eq, %get3A_919, %eq3A_920 : vector<16xi32>
        %shift_right_arithmetic3A = arith.constant 14 : i32
        %shift_right_arithmetic3A_922 = vector.broadcast %shift_right_arithmetic3A : i32 to vector<16xi32>
        %shift_right_arithmetic3A_923 = arith.shrsi %get3A_919, %shift_right_arithmetic3A_922 : vector<16xi32>
        %jit3A_924 = arith.constant 0 : i32
        %broadcast_in_dim3A_925 = vector.broadcast %jit3A_924 : i32 to vector<16xi32>
        %select_n3A_926 = arith.select %eq3A_921, %broadcast_in_dim3A_925, %shift_right_arithmetic3A_923 : vector<16xi1>, vector<16xi32>
        %mul3A_927 = arith.constant 16 : i32
        %mul3A_928 = arith.muli %add3A_915, %mul3A_927 : i32
        %swap3A = arith.index_cast %mul3A_928 : i32 to index
        %swap3A_929 = tpu.vector_load %arg9[%swap3A] {strides = array<i32>} : memref<128xi32, #tpu.memory_space<vmem>>, vector<16xi32>,
        tpu.vector_store %arg9[%swap3A], %select_n3A_926 {strides = array<i32>} : memref<128xi32, #tpu.memory_space<vmem>>, vector<16xi32>,
      }
      %scan3A_887 = arith.constant 8 : i32
      %dma_start3A_888 = arith.constant 0 : i32
      %dma_start3A_889 = arith.constant 0 : i32
      %dma_start3A_890 = tpu.memref_slice %arg2[%dma_start3A_888, %dma_start3A_889] : memref<112000x256xf32, #tpu.memory_space<hbm>> -> memref<112000x256xf32, #tpu.memory_space<hbm>>
      tpu.enqueue_indirect_dma source(%dma_start3A_890 : memref<112000x256xf32, #tpu.memory_space<hbm>>) target(%arg11 : memref<128x256xf32, #tpu.memory_space<vmem>>) offsets(%arg9 : memref<128xi32, #tpu.memory_space<vmem>>) semaphore(%arg13 : memref<!tpu.dma_semaphore, #tpu.memory_space<semaphore_mem>>)
      %dma_wait3A_891 = arith.constant 0 : i32
      %dma_wait3A_892 = arith.constant 0 : i32
      %dma_wait3A_893 = tpu.memref_slice %arg2[%dma_wait3A_891, %dma_wait3A_892] : memref<112000x256xf32, #tpu.memory_space<hbm>> -> memref<112000x256xf32, #tpu.memory_space<hbm>>
      tpu.wait_indirect_dma semaphore(%arg13 : memref<!tpu.dma_semaphore, #tpu.memory_space<semaphore_mem>>) src(%dma_wait3A_893 : memref<112000x256xf32, #tpu.memory_space<hbm>>) dst(%arg11 : memref<128x256xf32, #tpu.memory_space<vmem>>)
      %broadcast_in_dim3A_894 = arith.constant 16383 : i32
      %broadcast_in_dim3A_895 = vector.broadcast %broadcast_in_dim3A_894 : i32 to vector<16xi32>
      %scan3A_896 = arith.constant 0 : i32
      %scan3A_897 = arith.constant 8 : i32
      %scan3A_898 = arith.addi %scan3A_896, %scan3A_897 : i32
      %scan3A_899 = arith.constant 1 : i32
      %scan3A_900 = scf.for %scan3A_911 = %scan3A_896 to %scan3A_898 step %scan3A_899 iter_args(%scan3A_912 = %broadcast_in_dim3A_895) -> (vector<16xi32>)  : i32 {
        %mul3A_913 = arith.constant 16 : i32
        %mul3A_914 = arith.muli %scan3A_911, %mul3A_913 : i32
        %add3A_915 = arith.addi %mul3A_882, %mul3A_914 : i32
        %get3A = arith.index_cast %add3A_915 : i32 to index
        %get3A_916 = tpu.vector_load %arg8[%get3A] {strides = array<i32>} : memref<32784xi32, #tpu.memory_space<vmem>>, vector<16xi32>,
        %eq3A = arith.constant 16383 : i32
        %eq3A_917 = vector.broadcast %eq3A : i32 to vector<16xi32>
        %eq3A_918 = arith.cmpi eq, %get3A_916, %eq3A_917 : vector<16xi32>
        %and3A_919 = arith.constant 16383 : i32
        %and3A_920 = vector.broadcast %and3A_919 : i32 to vector<16xi32>
        %and3A_921 = arith.andi %get3A_916, %and3A_920 : vector<16xi32>
        %jit3A_922 = arith.constant 16383 : i32
        %broadcast_in_dim3A_923 = vector.broadcast %jit3A_922 : i32 to vector<16xi32>
        %select_n3A_924 = arith.select %eq3A_918, %broadcast_in_dim3A_923, %and3A_921 : vector<16xi1>, vector<16xi32>
        %mul3A_925 = arith.constant 16 : i32
        %mul3A_926 = arith.muli %scan3A_911, %mul3A_925 : i32
        %add3A_927 = arith.addi %mul3A_882, %mul3A_926 : i32
        %add3A_928 = arith.constant 16 : i32
        %add3A_929 = arith.addi %add3A_927, %add3A_928 : i32
        %get3A_930 = arith.index_cast %add3A_929 : i32 to index
        %get3A_931 = tpu.vector_load %arg8[%get3A_930] {strides = array<i32>} : memref<32784xi32, #tpu.memory_space<vmem>>, vector<16xi32>,
        %broadcast_in_dim3A_932 = arith.constant 0 : i32
        %broadcast_in_dim3A_933 = vector.broadcast %broadcast_in_dim3A_932 : i32 to vector<16xi32>
        %lt3A = arith.constant 0 : i32
        %lt3A_934 = vector.broadcast %lt3A : i32 to vector<16xi32>
        %lt3A_935 = arith.cmpi slt, %broadcast_in_dim3A_933, %lt3A_934 : vector<16xi32>
        %add3A_936 = arith.constant 16 : i32
        %add3A_937 = vector.broadcast %add3A_936 : i32 to vector<16xi32>
        %add3A_938 = arith.addi %broadcast_in_dim3A_933, %add3A_937 : vector<16xi32>
        %select_n3A_939 = arith.select %lt3A_935, %add3A_938, %broadcast_in_dim3A_933 : vector<16xi1>, vector<16xi32>
        %broadcast_in_dim3A_940 = vector.shape_cast %select_n3A_939 : vector<16xi32> to vector<16x1xi32>
        %gather3A = vector.shape_cast %broadcast_in_dim3A_940 : vector<16x1xi32> to vector<16xi32>
        %gather3A_941 = tpu.dynamic_gather %get3A_931[%gather3A] in [0] : vector<16xi32>, vector<16xi32> -> vector<16xi32>
        %eq3A_942 = arith.constant 16383 : i32
        %eq3A_943 = vector.broadcast %eq3A_942 : i32 to vector<16xi32>
        %eq3A_944 = arith.cmpi eq, %gather3A_941, %eq3A_943 : vector<16xi32>
        %and3A_945 = arith.constant 16383 : i32
        %and3A_946 = vector.broadcast %and3A_945 : i32 to vector<16xi32>
        %and3A_947 = arith.andi %gather3A_941, %and3A_946 : vector<16xi32>
        %jit3A_948 = arith.constant 16383 : i32
        %broadcast_in_dim3A_949 = vector.broadcast %jit3A_948 : i32 to vector<16xi32>
        %select_n3A_950 = arith.select %eq3A_944, %broadcast_in_dim3A_949, %and3A_947 : vector<16xi1>, vector<16xi32>
        %sub3A_951 = arith.constant 1 : i32
        %sub3A_952 = vector.broadcast %sub3A_951 : i32 to vector<16xi32>
        %sub3A_953 = arith.subi %iota3A, %sub3A_952 : vector<16xi32>
        %max3A = arith.constant 0 : i32
        %max3A_954 = vector.broadcast %max3A : i32 to vector<16xi32>
        %max3A_955 = arith.maxsi %sub3A_953, %max3A_954 : vector<16xi32>
        %lt3A_956 = arith.constant 0 : i32
        %lt3A_957 = vector.broadcast %lt3A_956 : i32 to vector<16xi32>
        %lt3A_958 = arith.cmpi slt, %max3A_955, %lt3A_957 : vector<16xi32>
        %add3A_959 = arith.constant 16 : i32
        %add3A_960 = vector.broadcast %add3A_959 : i32 to vector<16xi32>
        %add3A_961 = arith.addi %max3A_955, %add3A_960 : vector<16xi32>
        %select_n3A_962 = arith.select %lt3A_958, %add3A_961, %max3A_955 : vector<16xi1>, vector<16xi32>
        %broadcast_in_dim3A_963 = vector.shape_cast %select_n3A_962 : vector<16xi32> to vector<16x1xi32>
        %gather3A_964 = vector.shape_cast %broadcast_in_dim3A_963 : vector<16x1xi32> to vector<16xi32>
        %gather3A_965 = tpu.dynamic_gather %select_n3A_924[%gather3A_964] in [0] : vector<16xi32>, vector<16xi32> -> vector<16xi32>
        %eq3A_966 = arith.constant 0 : i32
        %eq3A_967 = vector.broadcast %eq3A_966 : i32 to vector<16xi32>
        %eq3A_968 = arith.cmpi eq, %iota3A, %eq3A_967 : vector<16xi32>
        %select_n3A_969 = arith.select %eq3A_968, %scan3A_912, %gather3A_965 : vector<16xi1>, vector<16xi32>
        %eq3A_970 = arith.cmpi eq, %select_n3A_924, %select_n3A_969 : vector<16xi32>
        %ne3A_971 = arith.constant 16383 : i32
        %ne3A_972 = vector.broadcast %ne3A_971 : i32 to vector<16xi32>
        %ne3A_973 = arith.cmpi ne, %select_n3A_924, %ne3A_972 : vector<16xi32>
        %and3A_974 = arith.andi %eq3A_970, %ne3A_973 : vector<16xi1>
        %eq3A_975 = arith.constant 0 : i32
        %eq3A_976 = arith.cmpi eq, %scan3A_911, %eq3A_975 : i32
        %convert_element_type3A_977 = arith.extui %eq3A_976 : i1 to i32
        %cond3A_978 = arith.constant 0 : i32
        %cond3A_979 = arith.cmpi ne, %convert_element_type3A_977, %cond3A_978 : i32
        scf.if %cond3A_979 {
          %eq3A_1055 = arith.constant 0 : i32
          %eq3A_1056 = vector.broadcast %eq3A_1055 : i32 to vector<16xi32>
          %eq3A_1057 = arith.cmpi eq, %iota3A, %eq3A_1056 : vector<16xi32>
          %eq3A_1058 = arith.cmpi eq, %select_n3A_924, %while3A_880 : vector<16xi32>
          %and3A_1059 = arith.andi %eq3A_1057, %eq3A_1058 : vector<16xi1>
          %convert_element_type3A_1060 = arith.extui %and3A_1059 : vector<16xi1> to vector<16xi32>
          %reduce_sum3A_1061 = arith.constant true
          %reduce_sum3A_1062 = vector.broadcast %reduce_sum3A_1061 : i1 to vector<16xi1>
          %reduce_sum3A_1063 = tpu.scan <sum>, %convert_element_type3A_1060 masked %reduce_sum3A_1062 : vector<16xi32>, vector<16xi1> -> vector<16xi32>
          %reduce_sum3A_1064 = vector.extract %reduce_sum3A_1063[15] : i32 from vector<16xi32>
          %gt3A_1065 = arith.constant 0 : i32
          %gt3A_1066 = arith.cmpi sgt, %reduce_sum3A_1064, %gt3A_1065 : i32
          %convert_element_type3A_1067 = arith.extui %gt3A_1066 : i1 to i32
          %cond3A_1068 = arith.constant 0 : i32
          %cond3A_1069 = arith.cmpi ne, %convert_element_type3A_1067, %cond3A_1068 : i32
          scf.if %cond3A_1069 {
            %broadcast_in_dim3A_1070 = arith.constant 0 : i32
            %broadcast_in_dim3A_1071 = vector.broadcast %broadcast_in_dim3A_1070 : i32 to vector<16xi32>
            %scan3A_1072 = arith.constant 0 : i32
            %scan3A_1073 = arith.constant 16 : i32
            %scan3A_1074 = arith.addi %scan3A_1072, %scan3A_1073 : i32
            %scan3A_1075 = arith.constant 1 : i32
            scf.for %scan3A_1077 = %scan3A_1072 to %scan3A_1074 step %scan3A_1075  : i32 {
              %mul3A_1078 = arith.constant 16 : i32
              %mul3A_1079 = arith.muli %scan3A_1077, %mul3A_1078 : i32
              %add3A_1080 = arith.constant 0 : i32
              %add3A_1081 = arith.addi %add3A_1080, %mul3A_1079 : i32
              %add3A_1082 = vector.broadcast %add3A_1081 : i32 to vector<16xi32>
              %add3A_1083 = arith.addi %add3A_1082, %iota3A : vector<16xi32>
              %gather3A_1084 = tpu.vector_load_idx %arg11[%broadcast_in_dim3A_1071, %add3A_1083] : memref<128x256xf32, #tpu.memory_space<vmem>>[vector<16xi32>, vector<16xi32>], vector<16xf32>,
              %add3A_1085 = vector.broadcast %add3A_1081 : i32 to vector<16xi32>
              %add3A_1086 = arith.addi %add3A_1085, %iota3A : vector<16xi32>
              %gather3A_1087 = tpu.vector_load_idx %arg12[%broadcast_in_dim3A_1071, %add3A_1086] : memref<8x256xf32, #tpu.memory_space<vmem>>[vector<16xi32>, vector<16xi32>], vector<16xf32>,
              %add3A_1088 = vector.broadcast %add3A_1081 : i32 to vector<16xi32>
              %add3A_1089 = arith.addi %add3A_1088, %iota3A : vector<16xi32>
              %add3A_1090 = arith.addf %gather3A_1084, %gather3A_1087 : vector<16xf32>
              tpu.vector_store_idx %arg11[%broadcast_in_dim3A_1071, %add3A_1089], %add3A_1090 : memref<128x256xf32, #tpu.memory_space<vmem>>[vector<16xi32>, vector<16xi32>], vector<16xf32>,
            }
            %scan3A_1076 = arith.constant 16 : i32
          } else {
          }
        } else {
        }
        %eq3A_980 = arith.constant 0 : i32
        %eq3A_981 = arith.cmpi eq, %scan3A_911, %eq3A_980 : i32
        %eq3A_982 = arith.constant 0 : i32
        %eq3A_983 = vector.broadcast %eq3A_982 : i32 to vector<16xi32>
        %eq3A_984 = arith.cmpi eq, %iota3A, %eq3A_983 : vector<16xi32>
        %and3A_985 = vector.broadcast %eq3A_981 : i1 to vector<16xi1>
        %and3A_986 = arith.andi %and3A_985, %eq3A_984 : vector<16xi1>
        %jit3A_987 = arith.constant false
        %broadcast_in_dim3A_988 = vector.broadcast %jit3A_987 : i1 to vector<16xi1>
        %select_n3A_989 = arith.select %and3A_986, %broadcast_in_dim3A_988, %and3A_974 : vector<16xi1>, vector<16xi1>
        %convert_element_type3A_990 = arith.extui %select_n3A_989 : vector<16xi1> to vector<16xi32>
        %reduce_sum3A = arith.constant true
        %reduce_sum3A_991 = vector.broadcast %reduce_sum3A : i1 to vector<16xi1>
        %reduce_sum3A_992 = tpu.scan <sum>, %convert_element_type3A_990 masked %reduce_sum3A_991 : vector<16xi32>, vector<16xi1> -> vector<16xi32>
        %reduce_sum3A_993 = vector.extract %reduce_sum3A_992[15] : i32 from vector<16xi32>
        %gt3A_994 = arith.constant 0 : i32
        %gt3A_995 = arith.cmpi sgt, %reduce_sum3A_993, %gt3A_994 : i32
        %convert_element_type3A_996 = arith.extui %select_n3A_989 : vector<16xi1> to vector<16xi32>
        %convert_element_type3A_997 = arith.extui %gt3A_995 : i1 to i32
        %cond3A_998 = arith.constant 0 : i32
        %cond3A_999 = arith.cmpi ne, %convert_element_type3A_997, %cond3A_998 : i32
        %cond3A_1000 = scf.if %cond3A_999 -> (vector<16xi32>) {
          %while3A_1055 = scf.while (%while3A_1056 = %convert_element_type3A_996) : (vector<16xi32>) -> vector<16xi32> {
            %reduce_sum3A_1057 = arith.constant true
            %reduce_sum3A_1058 = vector.broadcast %reduce_sum3A_1057 : i1 to vector<16xi1>
            %reduce_sum3A_1059 = tpu.scan <sum>, %while3A_1056 masked %reduce_sum3A_1058 : vector<16xi32>, vector<16xi1> -> vector<16xi32>
            %reduce_sum3A_1060 = vector.extract %reduce_sum3A_1059[15] : i32 from vector<16xi32>
            %gt3A_1061 = arith.constant 0 : i32
            %gt3A_1062 = arith.cmpi sgt, %reduce_sum3A_1060, %gt3A_1061 : i32
            scf.condition(%gt3A_1062) %while3A_1056 : vector<16xi32>
          } do {
          ^bb0(%while3A_1056: vector<16xi32>):
            %gt3A_1057 = arith.constant 0 : i32
            %gt3A_1058 = vector.broadcast %gt3A_1057 : i32 to vector<16xi32>
            %gt3A_1059 = arith.cmpi sgt, %while3A_1056, %gt3A_1058 : vector<16xi32>
            %all_reduce_ffs3A = tpu.all_reduce %gt3A_1059 {dim = 0 : i64, kind = #tpu.reduction_kind<find_first_set>} : vector<16xi1> -> vector<16xi32>
            %mul3A_1060 = arith.constant 16 : i32
            %mul3A_1061 = arith.muli %scan3A_911, %mul3A_1060 : i32
            %add3A_1062 = vector.broadcast %mul3A_1061 : i32 to vector<16xi32>
            %add3A_1063 = arith.addi %add3A_1062, %all_reduce_ffs3A : vector<16xi32>
            %scan3A_1064 = arith.constant 0 : i32
            %scan3A_1065 = arith.constant 16 : i32
            %scan3A_1066 = arith.addi %scan3A_1064, %scan3A_1065 : i32
            %scan3A_1067 = arith.constant 1 : i32
            scf.for %scan3A_1073 = %scan3A_1064 to %scan3A_1066 step %scan3A_1067  : i32 {
              %mul3A_1074 = arith.constant 16 : i32
              %mul3A_1075 = arith.muli %scan3A_1073, %mul3A_1074 : i32
              %add3A_1076 = arith.constant 0 : i32
              %add3A_1077 = arith.addi %add3A_1076, %mul3A_1075 : i32
              %add3A_1078 = vector.broadcast %add3A_1077 : i32 to vector<16xi32>
              %add3A_1079 = arith.addi %add3A_1078, %iota3A : vector<16xi32>
              %gather3A_1080 = tpu.vector_load_idx %arg11[%add3A_1063, %add3A_1079] : memref<128x256xf32, #tpu.memory_space<vmem>>[vector<16xi32>, vector<16xi32>], vector<16xf32>,
              %sub3A_1081 = arith.constant 1 : i32
              %sub3A_1082 = vector.broadcast %sub3A_1081 : i32 to vector<16xi32>
              %sub3A_1083 = arith.subi %add3A_1063, %sub3A_1082 : vector<16xi32>
              %add3A_1084 = vector.broadcast %add3A_1077 : i32 to vector<16xi32>
              %add3A_1085 = arith.addi %add3A_1084, %iota3A : vector<16xi32>
              %gather3A_1086 = tpu.vector_load_idx %arg11[%sub3A_1083, %add3A_1085] : memref<128x256xf32, #tpu.memory_space<vmem>>[vector<16xi32>, vector<16xi32>], vector<16xf32>,
              %add3A_1087 = vector.broadcast %add3A_1077 : i32 to vector<16xi32>
              %add3A_1088 = arith.addi %add3A_1087, %iota3A : vector<16xi32>
              %add3A_1089 = arith.addf %gather3A_1080, %gather3A_1086 : vector<16xf32>
              tpu.vector_store_idx %arg11[%add3A_1063, %add3A_1088], %add3A_1089 : memref<128x256xf32, #tpu.memory_space<vmem>>[vector<16xi32>, vector<16xi32>], vector<16xf32>,
            }
            %scan3A_1068 = arith.constant 16 : i32
            %eq3A_1069 = arith.cmpi eq, %iota3A, %all_reduce_ffs3A : vector<16xi32>
            %jit3A_1070 = arith.constant 0 : i32
            %broadcast_in_dim3A_1071 = vector.broadcast %jit3A_1070 : i32 to vector<16xi32>
            %select_n3A_1072 = arith.select %eq3A_1069, %broadcast_in_dim3A_1071, %while3A_1056 : vector<16xi1>, vector<16xi32>
            scf.yield %select_n3A_1072 : vector<16xi32>
          }
          scf.yield %while3A_1055 : vector<16xi32>
        } else {
          scf.yield %convert_element_type3A_996 : vector<16xi32>
        }
        %convert_element_type3A_1001 = arith.extui %select_n3A_989 : vector<16xi1> to vector<16xi32>
        %add3A_1002 = arith.constant 1 : i32
        %add3A_1003 = vector.broadcast %add3A_1002 : i32 to vector<16xi32>
        %add3A_1004 = arith.addi %iota3A, %add3A_1003 : vector<16xi32>
        %min3A_1005 = arith.constant 15 : i32
        %min3A_1006 = vector.broadcast %min3A_1005 : i32 to vector<16xi32>
        %min3A_1007 = arith.minsi %add3A_1004, %min3A_1006 : vector<16xi32>
        %lt3A_1008 = arith.constant 0 : i32
        %lt3A_1009 = vector.broadcast %lt3A_1008 : i32 to vector<16xi32>
        %lt3A_1010 = arith.cmpi slt, %min3A_1007, %lt3A_1009 : vector<16xi32>
        %add3A_1011 = arith.constant 16 : i32
        %add3A_1012 = vector.broadcast %add3A_1011 : i32 to vector<16xi32>
        %add3A_1013 = arith.addi %min3A_1007, %add3A_1012 : vector<16xi32>
        %select_n3A_1014 = arith.select %lt3A_1010, %add3A_1013, %min3A_1007 : vector<16xi1>, vector<16xi32>
        %broadcast_in_dim3A_1015 = vector.shape_cast %select_n3A_1014 : vector<16xi32> to vector<16x1xi32>
        %gather3A_1016 = vector.shape_cast %broadcast_in_dim3A_1015 : vector<16x1xi32> to vector<16xi32>
        %gather3A_1017 = tpu.dynamic_gather %convert_element_type3A_1001[%gather3A_1016] in [0] : vector<16xi32>, vector<16xi32> -> vector<16xi32>
        %broadcast_in_dim3A_1018 = arith.constant 15 : i32
        %broadcast_in_dim3A_1019 = vector.broadcast %broadcast_in_dim3A_1018 : i32 to vector<16xi32>
        %lt3A_1020 = arith.constant 0 : i32
        %lt3A_1021 = vector.broadcast %lt3A_1020 : i32 to vector<16xi32>
        %lt3A_1022 = arith.cmpi slt, %broadcast_in_dim3A_1019, %lt3A_1021 : vector<16xi32>
        %add3A_1023 = arith.constant 16 : i32
        %add3A_1024 = vector.broadcast %add3A_1023 : i32 to vector<16xi32>
        %add3A_1025 = arith.addi %broadcast_in_dim3A_1019, %add3A_1024 : vector<16xi32>
        %select_n3A_1026 = arith.select %lt3A_1022, %add3A_1025, %broadcast_in_dim3A_1019 : vector<16xi1>, vector<16xi32>
        %broadcast_in_dim3A_1027 = vector.shape_cast %select_n3A_1026 : vector<16xi32> to vector<16x1xi32>
        %gather3A_1028 = vector.shape_cast %broadcast_in_dim3A_1027 : vector<16x1xi32> to vector<16xi32>
        %gather3A_1029 = tpu.dynamic_gather %select_n3A_924[%gather3A_1028] in [0] : vector<16xi32>, vector<16xi32> -> vector<16xi32>
        %eq3A_1030 = arith.cmpi eq, %select_n3A_950, %gather3A_1029 : vector<16xi32>
        %ne3A_1031 = arith.constant 16383 : i32
        %ne3A_1032 = vector.broadcast %ne3A_1031 : i32 to vector<16xi32>
        %ne3A_1033 = arith.cmpi ne, %gather3A_1029, %ne3A_1032 : vector<16xi32>
        %and3A_1034 = arith.andi %eq3A_1030, %ne3A_1033 : vector<16xi1>
        %convert_element_type3A_1035 = arith.extui %and3A_1034 : vector<16xi1> to vector<16xi32>
        %eq3A_1036 = arith.constant 15 : i32
        %eq3A_1037 = vector.broadcast %eq3A_1036 : i32 to vector<16xi32>
        %eq3A_1038 = arith.cmpi eq, %iota3A, %eq3A_1037 : vector<16xi32>
        %select_n3A_1039 = arith.select %eq3A_1038, %convert_element_type3A_1035, %gather3A_1017 : vector<16xi1>, vector<16xi32>
        %eq3A_1040 = arith.constant 0 : i32
        %eq3A_1041 = vector.broadcast %eq3A_1040 : i32 to vector<16xi32>
        %eq3A_1042 = arith.cmpi eq, %select_n3A_1039, %eq3A_1041 : vector<16xi32>
        %ne3A_1043 = arith.constant 16383 : i32
        %ne3A_1044 = vector.broadcast %ne3A_1043 : i32 to vector<16xi32>
        %ne3A_1045 = arith.cmpi ne, %select_n3A_924, %ne3A_1044 : vector<16xi32>
        %and3A_1046 = arith.andi %eq3A_1042, %ne3A_1045 : vector<16xi1>
        %add3A_1047 = vector.broadcast %mul3A_2 : i32 to vector<16xi32>
        %add3A_1048 = arith.addi %add3A_1047, %select_n3A_924 : vector<16xi32>
        %jit3A_1049 = arith.constant 320000 : i32
        %broadcast_in_dim3A_1050 = vector.broadcast %jit3A_1049 : i32 to vector<16xi32>
        %select_n3A_1051 = arith.select %and3A_1046, %add3A_1048, %broadcast_in_dim3A_1050 : vector<16xi1>, vector<16xi32>
        %mul3A_1052 = arith.constant 16 : i32
        %mul3A_1053 = arith.muli %scan3A_911, %mul3A_1052 : i32
        %swap3A = arith.index_cast %mul3A_1053 : i32 to index
        %swap3A_1054 = tpu.vector_load %arg10[%swap3A] {strides = array<i32>} : memref<128xi32, #tpu.memory_space<vmem>>, vector<16xi32>,
        tpu.vector_store %arg10[%swap3A], %select_n3A_1051 {strides = array<i32>} : memref<128xi32, #tpu.memory_space<vmem>>, vector<16xi32>,
        scf.yield %gather3A_1029 : vector<16xi32>
      }
      %scan3A_901 = arith.constant 8 : i32
      %broadcast_in_dim3A_902 = arith.constant 127 : i32
      %broadcast_in_dim3A_903 = vector.broadcast %broadcast_in_dim3A_902 : i32 to vector<16xi32>
      %broadcast_in_dim3A_904 = arith.constant 0 : i32
      %broadcast_in_dim3A_905 = vector.broadcast %broadcast_in_dim3A_904 : i32 to vector<16xi32>
      %scan3A_906 = arith.constant 0 : i32
      %scan3A_907 = arith.constant 16 : i32
      %scan3A_908 = arith.addi %scan3A_906, %scan3A_907 : i32
      %scan3A_909 = arith.constant 1 : i32
      scf.for %scan3A_911 = %scan3A_906 to %scan3A_908 step %scan3A_909  : i32 {
        %mul3A_912 = arith.constant 16 : i32
        %mul3A_913 = arith.muli %scan3A_911, %mul3A_912 : i32
        %add3A_914 = arith.constant 0 : i32
        %add3A_915 = arith.addi %add3A_914, %mul3A_913 : i32
        %add3A_916 = vector.broadcast %add3A_915 : i32 to vector<16xi32>
        %add3A_917 = arith.addi %add3A_916, %iota3A : vector<16xi32>
        %gather3A = tpu.vector_load_idx %arg11[%broadcast_in_dim3A_903, %add3A_917] : memref<128x256xf32, #tpu.memory_space<vmem>>[vector<16xi32>, vector<16xi32>], vector<16xf32>,
        %add3A_918 = vector.broadcast %add3A_915 : i32 to vector<16xi32>
        %add3A_919 = arith.addi %add3A_918, %iota3A : vector<16xi32>
        tpu.vector_store_idx %arg12[%broadcast_in_dim3A_905, %add3A_919], %gather3A : memref<8x256xf32, #tpu.memory_space<vmem>>[vector<16xi32>, vector<16xi32>], vector<16xf32>,
      }
      %scan3A_910 = arith.constant 16 : i32
      "tpu.region"() ({
        %run_scoped3A = tpu.sem_alloc : memref<!tpu.dma_semaphore, #tpu.memory_space<semaphore_mem>>
        %dma_start3A_911 = arith.constant 0 : i32
        %dma_start3A_912 = arith.constant 0 : i32
        %dma_start3A_913 = tpu.memref_slice %arg4[%dma_start3A_911, %dma_start3A_912] : memref<320512x256xf32, #tpu.memory_space<hbm>> -> memref<320512x256xf32, #tpu.memory_space<hbm>>
        tpu.enqueue_indirect_dma source(%arg11 : memref<128x256xf32, #tpu.memory_space<vmem>>) target(%dma_start3A_913 : memref<320512x256xf32, #tpu.memory_space<hbm>>) offsets(%arg10 : memref<128xi32, #tpu.memory_space<vmem>>) semaphore(%run_scoped3A : memref<!tpu.dma_semaphore, #tpu.memory_space<semaphore_mem>>)
        %dma_wait3A_914 = arith.constant 0 : i32
        %dma_wait3A_915 = arith.constant 0 : i32
        %dma_wait3A_916 = tpu.memref_slice %arg4[%dma_wait3A_914, %dma_wait3A_915] : memref<320512x256xf32, #tpu.memory_space<hbm>> -> memref<320512x256xf32, #tpu.memory_space<hbm>>
        tpu.wait_indirect_dma semaphore(%run_scoped3A : memref<!tpu.dma_semaphore, #tpu.memory_space<semaphore_mem>>) src(%arg11 : memref<128x256xf32, #tpu.memory_space<vmem>>) dst(%dma_wait3A_916 : memref<320512x256xf32, #tpu.memory_space<hbm>>)
        tpu.yield
      }) : () -> ()
      scf.yield %scan3A_900 : vector<16xi32>
    }
    %while3A_877 = arith.constant 1 : i32
    %while3A_878 = scf.for %while3A_879 = %while3A_874 to %while3A_870 step %while3A_877 iter_args(%while3A_880 = %while3A_876) -> (vector<16xi32>)  : i32 {
      %mul3A_881 = arith.constant 128 : i32
      %mul3A_882 = arith.muli %while3A_879, %mul3A_881 : i32
      %scan3A_883 = arith.constant 0 : i32
      %scan3A_884 = arith.constant 8 : i32
      %scan3A_885 = arith.addi %scan3A_883, %scan3A_884 : i32
      %scan3A_886 = arith.constant 1 : i32
      scf.for %scan3A_911 = %scan3A_883 to %scan3A_885 step %scan3A_886  : i32 {
        %mul3A_912 = arith.constant 1 : i32
        %mul3A_913 = arith.muli %scan3A_911, %mul3A_912 : i32
        %add3A_914 = arith.constant 0 : i32
        %add3A_915 = arith.addi %add3A_914, %mul3A_913 : i32
        %mul3A_916 = arith.constant 16 : i32
        %mul3A_917 = arith.muli %add3A_915, %mul3A_916 : i32
        %add3A_918 = arith.addi %mul3A_882, %mul3A_917 : i32
        %get3A = arith.index_cast %add3A_918 : i32 to index
        %get3A_919 = tpu.vector_load %arg8[%get3A] {strides = array<i32>} : memref<32784xi32, #tpu.memory_space<vmem>>, vector<16xi32>,
        %eq3A = arith.constant 16383 : i32
        %eq3A_920 = vector.broadcast %eq3A : i32 to vector<16xi32>
        %eq3A_921 = arith.cmpi eq, %get3A_919, %eq3A_920 : vector<16xi32>
        %shift_right_arithmetic3A = arith.constant 14 : i32
        %shift_right_arithmetic3A_922 = vector.broadcast %shift_right_arithmetic3A : i32 to vector<16xi32>
        %shift_right_arithmetic3A_923 = arith.shrsi %get3A_919, %shift_right_arithmetic3A_922 : vector<16xi32>
        %jit3A_924 = arith.constant 0 : i32
        %broadcast_in_dim3A_925 = vector.broadcast %jit3A_924 : i32 to vector<16xi32>
        %select_n3A_926 = arith.select %eq3A_921, %broadcast_in_dim3A_925, %shift_right_arithmetic3A_923 : vector<16xi1>, vector<16xi32>
        %mul3A_927 = arith.constant 16 : i32
        %mul3A_928 = arith.muli %add3A_915, %mul3A_927 : i32
        %swap3A = arith.index_cast %mul3A_928 : i32 to index
        %swap3A_929 = tpu.vector_load %arg9[%swap3A] {strides = array<i32>} : memref<128xi32, #tpu.memory_space<vmem>>, vector<16xi32>,
        tpu.vector_store %arg9[%swap3A], %select_n3A_926 {strides = array<i32>} : memref<128xi32, #tpu.memory_space<vmem>>, vector<16xi32>,
      }
      %scan3A_887 = arith.constant 8 : i32
      %dma_start3A_888 = arith.constant 0 : i32
      %dma_start3A_889 = arith.constant 0 : i32
      %dma_start3A_890 = tpu.memref_slice %arg2[%dma_start3A_888, %dma_start3A_889] : memref<112000x256xf32, #tpu.memory_space<hbm>> -> memref<112000x256xf32, #tpu.memory_space<hbm>>
      tpu.enqueue_indirect_dma source(%dma_start3A_890 : memref<112000x256xf32, #tpu.memory_space<hbm>>) target(%arg11 : memref<128x256xf32, #tpu.memory_space<vmem>>) offsets(%arg9 : memref<128xi32, #tpu.memory_space<vmem>>) semaphore(%arg13 : memref<!tpu.dma_semaphore, #tpu.memory_space<semaphore_mem>>)
      %dma_wait3A_891 = arith.constant 0 : i32
      %dma_wait3A_892 = arith.constant 0 : i32
      %dma_wait3A_893 = tpu.memref_slice %arg2[%dma_wait3A_891, %dma_wait3A_892] : memref<112000x256xf32, #tpu.memory_space<hbm>> -> memref<112000x256xf32, #tpu.memory_space<hbm>>
      tpu.wait_indirect_dma semaphore(%arg13 : memref<!tpu.dma_semaphore, #tpu.memory_space<semaphore_mem>>) src(%dma_wait3A_893 : memref<112000x256xf32, #tpu.memory_space<hbm>>) dst(%arg11 : memref<128x256xf32, #tpu.memory_space<vmem>>)
      %broadcast_in_dim3A_894 = arith.constant 16383 : i32
      %broadcast_in_dim3A_895 = vector.broadcast %broadcast_in_dim3A_894 : i32 to vector<16xi32>
      %scan3A_896 = arith.constant 0 : i32
      %scan3A_897 = arith.constant 8 : i32
      %scan3A_898 = arith.addi %scan3A_896, %scan3A_897 : i32
      %scan3A_899 = arith.constant 1 : i32
      %scan3A_900 = scf.for %scan3A_911 = %scan3A_896 to %scan3A_898 step %scan3A_899 iter_args(%scan3A_912 = %broadcast_in_dim3A_895) -> (vector<16xi32>)  : i32 {
        %mul3A_913 = arith.constant 16 : i32
        %mul3A_914 = arith.muli %scan3A_911, %mul3A_913 : i32
        %add3A_915 = arith.addi %mul3A_882, %mul3A_914 : i32
        %get3A = arith.index_cast %add3A_915 : i32 to index
        %get3A_916 = tpu.vector_load %arg8[%get3A] {strides = array<i32>} : memref<32784xi32, #tpu.memory_space<vmem>>, vector<16xi32>,
        %eq3A = arith.constant 16383 : i32
        %eq3A_917 = vector.broadcast %eq3A : i32 to vector<16xi32>
        %eq3A_918 = arith.cmpi eq, %get3A_916, %eq3A_917 : vector<16xi32>
        %and3A_919 = arith.constant 16383 : i32
        %and3A_920 = vector.broadcast %and3A_919 : i32 to vector<16xi32>
        %and3A_921 = arith.andi %get3A_916, %and3A_920 : vector<16xi32>
        %jit3A_922 = arith.constant 16383 : i32
        %broadcast_in_dim3A_923 = vector.broadcast %jit3A_922 : i32 to vector<16xi32>
        %select_n3A_924 = arith.select %eq3A_918, %broadcast_in_dim3A_923, %and3A_921 : vector<16xi1>, vector<16xi32>
        %mul3A_925 = arith.constant 16 : i32
        %mul3A_926 = arith.muli %scan3A_911, %mul3A_925 : i32
        %add3A_927 = arith.addi %mul3A_882, %mul3A_926 : i32
        %add3A_928 = arith.constant 16 : i32
        %add3A_929 = arith.addi %add3A_927, %add3A_928 : i32
        %get3A_930 = arith.index_cast %add3A_929 : i32 to index
        %get3A_931 = tpu.vector_load %arg8[%get3A_930] {strides = array<i32>} : memref<32784xi32, #tpu.memory_space<vmem>>, vector<16xi32>,
        %broadcast_in_dim3A_932 = arith.constant 0 : i32
        %broadcast_in_dim3A_933 = vector.broadcast %broadcast_in_dim3A_932 : i32 to vector<16xi32>
        %lt3A = arith.constant 0 : i32
        %lt3A_934 = vector.broadcast %lt3A : i32 to vector<16xi32>
        %lt3A_935 = arith.cmpi slt, %broadcast_in_dim3A_933, %lt3A_934 : vector<16xi32>
        %add3A_936 = arith.constant 16 : i32
        %add3A_937 = vector.broadcast %add3A_936 : i32 to vector<16xi32>
        %add3A_938 = arith.addi %broadcast_in_dim3A_933, %add3A_937 : vector<16xi32>
        %select_n3A_939 = arith.select %lt3A_935, %add3A_938, %broadcast_in_dim3A_933 : vector<16xi1>, vector<16xi32>
        %broadcast_in_dim3A_940 = vector.shape_cast %select_n3A_939 : vector<16xi32> to vector<16x1xi32>
        %gather3A = vector.shape_cast %broadcast_in_dim3A_940 : vector<16x1xi32> to vector<16xi32>
        %gather3A_941 = tpu.dynamic_gather %get3A_931[%gather3A] in [0] : vector<16xi32>, vector<16xi32> -> vector<16xi32>
        %eq3A_942 = arith.constant 16383 : i32
        %eq3A_943 = vector.broadcast %eq3A_942 : i32 to vector<16xi32>
        %eq3A_944 = arith.cmpi eq, %gather3A_941, %eq3A_943 : vector<16xi32>
        %and3A_945 = arith.constant 16383 : i32
        %and3A_946 = vector.broadcast %and3A_945 : i32 to vector<16xi32>
        %and3A_947 = arith.andi %gather3A_941, %and3A_946 : vector<16xi32>
        %jit3A_948 = arith.constant 16383 : i32
        %broadcast_in_dim3A_949 = vector.broadcast %jit3A_948 : i32 to vector<16xi32>
        %select_n3A_950 = arith.select %eq3A_944, %broadcast_in_dim3A_949, %and3A_947 : vector<16xi1>, vector<16xi32>
        %sub3A_951 = arith.constant 1 : i32
        %sub3A_952 = vector.broadcast %sub3A_951 : i32 to vector<16xi32>
        %sub3A_953 = arith.subi %iota3A, %sub3A_952 : vector<16xi32>
        %max3A = arith.constant 0 : i32
        %max3A_954 = vector.broadcast %max3A : i32 to vector<16xi32>
        %max3A_955 = arith.maxsi %sub3A_953, %max3A_954 : vector<16xi32>
        %lt3A_956 = arith.constant 0 : i32
        %lt3A_957 = vector.broadcast %lt3A_956 : i32 to vector<16xi32>
        %lt3A_958 = arith.cmpi slt, %max3A_955, %lt3A_957 : vector<16xi32>
        %add3A_959 = arith.constant 16 : i32
        %add3A_960 = vector.broadcast %add3A_959 : i32 to vector<16xi32>
        %add3A_961 = arith.addi %max3A_955, %add3A_960 : vector<16xi32>
        %select_n3A_962 = arith.select %lt3A_958, %add3A_961, %max3A_955 : vector<16xi1>, vector<16xi32>
        %broadcast_in_dim3A_963 = vector.shape_cast %select_n3A_962 : vector<16xi32> to vector<16x1xi32>
        %gather3A_964 = vector.shape_cast %broadcast_in_dim3A_963 : vector<16x1xi32> to vector<16xi32>
        %gather3A_965 = tpu.dynamic_gather %select_n3A_924[%gather3A_964] in [0] : vector<16xi32>, vector<16xi32> -> vector<16xi32>
        %eq3A_966 = arith.constant 0 : i32
        %eq3A_967 = vector.broadcast %eq3A_966 : i32 to vector<16xi32>
        %eq3A_968 = arith.cmpi eq, %iota3A, %eq3A_967 : vector<16xi32>
        %select_n3A_969 = arith.select %eq3A_968, %scan3A_912, %gather3A_965 : vector<16xi1>, vector<16xi32>
        %eq3A_970 = arith.cmpi eq, %select_n3A_924, %select_n3A_969 : vector<16xi32>
        %ne3A_971 = arith.constant 16383 : i32
        %ne3A_972 = vector.broadcast %ne3A_971 : i32 to vector<16xi32>
        %ne3A_973 = arith.cmpi ne, %select_n3A_924, %ne3A_972 : vector<16xi32>
        %and3A_974 = arith.andi %eq3A_970, %ne3A_973 : vector<16xi1>
        %eq3A_975 = arith.constant 0 : i32
        %eq3A_976 = arith.cmpi eq, %scan3A_911, %eq3A_975 : i32
        %convert_element_type3A_977 = arith.extui %eq3A_976 : i1 to i32
        %cond3A_978 = arith.constant 0 : i32
        %cond3A_979 = arith.cmpi ne, %convert_element_type3A_977, %cond3A_978 : i32
        scf.if %cond3A_979 {
          %eq3A_1055 = arith.constant 0 : i32
          %eq3A_1056 = vector.broadcast %eq3A_1055 : i32 to vector<16xi32>
          %eq3A_1057 = arith.cmpi eq, %iota3A, %eq3A_1056 : vector<16xi32>
          %eq3A_1058 = arith.cmpi eq, %select_n3A_924, %while3A_880 : vector<16xi32>
          %and3A_1059 = arith.andi %eq3A_1057, %eq3A_1058 : vector<16xi1>
          %convert_element_type3A_1060 = arith.extui %and3A_1059 : vector<16xi1> to vector<16xi32>
          %reduce_sum3A_1061 = arith.constant true
          %reduce_sum3A_1062 = vector.broadcast %reduce_sum3A_1061 : i1 to vector<16xi1>
          %reduce_sum3A_1063 = tpu.scan <sum>, %convert_element_type3A_1060 masked %reduce_sum3A_1062 : vector<16xi32>, vector<16xi1> -> vector<16xi32>
          %reduce_sum3A_1064 = vector.extract %reduce_sum3A_1063[15] : i32 from vector<16xi32>
          %gt3A_1065 = arith.constant 0 : i32
          %gt3A_1066 = arith.cmpi sgt, %reduce_sum3A_1064, %gt3A_1065 : i32
          %convert_element_type3A_1067 = arith.extui %gt3A_1066 : i1 to i32
          %cond3A_1068 = arith.constant 0 : i32
          %cond3A_1069 = arith.cmpi ne, %convert_element_type3A_1067, %cond3A_1068 : i32
          scf.if %cond3A_1069 {
            %broadcast_in_dim3A_1070 = arith.constant 0 : i32
            %broadcast_in_dim3A_1071 = vector.broadcast %broadcast_in_dim3A_1070 : i32 to vector<16xi32>
            %scan3A_1072 = arith.constant 0 : i32
            %scan3A_1073 = arith.constant 16 : i32
            %scan3A_1074 = arith.addi %scan3A_1072, %scan3A_1073 : i32
            %scan3A_1075 = arith.constant 1 : i32
            scf.for %scan3A_1077 = %scan3A_1072 to %scan3A_1074 step %scan3A_1075  : i32 {
              %mul3A_1078 = arith.constant 16 : i32
              %mul3A_1079 = arith.muli %scan3A_1077, %mul3A_1078 : i32
              %add3A_1080 = arith.constant 0 : i32
              %add3A_1081 = arith.addi %add3A_1080, %mul3A_1079 : i32
              %add3A_1082 = vector.broadcast %add3A_1081 : i32 to vector<16xi32>
              %add3A_1083 = arith.addi %add3A_1082, %iota3A : vector<16xi32>
              %gather3A_1084 = tpu.vector_load_idx %arg11[%broadcast_in_dim3A_1071, %add3A_1083] : memref<128x256xf32, #tpu.memory_space<vmem>>[vector<16xi32>, vector<16xi32>], vector<16xf32>,
              %add3A_1085 = vector.broadcast %add3A_1081 : i32 to vector<16xi32>
              %add3A_1086 = arith.addi %add3A_1085, %iota3A : vector<16xi32>
              %gather3A_1087 = tpu.vector_load_idx %arg12[%broadcast_in_dim3A_1071, %add3A_1086] : memref<8x256xf32, #tpu.memory_space<vmem>>[vector<16xi32>, vector<16xi32>], vector<16xf32>,
              %add3A_1088 = vector.broadcast %add3A_1081 : i32 to vector<16xi32>
              %add3A_1089 = arith.addi %add3A_1088, %iota3A : vector<16xi32>
              %add3A_1090 = arith.addf %gather3A_1084, %gather3A_1087 : vector<16xf32>
              tpu.vector_store_idx %arg11[%broadcast_in_dim3A_1071, %add3A_1089], %add3A_1090 : memref<128x256xf32, #tpu.memory_space<vmem>>[vector<16xi32>, vector<16xi32>], vector<16xf32>,
            }
            %scan3A_1076 = arith.constant 16 : i32
          } else {
          }
        } else {
        }
        %eq3A_980 = arith.constant 0 : i32
        %eq3A_981 = arith.cmpi eq, %scan3A_911, %eq3A_980 : i32
        %eq3A_982 = arith.constant 0 : i32
        %eq3A_983 = vector.broadcast %eq3A_982 : i32 to vector<16xi32>
        %eq3A_984 = arith.cmpi eq, %iota3A, %eq3A_983 : vector<16xi32>
        %and3A_985 = vector.broadcast %eq3A_981 : i1 to vector<16xi1>
        %and3A_986 = arith.andi %and3A_985, %eq3A_984 : vector<16xi1>
        %jit3A_987 = arith.constant false
        %broadcast_in_dim3A_988 = vector.broadcast %jit3A_987 : i1 to vector<16xi1>
        %select_n3A_989 = arith.select %and3A_986, %broadcast_in_dim3A_988, %and3A_974 : vector<16xi1>, vector<16xi1>
        %convert_element_type3A_990 = arith.extui %select_n3A_989 : vector<16xi1> to vector<16xi32>
        %reduce_sum3A = arith.constant true
        %reduce_sum3A_991 = vector.broadcast %reduce_sum3A : i1 to vector<16xi1>
        %reduce_sum3A_992 = tpu.scan <sum>, %convert_element_type3A_990 masked %reduce_sum3A_991 : vector<16xi32>, vector<16xi1> -> vector<16xi32>
        %reduce_sum3A_993 = vector.extract %reduce_sum3A_992[15] : i32 from vector<16xi32>
        %gt3A_994 = arith.constant 0 : i32
        %gt3A_995 = arith.cmpi sgt, %reduce_sum3A_993, %gt3A_994 : i32
        %convert_element_type3A_996 = arith.extui %select_n3A_989 : vector<16xi1> to vector<16xi32>
        %convert_element_type3A_997 = arith.extui %gt3A_995 : i1 to i32
        %cond3A_998 = arith.constant 0 : i32
        %cond3A_999 = arith.cmpi ne, %convert_element_type3A_997, %cond3A_998 : i32
        %cond3A_1000 = scf.if %cond3A_999 -> (vector<16xi32>) {
          %while3A_1055 = scf.while (%while3A_1056 = %convert_element_type3A_996) : (vector<16xi32>) -> vector<16xi32> {
            %reduce_sum3A_1057 = arith.constant true
            %reduce_sum3A_1058 = vector.broadcast %reduce_sum3A_1057 : i1 to vector<16xi1>
            %reduce_sum3A_1059 = tpu.scan <sum>, %while3A_1056 masked %reduce_sum3A_1058 : vector<16xi32>, vector<16xi1> -> vector<16xi32>
            %reduce_sum3A_1060 = vector.extract %reduce_sum3A_1059[15] : i32 from vector<16xi32>
            %gt3A_1061 = arith.constant 0 : i32
            %gt3A_1062 = arith.cmpi sgt, %reduce_sum3A_1060, %gt3A_1061 : i32
            scf.condition(%gt3A_1062) %while3A_1056 : vector<16xi32>
          } do {
          ^bb0(%while3A_1056: vector<16xi32>):
            %gt3A_1057 = arith.constant 0 : i32
            %gt3A_1058 = vector.broadcast %gt3A_1057 : i32 to vector<16xi32>
            %gt3A_1059 = arith.cmpi sgt, %while3A_1056, %gt3A_1058 : vector<16xi32>
            %all_reduce_ffs3A = tpu.all_reduce %gt3A_1059 {dim = 0 : i64, kind = #tpu.reduction_kind<find_first_set>} : vector<16xi1> -> vector<16xi32>
            %mul3A_1060 = arith.constant 16 : i32
            %mul3A_1061 = arith.muli %scan3A_911, %mul3A_1060 : i32
            %add3A_1062 = vector.broadcast %mul3A_1061 : i32 to vector<16xi32>
            %add3A_1063 = arith.addi %add3A_1062, %all_reduce_ffs3A : vector<16xi32>
            %scan3A_1064 = arith.constant 0 : i32
            %scan3A_1065 = arith.constant 16 : i32
            %scan3A_1066 = arith.addi %scan3A_1064, %scan3A_1065 : i32
            %scan3A_1067 = arith.constant 1 : i32
            scf.for %scan3A_1073 = %scan3A_1064 to %scan3A_1066 step %scan3A_1067  : i32 {
              %mul3A_1074 = arith.constant 16 : i32
              %mul3A_1075 = arith.muli %scan3A_1073, %mul3A_1074 : i32
              %add3A_1076 = arith.constant 0 : i32
              %add3A_1077 = arith.addi %add3A_1076, %mul3A_1075 : i32
              %add3A_1078 = vector.broadcast %add3A_1077 : i32 to vector<16xi32>
              %add3A_1079 = arith.addi %add3A_1078, %iota3A : vector<16xi32>
              %gather3A_1080 = tpu.vector_load_idx %arg11[%add3A_1063, %add3A_1079] : memref<128x256xf32, #tpu.memory_space<vmem>>[vector<16xi32>, vector<16xi32>], vector<16xf32>,
              %sub3A_1081 = arith.constant 1 : i32
              %sub3A_1082 = vector.broadcast %sub3A_1081 : i32 to vector<16xi32>
              %sub3A_1083 = arith.subi %add3A_1063, %sub3A_1082 : vector<16xi32>
              %add3A_1084 = vector.broadcast %add3A_1077 : i32 to vector<16xi32>
              %add3A_1085 = arith.addi %add3A_1084, %iota3A : vector<16xi32>
              %gather3A_1086 = tpu.vector_load_idx %arg11[%sub3A_1083, %add3A_1085] : memref<128x256xf32, #tpu.memory_space<vmem>>[vector<16xi32>, vector<16xi32>], vector<16xf32>,
              %add3A_1087 = vector.broadcast %add3A_1077 : i32 to vector<16xi32>
              %add3A_1088 = arith.addi %add3A_1087, %iota3A : vector<16xi32>
              %add3A_1089 = arith.addf %gather3A_1080, %gather3A_1086 : vector<16xf32>
              tpu.vector_store_idx %arg11[%add3A_1063, %add3A_1088], %add3A_1089 : memref<128x256xf32, #tpu.memory_space<vmem>>[vector<16xi32>, vector<16xi32>], vector<16xf32>,
            }
            %scan3A_1068 = arith.constant 16 : i32
            %eq3A_1069 = arith.cmpi eq, %iota3A, %all_reduce_ffs3A : vector<16xi32>
            %jit3A_1070 = arith.constant 0 : i32
            %broadcast_in_dim3A_1071 = vector.broadcast %jit3A_1070 : i32 to vector<16xi32>
            %select_n3A_1072 = arith.select %eq3A_1069, %broadcast_in_dim3A_1071, %while3A_1056 : vector<16xi1>, vector<16xi32>
            scf.yield %select_n3A_1072 : vector<16xi32>
          }
          scf.yield %while3A_1055 : vector<16xi32>
        } else {
          scf.yield %convert_element_type3A_996 : vector<16xi32>
        }
        %convert_element_type3A_1001 = arith.extui %select_n3A_989 : vector<16xi1> to vector<16xi32>
        %add3A_1002 = arith.constant 1 : i32
        %add3A_1003 = vector.broadcast %add3A_1002 : i32 to vector<16xi32>
        %add3A_1004 = arith.addi %iota3A, %add3A_1003 : vector<16xi32>
        %min3A_1005 = arith.constant 15 : i32
        %min3A_1006 = vector.broadcast %min3A_1005 : i32 to vector<16xi32>
        %min3A_1007 = arith.minsi %add3A_1004, %min3A_1006 : vector<16xi32>
        %lt3A_1008 = arith.constant 0 : i32
        %lt3A_1009 = vector.broadcast %lt3A_1008 : i32 to vector<16xi32>
        %lt3A_1010 = arith.cmpi slt, %min3A_1007, %lt3A_1009 : vector<16xi32>
        %add3A_1011 = arith.constant 16 : i32
        %add3A_1012 = vector.broadcast %add3A_1011 : i32 to vector<16xi32>
        %add3A_1013 = arith.addi %min3A_1007, %add3A_1012 : vector<16xi32>
        %select_n3A_1014 = arith.select %lt3A_1010, %add3A_1013, %min3A_1007 : vector<16xi1>, vector<16xi32>
        %broadcast_in_dim3A_1015 = vector.shape_cast %select_n3A_1014 : vector<16xi32> to vector<16x1xi32>
        %gather3A_1016 = vector.shape_cast %broadcast_in_dim3A_1015 : vector<16x1xi32> to vector<16xi32>
        %gather3A_1017 = tpu.dynamic_gather %convert_element_type3A_1001[%gather3A_1016] in [0] : vector<16xi32>, vector<16xi32> -> vector<16xi32>
        %broadcast_in_dim3A_1018 = arith.constant 15 : i32
        %broadcast_in_dim3A_1019 = vector.broadcast %broadcast_in_dim3A_1018 : i32 to vector<16xi32>
        %lt3A_1020 = arith.constant 0 : i32
        %lt3A_1021 = vector.broadcast %lt3A_1020 : i32 to vector<16xi32>
        %lt3A_1022 = arith.cmpi slt, %broadcast_in_dim3A_1019, %lt3A_1021 : vector<16xi32>
        %add3A_1023 = arith.constant 16 : i32
        %add3A_1024 = vector.broadcast %add3A_1023 : i32 to vector<16xi32>
        %add3A_1025 = arith.addi %broadcast_in_dim3A_1019, %add3A_1024 : vector<16xi32>
        %select_n3A_1026 = arith.select %lt3A_1022, %add3A_1025, %broadcast_in_dim3A_1019 : vector<16xi1>, vector<16xi32>
        %broadcast_in_dim3A_1027 = vector.shape_cast %select_n3A_1026 : vector<16xi32> to vector<16x1xi32>
        %gather3A_1028 = vector.shape_cast %broadcast_in_dim3A_1027 : vector<16x1xi32> to vector<16xi32>
        %gather3A_1029 = tpu.dynamic_gather %select_n3A_924[%gather3A_1028] in [0] : vector<16xi32>, vector<16xi32> -> vector<16xi32>
        %eq3A_1030 = arith.cmpi eq, %select_n3A_950, %gather3A_1029 : vector<16xi32>
        %ne3A_1031 = arith.constant 16383 : i32
        %ne3A_1032 = vector.broadcast %ne3A_1031 : i32 to vector<16xi32>
        %ne3A_1033 = arith.cmpi ne, %gather3A_1029, %ne3A_1032 : vector<16xi32>
        %and3A_1034 = arith.andi %eq3A_1030, %ne3A_1033 : vector<16xi1>
        %convert_element_type3A_1035 = arith.extui %and3A_1034 : vector<16xi1> to vector<16xi32>
        %eq3A_1036 = arith.constant 15 : i32
        %eq3A_1037 = vector.broadcast %eq3A_1036 : i32 to vector<16xi32>
        %eq3A_1038 = arith.cmpi eq, %iota3A, %eq3A_1037 : vector<16xi32>
        %select_n3A_1039 = arith.select %eq3A_1038, %convert_element_type3A_1035, %gather3A_1017 : vector<16xi1>, vector<16xi32>
        %eq3A_1040 = arith.constant 0 : i32
        %eq3A_1041 = vector.broadcast %eq3A_1040 : i32 to vector<16xi32>
        %eq3A_1042 = arith.cmpi eq, %select_n3A_1039, %eq3A_1041 : vector<16xi32>
        %ne3A_1043 = arith.constant 16383 : i32
        %ne3A_1044 = vector.broadcast %ne3A_1043 : i32 to vector<16xi32>
        %ne3A_1045 = arith.cmpi ne, %select_n3A_924, %ne3A_1044 : vector<16xi32>
        %and3A_1046 = arith.andi %eq3A_1042, %ne3A_1045 : vector<16xi1>
        %add3A_1047 = vector.broadcast %mul3A_2 : i32 to vector<16xi32>
        %add3A_1048 = arith.addi %add3A_1047, %select_n3A_924 : vector<16xi32>
        %jit3A_1049 = arith.constant 320000 : i32
        %broadcast_in_dim3A_1050 = vector.broadcast %jit3A_1049 : i32 to vector<16xi32>
        %select_n3A_1051 = arith.select %and3A_1046, %add3A_1048, %broadcast_in_dim3A_1050 : vector<16xi1>, vector<16xi32>
        %mul3A_1052 = arith.constant 16 : i32
        %mul3A_1053 = arith.muli %scan3A_911, %mul3A_1052 : i32
        %swap3A = arith.index_cast %mul3A_1053 : i32 to index
        %swap3A_1054 = tpu.vector_load %arg10[%swap3A] {strides = array<i32>} : memref<128xi32, #tpu.memory_space<vmem>>, vector<16xi32>,
        tpu.vector_store %arg10[%swap3A], %select_n3A_1051 {strides = array<i32>} : memref<128xi32, #tpu.memory_space<vmem>>, vector<16xi32>,
        scf.yield %gather3A_1029 : vector<16xi32>
      }
      %scan3A_901 = arith.constant 8 : i32
      %broadcast_in_dim3A_902 = arith.constant 127 : i32
      %broadcast_in_dim3A_903 = vector.broadcast %broadcast_in_dim3A_902 : i32 to vector<16xi32>
      %broadcast_in_dim3A_904 = arith.constant 0 : i32
      %broadcast_in_dim3A_905 = vector.broadcast %broadcast_in_dim3A_904 : i32 to vector<16xi32>
      %scan3A_906 = arith.constant 0 : i32
      %scan3A_907 = arith.constant 16 : i32
      %scan3A_908 = arith.addi %scan3A_906, %scan3A_907 : i32
      %scan3A_909 = arith.constant 1 : i32
      scf.for %scan3A_911 = %scan3A_906 to %scan3A_908 step %scan3A_909  : i32 {
        %mul3A_912 = arith.constant 16 : i32
        %mul3A_913 = arith.muli %scan3A_911, %mul3A_912 : i32
        %add3A_914 = arith.constant 0 : i32
        %add3A_915 = arith.addi %add3A_914, %mul3A_913 : i32
        %add3A_916 = vector.broadcast %add3A_915 : i32 to vector<16xi32>
        %add3A_917 = arith.addi %add3A_916, %iota3A : vector<16xi32>
        %gather3A = tpu.vector_load_idx %arg11[%broadcast_in_dim3A_903, %add3A_917] : memref<128x256xf32, #tpu.memory_space<vmem>>[vector<16xi32>, vector<16xi32>], vector<16xf32>,
        %add3A_918 = vector.broadcast %add3A_915 : i32 to vector<16xi32>
        %add3A_919 = arith.addi %add3A_918, %iota3A : vector<16xi32>
        tpu.vector_store_idx %arg12[%broadcast_in_dim3A_905, %add3A_919], %gather3A : memref<8x256xf32, #tpu.memory_space<vmem>>[vector<16xi32>, vector<16xi32>], vector<16xf32>,
      }
      %scan3A_910 = arith.constant 16 : i32
      "tpu.region"() ({
        %run_scoped3A = tpu.sem_alloc : memref<!tpu.dma_semaphore, #tpu.memory_space<semaphore_mem>>
        %dma_start3A_911 = arith.constant 0 : i32
        %dma_start3A_912 = arith.constant 0 : i32
        %dma_start3A_913 = tpu.memref_slice %arg4[%dma_start3A_911, %dma_start3A_912] : memref<320512x256xf32, #tpu.memory_space<hbm>> -> memref<320512x256xf32, #tpu.memory_space<hbm>>
        tpu.enqueue_indirect_dma source(%arg11 : memref<128x256xf32, #tpu.memory_space<vmem>>) target(%dma_start3A_913 : memref<320512x256xf32, #tpu.memory_space<hbm>>) offsets(%arg10 : memref<128xi32, #tpu.memory_space<vmem>>) semaphore(%run_scoped3A : memref<!tpu.dma_semaphore, #tpu.memory_space<semaphore_mem>>)
        %dma_wait3A_914 = arith.constant 0 : i32
        %dma_wait3A_915 = arith.constant 0 : i32
        %dma_wait3A_916 = tpu.memref_slice %arg4[%dma_wait3A_914, %dma_wait3A_915] : memref<320512x256xf32, #tpu.memory_space<hbm>> -> memref<320512x256xf32, #tpu.memory_space<hbm>>
        tpu.wait_indirect_dma semaphore(%run_scoped3A : memref<!tpu.dma_semaphore, #tpu.memory_space<semaphore_mem>>) src(%arg11 : memref<128x256xf32, #tpu.memory_space<vmem>>) dst(%dma_wait3A_916 : memref<320512x256xf32, #tpu.memory_space<hbm>>)
        tpu.yield
      }) : () -> ()
      scf.yield %scan3A_900 : vector<16xi32>
    }
    return
  }
}

module attributes {stable_mosaic.version = 14 : i64} {
  func.func @body(%arg0: i32, %arg1: memref<800x128xbf16, #tpu.memory_space<vmem>>, %arg2: memref<800x128xbf16, #tpu.memory_space<vmem>>, %arg3: memref<160x800xbf16, #tpu.memory_space<vmem>>, %arg4: memref<800x160xbf16, #tpu.memory_space<vmem>>, %arg5: memref<128x512xbf16, #tpu.memory_space<vmem>>, %arg6: memref<128x512xbf16, #tpu.memory_space<vmem>>, %arg7: memref<1x512xf32, #tpu.memory_space<vmem>>, %arg8: memref<128x256xbf16, #tpu.memory_space<vmem>>, %arg9: memref<512x256xbf16, #tpu.memory_space<vmem>>, %arg10: memref<128x256xbf16, #tpu.memory_space<vmem>>, %arg11: memref<128x256xbf16, #tpu.memory_space<vmem>>, %arg12: memref<1x256xf32, #tpu.memory_space<vmem>>, %arg13: memref<256x256xbf16, #tpu.memory_space<vmem>>, %arg14: memref<1x256xf32, #tpu.memory_space<vmem>>, %arg15: memref<256x128xbf16, #tpu.memory_space<vmem>>, %arg16: memref<1x128xf32, #tpu.memory_space<vmem>>, %arg17: memref<128x256xbf16, #tpu.memory_space<vmem>>, %arg18: memref<128x256xbf16, #tpu.memory_space<vmem>>, %arg19: memref<800x128xf32, #tpu.memory_space<vmem>>, %arg20: memref<800x256xf32, #tpu.memory_space<vmem>>) attributes {dimension_semantics = [#tpu.dimension_semantics<arbitrary>], iteration_bounds = array<i64: 50>, scalar_prefetch = 0 : i64, scratch_operands = 0 : i64, tpu.core_type = #tpu.core_type<tc>, window_params = [{transform_indices = @transform_0, window_bounds = array<i64: 800, 128>}, {transform_indices = @transform_1, window_bounds = array<i64: 800, 128>}, {pipeline_mode = #tpu.pipeline_mode<synchronous>, transform_indices = @transform_2, window_bounds = array<i64: 160, 800>}, {pipeline_mode = #tpu.pipeline_mode<synchronous>, transform_indices = @transform_3, window_bounds = array<i64: 800, 160>}, {pipeline_mode = #tpu.pipeline_mode<synchronous>, transform_indices = @transform_4, window_bounds = array<i64: 128, 512>}, {pipeline_mode = #tpu.pipeline_mode<synchronous>, transform_indices = @transform_5, window_bounds = array<i64: 128, 512>}, {pipeline_mode = #tpu.pipeline_mode<synchronous>, transform_indices = @transform_6, window_bounds = array<i64: 1, 512>}, {pipeline_mode = #tpu.pipeline_mode<synchronous>, transform_indices = @transform_7, window_bounds = array<i64: 128, 256>}, {pipeline_mode = #tpu.pipeline_mode<synchronous>, transform_indices = @transform_8, window_bounds = array<i64: 512, 256>}, {pipeline_mode = #tpu.pipeline_mode<synchronous>, transform_indices = @transform_9, window_bounds = array<i64: 128, 256>}, {pipeline_mode = #tpu.pipeline_mode<synchronous>, transform_indices = @transform_10, window_bounds = array<i64: 128, 256>}, {pipeline_mode = #tpu.pipeline_mode<synchronous>, transform_indices = @transform_11, window_bounds = array<i64: 1, 256>}, {pipeline_mode = #tpu.pipeline_mode<synchronous>, transform_indices = @transform_12, window_bounds = array<i64: 256, 256>}, {pipeline_mode = #tpu.pipeline_mode<synchronous>, transform_indices = @transform_13, window_bounds = array<i64: 1, 256>}, {pipeline_mode = #tpu.pipeline_mode<synchronous>, transform_indices = @transform_14, window_bounds = array<i64: 256, 128>}, {pipeline_mode = #tpu.pipeline_mode<synchronous>, transform_indices = @transform_15, window_bounds = array<i64: 1, 128>}, {pipeline_mode = #tpu.pipeline_mode<synchronous>, transform_indices = @transform_16, window_bounds = array<i64: 128, 256>}, {pipeline_mode = #tpu.pipeline_mode<synchronous>, transform_indices = @transform_17, window_bounds = array<i64: 128, 256>}, {transform_indices = @transform_18, window_bounds = array<i64: 800, 128>}, {transform_indices = @transform_19, window_bounds = array<i64: 800, 256>}]} {
    %get3A = arith.constant 0 : index
    %get3A_0 = arith.constant 0 : index
    %get3A_1 = vector.load %arg1[%get3A, %get3A_0] : memref<800x128xbf16, #tpu.memory_space<vmem>>, vector<800x128xbf16>
    %get3A_2 = arith.constant 0 : index
    %get3A_3 = arith.constant 0 : index
    %get3A_4 = vector.load %arg3[%get3A_2, %get3A_3] : memref<160x800xbf16, #tpu.memory_space<vmem>>, vector<160x800xbf16>
    %dot_general3A = arith.constant dense<0.000000e+00> : vector<160x128xf32>
    %dot_general3A_5 = tpu.matmul %get3A_4, %get3A_1, %dot_general3A {dimension_numbers = #tpu.dot_dimension_numbers<[1], [0], [0], [1], [0, 0, 1, 1], [], []>, transpose_lhs_hint = false} : vector<160x800xbf16>, vector<800x128xbf16>, vector<160x128xf32> -> vector<160x128xf32>
    %get3A_6 = arith.constant 0 : index
    %get3A_7 = arith.constant 0 : index
    %get3A_8 = vector.load %arg4[%get3A_6, %get3A_7] : memref<800x160xbf16, #tpu.memory_space<vmem>>, vector<800x160xbf16>
    %convert_element_type3A = arith.truncf %dot_general3A_5 : vector<160x128xf32> to vector<160x128xbf16>
    %dot_general3A_9 = arith.constant dense<0.000000e+00> : vector<800x128xf32>
    %dot_general3A_10 = tpu.matmul %get3A_8, %convert_element_type3A, %dot_general3A_9 {dimension_numbers = #tpu.dot_dimension_numbers<[1], [0], [0], [1], [0, 0, 1, 1], [], []>, transpose_lhs_hint = false} : vector<800x160xbf16>, vector<160x128xbf16>, vector<800x128xf32> -> vector<800x128xf32>
    %convert_element_type3A_11 = arith.truncf %dot_general3A_10 : vector<800x128xf32> to vector<800x128xbf16>
    %get3A_12 = arith.constant 0 : index
    %get3A_13 = arith.constant 0 : index
    %get3A_14 = vector.load %arg5[%get3A_12, %get3A_13] : memref<128x512xbf16, #tpu.memory_space<vmem>>, vector<128x512xbf16>
    %dot_general3A_15 = arith.constant dense<0.000000e+00> : vector<800x512xf32>
    %dot_general3A_16 = tpu.matmul %get3A_1, %get3A_14, %dot_general3A_15 {dimension_numbers = #tpu.dot_dimension_numbers<[1], [0], [0], [1], [0, 0, 1, 1], [], []>, transpose_lhs_hint = false} : vector<800x128xbf16>, vector<128x512xbf16>, vector<800x512xf32> -> vector<800x512xf32>
    %get3A_17 = arith.constant 0 : index
    %get3A_18 = arith.constant 0 : index
    %get3A_19 = vector.load %arg6[%get3A_17, %get3A_18] : memref<128x512xbf16, #tpu.memory_space<vmem>>, vector<128x512xbf16>
    %dot_general3A_20 = arith.constant dense<0.000000e+00> : vector<800x512xf32>
    %dot_general3A_21 = tpu.matmul %convert_element_type3A_11, %get3A_19, %dot_general3A_20 {dimension_numbers = #tpu.dot_dimension_numbers<[1], [0], [0], [1], [0, 0, 1, 1], [], []>, transpose_lhs_hint = false} : vector<800x128xbf16>, vector<128x512xbf16>, vector<800x512xf32> -> vector<800x512xf32>
    %add3A = arith.addf %dot_general3A_16, %dot_general3A_21 : vector<800x512xf32>
    %get3A_22 = arith.constant 0 : index
    %get3A_23 = arith.constant 0 : index
    %get3A_24 = vector.load %arg7[%get3A_22, %get3A_23] : memref<1x512xf32, #tpu.memory_space<vmem>>, vector<1x512xf32>
    %add3A_25 = vector.broadcast %get3A_24 : vector<1x512xf32> to vector<800x512xf32>
    %add3A_26 = arith.addf %add3A, %add3A_25 : vector<800x512xf32>
    %max3A = arith.constant 0.000000e+00 : f32
    %max3A_27 = vector.broadcast %max3A : f32 to vector<800x512xf32>
    %max3A_28 = arith.maximumf %add3A_26, %max3A_27 : vector<800x512xf32>
    %get3A_29 = arith.constant 0 : index
    %get3A_30 = arith.constant 0 : index
    %get3A_31 = vector.load %arg2[%get3A_29, %get3A_30] : memref<800x128xbf16, #tpu.memory_space<vmem>>, vector<800x128xbf16>
    %get3A_32 = arith.constant 0 : index
    %get3A_33 = arith.constant 0 : index
    %get3A_34 = vector.load %arg8[%get3A_32, %get3A_33] : memref<128x256xbf16, #tpu.memory_space<vmem>>, vector<128x256xbf16>
    %dot_general3A_35 = arith.constant dense<0.000000e+00> : vector<800x256xf32>
    %dot_general3A_36 = tpu.matmul %get3A_31, %get3A_34, %dot_general3A_35 {dimension_numbers = #tpu.dot_dimension_numbers<[1], [0], [0], [1], [0, 0, 1, 1], [], []>, transpose_lhs_hint = false} : vector<800x128xbf16>, vector<128x256xbf16>, vector<800x256xf32> -> vector<800x256xf32>
    %convert_element_type3A_37 = arith.truncf %max3A_28 : vector<800x512xf32> to vector<800x512xbf16>
    %get3A_38 = arith.constant 0 : index
    %get3A_39 = arith.constant 0 : index
    %get3A_40 = vector.load %arg9[%get3A_38, %get3A_39] : memref<512x256xbf16, #tpu.memory_space<vmem>>, vector<512x256xbf16>
    %dot_general3A_41 = arith.constant dense<0.000000e+00> : vector<800x256xf32>
    %dot_general3A_42 = tpu.matmul %convert_element_type3A_37, %get3A_40, %dot_general3A_41 {dimension_numbers = #tpu.dot_dimension_numbers<[1], [0], [0], [1], [0, 0, 1, 1], [], []>, transpose_lhs_hint = false} : vector<800x512xbf16>, vector<512x256xbf16>, vector<800x256xf32> -> vector<800x256xf32>
    %add3A_43 = arith.addf %dot_general3A_36, %dot_general3A_42 : vector<800x256xf32>
    %get3A_44 = arith.constant 0 : index
    %get3A_45 = arith.constant 0 : index
    %get3A_46 = vector.load %arg10[%get3A_44, %get3A_45] : memref<128x256xbf16, #tpu.memory_space<vmem>>, vector<128x256xbf16>
    %dot_general3A_47 = arith.constant dense<0.000000e+00> : vector<800x256xf32>
    %dot_general3A_48 = tpu.matmul %get3A_1, %get3A_46, %dot_general3A_47 {dimension_numbers = #tpu.dot_dimension_numbers<[1], [0], [0], [1], [0, 0, 1, 1], [], []>, transpose_lhs_hint = false} : vector<800x128xbf16>, vector<128x256xbf16>, vector<800x256xf32> -> vector<800x256xf32>
    %add3A_49 = arith.addf %add3A_43, %dot_general3A_48 : vector<800x256xf32>
    %get3A_50 = arith.constant 0 : index
    %get3A_51 = arith.constant 0 : index
    %get3A_52 = vector.load %arg11[%get3A_50, %get3A_51] : memref<128x256xbf16, #tpu.memory_space<vmem>>, vector<128x256xbf16>
    %dot_general3A_53 = arith.constant dense<0.000000e+00> : vector<800x256xf32>
    %dot_general3A_54 = tpu.matmul %convert_element_type3A_11, %get3A_52, %dot_general3A_53 {dimension_numbers = #tpu.dot_dimension_numbers<[1], [0], [0], [1], [0, 0, 1, 1], [], []>, transpose_lhs_hint = false} : vector<800x128xbf16>, vector<128x256xbf16>, vector<800x256xf32> -> vector<800x256xf32>
    %add3A_55 = arith.addf %add3A_49, %dot_general3A_54 : vector<800x256xf32>
    %get3A_56 = arith.constant 0 : index
    %get3A_57 = arith.constant 0 : index
    %get3A_58 = vector.load %arg12[%get3A_56, %get3A_57] : memref<1x256xf32, #tpu.memory_space<vmem>>, vector<1x256xf32>
    %add3A_59 = vector.broadcast %get3A_58 : vector<1x256xf32> to vector<800x256xf32>
    %add3A_60 = arith.addf %add3A_55, %add3A_59 : vector<800x256xf32>
    %max3A_61 = arith.constant 0.000000e+00 : f32
    %max3A_62 = vector.broadcast %max3A_61 : f32 to vector<800x256xf32>
    %max3A_63 = arith.maximumf %add3A_60, %max3A_62 : vector<800x256xf32>
    %convert_element_type3A_64 = arith.truncf %max3A_63 : vector<800x256xf32> to vector<800x256xbf16>
    %get3A_65 = arith.constant 0 : index
    %get3A_66 = arith.constant 0 : index
    %get3A_67 = vector.load %arg13[%get3A_65, %get3A_66] : memref<256x256xbf16, #tpu.memory_space<vmem>>, vector<256x256xbf16>
    %dot_general3A_68 = arith.constant dense<0.000000e+00> : vector<800x256xf32>
    %dot_general3A_69 = tpu.matmul %convert_element_type3A_64, %get3A_67, %dot_general3A_68 {dimension_numbers = #tpu.dot_dimension_numbers<[1], [0], [0], [1], [0, 0, 1, 1], [], []>, transpose_lhs_hint = false} : vector<800x256xbf16>, vector<256x256xbf16>, vector<800x256xf32> -> vector<800x256xf32>
    %get3A_70 = arith.constant 0 : index
    %get3A_71 = arith.constant 0 : index
    %get3A_72 = vector.load %arg14[%get3A_70, %get3A_71] : memref<1x256xf32, #tpu.memory_space<vmem>>, vector<1x256xf32>
    %add3A_73 = vector.broadcast %get3A_72 : vector<1x256xf32> to vector<800x256xf32>
    %add3A_74 = arith.addf %dot_general3A_69, %add3A_73 : vector<800x256xf32>
    %max3A_75 = arith.constant 0.000000e+00 : f32
    %max3A_76 = vector.broadcast %max3A_75 : f32 to vector<800x256xf32>
    %max3A_77 = arith.maximumf %add3A_74, %max3A_76 : vector<800x256xf32>
    %convert_element_type3A_78 = arith.truncf %max3A_77 : vector<800x256xf32> to vector<800x256xbf16>
    %get3A_79 = arith.constant 0 : index
    %get3A_80 = arith.constant 0 : index
    %get3A_81 = vector.load %arg15[%get3A_79, %get3A_80] : memref<256x128xbf16, #tpu.memory_space<vmem>>, vector<256x128xbf16>
    %dot_general3A_82 = arith.constant dense<0.000000e+00> : vector<800x128xf32>
    %dot_general3A_83 = tpu.matmul %convert_element_type3A_78, %get3A_81, %dot_general3A_82 {dimension_numbers = #tpu.dot_dimension_numbers<[1], [0], [0], [1], [0, 0, 1, 1], [], []>, transpose_lhs_hint = false} : vector<800x256xbf16>, vector<256x128xbf16>, vector<800x128xf32> -> vector<800x128xf32>
    %get3A_84 = arith.constant 0 : index
    %get3A_85 = arith.constant 0 : index
    %get3A_86 = vector.load %arg16[%get3A_84, %get3A_85] : memref<1x128xf32, #tpu.memory_space<vmem>>, vector<1x128xf32>
    %add3A_87 = vector.broadcast %get3A_86 : vector<1x128xf32> to vector<800x128xf32>
    %add3A_88 = arith.addf %dot_general3A_83, %add3A_87 : vector<800x128xf32>
    %swap3A = arith.constant 0 : index
    %swap3A_89 = arith.constant 0 : index
    %swap3A_90 = vector.load %arg19[%swap3A, %swap3A_89] : memref<800x128xf32, #tpu.memory_space<vmem>>, vector<800x128xf32>
    tpu.vector_store %arg19[%swap3A, %swap3A_89], %add3A_88 {strides = array<i32>} : memref<800x128xf32, #tpu.memory_space<vmem>>, vector<800x128xf32>,
    %convert_element_type3A_91 = arith.truncf %add3A_88 : vector<800x128xf32> to vector<800x128xbf16>
    %get3A_92 = arith.constant 0 : index
    %get3A_93 = arith.constant 0 : index
    %get3A_94 = vector.load %arg3[%get3A_92, %get3A_93] : memref<160x800xbf16, #tpu.memory_space<vmem>>, vector<160x800xbf16>
    %dot_general3A_95 = arith.constant dense<0.000000e+00> : vector<160x128xf32>
    %dot_general3A_96 = tpu.matmul %get3A_94, %convert_element_type3A_91, %dot_general3A_95 {dimension_numbers = #tpu.dot_dimension_numbers<[1], [0], [0], [1], [0, 0, 1, 1], [], []>, transpose_lhs_hint = false} : vector<160x800xbf16>, vector<800x128xbf16>, vector<160x128xf32> -> vector<160x128xf32>
    %get3A_97 = arith.constant 0 : index
    %get3A_98 = arith.constant 0 : index
    %get3A_99 = vector.load %arg4[%get3A_97, %get3A_98] : memref<800x160xbf16, #tpu.memory_space<vmem>>, vector<800x160xbf16>
    %convert_element_type3A_100 = arith.truncf %dot_general3A_96 : vector<160x128xf32> to vector<160x128xbf16>
    %dot_general3A_101 = arith.constant dense<0.000000e+00> : vector<800x128xf32>
    %dot_general3A_102 = tpu.matmul %get3A_99, %convert_element_type3A_100, %dot_general3A_101 {dimension_numbers = #tpu.dot_dimension_numbers<[1], [0], [0], [1], [0, 0, 1, 1], [], []>, transpose_lhs_hint = false} : vector<800x160xbf16>, vector<160x128xbf16>, vector<800x128xf32> -> vector<800x128xf32>
    %get3A_103 = arith.constant 0 : index
    %get3A_104 = arith.constant 0 : index
    %get3A_105 = vector.load %arg17[%get3A_103, %get3A_104] : memref<128x256xbf16, #tpu.memory_space<vmem>>, vector<128x256xbf16>
    %dot_general3A_106 = arith.constant dense<0.000000e+00> : vector<800x256xf32>
    %dot_general3A_107 = tpu.matmul %convert_element_type3A_91, %get3A_105, %dot_general3A_106 {dimension_numbers = #tpu.dot_dimension_numbers<[1], [0], [0], [1], [0, 0, 1, 1], [], []>, transpose_lhs_hint = false} : vector<800x128xbf16>, vector<128x256xbf16>, vector<800x256xf32> -> vector<800x256xf32>
    %convert_element_type3A_108 = arith.truncf %dot_general3A_102 : vector<800x128xf32> to vector<800x128xbf16>
    %get3A_109 = arith.constant 0 : index
    %get3A_110 = arith.constant 0 : index
    %get3A_111 = vector.load %arg18[%get3A_109, %get3A_110] : memref<128x256xbf16, #tpu.memory_space<vmem>>, vector<128x256xbf16>
    %dot_general3A_112 = arith.constant dense<0.000000e+00> : vector<800x256xf32>
    %dot_general3A_113 = tpu.matmul %convert_element_type3A_108, %get3A_111, %dot_general3A_112 {dimension_numbers = #tpu.dot_dimension_numbers<[1], [0], [0], [1], [0, 0, 1, 1], [], []>, transpose_lhs_hint = false} : vector<800x128xbf16>, vector<128x256xbf16>, vector<800x256xf32> -> vector<800x256xf32>
    %add3A_114 = arith.addf %dot_general3A_107, %dot_general3A_113 : vector<800x256xf32>
    %swap3A_115 = arith.constant 0 : index
    %swap3A_116 = arith.constant 0 : index
    %swap3A_117 = vector.load %arg20[%swap3A_115, %swap3A_116] : memref<800x256xf32, #tpu.memory_space<vmem>>, vector<800x256xf32>
    tpu.vector_store %arg20[%swap3A_115, %swap3A_116], %add3A_114 {strides = array<i32>} : memref<800x256xf32, #tpu.memory_space<vmem>>, vector<800x256xf32>,
    return
  }
  func.func @transform_0(%arg0: i32) -> (i32, i32) {
    %c0_i32 = arith.constant 0 : i32
    %c0_i32_0 = arith.constant 0 : i32
    return %arg0, %c0_i32 : i32, i32
  }
  func.func @transform_1(%arg0: i32) -> (i32, i32) {
    %c0_i32 = arith.constant 0 : i32
    %c0_i32_0 = arith.constant 0 : i32
    return %arg0, %c0_i32 : i32, i32
  }
  func.func @transform_2(%arg0: i32) -> (i32, i32) {
    %c0_i32 = arith.constant 0 : i32
    %c0_i32_0 = arith.constant 0 : i32
    %c0_i32_1 = arith.constant 0 : i32
    return %c0_i32, %c0_i32_0 : i32, i32
  }
  func.func @transform_3(%arg0: i32) -> (i32, i32) {
    %c0_i32 = arith.constant 0 : i32
    %c0_i32_0 = arith.constant 0 : i32
    %c0_i32_1 = arith.constant 0 : i32
    return %c0_i32, %c0_i32_0 : i32, i32
  }
  func.func @transform_4(%arg0: i32) -> (i32, i32) {
    %c0_i32 = arith.constant 0 : i32
    %c0_i32_0 = arith.constant 0 : i32
    %c0_i32_1 = arith.constant 0 : i32
    return %c0_i32, %c0_i32_0 : i32, i32
  }
  func.func @transform_5(%arg0: i32) -> (i32, i32) {
    %c0_i32 = arith.constant 0 : i32
    %c0_i32_0 = arith.constant 0 : i32
    %c0_i32_1 = arith.constant 0 : i32
    return %c0_i32, %c0_i32_0 : i32, i32
  }
  func.func @transform_6(%arg0: i32) -> (i32, i32) {
    %c0_i32 = arith.constant 0 : i32
    %c0_i32_0 = arith.constant 0 : i32
    %c0_i32_1 = arith.constant 0 : i32
    return %c0_i32, %c0_i32_0 : i32, i32
  }
  func.func @transform_7(%arg0: i32) -> (i32, i32) {
    %c0_i32 = arith.constant 0 : i32
    %c0_i32_0 = arith.constant 0 : i32
    %c0_i32_1 = arith.constant 0 : i32
    return %c0_i32, %c0_i32_0 : i32, i32
  }
  func.func @transform_8(%arg0: i32) -> (i32, i32) {
    %c0_i32 = arith.constant 0 : i32
    %c0_i32_0 = arith.constant 0 : i32
    %c0_i32_1 = arith.constant 0 : i32
    return %c0_i32, %c0_i32_0 : i32, i32
  }
  func.func @transform_9(%arg0: i32) -> (i32, i32) {
    %c0_i32 = arith.constant 0 : i32
    %c0_i32_0 = arith.constant 0 : i32
    %c0_i32_1 = arith.constant 0 : i32
    return %c0_i32, %c0_i32_0 : i32, i32
  }
  func.func @transform_10(%arg0: i32) -> (i32, i32) {
    %c0_i32 = arith.constant 0 : i32
    %c0_i32_0 = arith.constant 0 : i32
    %c0_i32_1 = arith.constant 0 : i32
    return %c0_i32, %c0_i32_0 : i32, i32
  }
  func.func @transform_11(%arg0: i32) -> (i32, i32) {
    %c0_i32 = arith.constant 0 : i32
    %c0_i32_0 = arith.constant 0 : i32
    %c0_i32_1 = arith.constant 0 : i32
    return %c0_i32, %c0_i32_0 : i32, i32
  }
  func.func @transform_12(%arg0: i32) -> (i32, i32) {
    %c0_i32 = arith.constant 0 : i32
    %c0_i32_0 = arith.constant 0 : i32
    %c0_i32_1 = arith.constant 0 : i32
    return %c0_i32, %c0_i32_0 : i32, i32
  }
  func.func @transform_13(%arg0: i32) -> (i32, i32) {
    %c0_i32 = arith.constant 0 : i32
    %c0_i32_0 = arith.constant 0 : i32
    %c0_i32_1 = arith.constant 0 : i32
    return %c0_i32, %c0_i32_0 : i32, i32
  }
  func.func @transform_14(%arg0: i32) -> (i32, i32) {
    %c0_i32 = arith.constant 0 : i32
    %c0_i32_0 = arith.constant 0 : i32
    %c0_i32_1 = arith.constant 0 : i32
    return %c0_i32, %c0_i32_0 : i32, i32
  }
  func.func @transform_15(%arg0: i32) -> (i32, i32) {
    %c0_i32 = arith.constant 0 : i32
    %c0_i32_0 = arith.constant 0 : i32
    %c0_i32_1 = arith.constant 0 : i32
    return %c0_i32, %c0_i32_0 : i32, i32
  }
  func.func @transform_16(%arg0: i32) -> (i32, i32) {
    %c0_i32 = arith.constant 0 : i32
    %c0_i32_0 = arith.constant 0 : i32
    %c0_i32_1 = arith.constant 0 : i32
    return %c0_i32, %c0_i32_0 : i32, i32
  }
  func.func @transform_17(%arg0: i32) -> (i32, i32) {
    %c0_i32 = arith.constant 0 : i32
    %c0_i32_0 = arith.constant 0 : i32
    %c0_i32_1 = arith.constant 0 : i32
    return %c0_i32, %c0_i32_0 : i32, i32
  }
  func.func @transform_18(%arg0: i32) -> (i32, i32) {
    %c0_i32 = arith.constant 0 : i32
    %c0_i32_0 = arith.constant 0 : i32
    return %arg0, %c0_i32 : i32, i32
  }
  func.func @transform_19(%arg0: i32) -> (i32, i32) {
    %c0_i32 = arith.constant 0 : i32
    %c0_i32_0 = arith.constant 0 : i32
    return %arg0, %c0_i32 : i32, i32
  }
}

module attributes {stable_mosaic.version = 14 : i64} {
  func.func @body(%arg0: i32, %arg1: memref<960x128xbf16, #tpu.memory_space<vmem>>, %arg2: memref<960x128xbf16, #tpu.memory_space<vmem>>, %arg3: memref<160x960xbf16, #tpu.memory_space<vmem>>, %arg4: memref<960x160xbf16, #tpu.memory_space<vmem>>, %arg5: memref<128x512xbf16, #tpu.memory_space<vmem>>, %arg6: memref<128x512xbf16, #tpu.memory_space<vmem>>, %arg7: memref<1x512xf32, #tpu.memory_space<vmem>>, %arg8: memref<128x256xbf16, #tpu.memory_space<vmem>>, %arg9: memref<512x256xbf16, #tpu.memory_space<vmem>>, %arg10: memref<128x256xbf16, #tpu.memory_space<vmem>>, %arg11: memref<128x256xbf16, #tpu.memory_space<vmem>>, %arg12: memref<1x256xf32, #tpu.memory_space<vmem>>, %arg13: memref<256x256xbf16, #tpu.memory_space<vmem>>, %arg14: memref<1x256xf32, #tpu.memory_space<vmem>>, %arg15: memref<256x128xbf16, #tpu.memory_space<vmem>>, %arg16: memref<1x128xf32, #tpu.memory_space<vmem>>, %arg17: memref<128x256xbf16, #tpu.memory_space<vmem>>, %arg18: memref<128x256xbf16, #tpu.memory_space<vmem>>, %arg19: memref<960x128xf32, #tpu.memory_space<vmem>>, %arg20: memref<960x256xf32, #tpu.memory_space<vmem>>) attributes {dimension_semantics = [#tpu.dimension_semantics<arbitrary>], iteration_bounds = array<i64: 75>, scalar_prefetch = 0 : i64, scratch_operands = 0 : i64, tpu.core_type = #tpu.core_type<tc>, window_params = [{transform_indices = @transform_0, window_bounds = array<i64: 960, 128>}, {transform_indices = @transform_1, window_bounds = array<i64: 960, 128>}, {pipeline_mode = #tpu.pipeline_mode<synchronous>, transform_indices = @transform_2, window_bounds = array<i64: 160, 960>}, {pipeline_mode = #tpu.pipeline_mode<synchronous>, transform_indices = @transform_3, window_bounds = array<i64: 960, 160>}, {pipeline_mode = #tpu.pipeline_mode<synchronous>, transform_indices = @transform_4, window_bounds = array<i64: 128, 512>}, {pipeline_mode = #tpu.pipeline_mode<synchronous>, transform_indices = @transform_5, window_bounds = array<i64: 128, 512>}, {pipeline_mode = #tpu.pipeline_mode<synchronous>, transform_indices = @transform_6, window_bounds = array<i64: 1, 512>}, {pipeline_mode = #tpu.pipeline_mode<synchronous>, transform_indices = @transform_7, window_bounds = array<i64: 128, 256>}, {pipeline_mode = #tpu.pipeline_mode<synchronous>, transform_indices = @transform_8, window_bounds = array<i64: 512, 256>}, {pipeline_mode = #tpu.pipeline_mode<synchronous>, transform_indices = @transform_9, window_bounds = array<i64: 128, 256>}, {pipeline_mode = #tpu.pipeline_mode<synchronous>, transform_indices = @transform_10, window_bounds = array<i64: 128, 256>}, {pipeline_mode = #tpu.pipeline_mode<synchronous>, transform_indices = @transform_11, window_bounds = array<i64: 1, 256>}, {pipeline_mode = #tpu.pipeline_mode<synchronous>, transform_indices = @transform_12, window_bounds = array<i64: 256, 256>}, {pipeline_mode = #tpu.pipeline_mode<synchronous>, transform_indices = @transform_13, window_bounds = array<i64: 1, 256>}, {pipeline_mode = #tpu.pipeline_mode<synchronous>, transform_indices = @transform_14, window_bounds = array<i64: 256, 128>}, {pipeline_mode = #tpu.pipeline_mode<synchronous>, transform_indices = @transform_15, window_bounds = array<i64: 1, 128>}, {pipeline_mode = #tpu.pipeline_mode<synchronous>, transform_indices = @transform_16, window_bounds = array<i64: 128, 256>}, {pipeline_mode = #tpu.pipeline_mode<synchronous>, transform_indices = @transform_17, window_bounds = array<i64: 128, 256>}, {transform_indices = @transform_18, window_bounds = array<i64: 960, 128>}, {transform_indices = @transform_19, window_bounds = array<i64: 960, 256>}]} {
    %get3A = arith.constant 0 : index
    %get3A_0 = arith.constant 0 : index
    %get3A_1 = vector.load %arg1[%get3A, %get3A_0] : memref<960x128xbf16, #tpu.memory_space<vmem>>, vector<960x128xbf16>
    %get3A_2 = arith.constant 0 : index
    %get3A_3 = arith.constant 0 : index
    %get3A_4 = vector.load %arg3[%get3A_2, %get3A_3] : memref<160x960xbf16, #tpu.memory_space<vmem>>, vector<160x960xbf16>
    %dot_general3A = arith.constant dense<0.000000e+00> : vector<160x128xf32>
    %dot_general3A_5 = tpu.matmul %get3A_4, %get3A_1, %dot_general3A {dimension_numbers = #tpu.dot_dimension_numbers<[1], [0], [0], [1], [0, 0, 1, 1], [], []>, transpose_lhs_hint = false} : vector<160x960xbf16>, vector<960x128xbf16>, vector<160x128xf32> -> vector<160x128xf32>
    %get3A_6 = arith.constant 0 : index
    %get3A_7 = arith.constant 0 : index
    %get3A_8 = vector.load %arg4[%get3A_6, %get3A_7] : memref<960x160xbf16, #tpu.memory_space<vmem>>, vector<960x160xbf16>
    %convert_element_type3A = arith.truncf %dot_general3A_5 : vector<160x128xf32> to vector<160x128xbf16>
    %dot_general3A_9 = arith.constant dense<0.000000e+00> : vector<960x128xf32>
    %dot_general3A_10 = tpu.matmul %get3A_8, %convert_element_type3A, %dot_general3A_9 {dimension_numbers = #tpu.dot_dimension_numbers<[1], [0], [0], [1], [0, 0, 1, 1], [], []>, transpose_lhs_hint = false} : vector<960x160xbf16>, vector<160x128xbf16>, vector<960x128xf32> -> vector<960x128xf32>
    %convert_element_type3A_11 = arith.truncf %dot_general3A_10 : vector<960x128xf32> to vector<960x128xbf16>
    %get3A_12 = arith.constant 0 : index
    %get3A_13 = arith.constant 0 : index
    %get3A_14 = vector.load %arg5[%get3A_12, %get3A_13] : memref<128x512xbf16, #tpu.memory_space<vmem>>, vector<128x512xbf16>
    %dot_general3A_15 = arith.constant dense<0.000000e+00> : vector<960x512xf32>
    %dot_general3A_16 = tpu.matmul %get3A_1, %get3A_14, %dot_general3A_15 {dimension_numbers = #tpu.dot_dimension_numbers<[1], [0], [0], [1], [0, 0, 1, 1], [], []>, transpose_lhs_hint = false} : vector<960x128xbf16>, vector<128x512xbf16>, vector<960x512xf32> -> vector<960x512xf32>
    %get3A_17 = arith.constant 0 : index
    %get3A_18 = arith.constant 0 : index
    %get3A_19 = vector.load %arg6[%get3A_17, %get3A_18] : memref<128x512xbf16, #tpu.memory_space<vmem>>, vector<128x512xbf16>
    %dot_general3A_20 = arith.constant dense<0.000000e+00> : vector<960x512xf32>
    %dot_general3A_21 = tpu.matmul %convert_element_type3A_11, %get3A_19, %dot_general3A_20 {dimension_numbers = #tpu.dot_dimension_numbers<[1], [0], [0], [1], [0, 0, 1, 1], [], []>, transpose_lhs_hint = false} : vector<960x128xbf16>, vector<128x512xbf16>, vector<960x512xf32> -> vector<960x512xf32>
    %add3A = arith.addf %dot_general3A_16, %dot_general3A_21 : vector<960x512xf32>
    %get3A_22 = arith.constant 0 : index
    %get3A_23 = arith.constant 0 : index
    %get3A_24 = vector.load %arg7[%get3A_22, %get3A_23] : memref<1x512xf32, #tpu.memory_space<vmem>>, vector<1x512xf32>
    %add3A_25 = vector.broadcast %get3A_24 : vector<1x512xf32> to vector<960x512xf32>
    %add3A_26 = arith.addf %add3A, %add3A_25 : vector<960x512xf32>
    %max3A = arith.constant 0.000000e+00 : f32
    %max3A_27 = vector.broadcast %max3A : f32 to vector<960x512xf32>
    %max3A_28 = arith.maximumf %add3A_26, %max3A_27 : vector<960x512xf32>
    %get3A_29 = arith.constant 0 : index
    %get3A_30 = arith.constant 0 : index
    %get3A_31 = vector.load %arg2[%get3A_29, %get3A_30] : memref<960x128xbf16, #tpu.memory_space<vmem>>, vector<960x128xbf16>
    %get3A_32 = arith.constant 0 : index
    %get3A_33 = arith.constant 0 : index
    %get3A_34 = vector.load %arg8[%get3A_32, %get3A_33] : memref<128x256xbf16, #tpu.memory_space<vmem>>, vector<128x256xbf16>
    %dot_general3A_35 = arith.constant dense<0.000000e+00> : vector<960x256xf32>
    %dot_general3A_36 = tpu.matmul %get3A_31, %get3A_34, %dot_general3A_35 {dimension_numbers = #tpu.dot_dimension_numbers<[1], [0], [0], [1], [0, 0, 1, 1], [], []>, transpose_lhs_hint = false} : vector<960x128xbf16>, vector<128x256xbf16>, vector<960x256xf32> -> vector<960x256xf32>
    %convert_element_type3A_37 = arith.truncf %max3A_28 : vector<960x512xf32> to vector<960x512xbf16>
    %get3A_38 = arith.constant 0 : index
    %get3A_39 = arith.constant 0 : index
    %get3A_40 = vector.load %arg9[%get3A_38, %get3A_39] : memref<512x256xbf16, #tpu.memory_space<vmem>>, vector<512x256xbf16>
    %dot_general3A_41 = arith.constant dense<0.000000e+00> : vector<960x256xf32>
    %dot_general3A_42 = tpu.matmul %convert_element_type3A_37, %get3A_40, %dot_general3A_41 {dimension_numbers = #tpu.dot_dimension_numbers<[1], [0], [0], [1], [0, 0, 1, 1], [], []>, transpose_lhs_hint = false} : vector<960x512xbf16>, vector<512x256xbf16>, vector<960x256xf32> -> vector<960x256xf32>
    %add3A_43 = arith.addf %dot_general3A_36, %dot_general3A_42 : vector<960x256xf32>
    %get3A_44 = arith.constant 0 : index
    %get3A_45 = arith.constant 0 : index
    %get3A_46 = vector.load %arg10[%get3A_44, %get3A_45] : memref<128x256xbf16, #tpu.memory_space<vmem>>, vector<128x256xbf16>
    %dot_general3A_47 = arith.constant dense<0.000000e+00> : vector<960x256xf32>
    %dot_general3A_48 = tpu.matmul %get3A_1, %get3A_46, %dot_general3A_47 {dimension_numbers = #tpu.dot_dimension_numbers<[1], [0], [0], [1], [0, 0, 1, 1], [], []>, transpose_lhs_hint = false} : vector<960x128xbf16>, vector<128x256xbf16>, vector<960x256xf32> -> vector<960x256xf32>
    %add3A_49 = arith.addf %add3A_43, %dot_general3A_48 : vector<960x256xf32>
    %get3A_50 = arith.constant 0 : index
    %get3A_51 = arith.constant 0 : index
    %get3A_52 = vector.load %arg11[%get3A_50, %get3A_51] : memref<128x256xbf16, #tpu.memory_space<vmem>>, vector<128x256xbf16>
    %dot_general3A_53 = arith.constant dense<0.000000e+00> : vector<960x256xf32>
    %dot_general3A_54 = tpu.matmul %convert_element_type3A_11, %get3A_52, %dot_general3A_53 {dimension_numbers = #tpu.dot_dimension_numbers<[1], [0], [0], [1], [0, 0, 1, 1], [], []>, transpose_lhs_hint = false} : vector<960x128xbf16>, vector<128x256xbf16>, vector<960x256xf32> -> vector<960x256xf32>
    %add3A_55 = arith.addf %add3A_49, %dot_general3A_54 : vector<960x256xf32>
    %get3A_56 = arith.constant 0 : index
    %get3A_57 = arith.constant 0 : index
    %get3A_58 = vector.load %arg12[%get3A_56, %get3A_57] : memref<1x256xf32, #tpu.memory_space<vmem>>, vector<1x256xf32>
    %add3A_59 = vector.broadcast %get3A_58 : vector<1x256xf32> to vector<960x256xf32>
    %add3A_60 = arith.addf %add3A_55, %add3A_59 : vector<960x256xf32>
    %max3A_61 = arith.constant 0.000000e+00 : f32
    %max3A_62 = vector.broadcast %max3A_61 : f32 to vector<960x256xf32>
    %max3A_63 = arith.maximumf %add3A_60, %max3A_62 : vector<960x256xf32>
    %convert_element_type3A_64 = arith.truncf %max3A_63 : vector<960x256xf32> to vector<960x256xbf16>
    %get3A_65 = arith.constant 0 : index
    %get3A_66 = arith.constant 0 : index
    %get3A_67 = vector.load %arg13[%get3A_65, %get3A_66] : memref<256x256xbf16, #tpu.memory_space<vmem>>, vector<256x256xbf16>
    %dot_general3A_68 = arith.constant dense<0.000000e+00> : vector<960x256xf32>
    %dot_general3A_69 = tpu.matmul %convert_element_type3A_64, %get3A_67, %dot_general3A_68 {dimension_numbers = #tpu.dot_dimension_numbers<[1], [0], [0], [1], [0, 0, 1, 1], [], []>, transpose_lhs_hint = false} : vector<960x256xbf16>, vector<256x256xbf16>, vector<960x256xf32> -> vector<960x256xf32>
    %get3A_70 = arith.constant 0 : index
    %get3A_71 = arith.constant 0 : index
    %get3A_72 = vector.load %arg14[%get3A_70, %get3A_71] : memref<1x256xf32, #tpu.memory_space<vmem>>, vector<1x256xf32>
    %add3A_73 = vector.broadcast %get3A_72 : vector<1x256xf32> to vector<960x256xf32>
    %add3A_74 = arith.addf %dot_general3A_69, %add3A_73 : vector<960x256xf32>
    %max3A_75 = arith.constant 0.000000e+00 : f32
    %max3A_76 = vector.broadcast %max3A_75 : f32 to vector<960x256xf32>
    %max3A_77 = arith.maximumf %add3A_74, %max3A_76 : vector<960x256xf32>
    %convert_element_type3A_78 = arith.truncf %max3A_77 : vector<960x256xf32> to vector<960x256xbf16>
    %get3A_79 = arith.constant 0 : index
    %get3A_80 = arith.constant 0 : index
    %get3A_81 = vector.load %arg15[%get3A_79, %get3A_80] : memref<256x128xbf16, #tpu.memory_space<vmem>>, vector<256x128xbf16>
    %dot_general3A_82 = arith.constant dense<0.000000e+00> : vector<960x128xf32>
    %dot_general3A_83 = tpu.matmul %convert_element_type3A_78, %get3A_81, %dot_general3A_82 {dimension_numbers = #tpu.dot_dimension_numbers<[1], [0], [0], [1], [0, 0, 1, 1], [], []>, transpose_lhs_hint = false} : vector<960x256xbf16>, vector<256x128xbf16>, vector<960x128xf32> -> vector<960x128xf32>
    %get3A_84 = arith.constant 0 : index
    %get3A_85 = arith.constant 0 : index
    %get3A_86 = vector.load %arg16[%get3A_84, %get3A_85] : memref<1x128xf32, #tpu.memory_space<vmem>>, vector<1x128xf32>
    %add3A_87 = vector.broadcast %get3A_86 : vector<1x128xf32> to vector<960x128xf32>
    %add3A_88 = arith.addf %dot_general3A_83, %add3A_87 : vector<960x128xf32>
    %swap3A = arith.constant 0 : index
    %swap3A_89 = arith.constant 0 : index
    %swap3A_90 = vector.load %arg19[%swap3A, %swap3A_89] : memref<960x128xf32, #tpu.memory_space<vmem>>, vector<960x128xf32>
    tpu.vector_store %arg19[%swap3A, %swap3A_89], %add3A_88 {strides = array<i32>} : memref<960x128xf32, #tpu.memory_space<vmem>>, vector<960x128xf32>,
    %convert_element_type3A_91 = arith.truncf %add3A_88 : vector<960x128xf32> to vector<960x128xbf16>
    %get3A_92 = arith.constant 0 : index
    %get3A_93 = arith.constant 0 : index
    %get3A_94 = vector.load %arg3[%get3A_92, %get3A_93] : memref<160x960xbf16, #tpu.memory_space<vmem>>, vector<160x960xbf16>
    %dot_general3A_95 = arith.constant dense<0.000000e+00> : vector<160x128xf32>
    %dot_general3A_96 = tpu.matmul %get3A_94, %convert_element_type3A_91, %dot_general3A_95 {dimension_numbers = #tpu.dot_dimension_numbers<[1], [0], [0], [1], [0, 0, 1, 1], [], []>, transpose_lhs_hint = false} : vector<160x960xbf16>, vector<960x128xbf16>, vector<160x128xf32> -> vector<160x128xf32>
    %get3A_97 = arith.constant 0 : index
    %get3A_98 = arith.constant 0 : index
    %get3A_99 = vector.load %arg4[%get3A_97, %get3A_98] : memref<960x160xbf16, #tpu.memory_space<vmem>>, vector<960x160xbf16>
    %convert_element_type3A_100 = arith.truncf %dot_general3A_96 : vector<160x128xf32> to vector<160x128xbf16>
    %dot_general3A_101 = arith.constant dense<0.000000e+00> : vector<960x128xf32>
    %dot_general3A_102 = tpu.matmul %get3A_99, %convert_element_type3A_100, %dot_general3A_101 {dimension_numbers = #tpu.dot_dimension_numbers<[1], [0], [0], [1], [0, 0, 1, 1], [], []>, transpose_lhs_hint = false} : vector<960x160xbf16>, vector<160x128xbf16>, vector<960x128xf32> -> vector<960x128xf32>
    %get3A_103 = arith.constant 0 : index
    %get3A_104 = arith.constant 0 : index
    %get3A_105 = vector.load %arg17[%get3A_103, %get3A_104] : memref<128x256xbf16, #tpu.memory_space<vmem>>, vector<128x256xbf16>
    %dot_general3A_106 = arith.constant dense<0.000000e+00> : vector<960x256xf32>
    %dot_general3A_107 = tpu.matmul %convert_element_type3A_91, %get3A_105, %dot_general3A_106 {dimension_numbers = #tpu.dot_dimension_numbers<[1], [0], [0], [1], [0, 0, 1, 1], [], []>, transpose_lhs_hint = false} : vector<960x128xbf16>, vector<128x256xbf16>, vector<960x256xf32> -> vector<960x256xf32>
    %convert_element_type3A_108 = arith.truncf %dot_general3A_102 : vector<960x128xf32> to vector<960x128xbf16>
    %get3A_109 = arith.constant 0 : index
    %get3A_110 = arith.constant 0 : index
    %get3A_111 = vector.load %arg18[%get3A_109, %get3A_110] : memref<128x256xbf16, #tpu.memory_space<vmem>>, vector<128x256xbf16>
    %dot_general3A_112 = arith.constant dense<0.000000e+00> : vector<960x256xf32>
    %dot_general3A_113 = tpu.matmul %convert_element_type3A_108, %get3A_111, %dot_general3A_112 {dimension_numbers = #tpu.dot_dimension_numbers<[1], [0], [0], [1], [0, 0, 1, 1], [], []>, transpose_lhs_hint = false} : vector<960x128xbf16>, vector<128x256xbf16>, vector<960x256xf32> -> vector<960x256xf32>
    %add3A_114 = arith.addf %dot_general3A_107, %dot_general3A_113 : vector<960x256xf32>
    %swap3A_115 = arith.constant 0 : index
    %swap3A_116 = arith.constant 0 : index
    %swap3A_117 = vector.load %arg20[%swap3A_115, %swap3A_116] : memref<960x256xf32, #tpu.memory_space<vmem>>, vector<960x256xf32>
    tpu.vector_store %arg20[%swap3A_115, %swap3A_116], %add3A_114 {strides = array<i32>} : memref<960x256xf32, #tpu.memory_space<vmem>>, vector<960x256xf32>,
    return
  }
  func.func @transform_0(%arg0: i32) -> (i32, i32) {
    %c0_i32 = arith.constant 0 : i32
    %c0_i32_0 = arith.constant 0 : i32
    return %arg0, %c0_i32 : i32, i32
  }
  func.func @transform_1(%arg0: i32) -> (i32, i32) {
    %c0_i32 = arith.constant 0 : i32
    %c0_i32_0 = arith.constant 0 : i32
    return %arg0, %c0_i32 : i32, i32
  }
  func.func @transform_2(%arg0: i32) -> (i32, i32) {
    %c0_i32 = arith.constant 0 : i32
    %c0_i32_0 = arith.constant 0 : i32
    %c0_i32_1 = arith.constant 0 : i32
    return %c0_i32, %c0_i32_0 : i32, i32
  }
  func.func @transform_3(%arg0: i32) -> (i32, i32) {
    %c0_i32 = arith.constant 0 : i32
    %c0_i32_0 = arith.constant 0 : i32
    %c0_i32_1 = arith.constant 0 : i32
    return %c0_i32, %c0_i32_0 : i32, i32
  }
  func.func @transform_4(%arg0: i32) -> (i32, i32) {
    %c0_i32 = arith.constant 0 : i32
    %c0_i32_0 = arith.constant 0 : i32
    %c0_i32_1 = arith.constant 0 : i32
    return %c0_i32, %c0_i32_0 : i32, i32
  }
  func.func @transform_5(%arg0: i32) -> (i32, i32) {
    %c0_i32 = arith.constant 0 : i32
    %c0_i32_0 = arith.constant 0 : i32
    %c0_i32_1 = arith.constant 0 : i32
    return %c0_i32, %c0_i32_0 : i32, i32
  }
  func.func @transform_6(%arg0: i32) -> (i32, i32) {
    %c0_i32 = arith.constant 0 : i32
    %c0_i32_0 = arith.constant 0 : i32
    %c0_i32_1 = arith.constant 0 : i32
    return %c0_i32, %c0_i32_0 : i32, i32
  }
  func.func @transform_7(%arg0: i32) -> (i32, i32) {
    %c0_i32 = arith.constant 0 : i32
    %c0_i32_0 = arith.constant 0 : i32
    %c0_i32_1 = arith.constant 0 : i32
    return %c0_i32, %c0_i32_0 : i32, i32
  }
  func.func @transform_8(%arg0: i32) -> (i32, i32) {
    %c0_i32 = arith.constant 0 : i32
    %c0_i32_0 = arith.constant 0 : i32
    %c0_i32_1 = arith.constant 0 : i32
    return %c0_i32, %c0_i32_0 : i32, i32
  }
  func.func @transform_9(%arg0: i32) -> (i32, i32) {
    %c0_i32 = arith.constant 0 : i32
    %c0_i32_0 = arith.constant 0 : i32
    %c0_i32_1 = arith.constant 0 : i32
    return %c0_i32, %c0_i32_0 : i32, i32
  }
  func.func @transform_10(%arg0: i32) -> (i32, i32) {
    %c0_i32 = arith.constant 0 : i32
    %c0_i32_0 = arith.constant 0 : i32
    %c0_i32_1 = arith.constant 0 : i32
    return %c0_i32, %c0_i32_0 : i32, i32
  }
  func.func @transform_11(%arg0: i32) -> (i32, i32) {
    %c0_i32 = arith.constant 0 : i32
    %c0_i32_0 = arith.constant 0 : i32
    %c0_i32_1 = arith.constant 0 : i32
    return %c0_i32, %c0_i32_0 : i32, i32
  }
  func.func @transform_12(%arg0: i32) -> (i32, i32) {
    %c0_i32 = arith.constant 0 : i32
    %c0_i32_0 = arith.constant 0 : i32
    %c0_i32_1 = arith.constant 0 : i32
    return %c0_i32, %c0_i32_0 : i32, i32
  }
  func.func @transform_13(%arg0: i32) -> (i32, i32) {
    %c0_i32 = arith.constant 0 : i32
    %c0_i32_0 = arith.constant 0 : i32
    %c0_i32_1 = arith.constant 0 : i32
    return %c0_i32, %c0_i32_0 : i32, i32
  }
  func.func @transform_14(%arg0: i32) -> (i32, i32) {
    %c0_i32 = arith.constant 0 : i32
    %c0_i32_0 = arith.constant 0 : i32
    %c0_i32_1 = arith.constant 0 : i32
    return %c0_i32, %c0_i32_0 : i32, i32
  }
  func.func @transform_15(%arg0: i32) -> (i32, i32) {
    %c0_i32 = arith.constant 0 : i32
    %c0_i32_0 = arith.constant 0 : i32
    %c0_i32_1 = arith.constant 0 : i32
    return %c0_i32, %c0_i32_0 : i32, i32
  }
  func.func @transform_16(%arg0: i32) -> (i32, i32) {
    %c0_i32 = arith.constant 0 : i32
    %c0_i32_0 = arith.constant 0 : i32
    %c0_i32_1 = arith.constant 0 : i32
    return %c0_i32, %c0_i32_0 : i32, i32
  }
  func.func @transform_17(%arg0: i32) -> (i32, i32) {
    %c0_i32 = arith.constant 0 : i32
    %c0_i32_0 = arith.constant 0 : i32
    %c0_i32_1 = arith.constant 0 : i32
    return %c0_i32, %c0_i32_0 : i32, i32
  }
  func.func @transform_18(%arg0: i32) -> (i32, i32) {
    %c0_i32 = arith.constant 0 : i32
    %c0_i32_0 = arith.constant 0 : i32
    return %arg0, %c0_i32 : i32, i32
  }
  func.func @transform_19(%arg0: i32) -> (i32, i32) {
    %c0_i32 = arith.constant 0 : i32
    %c0_i32_0 = arith.constant 0 : i32
    return %arg0, %c0_i32 : i32, i32
  }
}

module attributes {stable_mosaic.version = 14 : i64} {
  func.func @body(%arg0: i32, %arg1: memref<2000x128xbf16, #tpu.memory_space<vmem>>, %arg2: memref<2000x256xf32, #tpu.memory_space<vmem>>, %arg3: memref<128x256xbf16, #tpu.memory_space<vmem>>, %arg4: memref<1x256xf32, #tpu.memory_space<vmem>>, %arg5: memref<256x128xbf16, #tpu.memory_space<vmem>>, %arg6: memref<1x128xf32, #tpu.memory_space<vmem>>, %arg7: memref<2000x128xf32, #tpu.memory_space<vmem>>) attributes {dimension_semantics = [#tpu.dimension_semantics<arbitrary>], iteration_bounds = array<i64: 160>, scalar_prefetch = 0 : i64, scratch_operands = 0 : i64, tpu.core_type = #tpu.core_type<tc>, window_params = [{transform_indices = @transform_0, window_bounds = array<i64: 2000, 128>}, {transform_indices = @transform_1, window_bounds = array<i64: 2000, 256>}, {pipeline_mode = #tpu.pipeline_mode<synchronous>, transform_indices = @transform_2, window_bounds = array<i64: 128, 256>}, {pipeline_mode = #tpu.pipeline_mode<synchronous>, transform_indices = @transform_3, window_bounds = array<i64: 1, 256>}, {pipeline_mode = #tpu.pipeline_mode<synchronous>, transform_indices = @transform_4, window_bounds = array<i64: 256, 128>}, {pipeline_mode = #tpu.pipeline_mode<synchronous>, transform_indices = @transform_5, window_bounds = array<i64: 1, 128>}, {transform_indices = @transform_6, window_bounds = array<i64: 2000, 128>}]} {
    %get3A = arith.constant 0 : index
    %get3A_0 = arith.constant 0 : index
    %get3A_1 = vector.load %arg1[%get3A, %get3A_0] : memref<2000x128xbf16, #tpu.memory_space<vmem>>, vector<2000x128xbf16>
    %get3A_2 = arith.constant 0 : index
    %get3A_3 = arith.constant 0 : index
    %get3A_4 = vector.load %arg3[%get3A_2, %get3A_3] : memref<128x256xbf16, #tpu.memory_space<vmem>>, vector<128x256xbf16>
    %dot_general3A = arith.constant dense<0.000000e+00> : vector<2000x256xf32>
    %dot_general3A_5 = tpu.matmul %get3A_1, %get3A_4, %dot_general3A {dimension_numbers = #tpu.dot_dimension_numbers<[1], [0], [0], [1], [0, 0, 1, 1], [], []>, transpose_lhs_hint = false} : vector<2000x128xbf16>, vector<128x256xbf16>, vector<2000x256xf32> -> vector<2000x256xf32>
    %get3A_6 = arith.constant 0 : index
    %get3A_7 = arith.constant 0 : index
    %get3A_8 = vector.load %arg2[%get3A_6, %get3A_7] : memref<2000x256xf32, #tpu.memory_space<vmem>>, vector<2000x256xf32>
    %add3A = arith.addf %dot_general3A_5, %get3A_8 : vector<2000x256xf32>
    %get3A_9 = arith.constant 0 : index
    %get3A_10 = arith.constant 0 : index
    %get3A_11 = vector.load %arg4[%get3A_9, %get3A_10] : memref<1x256xf32, #tpu.memory_space<vmem>>, vector<1x256xf32>
    %add3A_12 = vector.broadcast %get3A_11 : vector<1x256xf32> to vector<2000x256xf32>
    %add3A_13 = arith.addf %add3A, %add3A_12 : vector<2000x256xf32>
    %max3A = arith.constant 0.000000e+00 : f32
    %max3A_14 = vector.broadcast %max3A : f32 to vector<2000x256xf32>
    %max3A_15 = arith.maximumf %add3A_13, %max3A_14 : vector<2000x256xf32>
    %convert_element_type3A = arith.truncf %max3A_15 : vector<2000x256xf32> to vector<2000x256xbf16>
    %get3A_16 = arith.constant 0 : index
    %get3A_17 = arith.constant 0 : index
    %get3A_18 = vector.load %arg5[%get3A_16, %get3A_17] : memref<256x128xbf16, #tpu.memory_space<vmem>>, vector<256x128xbf16>
    %dot_general3A_19 = arith.constant dense<0.000000e+00> : vector<2000x128xf32>
    %dot_general3A_20 = tpu.matmul %convert_element_type3A, %get3A_18, %dot_general3A_19 {dimension_numbers = #tpu.dot_dimension_numbers<[1], [0], [0], [1], [0, 0, 1, 1], [], []>, transpose_lhs_hint = false} : vector<2000x256xbf16>, vector<256x128xbf16>, vector<2000x128xf32> -> vector<2000x128xf32>
    %get3A_21 = arith.constant 0 : index
    %get3A_22 = arith.constant 0 : index
    %get3A_23 = vector.load %arg6[%get3A_21, %get3A_22] : memref<1x128xf32, #tpu.memory_space<vmem>>, vector<1x128xf32>
    %add3A_24 = vector.broadcast %get3A_23 : vector<1x128xf32> to vector<2000x128xf32>
    %add3A_25 = arith.addf %dot_general3A_20, %add3A_24 : vector<2000x128xf32>
    %swap3A = arith.constant 0 : index
    %swap3A_26 = arith.constant 0 : index
    %swap3A_27 = vector.load %arg7[%swap3A, %swap3A_26] : memref<2000x128xf32, #tpu.memory_space<vmem>>, vector<2000x128xf32>
    tpu.vector_store %arg7[%swap3A, %swap3A_26], %add3A_25 {strides = array<i32>} : memref<2000x128xf32, #tpu.memory_space<vmem>>, vector<2000x128xf32>,
    return
  }
  func.func @transform_0(%arg0: i32) -> (i32, i32) {
    %c0_i32 = arith.constant 0 : i32
    %c0_i32_0 = arith.constant 0 : i32
    return %arg0, %c0_i32 : i32, i32
  }
  func.func @transform_1(%arg0: i32) -> (i32, i32) {
    %c0_i32 = arith.constant 0 : i32
    %c0_i32_0 = arith.constant 0 : i32
    return %arg0, %c0_i32 : i32, i32
  }
  func.func @transform_2(%arg0: i32) -> (i32, i32) {
    %c0_i32 = arith.constant 0 : i32
    %c0_i32_0 = arith.constant 0 : i32
    %c0_i32_1 = arith.constant 0 : i32
    return %c0_i32, %c0_i32_0 : i32, i32
  }
  func.func @transform_3(%arg0: i32) -> (i32, i32) {
    %c0_i32 = arith.constant 0 : i32
    %c0_i32_0 = arith.constant 0 : i32
    %c0_i32_1 = arith.constant 0 : i32
    return %c0_i32, %c0_i32_0 : i32, i32
  }
  func.func @transform_4(%arg0: i32) -> (i32, i32) {
    %c0_i32 = arith.constant 0 : i32
    %c0_i32_0 = arith.constant 0 : i32
    %c0_i32_1 = arith.constant 0 : i32
    return %c0_i32, %c0_i32_0 : i32, i32
  }
  func.func @transform_5(%arg0: i32) -> (i32, i32) {
    %c0_i32 = arith.constant 0 : i32
    %c0_i32_0 = arith.constant 0 : i32
    %c0_i32_1 = arith.constant 0 : i32
    return %c0_i32, %c0_i32_0 : i32, i32
  }
  func.func @transform_6(%arg0: i32) -> (i32, i32) {
    %c0_i32 = arith.constant 0 : i32
    %c0_i32_0 = arith.constant 0 : i32
    return %arg0, %c0_i32 : i32, i32
  }
}

</mosaic_0001>

<sc_bundles>
// kernel: kernel.10.cloned.1.call-start
scs
__scs_entry_jumppad:
0x0: {  	(pc) =	sbr.rel $0x88, $3  }
0x1: {  	(tag) =	ssettag $0x0;
	lr =	simm.s32 $0x1  }
0x2: {  	[smem:$0x3F8E] =	sst lr;
	_ =	strace $0xD0000000  }
0x3: {  	_ = 	snop  }
0x4: {  	_ = 	snop  }
0x5: {  	_ = 	snop  }
0x6: {  	_ = 	snop  }
0x7: {  	_ = 	snop  }
__scs_overlays_trampoline_lowered:
0x8: {  	[smem:$0x3F9D] =	sst s0  }
0x9: {  	[smem:$0x3F9E] =	sst s1  }
0xa: {  	[smem:$0x3F9F] =	sst s2  }
0xb: {  	[smem:$0x3FA0] =	sst s3  }
0xc: {  	[smem:$0x3FA1] =	sst s4  }
0xd: {  	[smem:$0x3FA2] =	sst s5  }
0xe: {  	[smem:$0x3FA3] =	sst s6  }
0xf: {  	[smem:$0x3FA4] =	sst s7  }
0x10: {  	[smem:$0x3FA5] =	sst s8  }
0x11: {  	[smem:$0x3FA6] =	sst s9;
	s0 =	simm.s32 @!p0 $0x0  }
0x12: {  	s1 =	sld [smem:$0x3F8C];
	s0 =	simm.s32 @p0 $0x1  }
0x13: {  	[smem:$0x3FA7] =	sst s0;
	s0 =	simm.s32 @!p1 $0x0  }
0x14: {  	s2 =	sld [smem:$0x3F8B];
	s0 =	simm.s32 @p1 $0x1  }
0x15: {  	[smem:$0x3FA8] =	sst s0;
	s0 =	simm.s32 @!p2 $0x0  }
0x16: {  	s3 =	sld [smem:$0x3FDB];
	s0 =	simm.s32 @p2 $0x1  }
0x17: {  	s4 =	simm.s32 $0x1BF5;
	[smem:$0x3FAA] =	sst s0  }
0x18: {  	s0 =	sld [smem:$0x3F8D];
	_ =	swait.ge [sflag:s4], $0x0  }
0x19: {  	s7 =	sld [smem:$0x3F8E]  }
0x1a: {  	s8 =	sadd.s32 $0xFFFFE003, lr  }
0x1b: {  	s9 =	sadd.s32 $0xFFFFFEF7, lr;
	s5 =	simm.s32 $0xFFFFFFFF;
	p2 =	slt.u32 s8, $0xFFFFF086  }
0x1c: {  	p1 =	slt.u32 s9, $0xF7A;
	s5 =	simm.s32 @!p2 $0x0  }
0x1d: {  	s5 =	simm.s32 @p1 $0x1;
	p0 =	seq.s32 s7, s2  }
0x1e: {  	s7 =	smul.u32 @!p0 $0xF7A, s2;
	p2 =	seq.s32 @!p0 s5, $0x0  }
0x1f: {  	s9 =	smul.u32 $0xF7A, s1;
	s8 =	simm.s32 @!p0 $0x1BF5;
	p2 =	por !p2, p0  }
0x20: {  	[sflag:s8] =	ssyncset.s32 @!p0 $0xFFFFF086;
	s6 =	sadd.s32 @!p0 s3, s7;
	s7 =	simm.s32 @!p0 $0x108  }
0x21: {  	s3 =	sadd.s32 s3, s9;
	s6 =	sadd.s32 @!p0 $0x88, s6;
	s7 =	simm.s32 @p2 $0x1082  }
0x22: {  	[simem:s7], [sflag:s8] =	dma.local @!p0 [hbm:s6], $0xF7A  }
0x23: {  	s9 =	sor.u32 $0xD0000000, s2;
	s6 =	simm.s32 $0x108;
	_ =	swait.ge @!p0 [sflag:s8], $0x0  }
0x24: {  	s3 =	sadd.s32 $0x88, s3;
	s6 =	simm.s32 @!p1 $0x1082;
	[sflag:s4] =	ssyncset.s32 $0xFFFFF086  }
0x25: {  	[simem:s6], [sflag:s4] =	dma.local [hbm:s3], $0xF7A  }
0x26: {  	[smem:$0x3F8E] =	sst s1;
	(tag) =	ssettag s2;
	_ =	strace s9  }
0x27: {  	s1 =	sld [smem:$0x3F9E]  }
0x28: {  	s2 =	sld [smem:$0x3F9F]  }
0x29: {  	s4 =	sld [smem:$0x3FA1]  }
0x2a: {  	p0 =	seq.s32 s5, $0x0;
	s5 =	sld [smem:$0x3FA2]  }
0x2b: {  	s6 =	sld [smem:$0x3FA3]  }
0x2c: {  	s7 =	sld [smem:$0x3FA4]  }
0x2d: {  	s3 =	simm.s32 $0x108;
	s8 =	sld [smem:$0x3FA5]  }
0x2e: {  	s3 =	simm.s32 @!p0 $0x1082;
	s9 =	sld [smem:$0x3FA6]  }
0x2f: {  	lr =	sadd.s32 s0, s3;
	s0 =	sld [smem:$0x3F9D]  }
0x30: {  	s3 =	sld [smem:$0x3FA0]  }
0x31: {  	[smem:$0x3FA9] =	sst s10  }
0x32: {  	s10 =	sld [smem:$0x3FA7];
	_ =	sdelay $0x3  }
0x33: {  	p0 =	seq.s32 s10, $0x1;
	s10 =	sld [smem:$0x3FA9];
	_ =	sdelay $0x3  }
0x34: {  	[smem:$0x3FA9] =	sst s10  }
0x35: {  	s10 =	sld [smem:$0x3FA8];
	_ =	sdelay $0x3  }
0x36: {  	p1 =	seq.s32 s10, $0x1;
	s10 =	sld [smem:$0x3FA9];
	_ =	sdelay $0x3  }
0x37: {  	[smem:$0x3FA9] =	sst s10  }
0x38: {  	s10 =	sld [smem:$0x3FAA]  }
0x39: {  	_ = 	snop;
	(pc) =	sbr.ind lr, $3  }
0x3a: {  	_ = 	snop  }
0x3b: {  	_ = 	snop  }
0x3c: {  	p2 =	seq.s32 s10, $0x1;
	s10 =	sld [smem:$0x3FA9]  }
0x3d: {  	_ =	shalt  }
0x3e: {  	_ =	shalt  }
0x3f: {  	_ =	shalt  }
0x40: {  	_ =	shalt  }
0x41: {  	_ =	shalt  }
0x42: {  	_ =	shalt  }
0x43: {  	_ =	shalt  }
0x44: {  	_ =	shalt  }
0x45: {  	_ =	shalt  }
0x46: {  	_ =	shalt  }
0x47: {  	_ =	shalt  }
0x48: {  	_ =	shalt  }
0x49: {  	_ =	shalt  }
0x4a: {  	_ =	shalt  }
0x4b: {  	_ =	shalt  }
0x4c: {  	_ =	shalt  }
0x4d: {  	_ =	shalt  }
0x4e: {  	_ =	shalt  }
0x4f: {  	_ =	shalt  }
0x50: {  	_ =	shalt  }
0x51: {  	_ =	shalt  }
0x52: {  	_ =	shalt  }
0x53: {  	_ =	shalt  }
0x54: {  	_ =	shalt  }
0x55: {  	_ =	shalt  }
0x56: {  	_ =	shalt  }
0x57: {  	_ =	shalt  }
0x58: {  	_ =	shalt  }
0x59: {  	_ =	shalt  }
0x5a: {  	_ =	shalt  }
0x5b: {  	_ =	shalt  }
0x5c: {  	_ =	shalt  }
0x5d: {  	_ =	shalt  }
0x5e: {  	_ =	shalt  }
0x5f: {  	_ =	shalt  }
0x60: {  	_ =	shalt  }
0x61: {  	_ =	shalt  }
0x62: {  	_ =	shalt  }
0x63: {  	_ =	shalt  }
0x64: {  	_ =	shalt  }
0x65: {  	_ =	shalt  }
0x66: {  	_ =	shalt  }
0x67: {  	_ =	shalt  }
0x68: {  	_ =	shalt  }
0x69: {  	_ =	shalt  }
0x6a: {  	_ =	shalt  }
0x6b: {  	_ =	shalt  }
0x6c: {  	_ =	shalt  }
0x6d: {  	_ =	shalt  }
0x6e: {  	_ =	shalt  }
0x6f: {  	_ =	shalt  }
0x70: {  	_ =	shalt  }
0x71: {  	_ =	shalt  }
0x72: {  	_ =	shalt  }
0x73: {  	_ =	shalt  }
0x74: {  	_ =	shalt  }
0x75: {  	_ =	shalt  }
0x76: {  	_ =	shalt  }
0x77: {  	_ =	shalt  }
0x78: {  	_ =	shalt  }
0x79: {  	_ =	shalt  }
0x7a: {  	_ =	shalt  }
0x7b: {  	_ =	shalt  }
0x7c: {  	_ =	shalt  }
0x7d: {  	_ =	shalt  }
0x7e: {  	_ =	shalt  }
0x7f: {  	_ =	shalt  }
0x80: {  	_ =	shalt  }
0x81: {  	_ =	shalt  }
0x82: {  	_ =	shalt  }
0x83: {  	_ =	shalt  }
0x84: {  	_ =	shalt  }
0x85: {  	_ =	shalt  }
0x86: {  	_ =	shalt  }
0x87: {  	_ =	shalt  }
.Lfunc_end0:
.L_simem_size_0:
called_computation.1_lowered:
.L_overlay_start_0:
0x88: {  	s2 =	sld [smem:$0x3FD9]  }
0x89: {  	s3 =	sld [smem:$0x3FFE];
	_ =	sdelay $0x1  }
0x8a: {  	s1 =	srdreg.scid  }
0x8b: {  	s0 =	sand.u32 $0x1, s1  }
0x8c: {  	s14 =	sshll.u32 s0, $0xA;
	s2 =	sadd.s32 s3, s2  }
0x8d: {  	s2 =	sadd.s32 s2, s14  }
0x8e: {  	[smem:$0x3FB5] =	sst s2  }
0x8f: {  	_ = 	snop  }
0x90: {  	s2 =	sld [smem:$0x3FD0];
	_ =	sdelay $0x2  }
0x91: {  	s15 =	simm.s32 $0xA;
	s4 =	simm.s32 $0x10  }
0x92: {  	[smem:s4], [sflag:s15] =	dma.local [hbm:s2], $0x1  }
0x93: {  	_ =	swait.eq [sflag:s15], $0x1  }
0x94: {  	[sflag:s15] =	ssyncset.done $0x0  }
0x95: {  	[sflag:s15] =	ssyncadd.s32 $0xFFFFFFFF  }
0x96: {  	s16 =	sld [smem:$0x10];
	(tm) =	ssettm $0x1  }
0x97: {  	s17 =	sld [smem:$0x3FFB];
	_ =	sdelay $0x3  }
0x98: {  	_ =	strace s17  }
0x99: {  	s3 =	sld [smem:$0x3FFC];
	_ =	sdelay $0x3  }
0x9a: {  	_ =	strace s3  }
0x9b: {  	s3 =	sld [smem:$0x3FFD];
	_ =	sdelay $0x3  }
0x9c: {  	_ =	strace s3  }
0x9d: {  	_ =	strace $0x8FFFFFFF  }
0x9e: {  	s18 =	sld [smem:$0x3FDB];
	_ =	sdelay $0x1  }
0x9f: {  	s19 =	simm.s32 $_scs_section_size  }
0xa0: {  	s5 =	simm.s32 $_size__tile_overlayer_lowered;
	s6 =	simm.s32 $_tile_overlayer_lowered  }
0xa1: {  	s22 =	simm.s32 $0x1BFF;
	s21 =	sshll.u32 s6, $0x1;
	s3 =	sadd.s32 s19, s18  }
0xa2: {  	s7 =	simm.s32 $0x0;
	s20 =	sshll.u32 s5, $0x1;
	s5 =	sadd.s32 s21, s3  }
0xa3: {  	[timem:s7], [sflag:s22] =	dma.local [hbm:s5], s20  }
0xa4: {  	_ =	swait.ge [sflag:s22], s20  }
0xa5: {  	s4 =	ssub.s32 $0x0, s20;
	[sflag:s22] =	ssyncset.done $0x0  }
0xa6: {  	[sflag:s22] =	ssyncadd.s32 s4;
	_ =	sdelay $0x1  }
0xa7: {  	s23 =	simm.s32 $0x1B8B  }
0xa8: {  	_ =	swait.ge [sflag:s23], $0x1  }
0xa9: {  	[sflag:s23] =	ssyncset.done $0x0  }
0xaa: {  	s25 =	simm.s32 $0x1B8E;
	s24 =	sld [smem:$0x3FFE];
	[sflag:s23] =	ssyncadd.s32 $0xFFFFFFFF  }
0xab: {  	s26 =	simm.s32 $execute0_lowered;
	[smem:$0x3FD2] =	sst s25  }
0xac: {  	s5 =	sshll.u32 s26, $0x1;
	_ =	strace $0x80000049;
	[dreg:$0x1] =	wrdreg $0xFFFFFFFF  }
0xad: {  	s28 =	simm.s32 $_size_execute0_lowered;
	s3 =	sadd.s32 s3, s5;
	[dreg:$0x0] =	wrdreg $0x0  }
0xae: {  	s5 =	sshll.u32 s28, $0x1;
	[dreg:$0x2] =	wrdreg s3  }
0xaf: {  	[dreg:$0x3] =	wrdreg s5  }
0xb0: {  	[dreg:$0x4] =	wrdreg $0xC0  }
0xb1: {  	_ =	task [dreg:s7], $0x5FFFF  }
0xb2: {  	[dreg:$0x1] =	wrdreg $0xFFFFFFFF  }
0xb3: {  	[dreg:$0x0] =	wrdreg $0x60  }
0xb4: {  	[dreg:$0x2] =	wrdreg s16  }
0xb5: {  	[dreg:$0x3] =	wrdreg s24  }
0xb6: {  	[dreg:$0x4] =	wrdreg $0x9  }
0xb7: {  	_ =	task.clear_ibuf [dreg:s7], $0x5FFFF;
	_ =	strace $0x90000049  }
0xb8: {  	s29 =	simm.s32 $0x9;
	_ =	strace $0x8000004B  }
0xb9: {  	_ =	swait.ge [sflag:s29], $0x1  }
0xba: {  	[sflag:s29] =	ssyncadd.s32 $0xFFFFFFFF  }
0xbb: {  	_ =	strace $0x9000004B  }
0xbc: {  	_ =	sfence  }
0xbd: {  	s30 =	sld [smem:$0x0];
	_ =	sdelay $0x2  }
0xbe: {  	s31 =	sshll.u32 s1, $0xD;
	s1 =	sshrl.u32 s1, $0x2  }
0xbf: {  	s3 =	sand.u32 $0x4000, s31;
	s1 =	sadd.s32 s1, s30  }
0xc0: {  	s0 =	sor.u32 s3, s0;
	s1 =	sshll.u32 s1, $0x11  }
0xc1: {  	s0 =	sor.u32 s1, s0  }
0xc2: {  	s0 =	sadd.s32 $0x8F2B, s0  }
0xc3: {  	[sflag:s0] =	ssyncadd.remote.s32 $0x1  }
0xc4: {  	_ =	sfence.sel $0xFFFF  }
0xc5: {  	[dreg:$0x0] =	wrdreg $0xFFFFFFFF;
	(pc) =	sbr.abs _section_cstart, $3  }
0xc6: {  	[dreg:$0x1] =	wrdreg $0xFFFFFFFF  }
0xc7: {  	_ =	task.clear_ibuf [dreg:s7], $0x2FFFF;
	_ =	strace $0x9FFFFFFF  }
0xc8: {  	(tm) =	ssettm $0x7FFFFFFF  }
0xc9: {  	_ =	shalt  }
tec
execute0_lowered:
.L_overlay_start_1:
0x0: {  	(tag) =	ssettag $0x1  }
0x1: {  	s1 =	srdreg.scid;
	s3 =	stileid.u32  }
0x2: {  	s2 =	rddreg [dreg:$0x0];
	s1 =	sand.u32 $0x1, s1;
	s3 =	sshll.u32 s3, $0x1  }
0x3: {  	s0 =	rddreg [dreg:$0x1];
	s4 =	simm.s32 $0x0;
	s3 =	sor.u32 s1, s3  }
0x4: {  	[smem:$0x7FF] =	sst s4;
	s11 =	sadd.s32 $0x6E00, s0;
	s14 =	smul.u32 $0x271000, s3  }
0x5: {  	s5 =	sadd.s32 $0x47F800, s0;
	s1 =	ssub.s32 $0x2, s1;
	s7 =	smul.u32 $0x4E200, s3  }
0x6: {  	_ =	strace $0x8000004A;
	[dreg:$0x3] =	wrdreg s11;
	s6 =	sshrl.u32 s1, $0x1  }
0x7: {  	s0 =	ssub.s32 s1, s6;
	s15 =	sshrl.u32 s14, $0x3;
	s16 =	sadd.s32 s5, s7  }
0x8: {  	s0 =	smax.u32 s0, $0x1;
	[dreg:$0x4] =	wrdreg s16;
	s1 =	sadd.s32 s5, s15  }
0x9: {  	[smem:$0x7FD] =	sst s0;
	s17 =	sadd.s32 $0x1000, s1  }
0xa: {  	s18 =	sadd.s32 $0x2000, s1;
	[dreg:$0x5] =	wrdreg s17  }
0xb: {  	s19 =	sadd.s32 $0x3000, s1;
	[dreg:$0x6] =	wrdreg s18  }
0xc: {  	s20 =	sadd.s32 $0x4000, s1;
	[dreg:$0x7] =	wrdreg s19  }
0xd: {  	s21 =	sadd.s32 $0x5000, s1;
	[dreg:$0x8] =	wrdreg s20  }
0xe: {  	s22 =	sadd.s32 $0x6000, s1;
	[dreg:$0x9] =	wrdreg s21  }
0xf: {  	s23 =	sadd.s32 $0x7000, s1;
	[dreg:$0xa] =	wrdreg s22  }
0x10: {  	s24 =	sadd.s32 $0x8000, s1;
	[dreg:$0xb] =	wrdreg s23  }
0x11: {  	s25 =	sadd.s32 $0x9000, s1;
	[dreg:$0xc] =	wrdreg s24  }
0x12: {  	s26 =	sadd.s32 $0xA000, s1;
	[dreg:$0xd] =	wrdreg s25  }
0x13: {  	s30 =	sadd.s32 $0xB000, s1;
	[dreg:$0xe] =	wrdreg s26  }
0x14: {  	s31 =	sadd.s32 $0xC000, s1;
	[dreg:$0xf] =	wrdreg s30  }
0x15: {  	s6 =	sadd.s32 $0xD000, s1;
	[dreg:$0x10] =	wrdreg s31  }
0x16: {  	s7 =	sadd.s32 $0xE000, s1;
	[dreg:$0x11] =	wrdreg s6  }
0x17: {  	s8 =	sadd.s32 $0xF000, s1;
	[dreg:$0x12] =	wrdreg s7  }
0x18: {  	s9 =	sadd.s32 $0x10000, s1;
	[dreg:$0x13] =	wrdreg s8  }
0x19: {  	s10 =	sadd.s32 $0x11000, s1;
	[dreg:$0x14] =	wrdreg s9  }
0x1a: {  	s12 =	sadd.s32 $0x12000, s1;
	[dreg:$0x15] =	wrdreg s10  }
0x1b: {  	s13 =	sadd.s32 $0x13000, s1;
	[dreg:$0x16] =	wrdreg s12  }
0x1c: {  	s14 =	sadd.s32 $0x14000, s1;
	[dreg:$0x17] =	wrdreg s13  }
0x1d: {  	s15 =	sadd.s32 $0x15000, s1;
	[dreg:$0x18] =	wrdreg s14  }
0x1e: {  	s16 =	sadd.s32 $0x16000, s1;
	[dreg:$0x19] =	wrdreg s15  }
0x1f: {  	[dreg:$0x1a] =	wrdreg s16;
	s17 =	sadd.s32 $0x17000, s1  }
0x20: {  	s18 =	sadd.s32 $0x18000, s1;
	[dreg:$0x1b] =	wrdreg s17  }
0x21: {  	s19 =	sadd.s32 $0x19000, s1;
	[dreg:$0x1c] =	wrdreg s18  }
0x22: {  	s20 =	sadd.s32 $0x1A000, s1;
	[dreg:$0x1d] =	wrdreg s19  }
0x23: {  	s21 =	sadd.s32 $0x1B000, s1;
	[dreg:$0x1e] =	wrdreg s20  }
0x24: {  	s22 =	sadd.s32 $0x1C000, s1;
	[dreg:$0x1f] =	wrdreg s21  }
0x25: {  	s23 =	sadd.s32 $0x1D000, s1;
	[smem:$0x7CA] =	sst s22  }
0x26: {  	s24 =	sadd.s32 $0x1E000, s1;
	[smem:$0x7CB] =	sst s23  }
0x27: {  	s25 =	sadd.s32 $0x1F000, s1;
	[smem:$0x7CC] =	sst s24  }
0x28: {  	s26 =	sadd.s32 $0x20000, s1;
	[smem:$0x7CD] =	sst s25  }
0x29: {  	s30 =	sadd.s32 $0x21000, s1;
	[smem:$0x7CE] =	sst s26  }
0x2a: {  	s31 =	sadd.s32 $0x22000, s1;
	[smem:$0x7CF] =	sst s30  }
0x2b: {  	s6 =	sadd.s32 $0x23000, s1;
	[smem:$0x7D0] =	sst s31  }
0x2c: {  	s7 =	sadd.s32 $0x24000, s1;
	[smem:$0x7D1] =	sst s6  }
0x2d: {  	s8 =	sadd.s32 $0x25000, s1;
	[smem:$0x7D2] =	sst s7  }
0x2e: {  	s9 =	sadd.s32 $0x26000, s1;
	[smem:$0x7D3] =	sst s8  }
0x2f: {  	s10 =	sadd.s32 $0x27000, s1;
	[smem:$0x7D4] =	sst s9  }
0x30: {  	s12 =	sadd.s32 $0x28000, s1;
	[smem:$0x7D5] =	sst s10  }
0x31: {  	s13 =	sadd.s32 $0x29000, s1;
	[smem:$0x7D6] =	sst s12  }
0x32: {  	s14 =	sadd.s32 $0x2A000, s1;
	[smem:$0x7D7] =	sst s13  }
0x33: {  	s15 =	sadd.s32 $0x2B000, s1;
	[smem:$0x7D8] =	sst s14  }
0x34: {  	s16 =	sadd.s32 $0x2C000, s1;
	[smem:$0x7D9] =	sst s15  }
0x35: {  	[smem:$0x7DA] =	sst s16;
	s17 =	sadd.s32 $0x2D000, s1  }
0x36: {  	s18 =	sadd.s32 $0x2E000, s1;
	[smem:$0x7DB] =	sst s17  }
0x37: {  	s19 =	sadd.s32 $0x2F000, s1;
	[smem:$0x7DC] =	sst s18  }
0x38: {  	s20 =	sadd.s32 $0x30000, s1;
	[smem:$0x7DD] =	sst s19  }
0x39: {  	s21 =	sadd.s32 $0x31000, s1;
	[smem:$0x7DE] =	sst s20  }
0x3a: {  	s22 =	sadd.s32 $0x32000, s1;
	[smem:$0x7DF] =	sst s21  }
0x3b: {  	s23 =	sadd.s32 $0x33000, s1;
	[smem:$0x7E0] =	sst s22  }
0x3c: {  	s24 =	sadd.s32 $0x34000, s1;
	[smem:$0x7E1] =	sst s23  }
0x3d: {  	s25 =	sadd.s32 $0x35000, s1;
	[smem:$0x7E2] =	sst s24  }
0x3e: {  	s26 =	sadd.s32 $0x36000, s1;
	[smem:$0x7E3] =	sst s25  }
0x3f: {  	s30 =	sadd.s32 $0x37000, s1;
	[smem:$0x7E4] =	sst s26  }
0x40: {  	s31 =	sadd.s32 $0x38000, s1;
	[smem:$0x7E5] =	sst s30  }
0x41: {  	s6 =	sadd.s32 $0x39000, s1;
	[smem:$0x7E6] =	sst s31  }
0x42: {  	s7 =	sadd.s32 $0x3A000, s1;
	[smem:$0x7E7] =	sst s6  }
0x43: {  	s8 =	sadd.s32 $0x3B000, s1;
	[smem:$0x7E8] =	sst s7  }
0x44: {  	s9 =	sadd.s32 $0x3C000, s1;
	[smem:$0x7E9] =	sst s8  }
0x45: {  	s10 =	sadd.s32 $0x3D000, s1;
	[smem:$0x7EA] =	sst s9  }
0x46: {  	s12 =	sadd.s32 $0x3E000, s1;
	[smem:$0x7EB] =	sst s10  }
0x47: {  	s13 =	sadd.s32 $0x3F000, s1;
	[smem:$0x7EC] =	sst s12  }
0x48: {  	s14 =	sadd.s32 $0x40000, s1;
	[smem:$0x7ED] =	sst s13  }
0x49: {  	s15 =	sadd.s32 $0x41000, s1;
	[smem:$0x7EE] =	sst s14  }
0x4a: {  	s28 =	simm.s32 $0x6A80;
	s16 =	sadd.s32 $0x42000, s1;
	[smem:$0x7EF] =	sst s15  }
0x4b: {  	s29 =	simm.s32 $0x16C00;
	[smem:$0x7F0] =	sst s16;
	s17 =	sadd.s32 $0x43000, s1  }
0x4c: {  	s3 =	smul.u32 $0x2710, s3;
	s18 =	sadd.s32 $0x44000, s1;
	[smem:$0x7F1] =	sst s17  }
0x4d: {  	s19 =	sadd.s32 $0x45000, s1;
	s20 =	sadd.s32 $0x46000, s1;
	[smem:$0x7F2] =	sst s18  }
0x4e: {  	s21 =	sadd.s32 $0x47000, s1;
	s22 =	sadd.s32 $0x48000, s1;
	[smem:$0x7F3] =	sst s19  }
0x4f: {  	s23 =	sadd.s32 $0x49000, s1;
	s24 =	sadd.s32 $0x4A000, s1;
	[smem:$0x7F4] =	sst s20  }
0x50: {  	s25 =	sadd.s32 $0x2710, s3;
	s26 =	sadd.s32 $0x4B000, s1;
	[smem:$0x7F5] =	sst s21  }
0x51: {  	v2 =	vlaneseq.u32;
	v3 =	vimm.f32 $0.0e+00;
	s30 =	sadd.s32 $0x4C000, s1;
	s31 =	sadd.s32 $0x4D000, s1;
	[smem:$0x7F6] =	sst s22  }
0x52: {  	v4 =	vimm.s32 $0x0;
	v7 =	vimm.s32 $0x65432100;
	v8 =	vimm.s32 $0xEDCBA987;
	s1 =	sadd.s32 $0x4E000, s1;
	s6 =	simm.s32 $0x1;
	[smem:$0x7F7] =	sst s23  }
0x53: {  	v6 =	vimm.s32 $0x4E200;
	v9 =	vimm.s32 $0xFFEDCBA9;
	vm0 =	vmmov $0xffff;
	s7 =	simm.s32 $0x2;
	s8 =	simm.s32 $0x1B80;
	[smem:$0x7F8] =	sst s24  }
0x54: {  	vm1 =	vmxor vm1, vm1;
	v8 =	vunpack.c.l.s4.s8 v8;
	v10 =	vshrl.u32 v2, $0x3;
	s13 =	simm.s32 $0x10400;
	s14 =	simm.s32 $0x10C00;
	[smem:$0x7F9] =	sst s26  }
0x55: {  	v11 =	vunpack.c.l.s4.s8 v7;
	v7 =	vimm.s32 $0x87654321;
	v9 =	vunpack.c.l.s4.s8 v9;
	s15 =	simm.s32 $0x11400;
	s16 =	simm.s32 $0x11C00;
	[smem:$0x7FA] =	sst s30  }
.Ltmp0:
0x56: {  	v13 =	vunpack.c.l.s4.s8 v7;
	v12 =	vunpack.c.0.s8.s32 v8;
	v0 =	vmov s3;
	s3 =	simm.s32 $0x0;
	[smem:$0x7FB] =	sst s31;
	(pc) =	sbr.rel .LBB2_1-.Ltmp0, $4  }
0x57: {  	v5 =	vor.u32 $0x10, v2;
	v8 =	vmul.u32 $0x8, v10;
	v10 =	vunpack.c.0.s8.s32 v11;
	[smem:$0x7FC] =	sst s1;
	s1 =	simm.s32 $0xEC00;
	s17 =	simm.s32 $0x12400  }
0x58: {  	v13 =	vunpack.c.0.s8.s32 v13;
	v11 =	vand.u32 $0xF, v12;
	v12 =	vunpack.c.0.s8.s32 v9;
	s18 =	simm.s32 $0x12C00;
	s19 =	simm.s32 $0x13400;
	s20 =	simm.s32 $0x13C00  }
0x59: {  	v7 =	vand.u32 $0x7, v2;
	v9 =	vcombine.low v10, v11;
	v10 =	vor.u32 $0x8, v2;
	s21 =	simm.s32 $0x14400;
	s22 =	simm.s32 $0x14C00;
	s23 =	simm.s32 $0x15400  }
0x5a: {  	v11 =	vcombine.low v13, v12;
	v12 =	vimm.s32 $0xF;
	v1 =	vmov s25;
	s24 =	simm.s32 $0x15C00;
	s25 =	simm.s32 $0x16400;
	s26 =	simm.s32 $0x4300  }
.LBB2_43:
0x5b: {  	s3 =	sld [smem:$0x7C9]  }
0x5c: {  	s0 =	sld [smem:$0x7FD];
	_ =	sdelay $0x1  }
0x5d: {  	s3 =	sadd.s32 $0x1, s3  }
0x5e: {  	p0 =	sne.s32 s3, s0  }
.Ltmp1:
0x5f: {  	_ = 	snop;
	(pc) =	sbr.rel @!p0 .LBB2_44-.Ltmp1, $1  }
0x60: {  	_ =	sdelay $0x3  }
.LBB2_1:
0x61: {  	[smem:$0x7C9] =	sst s3;
	s0 =	simm.s32 $0x0  }
.LBB2_2:
0x62: {  	v13 =	vmov s0;
	s3 =	simm.s32 $0x0  }
0x63: {  	v14 =	vshll.u32 v13, $0x8;
	v13 =	vshll.u32 v13, $0x7;
	v15 =	vmov s3  }
0x64: {  	v14 =	vand.u32 $0x7800, v14;
	v13 =	vand.u32 $0x380, v13;
	v15 =	vshll.u32 v15, $0x3  }
0x65: {  	v13 =	vor.u32 v14, v13;
	v14 =	vor.u32 s3, v2;
	v15 =	vand.u32 $0x400, v15  }
0x66: {  	v14 =	vand.u32 $0x7F, v14;
	v15 =	vor.u32 v15, v13  }
0x67: {  	s3 =	simm.s32 $0x10;
	v14 =	vor.u32 v14, v15  }
.LBB2_3:
0x68: {  	p0 =	sne.s32 s3, $0xF0  }
.Ltmp2:
0x69: {  	v15 =	vmov s3;
	s4 =	smov.u32 s3;
	s3 =	sadd.s32 $0x10, s3;
	(pc) =	sbr.rel @p0 .LBB2_3-.Ltmp2, $4  }
0x6a: {  	v15 =	vshll.u32 v15, $0x3  }
0x6b: {  	v16 =	vor.u32 s4, v2;
	v15 =	vand.u32 $0x400, v15  }
0x6c: {  	v16 =	vand.u32 $0x7F, v16;
	v15 =	vor.u32 v15, v13;
	[tilespmem:v14+s1+$0x0] =	vst.idx.msk $0xffff, v3  }
0x6d: {  	v14 =	vor.u32 v16, v15  }
0x6e: {  	s0 =	sadd.s32 $0x1, s0  }
0x6f: {  	p0 =	sne.s32 s0, $0x80  }
.Ltmp3:
0x70: {  	_ = 	snop;
	(pc) =	sbr.rel @p0 .LBB2_2-.Ltmp3, $2  }
0x71: {  	_ =	sdelay $0x2  }
0x72: {  	[tilespmem:v14+s1+$0x0] =	vst.idx.msk $0xffff, v3  }
0x73: {  	s3 =	rddreg [dreg:$0x4]  }
0x74: {  	s0 =	simm.s32 $0x0;
	s4 =	rddreg [dreg:$0x5]  }
0x75: {  	[hbm4b:s3+s0] =	stream.linear.scatter [tilespmem:s1], [sflag:$0x1], $0x8000, $0x38;
	[tilespmem:$0x17400] =	vst v63  }
0x76: {  	s9 =	rddreg [dreg:$0x6]  }
0x77: {  	[hbm4b:s4+s0] =	stream.linear.scatter [tilespmem:s1], [sflag:$0x1], $0x8000, $0x38;
	[tilespmem:$0x17400] =	vst v63  }
0x78: {  	s10 =	rddreg [dreg:$0x7]  }
0x79: {  	[hbm4b:s9+s0] =	stream.linear.scatter [tilespmem:s1], [sflag:$0x1], $0x8000, $0x38;
	[tilespmem:$0x17400] =	vst v63  }
0x7a: {  	s12 =	rddreg [dreg:$0x8]  }
0x7b: {  	[hbm4b:s10+s0] =	stream.linear.scatter [tilespmem:s1], [sflag:$0x1], $0x8000, $0x38;
	[tilespmem:$0x17400] =	vst v63  }
0x7c: {  	s30 =	rddreg [dreg:$0x9]  }
0x7d: {  	[hbm4b:s12+s0] =	stream.linear.scatter [tilespmem:s1], [sflag:$0x1], $0x8000, $0x38;
	[tilespmem:$0x17400] =	vst v63  }
0x7e: {  	s31 =	rddreg [dreg:$0xa]  }
0x7f: {  	[hbm4b:s30+s0] =	stream.linear.scatter [tilespmem:s1], [sflag:$0x1], $0x8000, $0x38;
	[tilespmem:$0x17400] =	vst v63  }
0x80: {  	s4 =	rddreg [dreg:$0xb]  }
0x81: {  	[hbm4b:s31+s0] =	stream.linear.scatter [tilespmem:s1], [sflag:$0x1], $0x8000, $0x38;
	[tilespmem:$0x17400] =	vst v63  }
0x82: {  	s9 =	rddreg [dreg:$0xc]  }
0x83: {  	[hbm4b:s4+s0] =	stream.linear.scatter [tilespmem:s1], [sflag:$0x1], $0x8000, $0x38;
	[tilespmem:$0x17400] =	vst v63  }
0x84: {  	s10 =	rddreg [dreg:$0xd]  }
0x85: {  	[hbm4b:s9+s0] =	stream.linear.scatter [tilespmem:s1], [sflag:$0x1], $0x8000, $0x38;
	[tilespmem:$0x17400] =	vst v63  }
0x86: {  	s12 =	rddreg [dreg:$0xe]  }
0x87: {  	[hbm4b:s10+s0] =	stream.linear.scatter [tilespmem:s1], [sflag:$0x1], $0x8000, $0x38;
	[tilespmem:$0x17400] =	vst v63  }
0x88: {  	s30 =	rddreg [dreg:$0xf]  }
0x89: {  	[hbm4b:s12+s0] =	stream.linear.scatter [tilespmem:s1], [sflag:$0x1], $0x8000, $0x38;
	[tilespmem:$0x17400] =	vst v63  }
0x8a: {  	s31 =	rddreg [dreg:$0x10]  }
0x8b: {  	[hbm4b:s30+s0] =	stream.linear.scatter [tilespmem:s1], [sflag:$0x1], $0x8000, $0x38;
	[tilespmem:$0x17400] =	vst v63  }
0x8c: {  	s4 =	rddreg [dreg:$0x11]  }
0x8d: {  	[hbm4b:s31+s0] =	stream.linear.scatter [tilespmem:s1], [sflag:$0x1], $0x8000, $0x38;
	[tilespmem:$0x17400] =	vst v63  }
0x8e: {  	s9 =	rddreg [dreg:$0x12]  }
0x8f: {  	[hbm4b:s4+s0] =	stream.linear.scatter [tilespmem:s1], [sflag:$0x1], $0x8000, $0x38;
	[tilespmem:$0x17400] =	vst v63  }
0x90: {  	s10 =	rddreg [dreg:$0x13]  }
0x91: {  	[hbm4b:s9+s0] =	stream.linear.scatter [tilespmem:s1], [sflag:$0x1], $0x8000, $0x38;
	[tilespmem:$0x17400] =	vst v63  }
0x92: {  	s12 =	rddreg [dreg:$0x14]  }
0x93: {  	[hbm4b:s10+s0] =	stream.linear.scatter [tilespmem:s1], [sflag:$0x1], $0x8000, $0x38;
	[tilespmem:$0x17400] =	vst v63  }
0x94: {  	s30 =	rddreg [dreg:$0x15]  }
0x95: {  	[hbm4b:s12+s0] =	stream.linear.scatter [tilespmem:s1], [sflag:$0x1], $0x8000, $0x38;
	[tilespmem:$0x17400] =	vst v63  }
0x96: {  	s31 =	rddreg [dreg:$0x16]  }
0x97: {  	[hbm4b:s30+s0] =	stream.linear.scatter [tilespmem:s1], [sflag:$0x1], $0x8000, $0x38;
	[tilespmem:$0x17400] =	vst v63  }
0x98: {  	s4 =	rddreg [dreg:$0x17]  }
0x99: {  	[hbm4b:s31+s0] =	stream.linear.scatter [tilespmem:s1], [sflag:$0x1], $0x8000, $0x38;
	[tilespmem:$0x17400] =	vst v63  }
0x9a: {  	s9 =	rddreg [dreg:$0x18]  }
0x9b: {  	[hbm4b:s4+s0] =	stream.linear.scatter [tilespmem:s1], [sflag:$0x1], $0x8000, $0x38;
	[tilespmem:$0x17400] =	vst v63  }
0x9c: {  	s10 =	rddreg [dreg:$0x19]  }
0x9d: {  	[hbm4b:s9+s0] =	stream.linear.scatter [tilespmem:s1], [sflag:$0x1], $0x8000, $0x38;
	[tilespmem:$0x17400] =	vst v63  }
0x9e: {  	s12 =	rddreg [dreg:$0x1a]  }
0x9f: {  	[hbm4b:s10+s0] =	stream.linear.scatter [tilespmem:s1], [sflag:$0x1], $0x8000, $0x38;
	[tilespmem:$0x17400] =	vst v63  }
0xa0: {  	s30 =	rddreg [dreg:$0x1b]  }
0xa1: {  	[hbm4b:s12+s0] =	stream.linear.scatter [tilespmem:s1], [sflag:$0x1], $0x8000, $0x38;
	[tilespmem:$0x17400] =	vst v63  }
0xa2: {  	s31 =	rddreg [dreg:$0x1c]  }
0xa3: {  	[hbm4b:s30+s0] =	stream.linear.scatter [tilespmem:s1], [sflag:$0x1], $0x8000, $0x38;
	[tilespmem:$0x17400] =	vst v63  }
0xa4: {  	s4 =	rddreg [dreg:$0x1d]  }
0xa5: {  	[hbm4b:s31+s0] =	stream.linear.scatter [tilespmem:s1], [sflag:$0x1], $0x8000, $0x38;
	[tilespmem:$0x17400] =	vst v63  }
0xa6: {  	s9 =	rddreg [dreg:$0x1e]  }
0xa7: {  	[hbm4b:s4+s0] =	stream.linear.scatter [tilespmem:s1], [sflag:$0x1], $0x8000, $0x38;
	[tilespmem:$0x17400] =	vst v63  }
0xa8: {  	s10 =	rddreg [dreg:$0x1f]  }
0xa9: {  	[hbm4b:s9+s0] =	stream.linear.scatter [tilespmem:s1], [sflag:$0x1], $0x8000, $0x38;
	[tilespmem:$0x17400] =	vst v63  }
0xaa: {  	s12 =	sld [smem:$0x7CA]  }
0xab: {  	[hbm4b:s10+s0] =	stream.linear.scatter [tilespmem:s1], [sflag:$0x1], $0x8000, $0x38;
	[tilespmem:$0x17400] =	vst v63  }
0xac: {  	s30 =	sld [smem:$0x7CB]  }
0xad: {  	[hbm4b:s12+s0] =	stream.linear.scatter [tilespmem:s1], [sflag:$0x1], $0x8000, $0x38;
	[tilespmem:$0x17400] =	vst v63  }
0xae: {  	s31 =	sld [smem:$0x7CC]  }
0xaf: {  	[hbm4b:s30+s0] =	stream.linear.scatter [tilespmem:s1], [sflag:$0x1], $0x8000, $0x38;
	[tilespmem:$0x17400] =	vst v63  }
0xb0: {  	s4 =	sld [smem:$0x7CD]  }
0xb1: {  	[hbm4b:s31+s0] =	stream.linear.scatter [tilespmem:s1], [sflag:$0x1], $0x8000, $0x38;
	[tilespmem:$0x17400] =	vst v63  }
0xb2: {  	s9 =	sld [smem:$0x7CE]  }
0xb3: {  	[hbm4b:s4+s0] =	stream.linear.scatter [tilespmem:s1], [sflag:$0x1], $0x8000, $0x38;
	[tilespmem:$0x17400] =	vst v63  }
0xb4: {  	s10 =	sld [smem:$0x7CF]  }
0xb5: {  	[hbm4b:s9+s0] =	stream.linear.scatter [tilespmem:s1], [sflag:$0x1], $0x8000, $0x38;
	[tilespmem:$0x17400] =	vst v63  }
0xb6: {  	s12 =	sld [smem:$0x7D0]  }
0xb7: {  	[hbm4b:s10+s0] =	stream.linear.scatter [tilespmem:s1], [sflag:$0x1], $0x8000, $0x38;
	[tilespmem:$0x17400] =	vst v63  }
0xb8: {  	s30 =	sld [smem:$0x7D1]  }
0xb9: {  	[hbm4b:s12+s0] =	stream.linear.scatter [tilespmem:s1], [sflag:$0x1], $0x8000, $0x38;
	[tilespmem:$0x17400] =	vst v63  }
0xba: {  	s31 =	sld [smem:$0x7D2]  }
0xbb: {  	[hbm4b:s30+s0] =	stream.linear.scatter [tilespmem:s1], [sflag:$0x1], $0x8000, $0x38;
	[tilespmem:$0x17400] =	vst v63  }
0xbc: {  	s4 =	sld [smem:$0x7D3]  }
0xbd: {  	[hbm4b:s31+s0] =	stream.linear.scatter [tilespmem:s1], [sflag:$0x1], $0x8000, $0x38;
	[tilespmem:$0x17400] =	vst v63  }
0xbe: {  	s9 =	sld [smem:$0x7D4]  }
0xbf: {  	[hbm4b:s4+s0] =	stream.linear.scatter [tilespmem:s1], [sflag:$0x1], $0x8000, $0x38;
	[tilespmem:$0x17400] =	vst v63  }
0xc0: {  	s10 =	sld [smem:$0x7D5]  }
0xc1: {  	[hbm4b:s9+s0] =	stream.linear.scatter [tilespmem:s1], [sflag:$0x1], $0x8000, $0x38;
	[tilespmem:$0x17400] =	vst v63  }
0xc2: {  	s12 =	sld [smem:$0x7D6]  }
0xc3: {  	[hbm4b:s10+s0] =	stream.linear.scatter [tilespmem:s1], [sflag:$0x1], $0x8000, $0x38;
	[tilespmem:$0x17400] =	vst v63  }
0xc4: {  	s30 =	sld [smem:$0x7D7]  }
0xc5: {  	[hbm4b:s12+s0] =	stream.linear.scatter [tilespmem:s1], [sflag:$0x1], $0x8000, $0x38;
	[tilespmem:$0x17400] =	vst v63  }
0xc6: {  	s31 =	sld [smem:$0x7D8]  }
0xc7: {  	[hbm4b:s30+s0] =	stream.linear.scatter [tilespmem:s1], [sflag:$0x1], $0x8000, $0x38;
	[tilespmem:$0x17400] =	vst v63  }
0xc8: {  	s4 =	sld [smem:$0x7D9]  }
0xc9: {  	[hbm4b:s31+s0] =	stream.linear.scatter [tilespmem:s1], [sflag:$0x1], $0x8000, $0x38;
	[tilespmem:$0x17400] =	vst v63  }
0xca: {  	s9 =	sld [smem:$0x7DA]  }
0xcb: {  	[hbm4b:s4+s0] =	stream.linear.scatter [tilespmem:s1], [sflag:$0x1], $0x8000, $0x38;
	[tilespmem:$0x17400] =	vst v63  }
0xcc: {  	s10 =	sld [smem:$0x7DB]  }
0xcd: {  	[hbm4b:s9+s0] =	stream.linear.scatter [tilespmem:s1], [sflag:$0x1], $0x8000, $0x38;
	[tilespmem:$0x17400] =	vst v63  }
0xce: {  	s12 =	sld [smem:$0x7DC]  }
0xcf: {  	[hbm4b:s10+s0] =	stream.linear.scatter [tilespmem:s1], [sflag:$0x1], $0x8000, $0x38;
	[tilespmem:$0x17400] =	vst v63  }
0xd0: {  	s30 =	sld [smem:$0x7DD]  }
0xd1: {  	[hbm4b:s12+s0] =	stream.linear.scatter [tilespmem:s1], [sflag:$0x1], $0x8000, $0x38;
	[tilespmem:$0x17400] =	vst v63  }
0xd2: {  	s31 =	sld [smem:$0x7DE]  }
0xd3: {  	[hbm4b:s30+s0] =	stream.linear.scatter [tilespmem:s1], [sflag:$0x1], $0x8000, $0x38;
	[tilespmem:$0x17400] =	vst v63  }
0xd4: {  	s4 =	sld [smem:$0x7DF]  }
0xd5: {  	[hbm4b:s31+s0] =	stream.linear.scatter [tilespmem:s1], [sflag:$0x1], $0x8000, $0x38;
	[tilespmem:$0x17400] =	vst v63  }
0xd6: {  	s9 =	sld [smem:$0x7E0]  }
0xd7: {  	[hbm4b:s4+s0] =	stream.linear.scatter [tilespmem:s1], [sflag:$0x1], $0x8000, $0x38;
	[tilespmem:$0x17400] =	vst v63  }
0xd8: {  	s10 =	sld [smem:$0x7E1]  }
0xd9: {  	[hbm4b:s9+s0] =	stream.linear.scatter [tilespmem:s1], [sflag:$0x1], $0x8000, $0x38;
	[tilespmem:$0x17400] =	vst v63  }
0xda: {  	s12 =	sld [smem:$0x7E2]  }
0xdb: {  	[hbm4b:s10+s0] =	stream.linear.scatter [tilespmem:s1], [sflag:$0x1], $0x8000, $0x38;
	[tilespmem:$0x17400] =	vst v63  }
0xdc: {  	s30 =	sld [smem:$0x7E3]  }
0xdd: {  	[hbm4b:s12+s0] =	stream.linear.scatter [tilespmem:s1], [sflag:$0x1], $0x8000, $0x38;
	[tilespmem:$0x17400] =	vst v63  }
0xde: {  	s31 =	sld [smem:$0x7E4]  }
0xdf: {  	[hbm4b:s30+s0] =	stream.linear.scatter [tilespmem:s1], [sflag:$0x1], $0x8000, $0x38;
	[tilespmem:$0x17400] =	vst v63  }
0xe0: {  	s4 =	sld [smem:$0x7E5]  }
0xe1: {  	[hbm4b:s31+s0] =	stream.linear.scatter [tilespmem:s1], [sflag:$0x1], $0x8000, $0x38;
	[tilespmem:$0x17400] =	vst v63  }
0xe2: {  	s9 =	sld [smem:$0x7E6]  }
0xe3: {  	[hbm4b:s4+s0] =	stream.linear.scatter [tilespmem:s1], [sflag:$0x1], $0x8000, $0x38;
	[tilespmem:$0x17400] =	vst v63  }
0xe4: {  	s10 =	sld [smem:$0x7E7]  }
0xe5: {  	[hbm4b:s9+s0] =	stream.linear.scatter [tilespmem:s1], [sflag:$0x1], $0x8000, $0x38;
	[tilespmem:$0x17400] =	vst v63  }
0xe6: {  	s12 =	sld [smem:$0x7E8]  }
0xe7: {  	[hbm4b:s10+s0] =	stream.linear.scatter [tilespmem:s1], [sflag:$0x1], $0x8000, $0x38;
	[tilespmem:$0x17400] =	vst v63  }
0xe8: {  	s30 =	sld [smem:$0x7E9]  }
0xe9: {  	[hbm4b:s12+s0] =	stream.linear.scatter [tilespmem:s1], [sflag:$0x1], $0x8000, $0x38;
	[tilespmem:$0x17400] =	vst v63  }
0xea: {  	s31 =	sld [smem:$0x7EA]  }
0xeb: {  	[hbm4b:s30+s0] =	stream.linear.scatter [tilespmem:s1], [sflag:$0x1], $0x8000, $0x38;
	[tilespmem:$0x17400] =	vst v63  }
0xec: {  	s4 =	sld [smem:$0x7EB]  }
0xed: {  	[hbm4b:s31+s0] =	stream.linear.scatter [tilespmem:s1], [sflag:$0x1], $0x8000, $0x38;
	[tilespmem:$0x17400] =	vst v63  }
0xee: {  	s9 =	sld [smem:$0x7EC]  }
0xef: {  	[hbm4b:s4+s0] =	stream.linear.scatter [tilespmem:s1], [sflag:$0x1], $0x8000, $0x38;
	[tilespmem:$0x17400] =	vst v63  }
0xf0: {  	s10 =	sld [smem:$0x7ED]  }
0xf1: {  	[hbm4b:s9+s0] =	stream.linear.scatter [tilespmem:s1], [sflag:$0x1], $0x8000, $0x38;
	[tilespmem:$0x17400] =	vst v63  }
0xf2: {  	s12 =	sld [smem:$0x7EE]  }
0xf3: {  	[hbm4b:s10+s0] =	stream.linear.scatter [tilespmem:s1], [sflag:$0x1], $0x8000, $0x38;
	[tilespmem:$0x17400] =	vst v63  }
0xf4: {  	s30 =	sld [smem:$0x7EF]  }
0xf5: {  	[hbm4b:s12+s0] =	stream.linear.scatter [tilespmem:s1], [sflag:$0x1], $0x8000, $0x38;
	[tilespmem:$0x17400] =	vst v63  }
0xf6: {  	s31 =	sld [smem:$0x7F0]  }
0xf7: {  	[hbm4b:s30+s0] =	stream.linear.scatter [tilespmem:s1], [sflag:$0x1], $0x8000, $0x38;
	[tilespmem:$0x17400] =	vst v63  }
0xf8: {  	s4 =	sld [smem:$0x7F1]  }
0xf9: {  	[hbm4b:s31+s0] =	stream.linear.scatter [tilespmem:s1], [sflag:$0x1], $0x8000, $0x38;
	[tilespmem:$0x17400] =	vst v63  }
0xfa: {  	s9 =	sld [smem:$0x7F2]  }
0xfb: {  	[hbm4b:s4+s0] =	stream.linear.scatter [tilespmem:s1], [sflag:$0x1], $0x8000, $0x38;
	[tilespmem:$0x17400] =	vst v63  }
0xfc: {  	s10 =	sld [smem:$0x7F3]  }
0xfd: {  	[hbm4b:s9+s0] =	stream.linear.scatter [tilespmem:s1], [sflag:$0x1], $0x8000, $0x38;
	[tilespmem:$0x17400] =	vst v63  }
0xfe: {  	s12 =	sld [smem:$0x7F4]  }
0xff: {  	[hbm4b:s10+s0] =	stream.linear.scatter [tilespmem:s1], [sflag:$0x1], $0x8000, $0x38;
	[tilespmem:$0x17400] =	vst v63  }
0x100: {  	s30 =	sld [smem:$0x7F5]  }
0x101: {  	[hbm4b:s12+s0] =	stream.linear.scatter [tilespmem:s1], [sflag:$0x1], $0x8000, $0x38;
	[tilespmem:$0x17400] =	vst v63  }
0x102: {  	s31 =	sld [smem:$0x7F6]  }
0x103: {  	[hbm4b:s30+s0] =	stream.linear.scatter [tilespmem:s1], [sflag:$0x1], $0x8000, $0x38;
	[tilespmem:$0x17400] =	vst v63  }
0x104: {  	s4 =	sld [smem:$0x7F7]  }
0x105: {  	[hbm4b:s31+s0] =	stream.linear.scatter [tilespmem:s1], [sflag:$0x1], $0x8000, $0x38;
	[tilespmem:$0x17400] =	vst v63  }
0x106: {  	s9 =	sld [smem:$0x7F8]  }
0x107: {  	[hbm4b:s4+s0] =	stream.linear.scatter [tilespmem:s1], [sflag:$0x1], $0x8000, $0x38;
	[tilespmem:$0x17400] =	vst v63  }
0x108: {  	s10 =	sld [smem:$0x7F9]  }
0x109: {  	[hbm4b:s9+s0] =	stream.linear.scatter [tilespmem:s1], [sflag:$0x1], $0x8000, $0x38;
	[tilespmem:$0x17400] =	vst v63  }
0x10a: {  	s12 =	sld [smem:$0x7FA]  }
0x10b: {  	[hbm4b:s10+s0] =	stream.linear.scatter [tilespmem:s1], [sflag:$0x1], $0x8000, $0x38;
	[tilespmem:$0x17400] =	vst v63  }
0x10c: {  	s30 =	sld [smem:$0x7FB]  }
0x10d: {  	[hbm4b:s12+s0] =	stream.linear.scatter [tilespmem:s1], [sflag:$0x1], $0x8000, $0x38;
	[tilespmem:$0x17400] =	vst v63  }
0x10e: {  	s31 =	sld [smem:$0x7FC]  }
0x10f: {  	[hbm4b:s30+s0] =	stream.linear.scatter [tilespmem:s1], [sflag:$0x1], $0x8000, $0x38;
	[tilespmem:$0x17400] =	vst v63  }
0x110: {  	_ = 	snop  }
0x111: {  	[hbm4b:s31+s0] =	stream.linear.scatter [tilespmem:s1], [sflag:$0x1], $0x1000, $0x38;
	[tilespmem:$0x17400] =	vst v63  }
0x112: {  	_ =	swait.ge [sflag:s6], $0x8000  }
0x113: {  	[sflag:s6] =	ssyncset.done $0x0  }
0x114: {  	[sflag:s6] =	ssyncadd.s32 $0xFFFF8000  }
0x115: {  	_ =	swait.ge [sflag:s6], $0x8000  }
0x116: {  	[sflag:s6] =	ssyncset.done $0x0  }
0x117: {  	[sflag:s6] =	ssyncadd.s32 $0xFFFF8000  }
0x118: {  	_ =	swait.ge [sflag:s6], $0x8000  }
0x119: {  	[sflag:s6] =	ssyncset.done $0x0  }
0x11a: {  	[sflag:s6] =	ssyncadd.s32 $0xFFFF8000  }
0x11b: {  	_ =	swait.ge [sflag:s6], $0x8000  }
0x11c: {  	[sflag:s6] =	ssyncset.done $0x0  }
0x11d: {  	[sflag:s6] =	ssyncadd.s32 $0xFFFF8000  }
0x11e: {  	_ =	swait.ge [sflag:s6], $0x8000  }
0x11f: {  	[sflag:s6] =	ssyncset.done $0x0  }
0x120: {  	[sflag:s6] =	ssyncadd.s32 $0xFFFF8000  }
0x121: {  	_ =	swait.ge [sflag:s6], $0x8000  }
0x122: {  	[sflag:s6] =	ssyncset.done $0x0  }
0x123: {  	[sflag:s6] =	ssyncadd.s32 $0xFFFF8000  }
0x124: {  	_ =	swait.ge [sflag:s6], $0x8000  }
0x125: {  	[sflag:s6] =	ssyncset.done $0x0  }
0x126: {  	[sflag:s6] =	ssyncadd.s32 $0xFFFF8000  }
0x127: {  	_ =	swait.ge [sflag:s6], $0x8000  }
0x128: {  	[sflag:s6] =	ssyncset.done $0x0  }
0x129: {  	[sflag:s6] =	ssyncadd.s32 $0xFFFF8000  }
0x12a: {  	_ =	swait.ge [sflag:s6], $0x8000  }
0x12b: {  	[sflag:s6] =	ssyncset.done $0x0  }
0x12c: {  	[sflag:s6] =	ssyncadd.s32 $0xFFFF8000  }
0x12d: {  	_ =	swait.ge [sflag:s6], $0x8000  }
0x12e: {  	[sflag:s6] =	ssyncset.done $0x0  }
0x12f: {  	[sflag:s6] =	ssyncadd.s32 $0xFFFF8000  }
0x130: {  	_ =	swait.ge [sflag:s6], $0x8000  }
0x131: {  	[sflag:s6] =	ssyncset.done $0x0  }
0x132: {  	[sflag:s6] =	ssyncadd.s32 $0xFFFF8000  }
0x133: {  	_ =	swait.ge [sflag:s6], $0x8000  }
0x134: {  	[sflag:s6] =	ssyncset.done $0x0  }
0x135: {  	[sflag:s6] =	ssyncadd.s32 $0xFFFF8000  }
0x136: {  	_ =	swait.ge [sflag:s6], $0x8000  }
0x137: {  	[sflag:s6] =	ssyncset.done $0x0  }
0x138: {  	[sflag:s6] =	ssyncadd.s32 $0xFFFF8000  }
0x139: {  	_ =	swait.ge [sflag:s6], $0x8000  }
0x13a: {  	[sflag:s6] =	ssyncset.done $0x0  }
0x13b: {  	[sflag:s6] =	ssyncadd.s32 $0xFFFF8000  }
0x13c: {  	_ =	swait.ge [sflag:s6], $0x8000  }
0x13d: {  	[sflag:s6] =	ssyncset.done $0x0  }
0x13e: {  	[sflag:s6] =	ssyncadd.s32 $0xFFFF8000  }
0x13f: {  	_ =	swait.ge [sflag:s6], $0x8000  }
0x140: {  	[sflag:s6] =	ssyncset.done $0x0  }
0x141: {  	[sflag:s6] =	ssyncadd.s32 $0xFFFF8000  }
0x142: {  	_ =	swait.ge [sflag:s6], $0x8000  }
0x143: {  	[sflag:s6] =	ssyncset.done $0x0  }
0x144: {  	[sflag:s6] =	ssyncadd.s32 $0xFFFF8000  }
0x145: {  	_ =	swait.ge [sflag:s6], $0x8000  }
0x146: {  	[sflag:s6] =	ssyncset.done $0x0  }
0x147: {  	[sflag:s6] =	ssyncadd.s32 $0xFFFF8000  }
0x148: {  	_ =	swait.ge [sflag:s6], $0x8000  }
0x149: {  	[sflag:s6] =	ssyncset.done $0x0  }
0x14a: {  	[sflag:s6] =	ssyncadd.s32 $0xFFFF8000  }
0x14b: {  	_ =	swait.ge [sflag:s6], $0x8000  }
0x14c: {  	[sflag:s6] =	ssyncset.done $0x0  }
0x14d: {  	[sflag:s6] =	ssyncadd.s32 $0xFFFF8000  }
0x14e: {  	_ =	swait.ge [sflag:s6], $0x8000  }
0x14f: {  	[sflag:s6] =	ssyncset.done $0x0  }
0x150: {  	[sflag:s6] =	ssyncadd.s32 $0xFFFF8000  }
0x151: {  	_ =	swait.ge [sflag:s6], $0x8000  }
0x152: {  	[sflag:s6] =	ssyncset.done $0x0  }
0x153: {  	[sflag:s6] =	ssyncadd.s32 $0xFFFF8000  }
0x154: {  	_ =	swait.ge [sflag:s6], $0x8000  }
0x155: {  	[sflag:s6] =	ssyncset.done $0x0  }
0x156: {  	[sflag:s6] =	ssyncadd.s32 $0xFFFF8000  }
0x157: {  	_ =	swait.ge [sflag:s6], $0x8000  }
0x158: {  	[sflag:s6] =	ssyncset.done $0x0  }
0x159: {  	[sflag:s6] =	ssyncadd.s32 $0xFFFF8000  }
0x15a: {  	_ =	swait.ge [sflag:s6], $0x8000  }
0x15b: {  	[sflag:s6] =	ssyncset.done $0x0  }
0x15c: {  	[sflag:s6] =	ssyncadd.s32 $0xFFFF8000  }
0x15d: {  	_ =	swait.ge [sflag:s6], $0x8000  }
0x15e: {  	[sflag:s6] =	ssyncset.done $0x0  }
0x15f: {  	[sflag:s6] =	ssyncadd.s32 $0xFFFF8000  }
0x160: {  	_ =	swait.ge [sflag:s6], $0x8000  }
0x161: {  	[sflag:s6] =	ssyncset.done $0x0  }
0x162: {  	[sflag:s6] =	ssyncadd.s32 $0xFFFF8000  }
0x163: {  	_ =	swait.ge [sflag:s6], $0x8000  }
0x164: {  	[sflag:s6] =	ssyncset.done $0x0  }
0x165: {  	[sflag:s6] =	ssyncadd.s32 $0xFFFF8000  }
0x166: {  	_ =	swait.ge [sflag:s6], $0x8000  }
0x167: {  	[sflag:s6] =	ssyncset.done $0x0  }
0x168: {  	[sflag:s6] =	ssyncadd.s32 $0xFFFF8000  }
0x169: {  	_ =	swait.ge [sflag:s6], $0x8000  }
0x16a: {  	[sflag:s6] =	ssyncset.done $0x0  }
0x16b: {  	[sflag:s6] =	ssyncadd.s32 $0xFFFF8000  }
0x16c: {  	_ =	swait.ge [sflag:s6], $0x8000  }
0x16d: {  	[sflag:s6] =	ssyncset.done $0x0  }
0x16e: {  	[sflag:s6] =	ssyncadd.s32 $0xFFFF8000  }
0x16f: {  	_ =	swait.ge [sflag:s6], $0x8000  }
0x170: {  	[sflag:s6] =	ssyncset.done $0x0  }
0x171: {  	[sflag:s6] =	ssyncadd.s32 $0xFFFF8000  }
0x172: {  	_ =	swait.ge [sflag:s6], $0x8000  }
0x173: {  	[sflag:s6] =	ssyncset.done $0x0  }
0x174: {  	[sflag:s6] =	ssyncadd.s32 $0xFFFF8000  }
0x175: {  	_ =	swait.ge [sflag:s6], $0x8000  }
0x176: {  	[sflag:s6] =	ssyncset.done $0x0  }
0x177: {  	[sflag:s6] =	ssyncadd.s32 $0xFFFF8000  }
0x178: {  	_ =	swait.ge [sflag:s6], $0x8000  }
0x179: {  	[sflag:s6] =	ssyncset.done $0x0  }
0x17a: {  	[sflag:s6] =	ssyncadd.s32 $0xFFFF8000  }
0x17b: {  	_ =	swait.ge [sflag:s6], $0x8000  }
0x17c: {  	[sflag:s6] =	ssyncset.done $0x0  }
0x17d: {  	[sflag:s6] =	ssyncadd.s32 $0xFFFF8000  }
0x17e: {  	_ =	swait.ge [sflag:s6], $0x8000  }
0x17f: {  	[sflag:s6] =	ssyncset.done $0x0  }
0x180: {  	[sflag:s6] =	ssyncadd.s32 $0xFFFF8000  }
0x181: {  	_ =	swait.ge [sflag:s6], $0x8000  }
0x182: {  	[sflag:s6] =	ssyncset.done $0x0  }
0x183: {  	[sflag:s6] =	ssyncadd.s32 $0xFFFF8000  }
0x184: {  	_ =	swait.ge [sflag:s6], $0x8000  }
0x185: {  	[sflag:s6] =	ssyncset.done $0x0  }
0x186: {  	[sflag:s6] =	ssyncadd.s32 $0xFFFF8000  }
0x187: {  	_ =	swait.ge [sflag:s6], $0x8000  }
0x188: {  	[sflag:s6] =	ssyncset.done $0x0  }
0x189: {  	[sflag:s6] =	ssyncadd.s32 $0xFFFF8000  }
0x18a: {  	_ =	swait.ge [sflag:s6], $0x8000  }
0x18b: {  	[sflag:s6] =	ssyncset.done $0x0  }
0x18c: {  	[sflag:s6] =	ssyncadd.s32 $0xFFFF8000  }
0x18d: {  	_ =	swait.ge [sflag:s6], $0x8000  }
0x18e: {  	[sflag:s6] =	ssyncset.done $0x0  }
0x18f: {  	[sflag:s6] =	ssyncadd.s32 $0xFFFF8000  }
0x190: {  	_ =	swait.ge [sflag:s6], $0x8000  }
0x191: {  	[sflag:s6] =	ssyncset.done $0x0  }
0x192: {  	[sflag:s6] =	ssyncadd.s32 $0xFFFF8000  }
0x193: {  	_ =	swait.ge [sflag:s6], $0x8000  }
0x194: {  	[sflag:s6] =	ssyncset.done $0x0  }
0x195: {  	[sflag:s6] =	ssyncadd.s32 $0xFFFF8000  }
0x196: {  	_ =	swait.ge [sflag:s6], $0x8000  }
0x197: {  	[sflag:s6] =	ssyncset.done $0x0  }
0x198: {  	[sflag:s6] =	ssyncadd.s32 $0xFFFF8000  }
0x199: {  	_ =	swait.ge [sflag:s6], $0x8000  }
0x19a: {  	[sflag:s6] =	ssyncset.done $0x0  }
0x19b: {  	[sflag:s6] =	ssyncadd.s32 $0xFFFF8000  }
0x19c: {  	_ =	swait.ge [sflag:s6], $0x8000  }
0x19d: {  	[sflag:s6] =	ssyncset.done $0x0  }
0x19e: {  	[sflag:s6] =	ssyncadd.s32 $0xFFFF8000  }
0x19f: {  	_ =	swait.ge [sflag:s6], $0x8000  }
0x1a0: {  	[sflag:s6] =	ssyncset.done $0x0  }
0x1a1: {  	[sflag:s6] =	ssyncadd.s32 $0xFFFF8000  }
0x1a2: {  	_ =	swait.ge [sflag:s6], $0x8000  }
0x1a3: {  	[sflag:s6] =	ssyncset.done $0x0  }
0x1a4: {  	[sflag:s6] =	ssyncadd.s32 $0xFFFF8000  }
0x1a5: {  	_ =	swait.ge [sflag:s6], $0x8000  }
0x1a6: {  	[sflag:s6] =	ssyncset.done $0x0  }
0x1a7: {  	[sflag:s6] =	ssyncadd.s32 $0xFFFF8000  }
0x1a8: {  	_ =	swait.ge [sflag:s6], $0x8000  }
0x1a9: {  	[sflag:s6] =	ssyncset.done $0x0  }
0x1aa: {  	[sflag:s6] =	ssyncadd.s32 $0xFFFF8000  }
0x1ab: {  	_ =	swait.ge [sflag:s6], $0x8000  }
0x1ac: {  	[sflag:s6] =	ssyncset.done $0x0  }
0x1ad: {  	[sflag:s6] =	ssyncadd.s32 $0xFFFF8000  }
0x1ae: {  	_ =	swait.ge [sflag:s6], $0x8000  }
0x1af: {  	[sflag:s6] =	ssyncset.done $0x0  }
0x1b0: {  	[sflag:s6] =	ssyncadd.s32 $0xFFFF8000  }
0x1b1: {  	_ =	swait.ge [sflag:s6], $0x8000  }
0x1b2: {  	[sflag:s6] =	ssyncset.done $0x0  }
0x1b3: {  	[sflag:s6] =	ssyncadd.s32 $0xFFFF8000  }
0x1b4: {  	_ =	swait.ge [sflag:s6], $0x8000  }
0x1b5: {  	[sflag:s6] =	ssyncset.done $0x0  }
0x1b6: {  	[sflag:s6] =	ssyncadd.s32 $0xFFFF8000  }
0x1b7: {  	_ =	swait.ge [sflag:s6], $0x8000  }
0x1b8: {  	[sflag:s6] =	ssyncset.done $0x0  }
0x1b9: {  	[sflag:s6] =	ssyncadd.s32 $0xFFFF8000  }
0x1ba: {  	_ =	swait.ge [sflag:s6], $0x8000  }
0x1bb: {  	[sflag:s6] =	ssyncset.done $0x0  }
0x1bc: {  	[sflag:s6] =	ssyncadd.s32 $0xFFFF8000  }
0x1bd: {  	_ =	swait.ge [sflag:s6], $0x8000  }
0x1be: {  	[sflag:s6] =	ssyncset.done $0x0  }
0x1bf: {  	[sflag:s6] =	ssyncadd.s32 $0xFFFF8000  }
0x1c0: {  	_ =	swait.ge [sflag:s6], $0x8000  }
0x1c1: {  	[sflag:s6] =	ssyncset.done $0x0  }
0x1c2: {  	[sflag:s6] =	ssyncadd.s32 $0xFFFF8000  }
0x1c3: {  	_ =	swait.ge [sflag:s6], $0x8000  }
0x1c4: {  	[sflag:s6] =	ssyncset.done $0x0  }
0x1c5: {  	[sflag:s6] =	ssyncadd.s32 $0xFFFF8000  }
0x1c6: {  	_ =	swait.ge [sflag:s6], $0x8000  }
0x1c7: {  	[sflag:s6] =	ssyncset.done $0x0  }
0x1c8: {  	[sflag:s6] =	ssyncadd.s32 $0xFFFF8000  }
0x1c9: {  	_ =	swait.ge [sflag:s6], $0x8000  }
0x1ca: {  	[sflag:s6] =	ssyncset.done $0x0  }
0x1cb: {  	[sflag:s6] =	ssyncadd.s32 $0xFFFF8000  }
0x1cc: {  	_ =	swait.ge [sflag:s6], $0x8000  }
0x1cd: {  	[sflag:s6] =	ssyncset.done $0x0  }
0x1ce: {  	[sflag:s6] =	ssyncadd.s32 $0xFFFF8000  }
0x1cf: {  	_ =	swait.ge [sflag:s6], $0x8000  }
0x1d0: {  	[sflag:s6] =	ssyncset.done $0x0  }
0x1d1: {  	[sflag:s6] =	ssyncadd.s32 $0xFFFF8000  }
0x1d2: {  	_ =	swait.ge [sflag:s6], $0x8000  }
0x1d3: {  	[sflag:s6] =	ssyncset.done $0x0  }
0x1d4: {  	[sflag:s6] =	ssyncadd.s32 $0xFFFF8000  }
0x1d5: {  	_ =	swait.ge [sflag:s6], $0x8000  }
0x1d6: {  	[sflag:s6] =	ssyncset.done $0x0  }
0x1d7: {  	[sflag:s6] =	ssyncadd.s32 $0xFFFF8000  }
0x1d8: {  	_ =	swait.ge [sflag:s6], $0x8000  }
0x1d9: {  	[sflag:s6] =	ssyncset.done $0x0  }
0x1da: {  	[sflag:s6] =	ssyncadd.s32 $0xFFFF8000  }
0x1db: {  	_ =	swait.ge [sflag:s6], $0x8000  }
0x1dc: {  	[sflag:s6] =	ssyncset.done $0x0  }
0x1dd: {  	[sflag:s6] =	ssyncadd.s32 $0xFFFF8000  }
0x1de: {  	_ =	swait.ge [sflag:s6], $0x8000  }
0x1df: {  	[sflag:s6] =	ssyncset.done $0x0  }
0x1e0: {  	[sflag:s6] =	ssyncadd.s32 $0xFFFF8000  }
0x1e1: {  	_ =	swait.ge [sflag:s6], $0x8000  }
0x1e2: {  	[sflag:s6] =	ssyncset.done $0x0  }
0x1e3: {  	[sflag:s6] =	ssyncadd.s32 $0xFFFF8000  }
0x1e4: {  	_ =	swait.ge [sflag:s6], $0x8000  }
0x1e5: {  	[sflag:s6] =	ssyncset.done $0x0  }
0x1e6: {  	[sflag:s6] =	ssyncadd.s32 $0xFFFF8000  }
0x1e7: {  	_ =	swait.ge [sflag:s6], $0x8000  }
0x1e8: {  	[sflag:s6] =	ssyncset.done $0x0  }
0x1e9: {  	[sflag:s6] =	ssyncadd.s32 $0xFFFF8000  }
0x1ea: {  	_ =	swait.ge [sflag:s6], $0x8000  }
0x1eb: {  	[sflag:s6] =	ssyncset.done $0x0  }
0x1ec: {  	[sflag:s6] =	ssyncadd.s32 $0xFFFF8000  }
0x1ed: {  	_ =	swait.ge [sflag:s6], $0x8000  }
0x1ee: {  	[sflag:s6] =	ssyncset.done $0x0  }
0x1ef: {  	[sflag:s6] =	ssyncadd.s32 $0xFFFF8000  }
0x1f0: {  	_ =	swait.ge [sflag:s6], $0x8000  }
0x1f1: {  	[sflag:s6] =	ssyncset.done $0x0  }
0x1f2: {  	[sflag:s6] =	ssyncadd.s32 $0xFFFF8000  }
0x1f3: {  	_ =	swait.ge [sflag:s6], $0x8000  }
0x1f4: {  	[sflag:s6] =	ssyncset.done $0x0  }
0x1f5: {  	[sflag:s6] =	ssyncadd.s32 $0xFFFF8000  }
0x1f6: {  	_ =	swait.ge [sflag:s6], $0x8000  }
0x1f7: {  	[sflag:s6] =	ssyncset.done $0x0  }
0x1f8: {  	[sflag:s6] =	ssyncadd.s32 $0xFFFF8000  }
0x1f9: {  	_ =	swait.ge [sflag:s6], $0x8000  }
0x1fa: {  	[sflag:s6] =	ssyncset.done $0x0  }
0x1fb: {  	[sflag:s6] =	ssyncadd.s32 $0xFFFF8000  }
0x1fc: {  	_ =	swait.ge [sflag:s6], $0x1000  }
0x1fd: {  	[sflag:s6] =	ssyncset.done $0x0  }
0x1fe: {  	s3 =	simm.s32 $0x0;
	s0 =	simm.s32 $0x40;
	[sflag:s6] =	ssyncadd.s32 $0xFFFFF000  }
.LBB2_6:
0x1ff: {  	p0 =	seq.s32 s0, $0x9C00;
	[tilespmem:s3+$0x1B80] =	vst v4;
	s3 =	smov.u32 s0;
	s0 =	sadd.s32 $0x40, s0  }
.Ltmp4:
0x200: {  	(pc) =	sbr.rel @!p0 .LBB2_6-.Ltmp4, $2  }
0x201: {  	_ =	sdelay $0x2  }
0x202: {  	s3 =	sshra.s32 s3, $0x2  }
.Ltmp5:
0x203: {  	(pc) =	sbr.rel .LBB2_8-.Ltmp5, $2  }
0x204: {  	_ =	sdelay $0x2  }
0x205: {  	[tilespmem:s3+$0x1B80] =	vst v4;
	s0 =	simm.s32 $0x0;
	s3 =	simm.s32 $0x0  }
.LBB2_12:
0x206: {  	s3 =	sadd.s32 $0x1, s3  }
0x207: {  	p0 =	sne.s32 s3, $0x10  }
.Ltmp6:
0x208: {  	_ = 	snop;
	(pc) =	sbr.rel @!p0 .LBB2_13-.Ltmp6, $1  }
0x209: {  	_ =	sdelay $0x3  }
.LBB2_8:
0x20a: {  	s4 =	smul.u32 $0x36C, s3;
	_ =	sdelay $0x1  }
.Ltmp7:
0x20b: {  	s4 =	sadd.s32 s11, s4;
	(pc) =	sbr.rel .LBB2_9-.Ltmp7, $4  }
0x20c: {  	[tilespmem:s0], [sflag:$0x2] =	stream.linear.gather [hbm4b:s4+s0], $0x1B60, $0x38;
	[tilespmem:$0x17400] =	vst v63  }
0x20d: {  	_ =	swait.ge [sflag:s7], $0x1B60  }
0x20e: {  	[sflag:s7] =	ssyncset.done $0x0  }
0x20f: {  	s4 =	simm.s32 $0x0;
	[sflag:s7] =	ssyncadd.s32 $0xFFFFE4A0  }
.LBB2_11:
0x210: {  	s4 =	sadd.s32 $0x1, s4  }
0x211: {  	p0 =	sne.s32 s4, $0x1B6  }
.Ltmp8:
0x212: {  	_ = 	snop;
	(pc) =	sbr.rel @!p0 .LBB2_12-.Ltmp8, $1  }
0x213: {  	_ =	sdelay $0x3  }
.LBB2_9:
0x214: {  	s9 =	sshll.u32 s4, $0x4  }
0x215: {  	s9 =	sand.u32 $0x3FFFFFF0, s9  }
0x216: {  	v13 =	vld [tilespmem:s9+$0x0];
	_ =	sdelay $0x4  }
0x217: {  	vm2 =	vge.s32 v13, v0;
	vm3 =	vlt.s32 v13, v1  }
0x218: {  	vm2 =	vmand vm2, vm3  }
0x219: {  	v14 =	vsel vm2, $0x1, v4  }
0x21a: {  	(xrf0) =	vadd.scan.msk.s32 $0xffff, v14;
	_ =	sdelay $0x5  }
0x21b: {  	v14, _, _ =	vpop (xrf0)  }
0x21c: {  	(v2sf) =	vpush v14, $0xF;
	_ =	sdelay $0xe  }
0x21d: {  	s31 =	spop (v2sf)  }
0x21e: {  	p0 =	slt.s32 s31, $0x1  }
0x21f: {  	v13 =	vsub.s32 @!p0 v13, v0  }
0x220: {  	vm3 =	vgt.s32 @!p0 v13, $0x0  }
0x221: {  	v13 =	vnsel @!p0 vm3, $0x0, v13  }
0x222: {  	v13 =	vmin.u32 @!p0 v13, $0x270F;
	_ =	sdelay $0x3  }
0x223: {  	s9 =	simm.s32 @!p0 $0x1B80  }
0x224: {  	v14 =	vld.idx.msk @!p0 [tilespmem:v13+s9+$0x0], vm2;
	_ =	sdelay $0x3  }
0x225: {  	v15 =	vlaneseq.u32 @!p0  }
0x226: {  	v15 =	vor.u32 @!p0 $0x10, v15;
	v14 =	vand.u32 @!p0 $0xFFFFFFF0, v14  }
0x227: {  	v14 =	vadd.s32 @!p0 v15, v14  }
0x228: {  	[tilespmem:v13+s9+$0x0] =	vst.idx.msk @!p0 vm2, v14  }
0x229: {  	v15 =	vld.idx.msk @!p0 [tilespmem:v13+s9+$0x0], vm2;
	_ =	sdelay $0x4  }
0x22a: {  	vm3 =	vne.s32 @!p0 v15, v14  }
0x22b: {  	v14 =	vimm.s32 @!p0 $0x0;
	vm2 =	vmand @!p0 vm2, vm3  }
0x22c: {  	v14 =	vsel @!p0 vm2, $0x1, v14  }
0x22d: {  	(xrf0) =	vadd.scan.msk.s32 @!p0 $0xffff, v14;
	_ =	sdelay $0x5  }
0x22e: {  	v14, _, _ =	vpop @!p0 (xrf0)  }
0x22f: {  	(v2sf) =	vpush @!p0 v14, $0xF;
	_ =	sdelay $0xe  }
0x230: {  	s9 =	spop @!p0 (v2sf)  }
0x231: {  	p1 =	slt.s32 @!p0 s9, $0x1  }
0x232: {  	p0 =	por p0, p1  }
.Ltmp9:
0x233: {  	_ = 	snop;
	(pc) =	sbr.rel @p0 .LBB2_11-.Ltmp9, $1  }
0x234: {  	_ =	sdelay $0x3  }
.LBB2_10:
0x235: {  	v14 =	vld.idx.msk [tilespmem:v13+s8+$0x0], vm2;
	_ =	sdelay $0x4  }
0x236: {  	v14 =	vand.u32 $0xFFFFFFF0, v14  }
0x237: {  	v14 =	vadd.s32 v5, v14  }
0x238: {  	[tilespmem:v13+s8+$0x0] =	vst.idx.msk vm2, v14  }
0x239: {  	v15 =	vld.idx.msk [tilespmem:v13+s8+$0x0], vm2;
	_ =	sdelay $0x4  }
0x23a: {  	vm3 =	vne.s32 v15, v14  }
0x23b: {  	vm2 =	vmand vm2, vm3  }
0x23c: {  	v14 =	vsel vm2, $0x1, v4  }
0x23d: {  	(xrf0) =	vadd.scan.msk.s32 $0xffff, v14;
	_ =	sdelay $0x5  }
0x23e: {  	v14, _, _ =	vpop (xrf0)  }
0x23f: {  	(v2sf) =	vpush v14, $0xF;
	_ =	sdelay $0xe  }
0x240: {  	s9 =	spop (v2sf)  }
0x241: {  	p0 =	sgt.s32 s9, $0x0  }
.Ltmp10:
0x242: {  	_ = 	snop;
	(pc) =	sbr.rel @p0 .LBB2_10-.Ltmp10, $1  }
0x243: {  	_ =	sdelay $0x3  }
.Ltmp11:
0x244: {  	_ = 	snop;
	(pc) =	sbr.rel .LBB2_11-.Ltmp11, $1  }
0x245: {  	_ =	sdelay $0x3  }
.LBB2_13:
0x246: {  	s30 =	simm.s32 $0x0  }
0x247: {  	v13 =	vld [tilespmem:s30+$0x1B80];
	_ =	sdelay $0x1  }
0x248: {  	s4 =	simm.s32 $0x10  }
0x249: {  	s0 =	simm.s32 $0x20;
	v14 =	vld [tilespmem:s4+$0x1B80]  }
0x24a: {  	v15 =	vld [tilespmem:s0+$0x1B80]  }
0x24b: {  	v13 =	vshra.s32 v13, $0x4  }
0x24c: {  	vm2 =	vgt.s32 v13, $0x1  }
0x24d: {  	v17 =	vnsel vm2, $0x0, v13  }
0x24e: {  	v14 =	vshra.s32 v14, $0x4;
	(xrf0) =	vadd.scan.msk.s32 $0xffff, v17  }
0x24f: {  	s31 =	simm.s32 $0x30;
	v15 =	vshra.s32 v15, $0x4;
	vm2 =	vgt.s32 v14, $0x1  }
0x250: {  	v16 =	vld [tilespmem:s31+$0x1B80];
	v13 =	vnsel vm2, $0x0, v14;
	vm2 =	vgt.s32 v15, $0x1  }
0x251: {  	(xrf0) =	vadd.scan.msk.s32 $0xffff, v13;
	v14 =	vnsel vm2, $0x0, v15  }
0x252: {  	(xrf0) =	vadd.scan.msk.s32 $0xffff, v14;
	_ =	sdelay $0x1  }
0x253: {  	v18, _, _ =	vpop (xrf0)  }
0x254: {  	v15 =	vshra.s32 v16, $0x4;
	(v2sf) =	vpush v18, $0xF;
	_ =	sdelay $0x1  }
0x255: {  	s9 =	simm.s32 $0x0;
	vm2 =	vgt.s32 v15, $0x1;
	v16, _, _ =	vpop (xrf0)  }
0x256: {  	v19 =	vsub.s32 s9, v17;
	v17 =	vnsel vm2, $0x0, v15;
	(v2sf) =	vpush v16, $0xF;
	v15, _, _ =	vpop (xrf0)  }
0x257: {  	(v2sf) =	vpush v15, $0xF;
	_ =	sdelay $0x3  }
0x258: {  	s3 =	simm.s32 $0x40  }
0x259: {  	v19 =	vadd.s32 v18, v19;
	v18 =	vld [tilespmem:s3+$0x1B80];
	_ =	sdelay $0x1  }
0x25a: {  	(xrf0) =	vadd.scan.msk.s32 $0xffff, v17;
	_ =	sdelay $0x1  }
0x25b: {  	s10 =	simm.s32 $0x140;
	v19 =	vshll.u32 v19, $0x4  }
.LBB2_14:
0x25c: {  	s11 =	sshra.s32 s10, $0x2;
	p0 =	sne.s32 s10, $0x9C00;
	s10 =	sadd.s32 $0x40, s10;
	v20 =	vshra.s32 v18, $0x4;
	[tilespmem:s30+$0x4300] =	vst v19  }
.Ltmp12:
0x25d: {  	s30 =	smov.u32 s4;
	v18 =	vld [tilespmem:s11+$0x1B80];
	vm2 =	vgt.s32 v20, $0x1;
	s12 =	spop (v2sf);
	(pc) =	sbr.rel @p0 .LBB2_14-.Ltmp12, $4  }
0x25e: {  	s4 =	smov.u32 s0;
	s0 =	smov.u32 s31;
	v19 =	vnsel vm2, $0x0, v20;
	s9 =	sadd.s32 s9, s12  }
0x25f: {  	s31 =	smov.u32 s3;
	s3 =	smov.u32 s11;
	(xrf0) =	vadd.scan.msk.s32 $0xffff, v19;
	v20, _, _ =	vpop (xrf0);
	v21 =	vsub.s32 s9, v13;
	v13 =	vmov v14;
	v14 =	vmov v17  }
0x260: {  	v17 =	vmovc v19;
	(v2sf) =	vpush v20, $0xF;
	v21 =	vadd.s32 v16, v21;
	v16 =	vmovc v15;
	v15 =	vmov v20  }
0x261: {  	v19 =	vshll.u32 v21, $0x4  }
0x262: {  	_ =	sdelay $0x2  }
0x263: {  	v20, _, _ =	vpop (xrf0)  }
0x264: {  	(v2sf) =	vpush v20, $0xF;
	_ =	sdelay $0x7  }
0x265: {  	v18 =	vshra.s32 v18, $0x4  }
0x266: {  	vm2 =	vgt.s32 v18, $0x1  }
0x267: {  	s10 =	spop (v2sf);
	v18 =	vnsel vm2, $0x0, v18  }
0x268: {  	s9 =	sadd.s32 s9, s10;
	(xrf0) =	vadd.scan.msk.s32 $0xffff, v18  }
0x269: {  	v13 =	vsub.s32 s9, v13  }
0x26a: {  	s12 =	spop (v2sf);
	v13 =	vadd.s32 v16, v13  }
0x26b: {  	s9 =	sadd.s32 s9, s12;
	v13 =	vshll.u32 v13, $0x4;
	s11 =	spop (v2sf)  }
0x26c: {  	v14 =	vsub.s32 s9, v14;
	s9 =	sadd.s32 s9, s11;
	s12 =	spop (v2sf)  }
0x26d: {  	[tilespmem:s30+$0x4300] =	vst v19;
	v14 =	vadd.s32 v15, v14;
	v15 =	vsub.s32 s9, v17;
	s9 =	sadd.s32 s9, s12  }
0x26e: {  	[tilespmem:s4+$0x4300] =	vst v13;
	v14 =	vshll.u32 v14, $0x4;
	v13, _, _ =	vpop (xrf0);
	v15 =	vadd.s32 v20, v15;
	v63 =	vsub.s32 s9, v18  }
0x26f: {  	[tilespmem:s0+$0x4300] =	vst v14;
	v14 =	vshll.u32 v15, $0x4;
	v15 =	vadd.s32 v13, v63  }
0x270: {  	(v2sf) =	vpush v13, $0xF;
	[tilespmem:s31+$0x4300] =	vst v14;
	v13 =	vshll.u32 v15, $0x4  }
0x271: {  	[tilespmem:s3+$0x4300] =	vst v13  }
0x272: {  	[tilespmem:$0xEB00] =	vst v4  }
0x273: {  	[tilespmem:$0xEB80] =	vst v6  }
0x274: {  	[tilespmem:$0xEB10] =	vst v4  }
0x275: {  	[tilespmem:$0xEB90] =	vst v6  }
0x276: {  	[tilespmem:$0xEB20] =	vst v4  }
0x277: {  	[tilespmem:$0xEBA0] =	vst v6  }
0x278: {  	[tilespmem:$0xEB30] =	vst v4  }
0x279: {  	[tilespmem:$0xEBB0] =	vst v6  }
0x27a: {  	[tilespmem:$0xEB40] =	vst v4  }
0x27b: {  	[tilespmem:$0xEBC0] =	vst v6  }
0x27c: {  	[tilespmem:$0xEB50] =	vst v4  }
.Ltmp13:
0x27d: {  	[tilespmem:$0xEBD0] =	vst v6;
	(pc) =	sbr.rel .LBB2_16-.Ltmp13, $4  }
0x27e: {  	[tilespmem:$0xEB60] =	vst v4  }
0x27f: {  	s30 =	simm.s32 $0x0;
	s31 =	spop (v2sf);
	[tilespmem:$0xEBE0] =	vst v6  }
0x280: {  	s10 =	simm.s32 $0x0;
	s11 =	rddreg [dreg:$0x3];
	[tilespmem:$0xEB70] =	vst v4;
	s0 =	sadd.s32 s9, s31  }
0x281: {  	s4 =	simm.s32 $0x0;
	s12 =	simm.s32 $0xEB80;
	[tilespmem:$0xEBF0] =	vst v6;
	[smem:$0x7C8] =	sst s0  }
.LBB2_23:
0x282: {  	s30 =	sadd.s32 $0x1, s30  }
0x283: {  	p0 =	sne.s32 s30, $0x10  }
.Ltmp14:
0x284: {  	_ = 	snop;
	(pc) =	sbr.rel @!p0 .LBB2_24-.Ltmp14, $1  }
0x285: {  	_ =	sdelay $0x3  }
.LBB2_16:
0x286: {  	s31 =	smul.u32 $0x1B60, s30;
	_ =	sdelay $0x1  }
0x287: {  	s0 =	sshrl.u32 s31, $0x3  }
.Ltmp15:
0x288: {  	s3 =	simm.s32 $0x0;
	s0 =	sadd.s32 s11, s0;
	(pc) =	sbr.rel .LBB2_17-.Ltmp15, $4  }
0x289: {  	[tilespmem:s3], [sflag:$0x2] =	stream.linear.gather [hbm4b:s0+s3], $0x1B60, $0x38;
	[tilespmem:$0x17400] =	vst v63  }
0x28a: {  	_ =	swait.ge [sflag:s7], $0x1B60  }
0x28b: {  	[sflag:s7] =	ssyncset.done $0x0  }
0x28c: {  	s0 =	simm.s32 $0x0;
	[sflag:s7] =	ssyncadd.s32 $0xFFFFE4A0  }
.LBB2_22:
0x28d: {  	s0 =	sadd.s32 $0x1, s0  }
0x28e: {  	p0 =	sne.s32 s0, $0x1B6  }
.Ltmp16:
0x28f: {  	_ = 	snop;
	(pc) =	sbr.rel @!p0 .LBB2_23-.Ltmp16, $1  }
0x290: {  	_ =	sdelay $0x3  }
.LBB2_17:
0x291: {  	s3 =	sshll.u32 s0, $0x4  }
0x292: {  	v16 =	vld [tilespmem:s3+$0x0];
	_ =	sdelay $0x4  }
0x293: {  	vm2 =	vge.s32 v16, v0;
	vm3 =	vlt.s32 v16, v1  }
0x294: {  	vm2 =	vmand vm2, vm3  }
0x295: {  	v13 =	vsel vm2, $0x1, v4  }
0x296: {  	(xrf0) =	vadd.scan.msk.s32 $0xffff, v13;
	_ =	sdelay $0x5  }
0x297: {  	v13, _, _ =	vpop (xrf0)  }
0x298: {  	(v2sf) =	vpush v13, $0xF;
	_ =	sdelay $0xe  }
0x299: {  	s9 =	spop (v2sf)  }
0x29a: {  	p0 =	slt.s32 s9, $0x1  }
.Ltmp17:
0x29b: {  	_ = 	snop;
	(pc) =	sbr.rel @p0 .LBB2_22-.Ltmp17, $1  }
0x29c: {  	_ =	sdelay $0x3  }
0x29d: {  	v13 =	vsub.s32 v16, v0  }
0x29e: {  	vm3 =	vgt.s32 v13, $0x0  }
0x29f: {  	v13 =	vnsel vm3, $0x0, v13  }
0x2a0: {  	v13 =	vmin.u32 v13, $0x270F;
	_ =	sdelay $0x4  }
0x2a1: {  	v14 =	vld.idx.msk [tilespmem:v13+s8+$0x0], vm2;
	_ =	sdelay $0x4  }
0x2a2: {  	v15 =	vshra.s32 v14, $0x4  }
0x2a3: {  	vm3 =	veq.s32 v15, $0x1  }
0x2a4: {  	vm3 =	vmand vm2, vm3  }
0x2a5: {  	v14 =	vsel vm3, $0x1, v4  }
0x2a6: {  	(xrf0) =	vadd.scan.msk.s32 $0xffff, v14;
	_ =	sdelay $0x5  }
0x2a7: {  	v14, _, _ =	vpop (xrf0)  }
0x2a8: {  	(v2sf) =	vpush v14, $0xF;
	_ =	sdelay $0xd  }
0x2a9: {  	s9 =	sadd.s32 $0xFFFFFFFF, s4  }
0x2aa: {  	v17 =	vadd.s32 s9, v14;
	s9 =	spop (v2sf)  }
0x2ab: {  	s4 =	sadd.s32 s4, s9  }
0x2ac: {  	p0 =	slt.s32 s4, $0x71  }
.Ltmp18:
0x2ad: {  	s3 =	sadd.s32 s31, s3;
	(pc) =	sbr.rel @p0 .LBB2_20-.Ltmp18, $4  }
0x2ae: {  	v14 =	vor.u32 s3, v2  }
0x2af: {  	vm4 =	vlt.s32 v14, $0x1B57F  }
0x2b0: {  	v14 =	vnsel vm4, $0x1B57F, v14;
	[tilespmem:v17+s12+$0x0] =	vst.idx.msk vm3, v16;
	s9 =	simm.s32 $0xEB00  }
0x2b1: {  	[tilespmem:v17+s9+$0x0] =	vst.idx.msk vm3, v14  }
0x2b2: {  	v16 =	vld [tilespmem:$0xEB00];
	_ =	sdelay $0x4  }
0x2b3: {  	v17 =	vshll.u32 v16, $0x1  }
0x2b4: {  	v16 =	vand.u32 $0x7, v16;
	v17 =	vand.u32 $0xFFFFFFF0, v17  }
0x2b5: {  	v16 =	vor.u32 v16, v17  }
0x2b6: {  	v17 =	vperm.xlane v16, v7;
	_ =	sdelay $0x1  }
0x2b7: {  	v16 =	vperm.xlane v16, v10;
	v17 =	vadd.s32 v8, v17;
	_ =	sdelay $0x1  }
0x2b8: {  	v16 =	vadd.s32 v8, v16;
	_ =	sdelay $0x1  }
0x2b9: {  	s4 =	simm.s32 $0x0  }
0x2ba: {  	[tilespmem:s1], [sflag:$0x1] =	stream.indirect_vreg.gather [hbm4b:s2+s4], $0x80, v17, vm0, $0xb8;
	[tilespmem:$0x17400] =	vst v63  }
0x2bb: {  	s3 =	simm.s32 $0xF400  }
0x2bc: {  	[tilespmem:s3], [sflag:$0x1] =	stream.indirect_vreg.gather [hbm4b:s2+s4], $0x80, v16, vm0, $0xb8;
	[tilespmem:$0x17400] =	vst v63  }
0x2bd: {  	v16 =	vld [tilespmem:$0xEB10];
	_ =	sdelay $0x4  }
0x2be: {  	v17 =	vshll.u32 v16, $0x1  }
0x2bf: {  	v16 =	vand.u32 $0x7, v16;
	v17 =	vand.u32 $0xFFFFFFF0, v17  }
0x2c0: {  	v16 =	vor.u32 v16, v17  }
0x2c1: {  	v17 =	vperm.xlane v16, v7;
	_ =	sdelay $0x1  }
0x2c2: {  	v16 =	vperm.xlane v16, v10;
	v17 =	vadd.s32 v8, v17;
	_ =	sdelay $0x1  }
0x2c3: {  	v16 =	vadd.s32 v8, v16;
	_ =	sdelay $0x1  }
0x2c4: {  	s9 =	simm.s32 $0xFC00  }
0x2c5: {  	[tilespmem:s9], [sflag:$0x1] =	stream.indirect_vreg.gather [hbm4b:s2+s4], $0x80, v17, vm0, $0xb8;
	[tilespmem:$0x17400] =	vst v63  }
0x2c6: {  	_ = 	snop  }
0x2c7: {  	[tilespmem:s13], [sflag:$0x1] =	stream.indirect_vreg.gather [hbm4b:s2+s4], $0x80, v16, vm0, $0xb8;
	[tilespmem:$0x17400] =	vst v63  }
0x2c8: {  	v16 =	vld [tilespmem:$0xEB20];
	_ =	sdelay $0x4  }
0x2c9: {  	v17 =	vshll.u32 v16, $0x1  }
0x2ca: {  	v16 =	vand.u32 $0x7, v16;
	v17 =	vand.u32 $0xFFFFFFF0, v17  }
0x2cb: {  	v16 =	vor.u32 v16, v17  }
0x2cc: {  	v17 =	vperm.xlane v16, v7;
	_ =	sdelay $0x1  }
0x2cd: {  	v16 =	vperm.xlane v16, v10;
	v17 =	vadd.s32 v8, v17;
	_ =	sdelay $0x1  }
0x2ce: {  	v16 =	vadd.s32 v8, v16;
	_ =	sdelay $0x2  }
0x2cf: {  	[tilespmem:s14], [sflag:$0x1] =	stream.indirect_vreg.gather [hbm4b:s2+s4], $0x80, v17, vm0, $0xb8;
	[tilespmem:$0x17400] =	vst v63  }
0x2d0: {  	_ = 	snop  }
0x2d1: {  	[tilespmem:s15], [sflag:$0x1] =	stream.indirect_vreg.gather [hbm4b:s2+s4], $0x80, v16, vm0, $0xb8;
	[tilespmem:$0x17400] =	vst v63  }
0x2d2: {  	v16 =	vld [tilespmem:$0xEB30];
	_ =	sdelay $0x4  }
0x2d3: {  	v17 =	vshll.u32 v16, $0x1  }
0x2d4: {  	v16 =	vand.u32 $0x7, v16;
	v17 =	vand.u32 $0xFFFFFFF0, v17  }
0x2d5: {  	v16 =	vor.u32 v16, v17  }
0x2d6: {  	v17 =	vperm.xlane v16, v7;
	_ =	sdelay $0x1  }
0x2d7: {  	v16 =	vperm.xlane v16, v10;
	v17 =	vadd.s32 v8, v17;
	_ =	sdelay $0x1  }
0x2d8: {  	v16 =	vadd.s32 v8, v16;
	_ =	sdelay $0x2  }
0x2d9: {  	[tilespmem:s16], [sflag:$0x1] =	stream.indirect_vreg.gather [hbm4b:s2+s4], $0x80, v17, vm0, $0xb8;
	[tilespmem:$0x17400] =	vst v63  }
0x2da: {  	_ = 	snop  }
0x2db: {  	[tilespmem:s17], [sflag:$0x1] =	stream.indirect_vreg.gather [hbm4b:s2+s4], $0x80, v16, vm0, $0xb8;
	[tilespmem:$0x17400] =	vst v63  }
0x2dc: {  	v16 =	vld [tilespmem:$0xEB40];
	_ =	sdelay $0x4  }
0x2dd: {  	v17 =	vshll.u32 v16, $0x1  }
0x2de: {  	v16 =	vand.u32 $0x7, v16;
	v17 =	vand.u32 $0xFFFFFFF0, v17  }
0x2df: {  	v16 =	vor.u32 v16, v17  }
0x2e0: {  	v17 =	vperm.xlane v16, v7;
	_ =	sdelay $0x1  }
0x2e1: {  	v16 =	vperm.xlane v16, v10;
	v17 =	vadd.s32 v8, v17;
	_ =	sdelay $0x1  }
0x2e2: {  	v16 =	vadd.s32 v8, v16;
	_ =	sdelay $0x2  }
0x2e3: {  	[tilespmem:s18], [sflag:$0x1] =	stream.indirect_vreg.gather [hbm4b:s2+s4], $0x80, v17, vm0, $0xb8;
	[tilespmem:$0x17400] =	vst v63  }
0x2e4: {  	_ = 	snop  }
0x2e5: {  	[tilespmem:s19], [sflag:$0x1] =	stream.indirect_vreg.gather [hbm4b:s2+s4], $0x80, v16, vm0, $0xb8;
	[tilespmem:$0x17400] =	vst v63  }
0x2e6: {  	v16 =	vld [tilespmem:$0xEB50];
	_ =	sdelay $0x4  }
0x2e7: {  	v17 =	vshll.u32 v16, $0x1  }
0x2e8: {  	v16 =	vand.u32 $0x7, v16;
	v17 =	vand.u32 $0xFFFFFFF0, v17  }
0x2e9: {  	v16 =	vor.u32 v16, v17  }
0x2ea: {  	v17 =	vperm.xlane v16, v7;
	_ =	sdelay $0x1  }
0x2eb: {  	v16 =	vperm.xlane v16, v10;
	v17 =	vadd.s32 v8, v17;
	_ =	sdelay $0x1  }
0x2ec: {  	v16 =	vadd.s32 v8, v16;
	_ =	sdelay $0x2  }
0x2ed: {  	[tilespmem:s20], [sflag:$0x1] =	stream.indirect_vreg.gather [hbm4b:s2+s4], $0x80, v17, vm0, $0xb8;
	[tilespmem:$0x17400] =	vst v63  }
0x2ee: {  	_ = 	snop  }
0x2ef: {  	[tilespmem:s21], [sflag:$0x1] =	stream.indirect_vreg.gather [hbm4b:s2+s4], $0x80, v16, vm0, $0xb8;
	[tilespmem:$0x17400] =	vst v63  }
0x2f0: {  	v16 =	vld [tilespmem:$0xEB60];
	_ =	sdelay $0x4  }
0x2f1: {  	v17 =	vshll.u32 v16, $0x1  }
0x2f2: {  	v16 =	vand.u32 $0x7, v16;
	v17 =	vand.u32 $0xFFFFFFF0, v17  }
0x2f3: {  	v16 =	vor.u32 v16, v17  }
0x2f4: {  	v17 =	vperm.xlane v16, v7;
	_ =	sdelay $0x1  }
0x2f5: {  	v16 =	vperm.xlane v16, v10;
	v17 =	vadd.s32 v8, v17;
	_ =	sdelay $0x1  }
0x2f6: {  	v16 =	vadd.s32 v8, v16;
	_ =	sdelay $0x2  }
0x2f7: {  	[tilespmem:s22], [sflag:$0x1] =	stream.indirect_vreg.gather [hbm4b:s2+s4], $0x80, v17, vm0, $0xb8;
	[tilespmem:$0x17400] =	vst v63  }
0x2f8: {  	_ = 	snop  }
0x2f9: {  	[tilespmem:s23], [sflag:$0x1] =	stream.indirect_vreg.gather [hbm4b:s2+s4], $0x80, v16, vm0, $0xb8;
	[tilespmem:$0x17400] =	vst v63  }
0x2fa: {  	v16 =	vld [tilespmem:$0xEB70];
	_ =	sdelay $0x4  }
0x2fb: {  	v17 =	vshll.u32 v16, $0x1  }
0x2fc: {  	v16 =	vand.u32 $0x7, v16;
	v17 =	vand.u32 $0xFFFFFFF0, v17  }
0x2fd: {  	v16 =	vor.u32 v16, v17  }
0x2fe: {  	v17 =	vperm.xlane v16, v7;
	_ =	sdelay $0x1  }
0x2ff: {  	v16 =	vperm.xlane v16, v10;
	v17 =	vadd.s32 v8, v17;
	_ =	sdelay $0x1  }
0x300: {  	v16 =	vadd.s32 v8, v16;
	_ =	sdelay $0x2  }
0x301: {  	[tilespmem:s24], [sflag:$0x1] =	stream.indirect_vreg.gather [hbm4b:s2+s4], $0x80, v17, vm0, $0xb8;
	[tilespmem:$0x17400] =	vst v63  }
0x302: {  	_ = 	snop  }
0x303: {  	[tilespmem:s25], [sflag:$0x1] =	stream.indirect_vreg.gather [hbm4b:s2+s4], $0x80, v16, vm0, $0xb8;
	[tilespmem:$0x17400] =	vst v63  }
0x304: {  	_ =	swait.ge [sflag:s6], $0x8000  }
0x305: {  	[sflag:s6] =	ssyncset.done $0x0  }
0x306: {  	[sflag:s6] =	ssyncadd.s32 $0xFFFF8000  }
0x307: {  	v16 =	vld [tilespmem:$0xEB80];
	_ =	sdelay $0x4  }
0x308: {  	v17 =	vshll.u32 v16, $0x1  }
0x309: {  	v16 =	vand.u32 $0x7, v16;
	v17 =	vand.u32 $0xFFFFFFF0, v17  }
0x30a: {  	v16 =	vor.u32 v16, v17  }
0x30b: {  	v17 =	vperm.xlane v16, v7;
	_ =	sdelay $0x1  }
0x30c: {  	v16 =	vperm.xlane v16, v10;
	v17 =	vadd.s32 v8, v17;
	_ =	sdelay $0x1  }
0x30d: {  	v16 =	vadd.s32 v8, v16;
	_ =	sdelay $0x2  }
0x30e: {  	[hbm4b:s5+s4] =	stream.indirect_vreg.scatter [tilespmem:s1], [sflag:$0x2], $0x80, v17, vm0, $0xb8;
	[tilespmem:$0x17400] =	vst v63  }
0x30f: {  	_ = 	snop  }
0x310: {  	[hbm4b:s5+s4] =	stream.indirect_vreg.scatter [tilespmem:s3], [sflag:$0x2], $0x80, v16, vm0, $0xb8;
	[tilespmem:$0x17400] =	vst v63  }
0x311: {  	v16 =	vld [tilespmem:$0xEB90];
	_ =	sdelay $0x4  }
0x312: {  	v17 =	vshll.u32 v16, $0x1  }
0x313: {  	v16 =	vand.u32 $0x7, v16;
	v17 =	vand.u32 $0xFFFFFFF0, v17  }
0x314: {  	v16 =	vor.u32 v16, v17  }
0x315: {  	v17 =	vperm.xlane v16, v7;
	_ =	sdelay $0x1  }
0x316: {  	v16 =	vperm.xlane v16, v10;
	v17 =	vadd.s32 v8, v17;
	_ =	sdelay $0x1  }
0x317: {  	v16 =	vadd.s32 v8, v16;
	_ =	sdelay $0x2  }
0x318: {  	[hbm4b:s5+s4] =	stream.indirect_vreg.scatter [tilespmem:s9], [sflag:$0x2], $0x80, v17, vm0, $0xb8;
	[tilespmem:$0x17400] =	vst v63  }
0x319: {  	_ = 	snop  }
0x31a: {  	[hbm4b:s5+s4] =	stream.indirect_vreg.scatter [tilespmem:s13], [sflag:$0x2], $0x80, v16, vm0, $0xb8;
	[tilespmem:$0x17400] =	vst v63  }
0x31b: {  	v16 =	vld [tilespmem:$0xEBA0];
	_ =	sdelay $0x4  }
0x31c: {  	v17 =	vshll.u32 v16, $0x1  }
0x31d: {  	v16 =	vand.u32 $0x7, v16;
	v17 =	vand.u32 $0xFFFFFFF0, v17  }
0x31e: {  	v16 =	vor.u32 v16, v17  }
0x31f: {  	v17 =	vperm.xlane v16, v7;
	_ =	sdelay $0x1  }
0x320: {  	v16 =	vperm.xlane v16, v10;
	v17 =	vadd.s32 v8, v17;
	_ =	sdelay $0x1  }
0x321: {  	v16 =	vadd.s32 v8, v16;
	_ =	sdelay $0x2  }
0x322: {  	[hbm4b:s5+s4] =	stream.indirect_vreg.scatter [tilespmem:s14], [sflag:$0x2], $0x80, v17, vm0, $0xb8;
	[tilespmem:$0x17400] =	vst v63  }
0x323: {  	_ = 	snop  }
0x324: {  	[hbm4b:s5+s4] =	stream.indirect_vreg.scatter [tilespmem:s15], [sflag:$0x2], $0x80, v16, vm0, $0xb8;
	[tilespmem:$0x17400] =	vst v63  }
0x325: {  	v16 =	vld [tilespmem:$0xEBB0];
	_ =	sdelay $0x4  }
0x326: {  	v17 =	vshll.u32 v16, $0x1  }
0x327: {  	v16 =	vand.u32 $0x7, v16;
	v17 =	vand.u32 $0xFFFFFFF0, v17  }
0x328: {  	v16 =	vor.u32 v16, v17  }
0x329: {  	v17 =	vperm.xlane v16, v7;
	_ =	sdelay $0x1  }
0x32a: {  	v16 =	vperm.xlane v16, v10;
	v17 =	vadd.s32 v8, v17;
	_ =	sdelay $0x1  }
0x32b: {  	v16 =	vadd.s32 v8, v16;
	_ =	sdelay $0x2  }
0x32c: {  	[hbm4b:s5+s4] =	stream.indirect_vreg.scatter [tilespmem:s16], [sflag:$0x2], $0x80, v17, vm0, $0xb8;
	[tilespmem:$0x17400] =	vst v63  }
0x32d: {  	_ = 	snop  }
0x32e: {  	[hbm4b:s5+s4] =	stream.indirect_vreg.scatter [tilespmem:s17], [sflag:$0x2], $0x80, v16, vm0, $0xb8;
	[tilespmem:$0x17400] =	vst v63  }
0x32f: {  	v16 =	vld [tilespmem:$0xEBC0];
	_ =	sdelay $0x4  }
0x330: {  	v17 =	vshll.u32 v16, $0x1  }
0x331: {  	v16 =	vand.u32 $0x7, v16;
	v17 =	vand.u32 $0xFFFFFFF0, v17  }
0x332: {  	v16 =	vor.u32 v16, v17  }
0x333: {  	v17 =	vperm.xlane v16, v7;
	_ =	sdelay $0x1  }
0x334: {  	v16 =	vperm.xlane v16, v10;
	v17 =	vadd.s32 v8, v17;
	_ =	sdelay $0x1  }
0x335: {  	v16 =	vadd.s32 v8, v16;
	_ =	sdelay $0x2  }
0x336: {  	[hbm4b:s5+s4] =	stream.indirect_vreg.scatter [tilespmem:s18], [sflag:$0x2], $0x80, v17, vm0, $0xb8;
	[tilespmem:$0x17400] =	vst v63  }
0x337: {  	_ = 	snop  }
0x338: {  	[hbm4b:s5+s4] =	stream.indirect_vreg.scatter [tilespmem:s19], [sflag:$0x2], $0x80, v16, vm0, $0xb8;
	[tilespmem:$0x17400] =	vst v63  }
0x339: {  	v16 =	vld [tilespmem:$0xEBD0];
	_ =	sdelay $0x4  }
0x33a: {  	v17 =	vshll.u32 v16, $0x1  }
0x33b: {  	v16 =	vand.u32 $0x7, v16;
	v17 =	vand.u32 $0xFFFFFFF0, v17  }
0x33c: {  	v16 =	vor.u32 v16, v17  }
0x33d: {  	v17 =	vperm.xlane v16, v7;
	_ =	sdelay $0x1  }
0x33e: {  	v16 =	vperm.xlane v16, v10;
	v17 =	vadd.s32 v8, v17;
	_ =	sdelay $0x1  }
0x33f: {  	v16 =	vadd.s32 v8, v16;
	_ =	sdelay $0x2  }
0x340: {  	[hbm4b:s5+s4] =	stream.indirect_vreg.scatter [tilespmem:s20], [sflag:$0x2], $0x80, v17, vm0, $0xb8;
	[tilespmem:$0x17400] =	vst v63  }
0x341: {  	_ = 	snop  }
0x342: {  	[hbm4b:s5+s4] =	stream.indirect_vreg.scatter [tilespmem:s21], [sflag:$0x2], $0x80, v16, vm0, $0xb8;
	[tilespmem:$0x17400] =	vst v63  }
0x343: {  	v16 =	vld [tilespmem:$0xEBE0];
	_ =	sdelay $0x4  }
0x344: {  	v17 =	vshll.u32 v16, $0x1  }
0x345: {  	v16 =	vand.u32 $0x7, v16;
	v17 =	vand.u32 $0xFFFFFFF0, v17  }
0x346: {  	v16 =	vor.u32 v16, v17  }
0x347: {  	v17 =	vperm.xlane v16, v7;
	_ =	sdelay $0x1  }
0x348: {  	v16 =	vperm.xlane v16, v10;
	v17 =	vadd.s32 v8, v17;
	_ =	sdelay $0x1  }
0x349: {  	v16 =	vadd.s32 v8, v16;
	_ =	sdelay $0x2  }
0x34a: {  	[hbm4b:s5+s4] =	stream.indirect_vreg.scatter [tilespmem:s22], [sflag:$0x2], $0x80, v17, vm0, $0xb8;
	[tilespmem:$0x17400] =	vst v63  }
0x34b: {  	_ = 	snop  }
0x34c: {  	[hbm4b:s5+s4] =	stream.indirect_vreg.scatter [tilespmem:s23], [sflag:$0x2], $0x80, v16, vm0, $0xb8;
	[tilespmem:$0x17400] =	vst v63  }
0x34d: {  	v16 =	vld [tilespmem:$0xEBF0];
	_ =	sdelay $0x4  }
0x34e: {  	v17 =	vshll.u32 v16, $0x1  }
0x34f: {  	v16 =	vand.u32 $0x7, v16;
	v17 =	vand.u32 $0xFFFFFFF0, v17  }
0x350: {  	v16 =	vor.u32 v16, v17  }
0x351: {  	v17 =	vperm.xlane v16, v7;
	_ =	sdelay $0x1  }
0x352: {  	v16 =	vperm.xlane v16, v10;
	v17 =	vadd.s32 v8, v17;
	_ =	sdelay $0x1  }
0x353: {  	v16 =	vadd.s32 v8, v16;
	_ =	sdelay $0x2  }
0x354: {  	[hbm4b:s5+s4] =	stream.indirect_vreg.scatter [tilespmem:s24], [sflag:$0x2], $0x80, v17, vm0, $0xb8;
	[tilespmem:$0x17400] =	vst v63  }
0x355: {  	_ = 	snop  }
0x356: {  	[hbm4b:s5+s4] =	stream.indirect_vreg.scatter [tilespmem:s25], [sflag:$0x2], $0x80, v16, vm0, $0xb8;
	[tilespmem:$0x17400] =	vst v63  }
0x357: {  	_ =	swait.ge [sflag:s7], $0x8000  }
0x358: {  	[sflag:s7] =	ssyncset.done $0x0  }
0x359: {  	[sflag:s7] =	ssyncadd.s32 $0xFFFF8000  }
0x35a: {  	[tilespmem:$0xEB00] =	vst v4  }
0x35b: {  	[tilespmem:$0xEB80] =	vst v6  }
0x35c: {  	[tilespmem:$0xEB10] =	vst v4  }
0x35d: {  	[tilespmem:$0xEB90] =	vst v6  }
0x35e: {  	[tilespmem:$0xEB20] =	vst v4  }
0x35f: {  	[tilespmem:$0xEBA0] =	vst v6  }
0x360: {  	[tilespmem:$0xEB30] =	vst v4  }
0x361: {  	[tilespmem:$0xEBB0] =	vst v6  }
0x362: {  	[tilespmem:$0xEB40] =	vst v4  }
0x363: {  	[tilespmem:$0xEBC0] =	vst v6  }
0x364: {  	[tilespmem:$0xEB50] =	vst v4  }
0x365: {  	[tilespmem:$0xEBD0] =	vst v6  }
0x366: {  	[tilespmem:$0xEB60] =	vst v4  }
0x367: {  	[tilespmem:$0xEBE0] =	vst v6  }
0x368: {  	[tilespmem:$0xEB70] =	vst v4  }
0x369: {  	[tilespmem:$0xEBF0] =	vst v6  }
.LBB2_20:
0x36a: {  	vm3 =	vgt.s32 v15, $0x1  }
0x36b: {  	vm2 =	vmand vm2, vm3;
	_ =	sdelay $0x5  }
0x36c: {  	v15 =	vld.idx.msk [tilespmem:v13+s26+$0x0], vm2;
	_ =	sdelay $0x4  }
0x36d: {  	v16 =	vand.u32 $0xFFFFFFF0, v15  }
0x36e: {  	v16 =	vadd.s32 v5, v16  }
0x36f: {  	[tilespmem:v13+s26+$0x0] =	vst.idx.msk vm2, v16  }
0x370: {  	v17 =	vld.idx.msk [tilespmem:v13+s26+$0x0], vm2;
	_ =	sdelay $0x4  }
0x371: {  	vm3 =	veq.s32 v17, v16  }
0x372: {  	vm3 =	vmand vm2, vm3  }
0x373: {  	vm2 =	vmxor vm2, vm3  }
0x374: {  	v63 =	vsel vm2, $0x1, v4  }
0x375: {  	(xrf0) =	vadd.scan.msk.s32 $0xffff, v63;
	_ =	sdelay $0x5  }
0x376: {  	v16, _, _ =	vpop (xrf0)  }
0x377: {  	(v2sf) =	vpush v16, $0xF;
	_ =	sdelay $0xd  }
0x378: {  	v15 =	vshra.s32 v15, $0x4  }
0x379: {  	vm4 =	vlt.s32 v15, $0x7FFF;
	s3 =	spop (v2sf)  }
0x37a: {  	v15 =	vnsel vm4, $0x7FFF, v15;
	p0 =	slt.s32 s3, $0x1  }
.Ltmp19:
0x37b: {  	_ = 	snop;
	(pc) =	sbr.rel @p0 .LBB2_22-.Ltmp19, $4  }
0x37c: {  	_ = 	snop  }
0x37d: {  	v14 =	vshll.u32 v14, $0xE  }
0x37e: {  	v14 =	vor.u32 v14, v13  }
0x37f: {  	[tilespmem:v15+s28+$0x0] =	vst.idx.msk vm3, v14  }
.LBB2_21:
0x380: {  	v15 =	vld.idx.msk [tilespmem:v13+s26+$0x0], vm2;
	_ =	sdelay $0x4  }
0x381: {  	v16 =	vand.u32 $0xFFFFFFF0, v15  }
0x382: {  	v16 =	vadd.s32 v5, v16  }
0x383: {  	[tilespmem:v13+s26+$0x0] =	vst.idx.msk vm2, v16  }
0x384: {  	v17 =	vld.idx.msk [tilespmem:v13+s26+$0x0], vm2;
	_ =	sdelay $0x4  }
0x385: {  	vm3 =	veq.s32 v17, v16  }
0x386: {  	vm3 =	vmand vm2, vm3  }
0x387: {  	vm2 =	vmxor vm2, vm3  }
0x388: {  	v63 =	vsel vm2, $0x1, v4  }
0x389: {  	(xrf0) =	vadd.scan.msk.s32 $0xffff, v63;
	_ =	sdelay $0x5  }
0x38a: {  	v16, _, _ =	vpop (xrf0)  }
0x38b: {  	(v2sf) =	vpush v16, $0xF;
	_ =	sdelay $0xd  }
0x38c: {  	v15 =	vshra.s32 v15, $0x4  }
0x38d: {  	vm4 =	vlt.s32 v15, $0x7FFF;
	s3 =	spop (v2sf)  }
0x38e: {  	v15 =	vnsel vm4, $0x7FFF, v15;
	p0 =	sgt.s32 s3, $0x0  }
.Ltmp20:
0x38f: {  	_ = 	snop;
	(pc) =	sbr.rel @p0 .LBB2_21-.Ltmp20, $2  }
0x390: {  	_ =	sdelay $0x2  }
0x391: {  	[tilespmem:v15+s28+$0x0] =	vst.idx.msk vm3, v14  }
.Ltmp21:
0x392: {  	_ = 	snop;
	(pc) =	sbr.rel .LBB2_22-.Ltmp21, $1  }
0x393: {  	_ =	sdelay $0x3  }
.LBB2_24:
0x394: {  	p0 =	slt.s32 s4, $0x1  }
.Ltmp22:
0x395: {  	_ = 	snop;
	(pc) =	sbr.rel @p0 .LBB2_26-.Ltmp22, $2  }
0x396: {  	_ =	sdelay $0x2  }
0x397: {  	s0 =	simm.s32 $0xF400;
	s31 =	simm.s32 $0xFC00  }
0x398: {  	v13 =	vld [tilespmem:$0xEB00];
	_ =	sdelay $0x4  }
0x399: {  	v14 =	vshll.u32 v13, $0x1  }
0x39a: {  	v13 =	vand.u32 $0x7, v13;
	v14 =	vand.u32 $0xFFFFFFF0, v14  }
0x39b: {  	v13 =	vor.u32 v13, v14  }
0x39c: {  	v14 =	vperm.xlane v13, v7;
	_ =	sdelay $0x1  }
0x39d: {  	v13 =	vperm.xlane v13, v10;
	v14 =	vadd.s32 v8, v14;
	_ =	sdelay $0x1  }
0x39e: {  	v13 =	vadd.s32 v8, v13;
	_ =	sdelay $0x2  }
0x39f: {  	[tilespmem:s1], [sflag:$0x1] =	stream.indirect_vreg.gather [hbm4b:s2+s10], $0x80, v14, vm0, $0xb8;
	[tilespmem:$0x17400] =	vst v63  }
0x3a0: {  	_ = 	snop  }
0x3a1: {  	[tilespmem:s0], [sflag:$0x1] =	stream.indirect_vreg.gather [hbm4b:s2+s10], $0x80, v13, vm0, $0xb8;
	[tilespmem:$0x17400] =	vst v63  }
0x3a2: {  	v13 =	vld [tilespmem:$0xEB10];
	_ =	sdelay $0x4  }
0x3a3: {  	v14 =	vshll.u32 v13, $0x1  }
0x3a4: {  	v13 =	vand.u32 $0x7, v13;
	v14 =	vand.u32 $0xFFFFFFF0, v14  }
0x3a5: {  	v13 =	vor.u32 v13, v14  }
0x3a6: {  	v14 =	vperm.xlane v13, v7;
	_ =	sdelay $0x1  }
0x3a7: {  	v13 =	vperm.xlane v13, v10;
	v14 =	vadd.s32 v8, v14;
	_ =	sdelay $0x1  }
0x3a8: {  	v13 =	vadd.s32 v8, v13;
	_ =	sdelay $0x2  }
0x3a9: {  	[tilespmem:s31], [sflag:$0x1] =	stream.indirect_vreg.gather [hbm4b:s2+s10], $0x80, v14, vm0, $0xb8;
	[tilespmem:$0x17400] =	vst v63  }
0x3aa: {  	_ = 	snop  }
0x3ab: {  	[tilespmem:s13], [sflag:$0x1] =	stream.indirect_vreg.gather [hbm4b:s2+s10], $0x80, v13, vm0, $0xb8;
	[tilespmem:$0x17400] =	vst v63  }
0x3ac: {  	v13 =	vld [tilespmem:$0xEB20];
	_ =	sdelay $0x4  }
0x3ad: {  	v14 =	vshll.u32 v13, $0x1  }
0x3ae: {  	v13 =	vand.u32 $0x7, v13;
	v14 =	vand.u32 $0xFFFFFFF0, v14  }
0x3af: {  	v13 =	vor.u32 v13, v14  }
0x3b0: {  	v14 =	vperm.xlane v13, v7;
	_ =	sdelay $0x1  }
0x3b1: {  	v13 =	vperm.xlane v13, v10;
	v14 =	vadd.s32 v8, v14;
	_ =	sdelay $0x1  }
0x3b2: {  	v13 =	vadd.s32 v8, v13;
	_ =	sdelay $0x2  }
0x3b3: {  	[tilespmem:s14], [sflag:$0x1] =	stream.indirect_vreg.gather [hbm4b:s2+s10], $0x80, v14, vm0, $0xb8;
	[tilespmem:$0x17400] =	vst v63  }
0x3b4: {  	_ = 	snop  }
0x3b5: {  	[tilespmem:s15], [sflag:$0x1] =	stream.indirect_vreg.gather [hbm4b:s2+s10], $0x80, v13, vm0, $0xb8;
	[tilespmem:$0x17400] =	vst v63  }
0x3b6: {  	v13 =	vld [tilespmem:$0xEB30];
	_ =	sdelay $0x4  }
0x3b7: {  	v14 =	vshll.u32 v13, $0x1  }
0x3b8: {  	v13 =	vand.u32 $0x7, v13;
	v14 =	vand.u32 $0xFFFFFFF0, v14  }
0x3b9: {  	v13 =	vor.u32 v13, v14  }
0x3ba: {  	v14 =	vperm.xlane v13, v7;
	_ =	sdelay $0x1  }
0x3bb: {  	v13 =	vperm.xlane v13, v10;
	v14 =	vadd.s32 v8, v14;
	_ =	sdelay $0x1  }
0x3bc: {  	v13 =	vadd.s32 v8, v13;
	_ =	sdelay $0x2  }
0x3bd: {  	[tilespmem:s16], [sflag:$0x1] =	stream.indirect_vreg.gather [hbm4b:s2+s10], $0x80, v14, vm0, $0xb8;
	[tilespmem:$0x17400] =	vst v63  }
0x3be: {  	_ = 	snop  }
0x3bf: {  	[tilespmem:s17], [sflag:$0x1] =	stream.indirect_vreg.gather [hbm4b:s2+s10], $0x80, v13, vm0, $0xb8;
	[tilespmem:$0x17400] =	vst v63  }
0x3c0: {  	v13 =	vld [tilespmem:$0xEB40];
	_ =	sdelay $0x4  }
0x3c1: {  	v14 =	vshll.u32 v13, $0x1  }
0x3c2: {  	v13 =	vand.u32 $0x7, v13;
	v14 =	vand.u32 $0xFFFFFFF0, v14  }
0x3c3: {  	v13 =	vor.u32 v13, v14  }
0x3c4: {  	v14 =	vperm.xlane v13, v7;
	_ =	sdelay $0x1  }
0x3c5: {  	v13 =	vperm.xlane v13, v10;
	v14 =	vadd.s32 v8, v14;
	_ =	sdelay $0x1  }
0x3c6: {  	v13 =	vadd.s32 v8, v13;
	_ =	sdelay $0x2  }
0x3c7: {  	[tilespmem:s18], [sflag:$0x1] =	stream.indirect_vreg.gather [hbm4b:s2+s10], $0x80, v14, vm0, $0xb8;
	[tilespmem:$0x17400] =	vst v63  }
0x3c8: {  	_ = 	snop  }
0x3c9: {  	[tilespmem:s19], [sflag:$0x1] =	stream.indirect_vreg.gather [hbm4b:s2+s10], $0x80, v13, vm0, $0xb8;
	[tilespmem:$0x17400] =	vst v63  }
0x3ca: {  	v13 =	vld [tilespmem:$0xEB50];
	_ =	sdelay $0x4  }
0x3cb: {  	v14 =	vshll.u32 v13, $0x1  }
0x3cc: {  	v13 =	vand.u32 $0x7, v13;
	v14 =	vand.u32 $0xFFFFFFF0, v14  }
0x3cd: {  	v13 =	vor.u32 v13, v14  }
0x3ce: {  	v14 =	vperm.xlane v13, v7;
	_ =	sdelay $0x1  }
0x3cf: {  	v13 =	vperm.xlane v13, v10;
	v14 =	vadd.s32 v8, v14;
	_ =	sdelay $0x1  }
0x3d0: {  	v13 =	vadd.s32 v8, v13;
	_ =	sdelay $0x2  }
0x3d1: {  	[tilespmem:s20], [sflag:$0x1] =	stream.indirect_vreg.gather [hbm4b:s2+s10], $0x80, v14, vm0, $0xb8;
	[tilespmem:$0x17400] =	vst v63  }
0x3d2: {  	_ = 	snop  }
0x3d3: {  	[tilespmem:s21], [sflag:$0x1] =	stream.indirect_vreg.gather [hbm4b:s2+s10], $0x80, v13, vm0, $0xb8;
	[tilespmem:$0x17400] =	vst v63  }
0x3d4: {  	v13 =	vld [tilespmem:$0xEB60];
	_ =	sdelay $0x4  }
0x3d5: {  	v14 =	vshll.u32 v13, $0x1  }
0x3d6: {  	v13 =	vand.u32 $0x7, v13;
	v14 =	vand.u32 $0xFFFFFFF0, v14  }
0x3d7: {  	v13 =	vor.u32 v13, v14  }
0x3d8: {  	v14 =	vperm.xlane v13, v7;
	_ =	sdelay $0x1  }
0x3d9: {  	v13 =	vperm.xlane v13, v10;
	v14 =	vadd.s32 v8, v14;
	_ =	sdelay $0x1  }
0x3da: {  	v13 =	vadd.s32 v8, v13;
	_ =	sdelay $0x2  }
0x3db: {  	[tilespmem:s22], [sflag:$0x1] =	stream.indirect_vreg.gather [hbm4b:s2+s10], $0x80, v14, vm0, $0xb8;
	[tilespmem:$0x17400] =	vst v63  }
0x3dc: {  	_ = 	snop  }
0x3dd: {  	[tilespmem:s23], [sflag:$0x1] =	stream.indirect_vreg.gather [hbm4b:s2+s10], $0x80, v13, vm0, $0xb8;
	[tilespmem:$0x17400] =	vst v63  }
0x3de: {  	v13 =	vld [tilespmem:$0xEB70];
	_ =	sdelay $0x4  }
0x3df: {  	v14 =	vshll.u32 v13, $0x1  }
0x3e0: {  	v13 =	vand.u32 $0x7, v13;
	v14 =	vand.u32 $0xFFFFFFF0, v14  }
0x3e1: {  	v13 =	vor.u32 v13, v14  }
0x3e2: {  	v14 =	vperm.xlane v13, v7;
	_ =	sdelay $0x1  }
0x3e3: {  	v13 =	vperm.xlane v13, v10;
	v14 =	vadd.s32 v8, v14;
	_ =	sdelay $0x1  }
0x3e4: {  	v13 =	vadd.s32 v8, v13;
	_ =	sdelay $0x2  }
0x3e5: {  	[tilespmem:s24], [sflag:$0x1] =	stream.indirect_vreg.gather [hbm4b:s2+s10], $0x80, v14, vm0, $0xb8;
	[tilespmem:$0x17400] =	vst v63  }
0x3e6: {  	_ = 	snop  }
0x3e7: {  	[tilespmem:s25], [sflag:$0x1] =	stream.indirect_vreg.gather [hbm4b:s2+s10], $0x80, v13, vm0, $0xb8;
	[tilespmem:$0x17400] =	vst v63  }
0x3e8: {  	_ =	swait.ge [sflag:s6], $0x8000  }
0x3e9: {  	[sflag:s6] =	ssyncset.done $0x0  }
0x3ea: {  	[sflag:s6] =	ssyncadd.s32 $0xFFFF8000  }
0x3eb: {  	v13 =	vld [tilespmem:$0xEB80];
	_ =	sdelay $0x4  }
0x3ec: {  	v14 =	vshll.u32 v13, $0x1  }
0x3ed: {  	v13 =	vand.u32 $0x7, v13;
	v14 =	vand.u32 $0xFFFFFFF0, v14  }
0x3ee: {  	v13 =	vor.u32 v13, v14  }
0x3ef: {  	v14 =	vperm.xlane v13, v7;
	_ =	sdelay $0x1  }
0x3f0: {  	v13 =	vperm.xlane v13, v10;
	v14 =	vadd.s32 v8, v14;
	_ =	sdelay $0x1  }
0x3f1: {  	v13 =	vadd.s32 v8, v13;
	_ =	sdelay $0x2  }
0x3f2: {  	[hbm4b:s5+s10] =	stream.indirect_vreg.scatter [tilespmem:s1], [sflag:$0x2], $0x80, v14, vm0, $0xb8;
	[tilespmem:$0x17400] =	vst v63  }
0x3f3: {  	_ = 	snop  }
0x3f4: {  	[hbm4b:s5+s10] =	stream.indirect_vreg.scatter [tilespmem:s0], [sflag:$0x2], $0x80, v13, vm0, $0xb8;
	[tilespmem:$0x17400] =	vst v63  }
0x3f5: {  	v13 =	vld [tilespmem:$0xEB90];
	_ =	sdelay $0x4  }
0x3f6: {  	v14 =	vshll.u32 v13, $0x1  }
0x3f7: {  	v13 =	vand.u32 $0x7, v13;
	v14 =	vand.u32 $0xFFFFFFF0, v14  }
0x3f8: {  	v13 =	vor.u32 v13, v14  }
0x3f9: {  	v14 =	vperm.xlane v13, v7;
	_ =	sdelay $0x1  }
0x3fa: {  	v13 =	vperm.xlane v13, v10;
	v14 =	vadd.s32 v8, v14;
	_ =	sdelay $0x1  }
0x3fb: {  	v13 =	vadd.s32 v8, v13;
	_ =	sdelay $0x2  }
0x3fc: {  	[hbm4b:s5+s10] =	stream.indirect_vreg.scatter [tilespmem:s31], [sflag:$0x2], $0x80, v14, vm0, $0xb8;
	[tilespmem:$0x17400] =	vst v63  }
0x3fd: {  	_ = 	snop  }
0x3fe: {  	[hbm4b:s5+s10] =	stream.indirect_vreg.scatter [tilespmem:s13], [sflag:$0x2], $0x80, v13, vm0, $0xb8;
	[tilespmem:$0x17400] =	vst v63  }
0x3ff: {  	v13 =	vld [tilespmem:$0xEBA0];
	_ =	sdelay $0x4  }
0x400: {  	v14 =	vshll.u32 v13, $0x1  }
0x401: {  	v13 =	vand.u32 $0x7, v13;
	v14 =	vand.u32 $0xFFFFFFF0, v14  }
0x402: {  	v13 =	vor.u32 v13, v14  }
0x403: {  	v14 =	vperm.xlane v13, v7;
	_ =	sdelay $0x1  }
0x404: {  	v13 =	vperm.xlane v13, v10;
	v14 =	vadd.s32 v8, v14;
	_ =	sdelay $0x1  }
0x405: {  	v13 =	vadd.s32 v8, v13;
	_ =	sdelay $0x2  }
0x406: {  	[hbm4b:s5+s10] =	stream.indirect_vreg.scatter [tilespmem:s14], [sflag:$0x2], $0x80, v14, vm0, $0xb8;
	[tilespmem:$0x17400] =	vst v63  }
0x407: {  	_ = 	snop  }
0x408: {  	[hbm4b:s5+s10] =	stream.indirect_vreg.scatter [tilespmem:s15], [sflag:$0x2], $0x80, v13, vm0, $0xb8;
	[tilespmem:$0x17400] =	vst v63  }
0x409: {  	v13 =	vld [tilespmem:$0xEBB0];
	_ =	sdelay $0x4  }
0x40a: {  	v14 =	vshll.u32 v13, $0x1  }
0x40b: {  	v13 =	vand.u32 $0x7, v13;
	v14 =	vand.u32 $0xFFFFFFF0, v14  }
0x40c: {  	v13 =	vor.u32 v13, v14  }
0x40d: {  	v14 =	vperm.xlane v13, v7;
	_ =	sdelay $0x1  }
0x40e: {  	v13 =	vperm.xlane v13, v10;
	v14 =	vadd.s32 v8, v14;
	_ =	sdelay $0x1  }
0x40f: {  	v13 =	vadd.s32 v8, v13;
	_ =	sdelay $0x2  }
0x410: {  	[hbm4b:s5+s10] =	stream.indirect_vreg.scatter [tilespmem:s16], [sflag:$0x2], $0x80, v14, vm0, $0xb8;
	[tilespmem:$0x17400] =	vst v63  }
0x411: {  	_ = 	snop  }
0x412: {  	[hbm4b:s5+s10] =	stream.indirect_vreg.scatter [tilespmem:s17], [sflag:$0x2], $0x80, v13, vm0, $0xb8;
	[tilespmem:$0x17400] =	vst v63  }
0x413: {  	v13 =	vld [tilespmem:$0xEBC0];
	_ =	sdelay $0x4  }
0x414: {  	v14 =	vshll.u32 v13, $0x1  }
0x415: {  	v13 =	vand.u32 $0x7, v13;
	v14 =	vand.u32 $0xFFFFFFF0, v14  }
0x416: {  	v13 =	vor.u32 v13, v14  }
0x417: {  	v14 =	vperm.xlane v13, v7;
	_ =	sdelay $0x1  }
0x418: {  	v13 =	vperm.xlane v13, v10;
	v14 =	vadd.s32 v8, v14;
	_ =	sdelay $0x1  }
0x419: {  	v13 =	vadd.s32 v8, v13;
	_ =	sdelay $0x2  }
0x41a: {  	[hbm4b:s5+s10] =	stream.indirect_vreg.scatter [tilespmem:s18], [sflag:$0x2], $0x80, v14, vm0, $0xb8;
	[tilespmem:$0x17400] =	vst v63  }
0x41b: {  	_ = 	snop  }
0x41c: {  	[hbm4b:s5+s10] =	stream.indirect_vreg.scatter [tilespmem:s19], [sflag:$0x2], $0x80, v13, vm0, $0xb8;
	[tilespmem:$0x17400] =	vst v63  }
0x41d: {  	v13 =	vld [tilespmem:$0xEBD0];
	_ =	sdelay $0x4  }
0x41e: {  	v14 =	vshll.u32 v13, $0x1  }
0x41f: {  	v13 =	vand.u32 $0x7, v13;
	v14 =	vand.u32 $0xFFFFFFF0, v14  }
0x420: {  	v13 =	vor.u32 v13, v14  }
0x421: {  	v14 =	vperm.xlane v13, v7;
	_ =	sdelay $0x1  }
0x422: {  	v13 =	vperm.xlane v13, v10;
	v14 =	vadd.s32 v8, v14;
	_ =	sdelay $0x1  }
0x423: {  	v13 =	vadd.s32 v8, v13;
	_ =	sdelay $0x2  }
0x424: {  	[hbm4b:s5+s10] =	stream.indirect_vreg.scatter [tilespmem:s20], [sflag:$0x2], $0x80, v14, vm0, $0xb8;
	[tilespmem:$0x17400] =	vst v63  }
0x425: {  	_ = 	snop  }
0x426: {  	[hbm4b:s5+s10] =	stream.indirect_vreg.scatter [tilespmem:s21], [sflag:$0x2], $0x80, v13, vm0, $0xb8;
	[tilespmem:$0x17400] =	vst v63  }
0x427: {  	v13 =	vld [tilespmem:$0xEBE0];
	_ =	sdelay $0x4  }
0x428: {  	v14 =	vshll.u32 v13, $0x1  }
0x429: {  	v13 =	vand.u32 $0x7, v13;
	v14 =	vand.u32 $0xFFFFFFF0, v14  }
0x42a: {  	v13 =	vor.u32 v13, v14  }
0x42b: {  	v14 =	vperm.xlane v13, v7;
	_ =	sdelay $0x1  }
0x42c: {  	v13 =	vperm.xlane v13, v10;
	v14 =	vadd.s32 v8, v14;
	_ =	sdelay $0x1  }
0x42d: {  	v13 =	vadd.s32 v8, v13;
	_ =	sdelay $0x2  }
0x42e: {  	[hbm4b:s5+s10] =	stream.indirect_vreg.scatter [tilespmem:s22], [sflag:$0x2], $0x80, v14, vm0, $0xb8;
	[tilespmem:$0x17400] =	vst v63  }
0x42f: {  	_ = 	snop  }
0x430: {  	[hbm4b:s5+s10] =	stream.indirect_vreg.scatter [tilespmem:s23], [sflag:$0x2], $0x80, v13, vm0, $0xb8;
	[tilespmem:$0x17400] =	vst v63  }
0x431: {  	v13 =	vld [tilespmem:$0xEBF0];
	_ =	sdelay $0x4  }
0x432: {  	v14 =	vshll.u32 v13, $0x1  }
0x433: {  	v13 =	vand.u32 $0x7, v13;
	v14 =	vand.u32 $0xFFFFFFF0, v14  }
0x434: {  	v13 =	vor.u32 v13, v14  }
0x435: {  	v14 =	vperm.xlane v13, v7;
	_ =	sdelay $0x1  }
0x436: {  	v13 =	vperm.xlane v13, v10;
	v14 =	vadd.s32 v8, v14;
	_ =	sdelay $0x1  }
0x437: {  	v13 =	vadd.s32 v8, v13;
	_ =	sdelay $0x2  }
0x438: {  	[hbm4b:s5+s10] =	stream.indirect_vreg.scatter [tilespmem:s24], [sflag:$0x2], $0x80, v14, vm0, $0xb8;
	[tilespmem:$0x17400] =	vst v63  }
0x439: {  	_ = 	snop  }
0x43a: {  	[hbm4b:s5+s10] =	stream.indirect_vreg.scatter [tilespmem:s25], [sflag:$0x2], $0x80, v13, vm0, $0xb8;
	[tilespmem:$0x17400] =	vst v63  }
0x43b: {  	_ =	swait.ge [sflag:s7], $0x8000  }
0x43c: {  	[sflag:s7] =	ssyncset.done $0x0  }
0x43d: {  	[sflag:s7] =	ssyncadd.s32 $0xFFFF8000  }
0x43e: {  	[tilespmem:$0xEB00] =	vst v4  }
0x43f: {  	[tilespmem:$0xEB80] =	vst v6  }
0x440: {  	[tilespmem:$0xEB10] =	vst v4  }
0x441: {  	[tilespmem:$0xEB90] =	vst v6  }
0x442: {  	[tilespmem:$0xEB20] =	vst v4  }
0x443: {  	[tilespmem:$0xEBA0] =	vst v6  }
0x444: {  	[tilespmem:$0xEB30] =	vst v4  }
0x445: {  	[tilespmem:$0xEBB0] =	vst v6  }
0x446: {  	[tilespmem:$0xEB40] =	vst v4  }
0x447: {  	[tilespmem:$0xEBC0] =	vst v6  }
0x448: {  	[tilespmem:$0xEB50] =	vst v4  }
0x449: {  	[tilespmem:$0xEBD0] =	vst v6  }
0x44a: {  	[tilespmem:$0xEB60] =	vst v4  }
0x44b: {  	[tilespmem:$0xEBE0] =	vst v6  }
0x44c: {  	[tilespmem:$0xEB70] =	vst v4  }
0x44d: {  	[tilespmem:$0xEBF0] =	vst v6  }
.LBB2_26:
0x44e: {  	s30 =	sld [smem:$0x7C8];
	_ =	sdelay $0x2  }
0x44f: {  	p0 =	slt.s32 s30, $0x8000;
	s3 =	smov.u32 s30  }
0x450: {  	s3 =	simm.s32 @!p0 $0x8000  }
0x451: {  	s0 =	simm.s32 $0x6A80;
	p0 =	sge.s32 s3, $0x10  }
0x452: {  	v14 =	vld @!p0 [tilespmem:s0+$0x0];
	_ =	sdelay $0x1  }
0x453: {  	s4 =	simm.s32 $0x0;
	v15 =	vlaneseq.u32 @!p0  }
0x454: {  	v13 =	vmov s3;
	v15 =	vor.u32 @!p0 s4, v15  }
0x455: {  	vm2 =	vlt.s32 @!p0 v15, v13  }
0x456: {  	s4 =	simm.s32 $0x20;
	v14 =	vnsel @!p0 vm2, $0x3FFF, v14  }
.LBB2_27:
0x457: {  	[tilespmem:s0+$0x0] =	vst @!p0 v14;
	p0 =	sle.s32 s4, s3  }
0x458: {  	s0 =	sadd.s32 $0x10, s0;
	s9 =	smov.u32 s4;
	s4 =	sadd.s32 $0x10, s4  }
0x459: {  	v14 =	vld @!p0 [tilespmem:s0+$0x0];
	p1 =	sne.s32 s4, $0x8020  }
.Ltmp23:
0x45a: {  	(pc) =	sbr.rel @p1 .LBB2_27-.Ltmp23, $4  }
0x45b: {  	s9 =	sadd.s32 $0xFFFFFFF0, s9;
	v15 =	vlaneseq.u32 @!p0  }
0x45c: {  	v15 =	vor.u32 @!p0 s9, v15  }
0x45d: {  	vm2 =	vlt.s32 @!p0 v15, v13  }
0x45e: {  	v14 =	vnsel @!p0 vm2, $0x3FFF, v14  }
0x45f: {  	s3 =	sadd.s32 $0x7F, s3  }
0x460: {  	s4 =	sand.u32 $0x7F, s3  }
0x461: {  	p1 =	slt.s32 s30, $0xFFFFFF82;
	s12 =	sshra.s32 s3, $0x1F;
	p2 =	sne.s32 s4, $0x0  }
0x462: {  	s4 =	sshrl.u32 s12, $0x19;
	p1 =	por !p1, !p2  }
0x463: {  	s3 =	sadd.s32 s4, s3;
	s4 =	simm.s32 $0x1;
	p1 =	por !p1, !p1  }
0x464: {  	s3 =	sshra.s32 s3, $0x7;
	s4 =	simm.s32 @!p1 $0x0  }
0x465: {  	s3 =	ssub.s32 s3, s4  }
0x466: {  	p1 =	slt.s32 s3, $0x1  }
.Ltmp24:
0x467: {  	_ = 	snop;
	(pc) =	sbr.rel @p1 .LBB2_43-.Ltmp24, $3  }
0x468: {  	_ =	sdelay $0x1  }
0x469: {  	[tilespmem:s0+$0x0] =	vst @!p0 v14;
	s0 =	simm.s32 $0x0  }
0x46a: {  	v13 =	vimm.s32 $0x3FFF;
	s30 =	simm.s32 $0x0;
	s9 =	simm.s32 $0xF400;
	s12 =	smov.u32 s3  }
.LBB2_29:
0x46b: {  	s3 =	sshll.u32 s30, $0x9  }
0x46c: {  	s4 =	sshra.s32 s3, $0x2  }
0x46d: {  	v14 =	vld [tilespmem:s4+$0x6A80];
	_ =	sdelay $0x4  }
0x46e: {  	v14 =	vshra.s32 v14, $0xE  }
0x46f: {  	[tilespmem:$0xEB00] =	vst v14  }
0x470: {  	v15 =	vld [tilespmem:s4+$0x6A90];
	_ =	sdelay $0x4  }
0x471: {  	v15 =	vshra.s32 v15, $0xE  }
0x472: {  	[tilespmem:$0xEB10] =	vst v15  }
0x473: {  	v15 =	vld [tilespmem:s4+$0x6AA0];
	_ =	sdelay $0x4  }
0x474: {  	v15 =	vshra.s32 v15, $0xE  }
0x475: {  	[tilespmem:$0xEB20] =	vst v15  }
0x476: {  	v15 =	vld [tilespmem:s4+$0x6AB0];
	_ =	sdelay $0x4  }
0x477: {  	v15 =	vshra.s32 v15, $0xE  }
0x478: {  	[tilespmem:$0xEB30] =	vst v15  }
0x479: {  	v15 =	vld [tilespmem:s4+$0x6AC0];
	_ =	sdelay $0x4  }
0x47a: {  	v15 =	vshra.s32 v15, $0xE  }
0x47b: {  	[tilespmem:$0xEB40] =	vst v15  }
0x47c: {  	v15 =	vld [tilespmem:s4+$0x6AD0];
	_ =	sdelay $0x4  }
0x47d: {  	v15 =	vshra.s32 v15, $0xE  }
0x47e: {  	[tilespmem:$0xEB50] =	vst v15  }
0x47f: {  	v15 =	vld [tilespmem:s4+$0x6AE0];
	_ =	sdelay $0x3  }
0x480: {  	v16 =	vshll.u32 v14, $0x1  }
0x481: {  	v14 =	vand.u32 $0x7, v14;
	v16 =	vand.u32 $0xFFFFFFF0, v16;
	v15 =	vshra.s32 v15, $0xE  }
0x482: {  	v14 =	vor.u32 v14, v16;
	[tilespmem:$0xEB60] =	vst v15  }
0x483: {  	v16 =	vperm.xlane v14, v7;
	v15 =	vld [tilespmem:s4+$0x6AF0];
	_ =	sdelay $0x1  }
0x484: {  	v14 =	vperm.xlane v14, v10;
	v16 =	vadd.s32 v8, v16;
	_ =	sdelay $0x1  }
0x485: {  	v14 =	vadd.s32 v8, v14  }
0x486: {  	v15 =	vshra.s32 v15, $0xE  }
0x487: {  	[tilespmem:$0xEB70] =	vst v15  }
0x488: {  	[tilespmem:s1], [sflag:$0x1] =	stream.indirect_vreg.gather [hbm4b:s2+s0], $0x80, v16, vm0, $0xb8;
	[tilespmem:$0x17400] =	vst v63  }
0x489: {  	_ = 	snop  }
0x48a: {  	[tilespmem:s9], [sflag:$0x1] =	stream.indirect_vreg.gather [hbm4b:s2+s0], $0x80, v14, vm0, $0xb8;
	[tilespmem:$0x17400] =	vst v63  }
0x48b: {  	v14 =	vld [tilespmem:$0xEB10];
	_ =	sdelay $0x4  }
0x48c: {  	v15 =	vshll.u32 v14, $0x1  }
0x48d: {  	v14 =	vand.u32 $0x7, v14;
	v15 =	vand.u32 $0xFFFFFFF0, v15  }
0x48e: {  	v14 =	vor.u32 v14, v15  }
0x48f: {  	v15 =	vperm.xlane v14, v7;
	_ =	sdelay $0x1  }
0x490: {  	v14 =	vperm.xlane v14, v10;
	v15 =	vadd.s32 v8, v15;
	_ =	sdelay $0x1  }
0x491: {  	v14 =	vadd.s32 v8, v14;
	_ =	sdelay $0x2  }
0x492: {  	[tilespmem:s31], [sflag:$0x1] =	stream.indirect_vreg.gather [hbm4b:s2+s0], $0x80, v15, vm0, $0xb8;
	[tilespmem:$0x17400] =	vst v63  }
0x493: {  	_ = 	snop  }
0x494: {  	[tilespmem:s13], [sflag:$0x1] =	stream.indirect_vreg.gather [hbm4b:s2+s0], $0x80, v14, vm0, $0xb8;
	[tilespmem:$0x17400] =	vst v63  }
0x495: {  	v14 =	vld [tilespmem:$0xEB20];
	_ =	sdelay $0x4  }
0x496: {  	v15 =	vshll.u32 v14, $0x1  }
0x497: {  	v14 =	vand.u32 $0x7, v14;
	v15 =	vand.u32 $0xFFFFFFF0, v15  }
0x498: {  	v14 =	vor.u32 v14, v15  }
0x499: {  	v15 =	vperm.xlane v14, v7;
	_ =	sdelay $0x1  }
0x49a: {  	v14 =	vperm.xlane v14, v10;
	v15 =	vadd.s32 v8, v15;
	_ =	sdelay $0x1  }
0x49b: {  	v14 =	vadd.s32 v8, v14;
	_ =	sdelay $0x2  }
0x49c: {  	[tilespmem:s14], [sflag:$0x1] =	stream.indirect_vreg.gather [hbm4b:s2+s0], $0x80, v15, vm0, $0xb8;
	[tilespmem:$0x17400] =	vst v63  }
0x49d: {  	_ = 	snop  }
0x49e: {  	[tilespmem:s15], [sflag:$0x1] =	stream.indirect_vreg.gather [hbm4b:s2+s0], $0x80, v14, vm0, $0xb8;
	[tilespmem:$0x17400] =	vst v63  }
0x49f: {  	v14 =	vld [tilespmem:$0xEB30];
	_ =	sdelay $0x4  }
0x4a0: {  	v15 =	vshll.u32 v14, $0x1  }
0x4a1: {  	v14 =	vand.u32 $0x7, v14;
	v15 =	vand.u32 $0xFFFFFFF0, v15  }
0x4a2: {  	v14 =	vor.u32 v14, v15  }
0x4a3: {  	v15 =	vperm.xlane v14, v7;
	_ =	sdelay $0x1  }
0x4a4: {  	v14 =	vperm.xlane v14, v10;
	v15 =	vadd.s32 v8, v15;
	_ =	sdelay $0x1  }
0x4a5: {  	v14 =	vadd.s32 v8, v14;
	_ =	sdelay $0x2  }
0x4a6: {  	[tilespmem:s16], [sflag:$0x1] =	stream.indirect_vreg.gather [hbm4b:s2+s0], $0x80, v15, vm0, $0xb8;
	[tilespmem:$0x17400] =	vst v63  }
0x4a7: {  	_ = 	snop  }
0x4a8: {  	[tilespmem:s17], [sflag:$0x1] =	stream.indirect_vreg.gather [hbm4b:s2+s0], $0x80, v14, vm0, $0xb8;
	[tilespmem:$0x17400] =	vst v63  }
0x4a9: {  	v14 =	vld [tilespmem:$0xEB40];
	_ =	sdelay $0x4  }
0x4aa: {  	v15 =	vshll.u32 v14, $0x1  }
0x4ab: {  	v14 =	vand.u32 $0x7, v14;
	v15 =	vand.u32 $0xFFFFFFF0, v15  }
0x4ac: {  	v14 =	vor.u32 v14, v15  }
0x4ad: {  	v15 =	vperm.xlane v14, v7;
	_ =	sdelay $0x1  }
0x4ae: {  	v14 =	vperm.xlane v14, v10;
	v15 =	vadd.s32 v8, v15;
	_ =	sdelay $0x1  }
0x4af: {  	v14 =	vadd.s32 v8, v14;
	_ =	sdelay $0x2  }
0x4b0: {  	[tilespmem:s18], [sflag:$0x1] =	stream.indirect_vreg.gather [hbm4b:s2+s0], $0x80, v15, vm0, $0xb8;
	[tilespmem:$0x17400] =	vst v63  }
0x4b1: {  	_ = 	snop  }
0x4b2: {  	[tilespmem:s19], [sflag:$0x1] =	stream.indirect_vreg.gather [hbm4b:s2+s0], $0x80, v14, vm0, $0xb8;
	[tilespmem:$0x17400] =	vst v63  }
0x4b3: {  	v14 =	vld [tilespmem:$0xEB50];
	_ =	sdelay $0x4  }
0x4b4: {  	v15 =	vshll.u32 v14, $0x1  }
0x4b5: {  	v14 =	vand.u32 $0x7, v14;
	v15 =	vand.u32 $0xFFFFFFF0, v15  }
0x4b6: {  	v14 =	vor.u32 v14, v15  }
0x4b7: {  	v15 =	vperm.xlane v14, v7;
	_ =	sdelay $0x1  }
0x4b8: {  	v14 =	vperm.xlane v14, v10;
	v15 =	vadd.s32 v8, v15;
	_ =	sdelay $0x1  }
0x4b9: {  	v14 =	vadd.s32 v8, v14;
	_ =	sdelay $0x2  }
0x4ba: {  	[tilespmem:s20], [sflag:$0x1] =	stream.indirect_vreg.gather [hbm4b:s2+s0], $0x80, v15, vm0, $0xb8;
	[tilespmem:$0x17400] =	vst v63  }
0x4bb: {  	_ = 	snop  }
0x4bc: {  	[tilespmem:s21], [sflag:$0x1] =	stream.indirect_vreg.gather [hbm4b:s2+s0], $0x80, v14, vm0, $0xb8;
	[tilespmem:$0x17400] =	vst v63  }
0x4bd: {  	v14 =	vld [tilespmem:$0xEB60];
	_ =	sdelay $0x4  }
0x4be: {  	v15 =	vshll.u32 v14, $0x1  }
0x4bf: {  	v14 =	vand.u32 $0x7, v14;
	v15 =	vand.u32 $0xFFFFFFF0, v15  }
0x4c0: {  	v14 =	vor.u32 v14, v15  }
0x4c1: {  	v15 =	vperm.xlane v14, v7;
	_ =	sdelay $0x1  }
0x4c2: {  	v14 =	vperm.xlane v14, v10;
	v15 =	vadd.s32 v8, v15;
	_ =	sdelay $0x1  }
0x4c3: {  	v14 =	vadd.s32 v8, v14;
	_ =	sdelay $0x2  }
0x4c4: {  	[tilespmem:s22], [sflag:$0x1] =	stream.indirect_vreg.gather [hbm4b:s2+s0], $0x80, v15, vm0, $0xb8;
	[tilespmem:$0x17400] =	vst v63  }
0x4c5: {  	_ = 	snop  }
0x4c6: {  	[tilespmem:s23], [sflag:$0x1] =	stream.indirect_vreg.gather [hbm4b:s2+s0], $0x80, v14, vm0, $0xb8;
	[tilespmem:$0x17400] =	vst v63  }
0x4c7: {  	v14 =	vld [tilespmem:$0xEB70];
	_ =	sdelay $0x4  }
0x4c8: {  	v15 =	vshll.u32 v14, $0x1  }
0x4c9: {  	v14 =	vand.u32 $0x7, v14;
	v15 =	vand.u32 $0xFFFFFFF0, v15  }
0x4ca: {  	v14 =	vor.u32 v14, v15  }
0x4cb: {  	v15 =	vperm.xlane v14, v7;
	_ =	sdelay $0x1  }
0x4cc: {  	v14 =	vperm.xlane v14, v10;
	v15 =	vadd.s32 v8, v15;
	_ =	sdelay $0x1  }
0x4cd: {  	v14 =	vadd.s32 v8, v14;
	_ =	sdelay $0x2  }
0x4ce: {  	[tilespmem:s24], [sflag:$0x1] =	stream.indirect_vreg.gather [hbm4b:s2+s0], $0x80, v15, vm0, $0xb8;
	[tilespmem:$0x17400] =	vst v63  }
.Ltmp25:
0x4cf: {  	_ = 	snop;
	(pc) =	sbr.rel .LBB2_30-.Ltmp25, $4  }
0x4d0: {  	[tilespmem:s25], [sflag:$0x1] =	stream.indirect_vreg.gather [hbm4b:s2+s0], $0x80, v14, vm0, $0xb8;
	[tilespmem:$0x17400] =	vst v63  }
0x4d1: {  	_ =	swait.ge [sflag:s6], $0x8000  }
0x4d2: {  	s3 =	sadd.s32 $0x6A80, s4;
	[sflag:s6] =	ssyncset.done $0x0  }
0x4d3: {  	s4 =	simm.s32 $0x0;
	v15 =	vmov s3;
	v14 =	vimm.s32 $0x3FFF;
	[sflag:s6] =	ssyncadd.s32 $0xFFFF8000  }
.LBB2_39:
0x4d4: {  	v17 =	vperm.xlane v17, v4  }
0x4d5: {  	v14 =	vperm.xlane v16, v12  }
0x4d6: {  	v17 =	vand.u32 $0x3FFF, v17  }
0x4d7: {  	vm4 =	vne.s32 v14, $0x3FFF;
	vm3 =	veq.s32 v17, v14  }
0x4d8: {  	s4 =	sadd.s32 $0x1, s4;
	v17 =	vperm.xlane v18, v11;
	vm3 =	vmand vm3, vm4  }
0x4d9: {  	p0 =	sne.s32 s4, $0x8;
	v63 =	vsel vm3, $0x1, v4;
	vm3 =	vmmov $0x7fff  }
.Ltmp26:
0x4da: {  	v17 =	vsel vm3, v17, v63;
	(pc) =	sbr.rel @!p0 .LBB2_40-.Ltmp26, $4  }
0x4db: {  	vm3 =	veq.s32 v17, $0x0  }
0x4dc: {  	v16 =	vadd.s32 v0, v16;
	vm2 =	vmand vm2, vm3  }
0x4dd: {  	v16 =	vnsel vm2, $0x4E200, v16  }
0x4de: {  	[tilespmem:s31+$0xEB80] =	vst v16  }
.LBB2_30:
0x4df: {  	_ =	sdelay $0x2  }
0x4e0: {  	s31 =	sshll.u32 s4, $0x4  }
0x4e1: {  	v16 =	vld.idx.msk [tilespmem:v15+s31+$0x0 ss:$0x1], $0xffff;
	_ =	sdelay $0x4  }
0x4e2: {  	p0 =	sne.s32 s4, $0x0;
	v16 =	vand.u32 $0x3FFF, v16  }
0x4e3: {  	vm3 =	vmmov @!p0 $0x1;
	vm2 =	veq.s32 @!p0 v16, v13  }
0x4e4: {  	v17 =	vimm.s32 @!p0 $0x0;
	vm2 =	vmand @!p0 vm2, vm3  }
0x4e5: {  	v17 =	vsel @!p0 vm2, $0x1, v17  }
0x4e6: {  	(xrf0) =	vadd.scan.msk.s32 @!p0 $0xffff, v17;
	_ =	sdelay $0x5  }
0x4e7: {  	v17, _, _ =	vpop @!p0 (xrf0)  }
0x4e8: {  	(v2sf) =	vpush @!p0 v17, $0xF;
	_ =	sdelay $0xe  }
0x4e9: {  	s3 =	spop @!p0 (v2sf)  }
0x4ea: {  	p1 =	slt.s32 @!p0 s3, $0x1  }
0x4eb: {  	p1 =	por p0, p1  }
.Ltmp27:
0x4ec: {  	v17 =	vld.idx.msk [tilespmem:v15+s31+$0x10 ss:$0x1], $0xffff;
	(pc) =	sbr.rel @p1 .LBB2_34-.Ltmp27, $2  }
0x4ed: {  	_ =	sdelay $0x2  }
0x4ee: {  	s3 =	simm.s32 @!p0 $0x0  }
0x4ef: {  	v18 =	vmov s3  }
0x4f0: {  	v19 =	vor.u32 s3, v2;
	v18 =	vshll.u32 v18, $0x3  }
0x4f1: {  	v19 =	vand.u32 $0x7F, v19;
	v18 =	vand.u32 $0x400, v18  }
0x4f2: {  	v18 =	vor.u32 v19, v18;
	_ =	sdelay $0x4  }
0x4f3: {  	s9 =	simm.s32 $0x10;
	v19 =	vld.idx.msk [tilespmem:v18+s29+$0x0], $0xffff  }
0x4f4: {  	v22 =	vmov s9;
	v20 =	vld.idx.msk [tilespmem:v18+s1+$0x0], $0xffff  }
0x4f5: {  	s3 =	simm.s32 $0x20;
	v21 =	vor.u32 s9, v2;
	v22 =	vshll.u32 v22, $0x3  }
.LBB2_32:
0x4f6: {  	p0 =	sne.s32 s3, $0xF0;
	v21 =	vand.u32 $0x7F, v21;
	v22 =	vand.u32 $0x400, v22  }
0x4f7: {  	v21 =	vor.u32 v21, v22;
	_ =	sdelay $0x1  }
0x4f8: {  	v19 =	vadd.f32 v19, v20;
	_ =	sdelay $0x1  }
.Ltmp28:
0x4f9: {  	[tilespmem:v18+s1+$0x0] =	vst.idx.msk $0xffff, v19;
	v18 =	vmov v21;
	(pc) =	sbr.rel @p0 .LBB2_32-.Ltmp28, $4  }
0x4fa: {  	v19 =	vld.idx.msk [tilespmem:v21+s29+$0x0], $0xffff  }
0x4fb: {  	v20 =	vld.idx.msk [tilespmem:v21+s1+$0x0], $0xffff  }
0x4fc: {  	v22 =	vmov s3  }
0x4fd: {  	v22 =	vshll.u32 v22, $0x3;
	v21 =	vor.u32 s3, v2;
	s3 =	sadd.s32 $0x10, s3  }
0x4fe: {  	v21 =	vand.u32 $0x7F, v21;
	v22 =	vand.u32 $0x400, v22  }
0x4ff: {  	v21 =	vor.u32 v21, v22;
	_ =	sdelay $0x1  }
0x500: {  	v19 =	vadd.f32 v19, v20;
	_ =	sdelay $0x1  }
0x501: {  	[tilespmem:v18+s1+$0x0] =	vst.idx.msk $0xffff, v19  }
0x502: {  	v18 =	vld.idx.msk [tilespmem:v21+s29+$0x0], $0xffff  }
0x503: {  	v19 =	vld.idx.msk [tilespmem:v21+s1+$0x0], $0xffff;
	_ =	sdelay $0x4  }
0x504: {  	v18 =	vadd.f32 v18, v19;
	_ =	sdelay $0x1  }
0x505: {  	[tilespmem:v21+s1+$0x0] =	vst.idx.msk $0xffff, v18  }
.LBB2_34:
0x506: {  	v18 =	vperm.xlane v16, v9  }
0x507: {  	vm3 =	vmmov $0x1;
	p0 =	seq.s32 s4, $0x0;
	vm4 =	vmmov vm1  }
0x508: {  	vm4 =	vmneg @p0 vm4;
	v14 =	vsel vm3, v14, v18  }
0x509: {  	vm2 =	vne.s32 v16, $0x3FFF;
	vm3 =	vmand vm4, vm3;
	vm5 =	veq.s32 v16, v14  }
0x50a: {  	vm3 =	vmneg vm3;
	vm15 =	vmand vm2, vm5  }
0x50b: {  	vm3 =	vmand vm3, vm15  }
0x50c: {  	v18 =	vsel vm3, $0x1, v4  }
0x50d: {  	(xrf0) =	vadd.scan.msk.s32 $0xffff, v18;
	_ =	sdelay $0x5  }
0x50e: {  	v14, _, _ =	vpop (xrf0)  }
0x50f: {  	(v2sf) =	vpush v14, $0xF;
	_ =	sdelay $0xe  }
0x510: {  	s3 =	spop (v2sf)  }
0x511: {  	p0 =	slt.s32 s3, $0x1  }
.Ltmp29:
0x512: {  	_ = 	snop;
	(pc) =	sbr.rel @p0 .LBB2_39-.Ltmp29, $1  }
0x513: {  	_ =	sdelay $0x3  }
0x514: {  	v14 =	vmov s31  }
0x515: {  	v20 =	vmov v18;
	v19 =	vadd.s32 $0xFFFFFFFF, v14  }
.LBB2_36:
0x516: {  	vm3 =	vne.s32 v20, $0x0  }
0x517: {  	v21 =	vmctz.xlane vm3;
	_ =	sdelay $0x1  }
0x518: {  	s3 =	simm.s32 $0x0;
	v22 =	vadd.s32 v14, v21  }
0x519: {  	v26 =	vmov s3;
	v22 =	vshll.u32 v22, $0x8  }
0x51a: {  	v26 =	vshll.u32 v26, $0x3;
	v24 =	vand.u32 $0xFFFFF800, v22;
	v22 =	vadd.s32 v19, v21  }
0x51b: {  	v23 =	vshll.u32 v21, $0x7;
	v25 =	vshll.u32 v22, $0x8;
	v22 =	vshll.u32 v22, $0x7  }
0x51c: {  	v26 =	vand.u32 $0x400, v26;
	v25 =	vand.u32 $0xFFFFF800, v25;
	v22 =	vand.u32 $0x380, v22  }
0x51d: {  	v23 =	vand.u32 $0x380, v23;
	v22 =	vor.u32 v25, v22;
	v25 =	vor.u32 s3, v2  }
0x51e: {  	v23 =	vor.u32 v24, v23;
	v24 =	vand.u32 $0x7F, v25;
	v25 =	vor.u32 v22, v26  }
0x51f: {  	v26 =	vor.u32 v23, v26;
	v25 =	vor.u32 v24, v25  }
0x520: {  	v24 =	vor.u32 v24, v26;
	_ =	sdelay $0x2  }
0x521: {  	s3 =	simm.s32 $0x10  }
0x522: {  	v27 =	vmov s3;
	v25 =	vld.idx.msk [tilespmem:v25+s1+$0x0], $0xffff  }
0x523: {  	s9 =	simm.s32 $0x20;
	v27 =	vshll.u32 v27, $0x3;
	v26 =	vld.idx.msk [tilespmem:v24+s1+$0x0], $0xffff  }
.LBB2_37:
0x524: {  	p0 =	sne.s32 s9, $0xF0;
	v28 =	vor.u32 s3, v2;
	v27 =	vand.u32 $0x400, v27;
	s3 =	smov.u32 s9  }
0x525: {  	v28 =	vand.u32 $0x7F, v28;
	v29 =	vor.u32 v22, v27  }
0x526: {  	v27 =	vor.u32 v23, v27;
	v29 =	vor.u32 v28, v29  }
0x527: {  	v27 =	vor.u32 v28, v27  }
0x528: {  	v25 =	vadd.f32 v25, v26  }
.Ltmp30:
0x529: {  	(pc) =	sbr.rel @p0 .LBB2_37-.Ltmp30, $4  }
0x52a: {  	[tilespmem:v24+s1+$0x0] =	vst.idx.msk $0xffff, v25;
	v24 =	vmov v27  }
0x52b: {  	v25 =	vld.idx.msk [tilespmem:v29+s1+$0x0], $0xffff  }
0x52c: {  	v28 =	vmov s9;
	v26 =	vld.idx.msk [tilespmem:v27+s1+$0x0], $0xffff  }
0x52d: {  	s9 =	sadd.s32 $0x10, s9;
	v27 =	vshll.u32 v28, $0x3  }
0x52e: {  	vm3 =	veq.s32 v21, v2  }
0x52f: {  	v20 =	vsel vm3, $0x0, v20  }
0x530: {  	(xrf0) =	vadd.scan.msk.s32 $0xffff, v20;
	_ =	sdelay $0x5  }
0x531: {  	v21, _, _ =	vpop (xrf0)  }
0x532: {  	(v2sf) =	vpush v21, $0xF;
	_ =	sdelay $0x5  }
0x533: {  	v27 =	vand.u32 $0x400, v27;
	v21 =	vor.u32 s3, v2  }
0x534: {  	v22 =	vor.u32 v22, v27;
	v21 =	vand.u32 $0x7F, v21  }
0x535: {  	v23 =	vor.u32 v23, v27;
	v22 =	vor.u32 v21, v22  }
0x536: {  	v21 =	vor.u32 v21, v23  }
0x537: {  	v23 =	vadd.f32 v25, v26;
	_ =	sdelay $0x1  }
0x538: {  	[tilespmem:v24+s1+$0x0] =	vst.idx.msk $0xffff, v23  }
0x539: {  	v22 =	vld.idx.msk [tilespmem:v22+s1+$0x0], $0xffff  }
0x53a: {  	v23 =	vld.idx.msk [tilespmem:v21+s1+$0x0], $0xffff  }
0x53b: {  	s9 =	spop (v2sf)  }
0x53c: {  	p0 =	sgt.s32 s9, $0x0  }
.Ltmp31:
0x53d: {  	_ = 	snop;
	(pc) =	sbr.rel @p0 .LBB2_36-.Ltmp31, $4  }
.Ltmp32:
0x53e: {  	_ = 	snop;
	(pc) =	sbr.rel @!p0 .LBB2_39-.Ltmp32, $4  }
0x53f: {  	v22 =	vadd.f32 v22, v23  }
0x540: {  	_ = 	snop  }
0x541: {  	[tilespmem:v21+s1+$0x0] =	vst.idx.msk $0xffff, v22  }
0x542: {  	_ = 	snop  }
.LBB2_40:
0x543: {  	s3 =	simm.s32 $0x0  }
0x544: {  	v15 =	vmov s3;
	v13 =	vor.u32 s3, v2  }
0x545: {  	v13 =	vand.u32 $0x7F, v13;
	v15 =	vshll.u32 v15, $0x3  }
0x546: {  	v16 =	vor.u32 v13, v15  }
0x547: {  	v16 =	vor.u32 $0x7B80, v16;
	_ =	sdelay $0x2  }
0x548: {  	s31 =	simm.s32 $0x10  }
0x549: {  	v17 =	vmov s31;
	v18 =	vor.u32 s31, v2;
	s3 =	simm.s32 $0x20  }
.LBB2_41:
0x54a: {  	p0 =	sne.s32 s3, $0xF0;
	v18 =	vand.u32 $0x7F, v18;
	v19 =	vand.u32 $0x400, v15;
	v15 =	vshll.u32 v17, $0x3;
	v20 =	vld.idx.msk [tilespmem:v16+s1+$0x0], $0xffff  }
0x54b: {  	v16 =	vor.u32 v18, v15;
	v19 =	vor.u32 v13, v19;
	v13 =	vmov v18  }
.Ltmp33:
0x54c: {  	v16 =	vor.u32 $0x7B80, v16;
	(pc) =	sbr.rel @p0 .LBB2_41-.Ltmp33, $2  }
0x54d: {  	_ =	sdelay $0x2  }
0x54e: {  	v17 =	vmov s3;
	v18 =	vor.u32 s3, v2;
	s3 =	sadd.s32 $0x10, s3;
	[tilespmem:v19+s29+$0x0] =	vst.idx.msk $0xffff, v20  }
0x54f: {  	_ =	sdelay $0x2  }
0x550: {  	v18 =	vand.u32 $0x7F, v18;
	v17 =	vshll.u32 v17, $0x3;
	v15 =	vand.u32 $0x400, v15  }
0x551: {  	v16 =	vld.idx.msk [tilespmem:v16+s1+$0x0], $0xffff;
	v19 =	vor.u32 v18, v17;
	v13 =	vor.u32 v13, v15  }
0x552: {  	v15 =	vor.u32 $0x7B80, v19;
	_ =	sdelay $0x3  }
0x553: {  	[tilespmem:v13+s29+$0x0] =	vst.idx.msk $0xffff, v16;
	v13 =	vand.u32 $0x400, v17  }
0x554: {  	v15 =	vld.idx.msk [tilespmem:v15+s1+$0x0], $0xffff;
	v13 =	vor.u32 v18, v13;
	_ =	sdelay $0x4  }
0x555: {  	[tilespmem:v13+s29+$0x0] =	vst.idx.msk $0xffff, v15  }
0x556: {  	v13 =	vld [tilespmem:$0xEB80];
	_ =	sdelay $0x4  }
0x557: {  	v15 =	vshll.u32 v13, $0x1  }
0x558: {  	v13 =	vand.u32 $0x7, v13;
	v15 =	vand.u32 $0xFFFFFFF0, v15  }
0x559: {  	v13 =	vor.u32 v13, v15  }
0x55a: {  	v15 =	vperm.xlane v13, v7;
	_ =	sdelay $0x1  }
0x55b: {  	v13 =	vperm.xlane v13, v10;
	v15 =	vadd.s32 v8, v15;
	_ =	sdelay $0x1  }
0x55c: {  	v13 =	vadd.s32 v8, v13;
	_ =	sdelay $0x2  }
0x55d: {  	[hbm4b:s5+s10] =	stream.indirect_vreg.scatter [tilespmem:s1], [sflag:$0x2], $0x80, v15, vm0, $0xb8;
	[tilespmem:$0x17400] =	vst v63  }
0x55e: {  	s9 =	simm.s32 $0xF400  }
0x55f: {  	[hbm4b:s5+s10] =	stream.indirect_vreg.scatter [tilespmem:s9], [sflag:$0x2], $0x80, v13, vm0, $0xb8;
	[tilespmem:$0x17400] =	vst v63  }
0x560: {  	v13 =	vld [tilespmem:$0xEB90];
	_ =	sdelay $0x4  }
0x561: {  	v15 =	vshll.u32 v13, $0x1  }
0x562: {  	v13 =	vand.u32 $0x7, v13;
	v15 =	vand.u32 $0xFFFFFFF0, v15  }
0x563: {  	v13 =	vor.u32 v13, v15  }
0x564: {  	v15 =	vperm.xlane v13, v7;
	_ =	sdelay $0x1  }
0x565: {  	v13 =	vperm.xlane v13, v10;
	v15 =	vadd.s32 v8, v15;
	_ =	sdelay $0x1  }
0x566: {  	v13 =	vadd.s32 v8, v13;
	_ =	sdelay $0x1  }
0x567: {  	s31 =	simm.s32 $0xFC00  }
0x568: {  	[hbm4b:s5+s10] =	stream.indirect_vreg.scatter [tilespmem:s31], [sflag:$0x2], $0x80, v15, vm0, $0xb8;
	[tilespmem:$0x17400] =	vst v63  }
0x569: {  	_ = 	snop  }
0x56a: {  	[hbm4b:s5+s10] =	stream.indirect_vreg.scatter [tilespmem:s13], [sflag:$0x2], $0x80, v13, vm0, $0xb8;
	[tilespmem:$0x17400] =	vst v63  }
0x56b: {  	v13 =	vld [tilespmem:$0xEBA0];
	_ =	sdelay $0x4  }
0x56c: {  	v15 =	vshll.u32 v13, $0x1  }
0x56d: {  	v13 =	vand.u32 $0x7, v13;
	v15 =	vand.u32 $0xFFFFFFF0, v15  }
0x56e: {  	v13 =	vor.u32 v13, v15  }
0x56f: {  	v15 =	vperm.xlane v13, v7;
	_ =	sdelay $0x1  }
0x570: {  	v13 =	vperm.xlane v13, v10;
	v15 =	vadd.s32 v8, v15;
	_ =	sdelay $0x1  }
0x571: {  	v13 =	vadd.s32 v8, v13;
	_ =	sdelay $0x2  }
0x572: {  	[hbm4b:s5+s10] =	stream.indirect_vreg.scatter [tilespmem:s14], [sflag:$0x2], $0x80, v15, vm0, $0xb8;
	[tilespmem:$0x17400] =	vst v63  }
0x573: {  	_ = 	snop  }
0x574: {  	[hbm4b:s5+s10] =	stream.indirect_vreg.scatter [tilespmem:s15], [sflag:$0x2], $0x80, v13, vm0, $0xb8;
	[tilespmem:$0x17400] =	vst v63  }
0x575: {  	v13 =	vld [tilespmem:$0xEBB0];
	_ =	sdelay $0x4  }
0x576: {  	v15 =	vshll.u32 v13, $0x1  }
0x577: {  	v13 =	vand.u32 $0x7, v13;
	v15 =	vand.u32 $0xFFFFFFF0, v15  }
0x578: {  	v13 =	vor.u32 v13, v15  }
0x579: {  	v15 =	vperm.xlane v13, v7;
	_ =	sdelay $0x1  }
0x57a: {  	v13 =	vperm.xlane v13, v10;
	v15 =	vadd.s32 v8, v15;
	_ =	sdelay $0x1  }
0x57b: {  	v13 =	vadd.s32 v8, v13;
	_ =	sdelay $0x2  }
0x57c: {  	[hbm4b:s5+s10] =	stream.indirect_vreg.scatter [tilespmem:s16], [sflag:$0x2], $0x80, v15, vm0, $0xb8;
	[tilespmem:$0x17400] =	vst v63  }
0x57d: {  	_ = 	snop  }
0x57e: {  	[hbm4b:s5+s10] =	stream.indirect_vreg.scatter [tilespmem:s17], [sflag:$0x2], $0x80, v13, vm0, $0xb8;
	[tilespmem:$0x17400] =	vst v63  }
0x57f: {  	v13 =	vld [tilespmem:$0xEBC0];
	_ =	sdelay $0x4  }
0x580: {  	v15 =	vshll.u32 v13, $0x1  }
0x581: {  	v13 =	vand.u32 $0x7, v13;
	v15 =	vand.u32 $0xFFFFFFF0, v15  }
0x582: {  	v13 =	vor.u32 v13, v15  }
0x583: {  	v15 =	vperm.xlane v13, v7;
	_ =	sdelay $0x1  }
0x584: {  	v13 =	vperm.xlane v13, v10;
	v15 =	vadd.s32 v8, v15;
	_ =	sdelay $0x1  }
0x585: {  	v13 =	vadd.s32 v8, v13;
	_ =	sdelay $0x2  }
0x586: {  	[hbm4b:s5+s10] =	stream.indirect_vreg.scatter [tilespmem:s18], [sflag:$0x2], $0x80, v15, vm0, $0xb8;
	[tilespmem:$0x17400] =	vst v63  }
0x587: {  	_ = 	snop  }
0x588: {  	[hbm4b:s5+s10] =	stream.indirect_vreg.scatter [tilespmem:s19], [sflag:$0x2], $0x80, v13, vm0, $0xb8;
	[tilespmem:$0x17400] =	vst v63  }
0x589: {  	v13 =	vld [tilespmem:$0xEBD0];
	_ =	sdelay $0x4  }
0x58a: {  	v15 =	vshll.u32 v13, $0x1  }
0x58b: {  	v13 =	vand.u32 $0x7, v13;
	v15 =	vand.u32 $0xFFFFFFF0, v15  }
0x58c: {  	v13 =	vor.u32 v13, v15  }
0x58d: {  	v15 =	vperm.xlane v13, v7;
	_ =	sdelay $0x1  }
0x58e: {  	v13 =	vperm.xlane v13, v10;
	v15 =	vadd.s32 v8, v15;
	_ =	sdelay $0x1  }
0x58f: {  	v13 =	vadd.s32 v8, v13;
	_ =	sdelay $0x2  }
0x590: {  	[hbm4b:s5+s10] =	stream.indirect_vreg.scatter [tilespmem:s20], [sflag:$0x2], $0x80, v15, vm0, $0xb8;
	[tilespmem:$0x17400] =	vst v63  }
0x591: {  	_ = 	snop  }
0x592: {  	[hbm4b:s5+s10] =	stream.indirect_vreg.scatter [tilespmem:s21], [sflag:$0x2], $0x80, v13, vm0, $0xb8;
	[tilespmem:$0x17400] =	vst v63  }
0x593: {  	v13 =	vld [tilespmem:$0xEBE0];
	_ =	sdelay $0x4  }
0x594: {  	v15 =	vshll.u32 v13, $0x1  }
0x595: {  	v13 =	vand.u32 $0x7, v13;
	v15 =	vand.u32 $0xFFFFFFF0, v15  }
0x596: {  	v13 =	vor.u32 v13, v15  }
0x597: {  	v15 =	vperm.xlane v13, v7;
	_ =	sdelay $0x1  }
0x598: {  	v13 =	vperm.xlane v13, v10;
	v15 =	vadd.s32 v8, v15;
	_ =	sdelay $0x1  }
0x599: {  	v13 =	vadd.s32 v8, v13;
	_ =	sdelay $0x2  }
0x59a: {  	[hbm4b:s5+s10] =	stream.indirect_vreg.scatter [tilespmem:s22], [sflag:$0x2], $0x80, v15, vm0, $0xb8;
	[tilespmem:$0x17400] =	vst v63  }
0x59b: {  	_ = 	snop  }
0x59c: {  	[hbm4b:s5+s10] =	stream.indirect_vreg.scatter [tilespmem:s23], [sflag:$0x2], $0x80, v13, vm0, $0xb8;
	[tilespmem:$0x17400] =	vst v63  }
0x59d: {  	v13 =	vld [tilespmem:$0xEBF0];
	_ =	sdelay $0x4  }
0x59e: {  	v15 =	vshll.u32 v13, $0x1  }
0x59f: {  	v13 =	vand.u32 $0x7, v13;
	v15 =	vand.u32 $0xFFFFFFF0, v15  }
0x5a0: {  	v13 =	vor.u32 v13, v15  }
0x5a1: {  	v15 =	vperm.xlane v13, v7;
	_ =	sdelay $0x1  }
0x5a2: {  	v13 =	vperm.xlane v13, v10;
	v15 =	vadd.s32 v8, v15;
	_ =	sdelay $0x1  }
0x5a3: {  	v13 =	vadd.s32 v8, v13;
	_ =	sdelay $0x1  }
0x5a4: {  	s30 =	sadd.s32 $0x1, s30  }
0x5a5: {  	[hbm4b:s5+s10] =	stream.indirect_vreg.scatter [tilespmem:s24], [sflag:$0x2], $0x80, v15, vm0, $0xb8;
	[tilespmem:$0x17400] =	vst v63  }
0x5a6: {  	p0 =	sne.s32 s30, s12  }
0x5a7: {  	[hbm4b:s5+s10] =	stream.indirect_vreg.scatter [tilespmem:s25], [sflag:$0x2], $0x80, v13, vm0, $0xb8;
	[tilespmem:$0x17400] =	vst v63  }
.Ltmp34:
0x5a8: {  	_ = 	snop;
	(pc) =	sbr.rel @p0 .LBB2_29-.Ltmp34, $4  }
.Ltmp35:
0x5a9: {  	_ = 	snop;
	(pc) =	sbr.rel @!p0 .LBB2_43-.Ltmp35, $4  }
0x5aa: {  	_ =	swait.ge [sflag:s7], $0x8000  }
0x5ab: {  	[sflag:s7] =	ssyncset.done $0x0  }
0x5ac: {  	v13 =	vmov v14;
	[sflag:s7] =	ssyncadd.s32 $0xFFFF8000  }
0x5ad: {  	_ = 	snop  }
.LBB2_44:
0x5ae: {  	_ =	sfence.sel $0x180000  }
0x5af: {  	[bflag:$0x0] =	sbarrier.arrive $0xFFFF  }
0x5b0: {  	_ =	strace $0x9000004A  }
0x5b1: {  	s0 =	stileid.u32;
	[bflag:$0x2] =	sbarrier.arrive $0xFFFF  }
0x5b2: {  	p0 =	sne.s32 s0, $0x0;
	s0 =	rddreg [dreg:$0x2]  }
0x5b3: {  	s0 =	sadd.s32 @!p0 $0x100000, s0  }
0x5b4: {  	[sflag:s0] =	ssyncadd.tile.s32 @!p0 $0x1;
	_ =	shalt  }
.Lfunc_end2:
_tile_overlayer_lowered:
.L_overlay_start_2:
0x5b5: {  	(tag) =	ssettag $0x2  }
0x5b6: {  	s0 =	rddreg [dreg:$0x0];
	s2 =	stileid.u32  }
0x5b7: {  	s1 =	rddreg [dreg:$0x1];
	p0 =	sne.s32 s2, $0x0  }
0x5b8: {  	s3 =	rddreg [dreg:$0x2];
	[bflag:$0x3] =	sbarrier.arrive $0xFFFF;
	s2 =	simm.s32 @!p0 $0x1C02  }
0x5b9: {  	[timem:s3], [sflag:s2] =	dma.local @!p0 [hbm:s0], s1  }
0x5ba: {  	s0 =	simm.s32 @!p0 $0x2  }
0x5bb: {  	_ =	swait.ge @!p0 [sflag:s0], s1  }
0x5bc: {  	s1 =	ssub.s32 @!p0 $0x0, s1;
	[sflag:s0] =	ssyncset.done @!p0 $0x0  }
0x5bd: {  	[sflag:s0] =	ssyncadd.s32 @!p0 s1  }
0x5be: {  	[bflag:$0x3] =	sbarrier.arrive $0xFFFF  }
0x5bf: {  	_ =	shalt  }

// kernel: kernel.7.cloned.1.call-start
scs
__scs_entry_jumppad:
0x0: {  	(pc) =	sbr.rel $0x88, $3  }
0x1: {  	(tag) =	ssettag $0x0;
	lr =	simm.s32 $0x1  }
0x2: {  	[smem:$0x3F8E] =	sst lr;
	_ =	strace $0xD0000000  }
0x3: {  	_ = 	snop  }
0x4: {  	_ = 	snop  }
0x5: {  	_ = 	snop  }
0x6: {  	_ = 	snop  }
0x7: {  	_ = 	snop  }
__scs_overlays_trampoline_lowered:
0x8: {  	[smem:$0x3F9D] =	sst s0  }
0x9: {  	[smem:$0x3F9E] =	sst s1  }
0xa: {  	[smem:$0x3F9F] =	sst s2  }
0xb: {  	[smem:$0x3FA0] =	sst s3  }
0xc: {  	[smem:$0x3FA1] =	sst s4  }
0xd: {  	[smem:$0x3FA2] =	sst s5  }
0xe: {  	[smem:$0x3FA3] =	sst s6  }
0xf: {  	[smem:$0x3FA4] =	sst s7  }
0x10: {  	[smem:$0x3FA5] =	sst s8  }
0x11: {  	[smem:$0x3FA6] =	sst s9;
	s0 =	simm.s32 @!p0 $0x0  }
0x12: {  	s1 =	sld [smem:$0x3F8C];
	s0 =	simm.s32 @p0 $0x1  }
0x13: {  	[smem:$0x3FA7] =	sst s0;
	s0 =	simm.s32 @!p1 $0x0  }
0x14: {  	s2 =	sld [smem:$0x3F8B];
	s0 =	simm.s32 @p1 $0x1  }
0x15: {  	[smem:$0x3FA8] =	sst s0;
	s0 =	simm.s32 @!p2 $0x0  }
0x16: {  	s3 =	sld [smem:$0x3FDB];
	s0 =	simm.s32 @p2 $0x1  }
0x17: {  	s4 =	simm.s32 $0x1BF5;
	[smem:$0x3FAA] =	sst s0  }
0x18: {  	s0 =	sld [smem:$0x3F8D];
	_ =	swait.ge [sflag:s4], $0x0  }
0x19: {  	s7 =	sld [smem:$0x3F8E]  }
0x1a: {  	s8 =	sadd.s32 $0xFFFFE003, lr  }
0x1b: {  	s9 =	sadd.s32 $0xFFFFFEF7, lr;
	s5 =	simm.s32 $0xFFFFFFFF;
	p2 =	slt.u32 s8, $0xFFFFF086  }
0x1c: {  	p1 =	slt.u32 s9, $0xF7A;
	s5 =	simm.s32 @!p2 $0x0  }
0x1d: {  	s5 =	simm.s32 @p1 $0x1;
	p0 =	seq.s32 s7, s2  }
0x1e: {  	s7 =	smul.u32 @!p0 $0xF7A, s2;
	p2 =	seq.s32 @!p0 s5, $0x0  }
0x1f: {  	s9 =	smul.u32 $0xF7A, s1;
	s8 =	simm.s32 @!p0 $0x1BF5;
	p2 =	por !p2, p0  }
0x20: {  	[sflag:s8] =	ssyncset.s32 @!p0 $0xFFFFF086;
	s6 =	sadd.s32 @!p0 s3, s7;
	s7 =	simm.s32 @!p0 $0x108  }
0x21: {  	s3 =	sadd.s32 s3, s9;
	s6 =	sadd.s32 @!p0 $0x88, s6;
	s7 =	simm.s32 @p2 $0x1082  }
0x22: {  	[simem:s7], [sflag:s8] =	dma.local @!p0 [hbm:s6], $0xF7A  }
0x23: {  	s9 =	sor.u32 $0xD0000000, s2;
	s6 =	simm.s32 $0x108;
	_ =	swait.ge @!p0 [sflag:s8], $0x0  }
0x24: {  	s3 =	sadd.s32 $0x88, s3;
	s6 =	simm.s32 @!p1 $0x1082;
	[sflag:s4] =	ssyncset.s32 $0xFFFFF086  }
0x25: {  	[simem:s6], [sflag:s4] =	dma.local [hbm:s3], $0xF7A  }
0x26: {  	[smem:$0x3F8E] =	sst s1;
	(tag) =	ssettag s2;
	_ =	strace s9  }
0x27: {  	s1 =	sld [smem:$0x3F9E]  }
0x28: {  	s2 =	sld [smem:$0x3F9F]  }
0x29: {  	s4 =	sld [smem:$0x3FA1]  }
0x2a: {  	p0 =	seq.s32 s5, $0x0;
	s5 =	sld [smem:$0x3FA2]  }
0x2b: {  	s6 =	sld [smem:$0x3FA3]  }
0x2c: {  	s7 =	sld [smem:$0x3FA4]  }
0x2d: {  	s3 =	simm.s32 $0x108;
	s8 =	sld [smem:$0x3FA5]  }
0x2e: {  	s3 =	simm.s32 @!p0 $0x1082;
	s9 =	sld [smem:$0x3FA6]  }
0x2f: {  	lr =	sadd.s32 s0, s3;
	s0 =	sld [smem:$0x3F9D]  }
0x30: {  	s3 =	sld [smem:$0x3FA0]  }
0x31: {  	[smem:$0x3FA9] =	sst s10  }
0x32: {  	s10 =	sld [smem:$0x3FA7];
	_ =	sdelay $0x3  }
0x33: {  	p0 =	seq.s32 s10, $0x1;
	s10 =	sld [smem:$0x3FA9];
	_ =	sdelay $0x3  }
0x34: {  	[smem:$0x3FA9] =	sst s10  }
0x35: {  	s10 =	sld [smem:$0x3FA8];
	_ =	sdelay $0x3  }
0x36: {  	p1 =	seq.s32 s10, $0x1;
	s10 =	sld [smem:$0x3FA9];
	_ =	sdelay $0x3  }
0x37: {  	[smem:$0x3FA9] =	sst s10  }
0x38: {  	s10 =	sld [smem:$0x3FAA]  }
0x39: {  	_ = 	snop;
	(pc) =	sbr.ind lr, $3  }
0x3a: {  	_ = 	snop  }
0x3b: {  	_ = 	snop  }
0x3c: {  	p2 =	seq.s32 s10, $0x1;
	s10 =	sld [smem:$0x3FA9]  }
0x3d: {  	_ =	shalt  }
0x3e: {  	_ =	shalt  }
0x3f: {  	_ =	shalt  }
0x40: {  	_ =	shalt  }
0x41: {  	_ =	shalt  }
0x42: {  	_ =	shalt  }
0x43: {  	_ =	shalt  }
0x44: {  	_ =	shalt  }
0x45: {  	_ =	shalt  }
0x46: {  	_ =	shalt  }
0x47: {  	_ =	shalt  }
0x48: {  	_ =	shalt  }
0x49: {  	_ =	shalt  }
0x4a: {  	_ =	shalt  }
0x4b: {  	_ =	shalt  }
0x4c: {  	_ =	shalt  }
0x4d: {  	_ =	shalt  }
0x4e: {  	_ =	shalt  }
0x4f: {  	_ =	shalt  }
0x50: {  	_ =	shalt  }
0x51: {  	_ =	shalt  }
0x52: {  	_ =	shalt  }
0x53: {  	_ =	shalt  }
0x54: {  	_ =	shalt  }
0x55: {  	_ =	shalt  }
0x56: {  	_ =	shalt  }
0x57: {  	_ =	shalt  }
0x58: {  	_ =	shalt  }
0x59: {  	_ =	shalt  }
0x5a: {  	_ =	shalt  }
0x5b: {  	_ =	shalt  }
0x5c: {  	_ =	shalt  }
0x5d: {  	_ =	shalt  }
0x5e: {  	_ =	shalt  }
0x5f: {  	_ =	shalt  }
0x60: {  	_ =	shalt  }
0x61: {  	_ =	shalt  }
0x62: {  	_ =	shalt  }
0x63: {  	_ =	shalt  }
0x64: {  	_ =	shalt  }
0x65: {  	_ =	shalt  }
0x66: {  	_ =	shalt  }
0x67: {  	_ =	shalt  }
0x68: {  	_ =	shalt  }
0x69: {  	_ =	shalt  }
0x6a: {  	_ =	shalt  }
0x6b: {  	_ =	shalt  }
0x6c: {  	_ =	shalt  }
0x6d: {  	_ =	shalt  }
0x6e: {  	_ =	shalt  }
0x6f: {  	_ =	shalt  }
0x70: {  	_ =	shalt  }
0x71: {  	_ =	shalt  }
0x72: {  	_ =	shalt  }
0x73: {  	_ =	shalt  }
0x74: {  	_ =	shalt  }
0x75: {  	_ =	shalt  }
0x76: {  	_ =	shalt  }
0x77: {  	_ =	shalt  }
0x78: {  	_ =	shalt  }
0x79: {  	_ =	shalt  }
0x7a: {  	_ =	shalt  }
0x7b: {  	_ =	shalt  }
0x7c: {  	_ =	shalt  }
0x7d: {  	_ =	shalt  }
0x7e: {  	_ =	shalt  }
0x7f: {  	_ =	shalt  }
0x80: {  	_ =	shalt  }
0x81: {  	_ =	shalt  }
0x82: {  	_ =	shalt  }
0x83: {  	_ =	shalt  }
0x84: {  	_ =	shalt  }
0x85: {  	_ =	shalt  }
0x86: {  	_ =	shalt  }
0x87: {  	_ =	shalt  }
.Lfunc_end0:
.L_simem_size_0:
called_computation_lowered:
.L_overlay_start_0:
0x88: {  	s2 =	sld [smem:$0x3FD9]  }
0x89: {  	s3 =	sld [smem:$0x3FFE];
	_ =	sdelay $0x1  }
0x8a: {  	s1 =	srdreg.scid  }
0x8b: {  	s0 =	sand.u32 $0x1, s1  }
0x8c: {  	s14 =	sshll.u32 s0, $0xA;
	s2 =	sadd.s32 s3, s2  }
0x8d: {  	s2 =	sadd.s32 s2, s14  }
0x8e: {  	[smem:$0x3FB5] =	sst s2  }
0x8f: {  	_ = 	snop  }
0x90: {  	s2 =	sld [smem:$0x3FD0];
	_ =	sdelay $0x2  }
0x91: {  	s4 =	simm.s32 $0xA;
	s5 =	simm.s32 $0x10;
	s15 =	sld [smem:$0x3FC9]  }
0x92: {  	[smem:s5], [sflag:s4] =	dma.local [hbm:s2], $0x1  }
0x93: {  	_ =	swait.eq [sflag:s4], $0x1  }
0x94: {  	[sflag:s4] =	ssyncset.done $0x0  }
0x95: {  	[sflag:s4] =	ssyncadd.s32 $0xFFFFFFFF  }
0x96: {  	s16 =	sld [smem:$0x10];
	(tm) =	ssettm $0x1  }
0x97: {  	s17 =	sld [smem:$0x3FFB];
	_ =	sdelay $0x3  }
0x98: {  	_ =	strace s17  }
0x99: {  	s4 =	sld [smem:$0x3FFC];
	_ =	sdelay $0x3  }
0x9a: {  	_ =	strace s4  }
0x9b: {  	s4 =	sld [smem:$0x3FFD];
	_ =	sdelay $0x3  }
0x9c: {  	_ =	strace s4  }
0x9d: {  	_ =	strace $0x8FFFFFFF  }
0x9e: {  	s18 =	sld [smem:$0x3FDB];
	_ =	sdelay $0x1  }
0x9f: {  	s19 =	simm.s32 $_scs_section_size  }
0xa0: {  	s6 =	simm.s32 $_size__tile_overlayer_lowered;
	s7 =	simm.s32 $_tile_overlayer_lowered  }
0xa1: {  	s22 =	simm.s32 $0x1BFF;
	s21 =	sshll.u32 s7, $0x1;
	s4 =	sadd.s32 s19, s18  }
0xa2: {  	s8 =	simm.s32 $0x0;
	s20 =	sshll.u32 s6, $0x1;
	s6 =	sadd.s32 s21, s4  }
0xa3: {  	[timem:s8], [sflag:s22] =	dma.local [hbm:s6], s20  }
0xa4: {  	_ =	swait.ge [sflag:s22], s20  }
0xa5: {  	s5 =	ssub.s32 $0x0, s20;
	[sflag:s22] =	ssyncset.done $0x0  }
0xa6: {  	[sflag:s22] =	ssyncadd.s32 s5;
	_ =	sdelay $0x1  }
0xa7: {  	s23 =	simm.s32 $0x1B8B  }
0xa8: {  	_ =	swait.ge [sflag:s23], $0x1  }
0xa9: {  	[sflag:s23] =	ssyncset.done $0x0  }
0xaa: {  	s25 =	simm.s32 $0x1B8E;
	s24 =	sld [smem:$0x3FFE];
	[sflag:s23] =	ssyncadd.s32 $0xFFFFFFFF  }
0xab: {  	s26 =	simm.s32 $execute0_lowered;
	[smem:$0x3FD2] =	sst s25  }
0xac: {  	s6 =	sshll.u32 s26, $0x1;
	_ =	strace $0x80000046;
	[dreg:$0x1] =	wrdreg $0xFFFFFFFF  }
0xad: {  	s28 =	simm.s32 $_size_execute0_lowered;
	s4 =	sadd.s32 s4, s6;
	[dreg:$0x0] =	wrdreg $0x0  }
0xae: {  	s6 =	sshll.u32 s28, $0x1;
	[dreg:$0x2] =	wrdreg s4  }
0xaf: {  	[dreg:$0x3] =	wrdreg s6  }
0xb0: {  	[dreg:$0x4] =	wrdreg $0xC0  }
0xb1: {  	_ =	task [dreg:s8], $0x5FFFF  }
0xb2: {  	[dreg:$0x1] =	wrdreg $0xFFFFFFFF  }
0xb3: {  	[dreg:$0x0] =	wrdreg $0x60  }
0xb4: {  	[dreg:$0x2] =	wrdreg s15  }
0xb5: {  	[dreg:$0x3] =	wrdreg s24  }
0xb6: {  	[dreg:$0x4] =	wrdreg s16  }
0xb7: {  	[dreg:$0x5] =	wrdreg $0x9  }
0xb8: {  	_ =	task.clear_ibuf [dreg:s8], $0x6FFFF;
	_ =	strace $0x90000046  }
0xb9: {  	s29 =	simm.s32 $0x9;
	_ =	strace $0x80000048  }
0xba: {  	_ =	swait.ge [sflag:s29], $0x1  }
0xbb: {  	[sflag:s29] =	ssyncadd.s32 $0xFFFFFFFF  }
0xbc: {  	_ =	strace $0x90000048  }
0xbd: {  	_ =	sfence  }
0xbe: {  	s30 =	sld [smem:$0x0];
	_ =	sdelay $0x2  }
0xbf: {  	s31 =	sshll.u32 s1, $0xD;
	s1 =	sshrl.u32 s1, $0x2  }
0xc0: {  	s3 =	sand.u32 $0x4000, s31;
	s1 =	sadd.s32 s1, s30  }
0xc1: {  	s0 =	sor.u32 s3, s0;
	s1 =	sshll.u32 s1, $0x11  }
0xc2: {  	s0 =	sor.u32 s1, s0  }
0xc3: {  	s0 =	sadd.s32 $0x8F2B, s0  }
0xc4: {  	[sflag:s0] =	ssyncadd.remote.s32 $0x1  }
0xc5: {  	_ =	sfence.sel $0xFFFF  }
0xc6: {  	[dreg:$0x0] =	wrdreg $0xFFFFFFFF;
	(pc) =	sbr.abs _section_cstart, $3  }
0xc7: {  	[dreg:$0x1] =	wrdreg $0xFFFFFFFF  }
0xc8: {  	_ =	task.clear_ibuf [dreg:s8], $0x2FFFF;
	_ =	strace $0x9FFFFFFF  }
0xc9: {  	(tm) =	ssettm $0x7FFFFFFF  }
tec
execute0_lowered:
.L_overlay_start_1:
0x0: {  	(tag) =	ssettag $0x1  }
0x1: {  	s1 =	srdreg.scid;
	s0 =	stileid.u32  }
0x2: {  	s2 =	rddreg [dreg:$0x0];
	s20 =	sand.u32 $0x1, s1;
	s29 =	sshll.u32 s0, $0x1  }
0x3: {  	s4 =	rddreg [dreg:$0x1];
	s9 =	sor.u32 s20, s29  }
0x4: {  	s19 =	rddreg [dreg:$0x2];
	s21 =	smul.u32 $0xDB0, s9  }
0x5: {  	s3 =	simm.s32 $0x0;
	s1 =	rddreg [dreg:$0x3]  }
0x6: {  	[smem:$0x7FF] =	sst s3;
	s18 =	sadd.s32 $0x3600, s4;
	s30 =	sshrl.u32 s21, $0x3  }
0x7: {  	s4 =	simm.s32 $0x2;
	_ =	strace $0x80000047;
	s5 =	sadd.s32 s18, s30  }
0x8: {  	[tilespmem:s3], [sflag:$0x2] =	stream.linear.gather [hbm4b:s5+s3], $0x248, $0x38;
	[tilespmem:$0x12680] =	vst v63  }
0x9: {  	_ =	swait.ge [sflag:s4], $0x248  }
0xa: {  	s6 =	simm.s32 $0x248;
	[sflag:s4] =	ssyncset.done $0x0  }
0xb: {  	s7 =	simm.s32 $0x280;
	s8 =	simm.s32 $0x1;
	[sflag:s4] =	ssyncadd.s32 $0xFFFFFDB8  }
0xc: {  	[tilespmem:s7], [sflag:$0x1] =	stream.indirect.gather [hbm4b:s2+s6], $0x80, s3, s6, $0xb8;
	[tilespmem:$0x12680] =	vst v63  }
0xd: {  	s9 =	smul.u32 $0xDB00, s9;
	_ =	swait.ge [sflag:s8], $0x12400  }
0xe: {  	[sflag:s8] =	ssyncset.done $0x0  }
0xf: {  	s9 =	sadd.s32 s19, s9;
	[sflag:s8] =	ssyncadd.s32 $0xFFFEDC00  }
0x10: {  	[hbm4b:s9+s3] =	stream.linear.scatter [tilespmem:s7], [sflag:$0x2], $0x12400, $0x38;
	[tilespmem:$0x12680] =	vst v63  }
0x11: {  	s11 =	sadd.s32 $0x248, s21;
	_ =	swait.ge [sflag:s4], $0x12400  }
0x12: {  	s10 =	sshrl.u32 s11, $0x3;
	[sflag:s4] =	ssyncset.done $0x0  }
0x13: {  	s10 =	sadd.s32 s18, s10;
	[sflag:s4] =	ssyncadd.s32 $0xFFFEDC00  }
0x14: {  	[tilespmem:s3], [sflag:$0x2] =	stream.linear.gather [hbm4b:s10+s3], $0x248, $0x38;
	[tilespmem:$0x12680] =	vst v63  }
0x15: {  	_ =	swait.ge [sflag:s4], $0x248  }
0x16: {  	[sflag:s4] =	ssyncset.done $0x0  }
0x17: {  	[sflag:s4] =	ssyncadd.s32 $0xFFFFFDB8  }
0x18: {  	[tilespmem:s7], [sflag:$0x1] =	stream.indirect.gather [hbm4b:s2+s6], $0x80, s3, s6, $0xb8;
	[tilespmem:$0x12680] =	vst v63  }
0x19: {  	_ =	swait.ge [sflag:s8], $0x12400  }
0x1a: {  	s11 =	sshll.u32 s11, $0x4;
	[sflag:s8] =	ssyncset.done $0x0  }
0x1b: {  	s11 =	sadd.s32 s19, s11;
	[sflag:s8] =	ssyncadd.s32 $0xFFFEDC00  }
0x1c: {  	[hbm4b:s11+s3] =	stream.linear.scatter [tilespmem:s7], [sflag:$0x2], $0x12400, $0x38;
	[tilespmem:$0x12680] =	vst v63  }
0x1d: {  	s13 =	sadd.s32 $0x490, s21;
	_ =	swait.ge [sflag:s4], $0x12400  }
0x1e: {  	s12 =	sshrl.u32 s13, $0x3;
	[sflag:s4] =	ssyncset.done $0x0  }
0x1f: {  	s12 =	sadd.s32 s18, s12;
	[sflag:s4] =	ssyncadd.s32 $0xFFFEDC00  }
0x20: {  	[tilespmem:s3], [sflag:$0x2] =	stream.linear.gather [hbm4b:s12+s3], $0x248, $0x38;
	[tilespmem:$0x12680] =	vst v63  }
0x21: {  	_ =	swait.ge [sflag:s4], $0x248  }
0x22: {  	[sflag:s4] =	ssyncset.done $0x0  }
0x23: {  	[sflag:s4] =	ssyncadd.s32 $0xFFFFFDB8  }
0x24: {  	[tilespmem:s7], [sflag:$0x1] =	stream.indirect.gather [hbm4b:s2+s6], $0x80, s3, s6, $0xb8;
	[tilespmem:$0x12680] =	vst v63  }
0x25: {  	_ =	swait.ge [sflag:s8], $0x12400  }
0x26: {  	s13 =	sshll.u32 s13, $0x4;
	[sflag:s8] =	ssyncset.done $0x0  }
0x27: {  	s13 =	sadd.s32 s19, s13;
	[sflag:s8] =	ssyncadd.s32 $0xFFFEDC00  }
0x28: {  	[hbm4b:s13+s3] =	stream.linear.scatter [tilespmem:s7], [sflag:$0x2], $0x12400, $0x38;
	[tilespmem:$0x12680] =	vst v63  }
0x29: {  	s15 =	sadd.s32 $0x6D8, s21;
	_ =	swait.ge [sflag:s4], $0x12400  }
0x2a: {  	s14 =	sshrl.u32 s15, $0x3;
	[sflag:s4] =	ssyncset.done $0x0  }
0x2b: {  	s14 =	sadd.s32 s18, s14;
	[sflag:s4] =	ssyncadd.s32 $0xFFFEDC00  }
0x2c: {  	[tilespmem:s3], [sflag:$0x2] =	stream.linear.gather [hbm4b:s14+s3], $0x248, $0x38;
	[tilespmem:$0x12680] =	vst v63  }
0x2d: {  	_ =	swait.ge [sflag:s4], $0x248  }
0x2e: {  	[sflag:s4] =	ssyncset.done $0x0  }
0x2f: {  	[sflag:s4] =	ssyncadd.s32 $0xFFFFFDB8  }
0x30: {  	[tilespmem:s7], [sflag:$0x1] =	stream.indirect.gather [hbm4b:s2+s6], $0x80, s3, s6, $0xb8;
	[tilespmem:$0x12680] =	vst v63  }
0x31: {  	_ =	swait.ge [sflag:s8], $0x12400  }
0x32: {  	s15 =	sshll.u32 s15, $0x4;
	[sflag:s8] =	ssyncset.done $0x0  }
0x33: {  	s15 =	sadd.s32 s19, s15;
	[sflag:s8] =	ssyncadd.s32 $0xFFFEDC00  }
0x34: {  	[hbm4b:s15+s3] =	stream.linear.scatter [tilespmem:s7], [sflag:$0x2], $0x12400, $0x38;
	[tilespmem:$0x12680] =	vst v63  }
0x35: {  	s17 =	sadd.s32 $0x920, s21;
	_ =	swait.ge [sflag:s4], $0x12400  }
0x36: {  	s16 =	sshrl.u32 s17, $0x3;
	[sflag:s4] =	ssyncset.done $0x0  }
0x37: {  	s16 =	sadd.s32 s18, s16;
	[sflag:s4] =	ssyncadd.s32 $0xFFFEDC00  }
0x38: {  	[tilespmem:s3], [sflag:$0x2] =	stream.linear.gather [hbm4b:s16+s3], $0x248, $0x38;
	[tilespmem:$0x12680] =	vst v63  }
0x39: {  	_ =	swait.ge [sflag:s4], $0x248  }
0x3a: {  	[sflag:s4] =	ssyncset.done $0x0  }
0x3b: {  	[sflag:s4] =	ssyncadd.s32 $0xFFFFFDB8  }
0x3c: {  	[tilespmem:s7], [sflag:$0x1] =	stream.indirect.gather [hbm4b:s2+s6], $0x80, s3, s6, $0xb8;
	[tilespmem:$0x12680] =	vst v63  }
0x3d: {  	_ =	swait.ge [sflag:s8], $0x12400  }
0x3e: {  	s17 =	sshll.u32 s17, $0x4;
	[sflag:s8] =	ssyncset.done $0x0  }
0x3f: {  	s17 =	sadd.s32 s19, s17;
	[sflag:s8] =	ssyncadd.s32 $0xFFFEDC00  }
0x40: {  	[hbm4b:s17+s3] =	stream.linear.scatter [tilespmem:s7], [sflag:$0x2], $0x12400, $0x38;
	[tilespmem:$0x12680] =	vst v63  }
0x41: {  	s21 =	sadd.s32 $0xB68, s21;
	_ =	swait.ge [sflag:s4], $0x12400  }
0x42: {  	s22 =	sshrl.u32 s21, $0x3;
	[sflag:s4] =	ssyncset.done $0x0  }
0x43: {  	s20 =	ssub.s32 $0x2, s20;
	s18 =	sadd.s32 s18, s22;
	[sflag:s4] =	ssyncadd.s32 $0xFFFEDC00  }
0x44: {  	[tilespmem:s3], [sflag:$0x2] =	stream.linear.gather [hbm4b:s18+s3], $0x248, $0x38;
	[tilespmem:$0x12680] =	vst v63  }
0x45: {  	s31 =	sshrl.u32 s20, $0x1;
	_ =	swait.ge [sflag:s4], $0x248  }
0x46: {  	s20 =	ssub.s32 s20, s31;
	[sflag:s4] =	ssyncset.done $0x0  }
0x47: {  	s20 =	smax.u32 s20, $0x1;
	[sflag:s4] =	ssyncadd.s32 $0xFFFFFDB8  }
0x48: {  	[tilespmem:s7], [sflag:$0x1] =	stream.indirect.gather [hbm4b:s2+s6], $0x80, s3, s6, $0xb8;
	[tilespmem:$0x12680] =	vst v63  }
0x49: {  	p0 =	sne.s32 s20, $0x1;
	_ =	swait.ge [sflag:s8], $0x12400  }
.Ltmp0:
0x4a: {  	s21 =	sshll.u32 s21, $0x4;
	[sflag:s8] =	ssyncset.done $0x0;
	(pc) =	sbr.rel @!p0 .LBB2_2-.Ltmp0, $4  }
0x4b: {  	s19 =	sadd.s32 s19, s21;
	[sflag:s8] =	ssyncadd.s32 $0xFFFEDC00  }
0x4c: {  	[hbm4b:s19+s3] =	stream.linear.scatter [tilespmem:s7], [sflag:$0x2], $0x12400, $0x38;
	[tilespmem:$0x12680] =	vst v63  }
0x4d: {  	_ =	swait.ge [sflag:s4], $0x12400  }
0x4e: {  	s20 =	sadd.s32 $0xFFFFFFFF, s20;
	[sflag:s4] =	ssyncset.done $0x0  }
.LBB2_1:
0x4f: {  	p0 =	sne.s32 s20, $0x1;
	s20 =	sadd.s32 $0xFFFFFFFF, s20;
	[sflag:s4] =	ssyncadd.s32 $0xFFFEDC00  }
0x50: {  	[tilespmem:s3], [sflag:$0x2] =	stream.linear.gather [hbm4b:s5+s3], $0x248, $0x38;
	[tilespmem:$0x12680] =	vst v63  }
0x51: {  	_ =	swait.ge [sflag:s4], $0x248  }
0x52: {  	[sflag:s4] =	ssyncset.done $0x0  }
0x53: {  	[sflag:s4] =	ssyncadd.s32 $0xFFFFFDB8  }
0x54: {  	[tilespmem:s7], [sflag:$0x1] =	stream.indirect.gather [hbm4b:s2+s6], $0x80, s3, s6, $0xb8;
	[tilespmem:$0x12680] =	vst v63  }
0x55: {  	_ =	swait.ge [sflag:s8], $0x12400  }
0x56: {  	[sflag:s8] =	ssyncset.done $0x0  }
0x57: {  	[sflag:s8] =	ssyncadd.s32 $0xFFFEDC00  }
0x58: {  	[hbm4b:s9+s3] =	stream.linear.scatter [tilespmem:s7], [sflag:$0x2], $0x12400, $0x38;
	[tilespmem:$0x12680] =	vst v63  }
0x59: {  	_ =	swait.ge [sflag:s4], $0x12400  }
0x5a: {  	[sflag:s4] =	ssyncset.done $0x0  }
0x5b: {  	[sflag:s4] =	ssyncadd.s32 $0xFFFEDC00  }
0x5c: {  	[tilespmem:s3], [sflag:$0x2] =	stream.linear.gather [hbm4b:s10+s3], $0x248, $0x38;
	[tilespmem:$0x12680] =	vst v63  }
0x5d: {  	_ =	swait.ge [sflag:s4], $0x248  }
0x5e: {  	[sflag:s4] =	ssyncset.done $0x0  }
0x5f: {  	[sflag:s4] =	ssyncadd.s32 $0xFFFFFDB8  }
0x60: {  	[tilespmem:s7], [sflag:$0x1] =	stream.indirect.gather [hbm4b:s2+s6], $0x80, s3, s6, $0xb8;
	[tilespmem:$0x12680] =	vst v63  }
0x61: {  	_ =	swait.ge [sflag:s8], $0x12400  }
0x62: {  	[sflag:s8] =	ssyncset.done $0x0  }
0x63: {  	[sflag:s8] =	ssyncadd.s32 $0xFFFEDC00  }
0x64: {  	[hbm4b:s11+s3] =	stream.linear.scatter [tilespmem:s7], [sflag:$0x2], $0x12400, $0x38;
	[tilespmem:$0x12680] =	vst v63  }
0x65: {  	_ =	swait.ge [sflag:s4], $0x12400  }
0x66: {  	[sflag:s4] =	ssyncset.done $0x0  }
0x67: {  	[sflag:s4] =	ssyncadd.s32 $0xFFFEDC00  }
0x68: {  	[tilespmem:s3], [sflag:$0x2] =	stream.linear.gather [hbm4b:s12+s3], $0x248, $0x38;
	[tilespmem:$0x12680] =	vst v63  }
0x69: {  	_ =	swait.ge [sflag:s4], $0x248  }
0x6a: {  	[sflag:s4] =	ssyncset.done $0x0  }
0x6b: {  	[sflag:s4] =	ssyncadd.s32 $0xFFFFFDB8  }
0x6c: {  	[tilespmem:s7], [sflag:$0x1] =	stream.indirect.gather [hbm4b:s2+s6], $0x80, s3, s6, $0xb8;
	[tilespmem:$0x12680] =	vst v63  }
0x6d: {  	_ =	swait.ge [sflag:s8], $0x12400  }
0x6e: {  	[sflag:s8] =	ssyncset.done $0x0  }
0x6f: {  	[sflag:s8] =	ssyncadd.s32 $0xFFFEDC00  }
0x70: {  	[hbm4b:s13+s3] =	stream.linear.scatter [tilespmem:s7], [sflag:$0x2], $0x12400, $0x38;
	[tilespmem:$0x12680] =	vst v63  }
0x71: {  	_ =	swait.ge [sflag:s4], $0x12400  }
0x72: {  	[sflag:s4] =	ssyncset.done $0x0  }
0x73: {  	[sflag:s4] =	ssyncadd.s32 $0xFFFEDC00  }
0x74: {  	[tilespmem:s3], [sflag:$0x2] =	stream.linear.gather [hbm4b:s14+s3], $0x248, $0x38;
	[tilespmem:$0x12680] =	vst v63  }
0x75: {  	_ =	swait.ge [sflag:s4], $0x248  }
0x76: {  	[sflag:s4] =	ssyncset.done $0x0  }
0x77: {  	[sflag:s4] =	ssyncadd.s32 $0xFFFFFDB8  }
0x78: {  	[tilespmem:s7], [sflag:$0x1] =	stream.indirect.gather [hbm4b:s2+s6], $0x80, s3, s6, $0xb8;
	[tilespmem:$0x12680] =	vst v63  }
0x79: {  	_ =	swait.ge [sflag:s8], $0x12400  }
0x7a: {  	[sflag:s8] =	ssyncset.done $0x0  }
0x7b: {  	[sflag:s8] =	ssyncadd.s32 $0xFFFEDC00  }
0x7c: {  	[hbm4b:s15+s3] =	stream.linear.scatter [tilespmem:s7], [sflag:$0x2], $0x12400, $0x38;
	[tilespmem:$0x12680] =	vst v63  }
0x7d: {  	_ =	swait.ge [sflag:s4], $0x12400  }
0x7e: {  	[sflag:s4] =	ssyncset.done $0x0  }
0x7f: {  	[sflag:s4] =	ssyncadd.s32 $0xFFFEDC00  }
0x80: {  	[tilespmem:s3], [sflag:$0x2] =	stream.linear.gather [hbm4b:s16+s3], $0x248, $0x38;
	[tilespmem:$0x12680] =	vst v63  }
0x81: {  	_ =	swait.ge [sflag:s4], $0x248  }
0x82: {  	[sflag:s4] =	ssyncset.done $0x0  }
0x83: {  	[sflag:s4] =	ssyncadd.s32 $0xFFFFFDB8  }
0x84: {  	[tilespmem:s7], [sflag:$0x1] =	stream.indirect.gather [hbm4b:s2+s6], $0x80, s3, s6, $0xb8;
	[tilespmem:$0x12680] =	vst v63  }
0x85: {  	_ =	swait.ge [sflag:s8], $0x12400  }
0x86: {  	[sflag:s8] =	ssyncset.done $0x0  }
0x87: {  	[sflag:s8] =	ssyncadd.s32 $0xFFFEDC00  }
0x88: {  	[hbm4b:s17+s3] =	stream.linear.scatter [tilespmem:s7], [sflag:$0x2], $0x12400, $0x38;
	[tilespmem:$0x12680] =	vst v63  }
0x89: {  	_ =	swait.ge [sflag:s4], $0x12400  }
0x8a: {  	[sflag:s4] =	ssyncset.done $0x0  }
0x8b: {  	[sflag:s4] =	ssyncadd.s32 $0xFFFEDC00  }
0x8c: {  	[tilespmem:s3], [sflag:$0x2] =	stream.linear.gather [hbm4b:s18+s3], $0x248, $0x38;
	[tilespmem:$0x12680] =	vst v63  }
0x8d: {  	_ =	swait.ge [sflag:s4], $0x248  }
0x8e: {  	[sflag:s4] =	ssyncset.done $0x0  }
0x8f: {  	[sflag:s4] =	ssyncadd.s32 $0xFFFFFDB8  }
0x90: {  	[tilespmem:s7], [sflag:$0x1] =	stream.indirect.gather [hbm4b:s2+s6], $0x80, s3, s6, $0xb8;
	[tilespmem:$0x12680] =	vst v63  }
0x91: {  	_ =	swait.ge [sflag:s8], $0x12400  }
.Ltmp1:
0x92: {  	[sflag:s8] =	ssyncset.done $0x0;
	(pc) =	sbr.rel @p0 .LBB2_1-.Ltmp1, $4  }
0x93: {  	[sflag:s8] =	ssyncadd.s32 $0xFFFEDC00  }
0x94: {  	[hbm4b:s19+s3] =	stream.linear.scatter [tilespmem:s7], [sflag:$0x2], $0x12400, $0x38;
	[tilespmem:$0x12680] =	vst v63  }
0x95: {  	_ =	swait.ge [sflag:s4], $0x12400  }
0x96: {  	[sflag:s4] =	ssyncset.done $0x0  }
.LBB2_2:
0x97: {  	[sflag:s4] =	ssyncadd.s32 $0xFFFEDC00  }
0x98: {  	_ =	sfence.sel $0x180000  }
0x99: {  	[bflag:$0x0] =	sbarrier.arrive $0xFFFF  }
0x9a: {  	p0 =	sne.s32 s0, $0x0;
	_ =	strace $0x90000047  }
0x9b: {  	s0 =	sadd.s32 @!p0 $0x100000, s1;
	[bflag:$0x2] =	sbarrier.arrive $0xFFFF  }
0x9c: {  	[sflag:s0] =	ssyncadd.tile.s32 @!p0 $0x1;
	_ =	shalt  }
.Lfunc_end2:
_tile_overlayer_lowered:
.L_overlay_start_2:
0x9d: {  	(tag) =	ssettag $0x2  }
0x9e: {  	s0 =	rddreg [dreg:$0x0];
	s2 =	stileid.u32  }
0x9f: {  	s1 =	rddreg [dreg:$0x1];
	p0 =	sne.s32 s2, $0x0  }
0xa0: {  	s3 =	rddreg [dreg:$0x2];
	[bflag:$0x3] =	sbarrier.arrive $0xFFFF;
	s2 =	simm.s32 @!p0 $0x1C02  }
0xa1: {  	[timem:s3], [sflag:s2] =	dma.local @!p0 [hbm:s0], s1  }
0xa2: {  	s0 =	simm.s32 @!p0 $0x2  }
0xa3: {  	_ =	swait.ge @!p0 [sflag:s0], s1  }
0xa4: {  	s1 =	ssub.s32 @!p0 $0x0, s1;
	[sflag:s0] =	ssyncset.done @!p0 $0x0  }
0xa5: {  	[sflag:s0] =	ssyncadd.s32 @!p0 s1  }
0xa6: {  	[bflag:$0x3] =	sbarrier.arrive $0xFFFF  }
0xa7: {  	_ =	shalt  }

</sc_bundles>
